<compile_context>
chip_gen: v7x
topology: tpu7x:2x2x1
jax: 0.10.2.dev20260603
libtpu: 0.0.44.dev20260713+nightly
codegen_flags: <defaults>
</compile_context>

<pallas_src>
import functools

import jax
import jax.numpy as jnp
from jax import lax
from jax.experimental import pallas as pl
from jax.experimental.pallas import tpu as pltpu
from jax.experimental.pallas import tpu_sc as plsc

N_NODES = 10000
N_EDGES = 320000
C_IN = 128
C_HID = 128
C_OUT = 64

NC = 2
NS = 16
NW = NC * NS
PAD_N = 10240
PAD_E = NW * 10240
E_PER_TILE = PAD_E // NW
CHUNK = 128
CHUNKS = E_PER_TILE // CHUNK
R_PER_TILE = PAD_N // NS
PAD_ROT = PAD_N - N_NODES
BCH = 8
NBATCH = CHUNKS // BCH
TB = 2000


def _z16():
    return jnp.zeros((16,), jnp.float32)


def _o16():
    return jnp.ones((16,), jnp.float32)


def _sc_degree(dstv):
    mesh = plsc.VectorSubcoreMesh(core_axis_name="c", subcore_axis_name="s")

    @functools.partial(
        pl.kernel,
        out_type=jax.ShapeDtypeStruct((NC, NS, R_PER_TILE), jnp.float32),
        mesh=mesh,
        scratch_types=[
            pltpu.VMEM((BCH, CHUNK), jnp.int32),
            pltpu.VMEM((BCH, CHUNK), jnp.int32),
            pltpu.VMEM((CHUNK,), jnp.float32),
            pltpu.VMEM((R_PER_TILE,), jnp.float32),
            pltpu.SemaphoreType.DMA,
            pltpu.SemaphoreType.DMA,
            pltpu.SemaphoreType.DMA,
            pltpu.SemaphoreType.DMA,
            pltpu.VMEM_SHARED((PAD_N,), jnp.float32),
        ],
    )
    def k(idx_hbm, out_hbm, ib0, ib1, onesbuf, stage, si0, si1, ss0, ss1, acc):
        c = lax.axis_index("c")
        s = lax.axis_index("s")
        wid = c * NS + s
        ib = (ib0, ib1)
        si = (si0, si1)
        ss = (ss0, ss1)

        for j in range(CHUNK // 16):
            onesbuf[pl.ds(j * 16, 16)] = _o16()

        def zfill(j, carry):
            stage[pl.ds(j * 16, 16)] = _z16()
            return carry
        lax.fori_loop(0, R_PER_TILE // 16, zfill, 0)
        pltpu.sync_copy(stage, acc.at[pl.ds(s * R_PER_TILE, R_PER_TILE)])
        plsc.subcore_barrier()

        def startI(bn, slot):
            pltpu.async_copy(idx_hbm.at[wid, bn], ib[slot], si[slot])

        def waitI(slot):
            pltpu.make_async_copy(idx_hbm.at[wid, 0], ib[slot], si[slot]).wait()

        def fire(slot):
            for kk in range(BCH):
                pltpu.async_copy(onesbuf, acc.at[ib[slot].at[kk]],
                                 ss[slot], add=True)

        def drain(slot):
            for kk in range(BCH):
                pltpu.make_async_copy(onesbuf, acc.at[ib[slot].at[kk]],
                                      ss[slot]).wait()

        pltpu.sync_copy(idx_hbm.at[wid, 0], ib0)
        fire(0)
        startI(1, 1)

        def pair(p, carry):
            waitI(1)
            fire(1)
            drain(0)
            startI(2 * p + 2, 0)
            waitI(0)
            fire(0)
            drain(1)
            startI(2 * p + 3, 1)
            return carry
        lax.fori_loop(0, (NBATCH - 2) // 2, pair, 0)

        waitI(1)
        fire(1)
        drain(0)
        drain(1)
        plsc.subcore_barrier()

        pltpu.sync_copy(acc.at[pl.ds(s * R_PER_TILE, R_PER_TILE)],
                        out_hbm.at[c, s])

    return k(dstv)


def _sc_edge_sum(g, srcv, dstv):
    mesh = plsc.VectorSubcoreMesh(core_axis_name="c", subcore_axis_name="s")

    @functools.partial(
        pl.kernel,
        out_type=jax.ShapeDtypeStruct((NC, PAD_N, C_HID), jnp.float32),
        mesh=mesh,
        scratch_types=[
            pltpu.VMEM((BCH, CHUNK), jnp.int32),
            pltpu.VMEM((BCH, CHUNK), jnp.int32),
            pltpu.VMEM((BCH, CHUNK), jnp.int32),
            pltpu.VMEM((BCH, CHUNK), jnp.int32),
            pltpu.VMEM((CHUNK, C_HID), jnp.float32),
            pltpu.VMEM((CHUNK, C_HID), jnp.float32),
            pltpu.SemaphoreType.DMA,
            pltpu.SemaphoreType.DMA,
            pltpu.SemaphoreType.DMA,
            pltpu.SemaphoreType.DMA,
            pltpu.SemaphoreType.DMA,
            pltpu.SemaphoreType.DMA,
            pltpu.VMEM_SHARED((PAD_N, C_HID), jnp.float32),
        ],
    )
    def k(g_hbm, src_hbm, dst_hbm, out_hbm, is0, is1, id0, id1,
          r0, r1, si0, si1, sg0, sg1, ss0, ss1, acc):
        c_ax = lax.axis_index("c")
        s_ax = lax.axis_index("s")
        wid = c_ax * NS + s_ax
        ibs = (is0, is1)
        ibd = (id0, id1)
        rows = (r0, r1)
        si = (si0, si1)
        sg = (sg0, sg1)
        ss = (ss0, ss1)

        def zrow(i, carry):
            for j in range(C_HID // 16):
                r0[i, pl.ds(j * 16, 16)] = _z16()
            return carry
        lax.fori_loop(0, CHUNK, zrow, 0)
        for kk in range(R_PER_TILE // CHUNK):
            pltpu.sync_copy(
                r0, acc.at[pl.ds(s_ax * R_PER_TILE + kk * CHUNK, CHUNK)])
        plsc.subcore_barrier()

        def startI(bn, slot):
            pltpu.async_copy(src_hbm.at[wid, bn], ibs[slot], si[slot])
            pltpu.async_copy(dst_hbm.at[wid, bn], ibd[slot], si[slot])

        def waitI(slot):
            pltpu.make_async_copy(src_hbm.at[wid, 0], ibs[slot], si[slot]).wait()
            pltpu.make_async_copy(dst_hbm.at[wid, 0], ibd[slot], si[slot]).wait()

        def startG(src_ref, b):
            pltpu.async_copy(g_hbm.at[src_ref], rows[b], sg[b])

        def waitG(src_ref, b):
            pltpu.make_async_copy(g_hbm.at[src_ref], rows[b], sg[b]).wait()

        def startS(dst_ref, b):
            pltpu.async_copy(rows[b], acc.at[dst_ref], ss[b], add=True)

        def waitS(dst_ref, b):
            pltpu.make_async_copy(rows[b], acc.at[dst_ref], ss[b]).wait()

        def step(kk, slot, pslot):
            b = kk % 2
            if kk < 2:
                waitS(ibd[pslot].at[6 + kk], b)
            else:
                waitS(ibd[slot].at[kk - 2], b)
            startG(ibs[slot].at[kk], b)
            if kk >= 1:
                waitG(ibs[slot].at[kk - 1], 1 - b)
                startS(ibd[slot].at[kk - 1], 1 - b)
            else:
                waitG(ibs[pslot].at[7], 1 - b)
                startS(ibd[pslot].at[7], 1 - b)

        pltpu.sync_copy(src_hbm.at[wid, 0], is0)
        pltpu.sync_copy(dst_hbm.at[wid, 0], id0)
        startG(is0.at[0], 0)
        startG(is0.at[1], 1)
        waitG(is0.at[0], 0)
        startS(id0.at[0], 0)
        startI(1, 1)
        for kk in range(2, BCH):
            step(kk, 0, 0)

        def pair_body(p, carry):
            for (slot, pslot, boff) in ((1, 0, 1), (0, 1, 2)):
                waitI(slot)
                step(0, slot, pslot)
                step(1, slot, pslot)
                startI(2 * p + boff + 1, 1 - slot)
                for kk in range(2, BCH):
                    step(kk, slot, pslot)
            return carry
        lax.fori_loop(0, 4, pair_body, 0)

        waitI(1)
        for kk in range(BCH):
            step(kk, 1, 0)
        waitG(is1.at[7], 1)
        startS(id1.at[7], 1)
        waitS(id1.at[6], 0)
        waitS(id1.at[7], 1)
        plsc.subcore_barrier()

        rr = s_ax * R_PER_TILE
        pltpu.sync_copy(acc.at[pl.ds(rr, R_PER_TILE)],
                        out_hbm.at[c_ax, pl.ds(rr, R_PER_TILE)])

    return k(g, srcv, dstv)


def _tc_transform(x, W1, degT):
    grid = (N_NODES // TB,)

    def body(x_ref, w_ref, d_ref, g_ref, dinv_ref):
        d2 = d_ref[...]
        dinv = lax.rsqrt(d2[:, 0:1] + d2[:, 1:2] + 1.0)
        h = jnp.dot(x_ref[...], w_ref[...], preferred_element_type=jnp.float32)
        g_ref[...] = h * dinv
        dinv_ref[...] = dinv

    return pl.pallas_call(
        body,
        grid=grid,
        in_specs=[
            pl.BlockSpec((TB, C_IN), lambda i: (i, 0)),
            pl.BlockSpec((C_IN, C_HID), lambda i: (0, 0)),
            pl.BlockSpec((TB, 2), lambda i: (i, 0)),
        ],
        out_specs=[
            pl.BlockSpec((TB, C_HID), lambda i: (i, 0)),
            pl.BlockSpec((TB, 1), lambda i: (i, 0)),
        ],
        out_shape=[
            jax.ShapeDtypeStruct((N_NODES, C_HID), jnp.float32),
            jax.ShapeDtypeStruct((N_NODES, 1), jnp.float32),
        ],
    )(x, W1, degT)


def _tc_head(s_part, g, dinv, b1, W2, b2):
    grid = (N_NODES // TB,)

    def body(s_ref, g_ref, di_ref, b1_ref, w2_ref, b2_ref, o_ref):
        z = (di_ref[...] * (s_ref[0] + s_ref[1] + g_ref[...])
             + b1_ref[...])
        z = jnp.maximum(z, 0.0)
        o_ref[...] = (
            jnp.dot(z, w2_ref[...], preferred_element_type=jnp.float32)
            + b2_ref[...]
        )

    return pl.pallas_call(
        body,
        grid=grid,
        in_specs=[
            pl.BlockSpec((NC, TB, C_HID), lambda i: (0, i, 0)),
            pl.BlockSpec((TB, C_HID), lambda i: (i, 0)),
            pl.BlockSpec((TB, 1), lambda i: (i, 0)),
            pl.BlockSpec((1, C_HID), lambda i: (0, 0)),
            pl.BlockSpec((C_HID, C_OUT), lambda i: (0, 0)),
            pl.BlockSpec((1, C_OUT), lambda i: (0, 0)),
        ],
        out_specs=pl.BlockSpec((TB, C_OUT), lambda i: (i, 0)),
        out_shape=jax.ShapeDtypeStruct((N_NODES, C_OUT), jnp.float32),
    )(s_part, g, dinv, b1, W2, b2)


def kernel(x, edge_index, W1, b1, W2, b2):
    src = edge_index[0].astype(jnp.int32)
    dst = edge_index[1].astype(jnp.int32)

    npad = PAD_E - N_EDGES
    pad_src = (jnp.arange(npad) % N_NODES).astype(jnp.int32)
    pad_dst = (N_NODES + (jnp.arange(npad) % PAD_ROT)).astype(jnp.int32)
    srcv = jnp.concatenate([src, pad_src]).reshape(NW, NBATCH, BCH, CHUNK)
    dstv = jnp.concatenate([dst, pad_dst]).reshape(NW, NBATCH, BCH, CHUNK)

    deg = _sc_degree(dstv)
    degT = deg.reshape(NC, PAD_N).T[:N_NODES]
    g, dinv = _tc_transform(x, W1, degT)
    s_part = _sc_edge_sum(g, srcv, dstv)
    return _tc_head(s_part, g, dinv,
                    b1.reshape(1, C_HID), W2, b2.reshape(1, C_OUT))

# --- scband reference (transcript-rebuilt; emitter-appended) ---
"""Pipeline reference for scband-gnnmodel-90177133347003 (READ-ONLY COPY).

The authoritative reference and input builder live on the scoring server;
editing this copy changes nothing except your own understanding.
"""

import jax, jax.numpy as jnp
import numpy as np

N_NODES = 10000
N_EDGES = 320000
C_IN = 128
C_HIDDEN = 128
C_OUT = 64


def setup_inputs(seed: int = 0) -> dict:
    key = jax.random.key(seed)
    k1, k2, k3, k4, k5, k6 = jax.random.split(key, 6)
    x = jax.random.normal(k1, (N_NODES, C_IN), dtype=jnp.float32)
    edge_index = jax.random.randint(k2, (2, N_EDGES), 0, N_NODES, dtype=jnp.int64)
    # GCNConv params (glorot-style scale) stored as [in, out]
    W1 = jax.random.normal(k3, (C_IN, C_HIDDEN), dtype=jnp.float32) * (1.0 / np.sqrt(C_IN))
    b1 = jnp.zeros((C_HIDDEN,), dtype=jnp.float32)
    # Final nn.Linear params
    W2 = jax.random.normal(k4, (C_HIDDEN, C_OUT), dtype=jnp.float32) * (1.0 / np.sqrt(C_HIDDEN))
    b2 = jax.random.uniform(k5, (C_OUT,), dtype=jnp.float32, minval=-1.0 / np.sqrt(C_HIDDEN), maxval=1.0 / np.sqrt(C_HIDDEN))
    return {"x": x, "edge_index": edge_index, "W1": W1, "b1": b1, "W2": W2, "b2": b2}


def _gcn_conv(x, edge_index, W, b):
    # Faithful GCNConv: add self loops, symmetric normalization D^-1/2 (A+I) D^-1/2, then linear
    num_nodes = x.shape[0]
    loop = jnp.arange(num_nodes, dtype=edge_index.dtype)
    src = jnp.concatenate([edge_index[0], loop])
    dst = jnp.concatenate([edge_index[1], loop])
    ones = jnp.ones(src.shape[0], dtype=x.dtype)
    deg = jax.ops.segment_sum(ones, dst, num_segments=num_nodes)
    dinv = jnp.where(deg > 0, jax.lax.rsqrt(jnp.maximum(deg, 1e-12)), 0.0)
    norm = dinv[src] * dinv[dst]
    h = x @ W  # linear transform first (standard GCNConv order)
    msgs = jnp.take(h, src, axis=0) * norm[:, None]
    out = jax.ops.segment_sum(msgs, dst, num_segments=num_nodes)
    return out + b


def reference(x, edge_index, W1, b1, W2, b2):
    # layer 0: GCNConv -> ReLU -> Dropout(eval: identity)
    h = _gcn_conv(x, edge_index, W1, b1)
    h = jax.nn.relu(h)
    # dropout is identity in eval mode
    # final nn.Linear
    out = h @ W2 + b2
    return out

if __name__ == "__main__":
    import jax
    _d = setup_inputs()
    print(jax.jit(kernel)(*tuple(_d.values())))

</pallas_src>

<mosaic_0001>
#map = affine_map<(d0, d1) -> (0, 0, 0, 0)>
#map1 = affine_map<(d0, d1) -> (0, 0, 0)>
module attributes {stable_mosaic.version = 14 : i64} {
  func.func @k(%arg0: i32, %arg1: i32, %arg2: memref<32x10x8x128xi32, #tpu.memory_space<hbm>>, %arg3: memref<2x16x640xf32, #tpu.memory_space<hbm>>, %arg4: memref<8x128xi32, #tpu.memory_space<vmem>>, %arg5: memref<8x128xi32, #tpu.memory_space<vmem>>, %arg6: memref<128xf32, #tpu.memory_space<vmem>>, %arg7: memref<640xf32, #tpu.memory_space<vmem>>, %arg8: memref<!tpu.dma_semaphore, #tpu.memory_space<semaphore_mem>>, %arg9: memref<!tpu.dma_semaphore, #tpu.memory_space<semaphore_mem>>, %arg10: memref<!tpu.dma_semaphore, #tpu.memory_space<semaphore_mem>>, %arg11: memref<!tpu.dma_semaphore, #tpu.memory_space<semaphore_mem>>, %arg12: memref<10240xf32, #tpu.memory_space<vmem_shared>>) attributes {dimension_semantics = [#tpu.dimension_semantics<core_parallel>, #tpu.dimension_semantics<subcore_parallel>], iteration_bounds = array<i64: 2, 16>, scalar_prefetch = 0 : i64, scratch_operands = 9 : i64, tpu.core_type = #tpu.core_type<sc_vector_subcore>, window_params = [{transform_indices = #map}, {transform_indices = #map1}]} {
    %mul3A = arith.constant 16 : i32
    %mul3A_0 = arith.muli %arg0, %mul3A : i32
    %add3A = arith.addi %mul3A_0, %arg1 : i32
    %broadcast_in_dim3A = arith.constant 1.000000e+00 : f32
    %broadcast_in_dim3A_1 = vector.broadcast %broadcast_in_dim3A : f32 to vector<16xf32>
    %swap3A = arith.constant 0 : index
    %swap3A_2 = tpu.vector_load %arg6[%swap3A] {strides = array<i32>} : memref<128xf32, #tpu.memory_space<vmem>>, vector<16xf32>,
    %swap3A_3 = vector.shape_cast %swap3A_2 : vector<16xf32> to vector<16xf32>
    %swap3A_4 = vector.shape_cast %broadcast_in_dim3A_1 : vector<16xf32> to vector<16xf32>
    tpu.vector_store %arg6[%swap3A], %swap3A_4 {strides = array<i32>} : memref<128xf32, #tpu.memory_space<vmem>>, vector<16xf32>,
    %broadcast_in_dim3A_5 = arith.constant 1.000000e+00 : f32
    %broadcast_in_dim3A_6 = vector.broadcast %broadcast_in_dim3A_5 : f32 to vector<16xf32>
    %swap3A_7 = arith.constant 16 : index
    %swap3A_8 = tpu.vector_load %arg6[%swap3A_7] {strides = array<i32>} : memref<128xf32, #tpu.memory_space<vmem>>, vector<16xf32>,
    %swap3A_9 = vector.shape_cast %swap3A_8 : vector<16xf32> to vector<16xf32>
    %swap3A_10 = vector.shape_cast %broadcast_in_dim3A_6 : vector<16xf32> to vector<16xf32>
    tpu.vector_store %arg6[%swap3A_7], %swap3A_10 {strides = array<i32>} : memref<128xf32, #tpu.memory_space<vmem>>, vector<16xf32>,
    %broadcast_in_dim3A_11 = arith.constant 1.000000e+00 : f32
    %broadcast_in_dim3A_12 = vector.broadcast %broadcast_in_dim3A_11 : f32 to vector<16xf32>
    %swap3A_13 = arith.constant 32 : index
    %swap3A_14 = tpu.vector_load %arg6[%swap3A_13] {strides = array<i32>} : memref<128xf32, #tpu.memory_space<vmem>>, vector<16xf32>,
    %swap3A_15 = vector.shape_cast %swap3A_14 : vector<16xf32> to vector<16xf32>
    %swap3A_16 = vector.shape_cast %broadcast_in_dim3A_12 : vector<16xf32> to vector<16xf32>
    tpu.vector_store %arg6[%swap3A_13], %swap3A_16 {strides = array<i32>} : memref<128xf32, #tpu.memory_space<vmem>>, vector<16xf32>,
    %broadcast_in_dim3A_17 = arith.constant 1.000000e+00 : f32
    %broadcast_in_dim3A_18 = vector.broadcast %broadcast_in_dim3A_17 : f32 to vector<16xf32>
    %swap3A_19 = arith.constant 48 : index
    %swap3A_20 = tpu.vector_load %arg6[%swap3A_19] {strides = array<i32>} : memref<128xf32, #tpu.memory_space<vmem>>, vector<16xf32>,
    %swap3A_21 = vector.shape_cast %swap3A_20 : vector<16xf32> to vector<16xf32>
    %swap3A_22 = vector.shape_cast %broadcast_in_dim3A_18 : vector<16xf32> to vector<16xf32>
    tpu.vector_store %arg6[%swap3A_19], %swap3A_22 {strides = array<i32>} : memref<128xf32, #tpu.memory_space<vmem>>, vector<16xf32>,
    %broadcast_in_dim3A_23 = arith.constant 1.000000e+00 : f32
    %broadcast_in_dim3A_24 = vector.broadcast %broadcast_in_dim3A_23 : f32 to vector<16xf32>
    %swap3A_25 = arith.constant 64 : index
    %swap3A_26 = tpu.vector_load %arg6[%swap3A_25] {strides = array<i32>} : memref<128xf32, #tpu.memory_space<vmem>>, vector<16xf32>,
    %swap3A_27 = vector.shape_cast %swap3A_26 : vector<16xf32> to vector<16xf32>
    %swap3A_28 = vector.shape_cast %broadcast_in_dim3A_24 : vector<16xf32> to vector<16xf32>
    tpu.vector_store %arg6[%swap3A_25], %swap3A_28 {strides = array<i32>} : memref<128xf32, #tpu.memory_space<vmem>>, vector<16xf32>,
    %broadcast_in_dim3A_29 = arith.constant 1.000000e+00 : f32
    %broadcast_in_dim3A_30 = vector.broadcast %broadcast_in_dim3A_29 : f32 to vector<16xf32>
    %swap3A_31 = arith.constant 80 : index
    %swap3A_32 = tpu.vector_load %arg6[%swap3A_31] {strides = array<i32>} : memref<128xf32, #tpu.memory_space<vmem>>, vector<16xf32>,
    %swap3A_33 = vector.shape_cast %swap3A_32 : vector<16xf32> to vector<16xf32>
    %swap3A_34 = vector.shape_cast %broadcast_in_dim3A_30 : vector<16xf32> to vector<16xf32>
    tpu.vector_store %arg6[%swap3A_31], %swap3A_34 {strides = array<i32>} : memref<128xf32, #tpu.memory_space<vmem>>, vector<16xf32>,
    %broadcast_in_dim3A_35 = arith.constant 1.000000e+00 : f32
    %broadcast_in_dim3A_36 = vector.broadcast %broadcast_in_dim3A_35 : f32 to vector<16xf32>
    %swap3A_37 = arith.constant 96 : index
    %swap3A_38 = tpu.vector_load %arg6[%swap3A_37] {strides = array<i32>} : memref<128xf32, #tpu.memory_space<vmem>>, vector<16xf32>,
    %swap3A_39 = vector.shape_cast %swap3A_38 : vector<16xf32> to vector<16xf32>
    %swap3A_40 = vector.shape_cast %broadcast_in_dim3A_36 : vector<16xf32> to vector<16xf32>
    tpu.vector_store %arg6[%swap3A_37], %swap3A_40 {strides = array<i32>} : memref<128xf32, #tpu.memory_space<vmem>>, vector<16xf32>,
    %broadcast_in_dim3A_41 = arith.constant 1.000000e+00 : f32
    %broadcast_in_dim3A_42 = vector.broadcast %broadcast_in_dim3A_41 : f32 to vector<16xf32>
    %swap3A_43 = arith.constant 112 : index
    %swap3A_44 = tpu.vector_load %arg6[%swap3A_43] {strides = array<i32>} : memref<128xf32, #tpu.memory_space<vmem>>, vector<16xf32>,
    %swap3A_45 = vector.shape_cast %swap3A_44 : vector<16xf32> to vector<16xf32>
    %swap3A_46 = vector.shape_cast %broadcast_in_dim3A_42 : vector<16xf32> to vector<16xf32>
    tpu.vector_store %arg6[%swap3A_43], %swap3A_46 {strides = array<i32>} : memref<128xf32, #tpu.memory_space<vmem>>, vector<16xf32>,
    %scan3A = arith.constant 0 : i32
    %scan3A_47 = arith.constant 0 : i32
    %scan3A_48 = arith.constant 40 : i32
    %scan3A_49 = arith.addi %scan3A_47, %scan3A_48 : i32
    %scan3A_50 = arith.constant 1 : i32
    scf.for %scan3A_271 = %scan3A_47 to %scan3A_49 step %scan3A_50  : i32 {
      %broadcast_in_dim3A_272 = arith.constant 0.000000e+00 : f32
      %broadcast_in_dim3A_273 = vector.broadcast %broadcast_in_dim3A_272 : f32 to vector<16xf32>
      %mul3A_274 = arith.constant 16 : i32
      %mul3A_275 = arith.muli %scan3A_271, %mul3A_274 : i32
      %swap3A_276 = arith.index_cast %mul3A_275 : i32 to index
      %swap3A_277 = tpu.vector_load %arg7[%swap3A_276] {strides = array<i32>} : memref<640xf32, #tpu.memory_space<vmem>>, vector<16xf32>,
      %swap3A_278 = vector.shape_cast %swap3A_277 : vector<16xf32> to vector<16xf32>
      %swap3A_279 = vector.shape_cast %broadcast_in_dim3A_273 : vector<16xf32> to vector<16xf32>
      tpu.vector_store %arg7[%swap3A_276], %swap3A_279 {strides = array<i32>} : memref<640xf32, #tpu.memory_space<vmem>>, vector<16xf32>,
    }
    %scan3A_51 = arith.constant 40 : i32
    %mul3A_52 = arith.constant 640 : i32
    %mul3A_53 = arith.muli %arg1, %mul3A_52 : i32
    "tpu.region"() ({
      %run_scoped3A_271 = tpu.sem_alloc : memref<!tpu.dma_semaphore, #tpu.memory_space<semaphore_mem>>
      %dma_start3A_272 = tpu.memref_slice %arg12[%mul3A_53] : memref<10240xf32, #tpu.memory_space<vmem_shared>> -> memref<640xf32, #tpu.memory_space<vmem_shared>>
      %dma_start3A_273 = tpu.memref_slice %arg12[%mul3A_53] : memref<10240xf32, #tpu.memory_space<vmem_shared>> -> memref<640xf32, #tpu.memory_space<vmem_shared>>
      tpu.enqueue_dma source(%arg7 : memref<640xf32, #tpu.memory_space<vmem>>) target(%dma_start3A_273 : memref<640xf32, #tpu.memory_space<vmem_shared>>) target_semaphore(%run_scoped3A_271 : memref<!tpu.dma_semaphore, #tpu.memory_space<semaphore_mem>>)
      %dma_wait3A_274 = tpu.memref_slice %arg12[%mul3A_53] : memref<10240xf32, #tpu.memory_space<vmem_shared>> -> memref<640xf32, #tpu.memory_space<vmem_shared>>
      %dma_wait3A_275 = tpu.memref_slice %arg12[%mul3A_53] : memref<10240xf32, #tpu.memory_space<vmem_shared>> -> memref<640xf32, #tpu.memory_space<vmem_shared>>
      tpu.wait_dma2 semaphore(%run_scoped3A_271 : memref<!tpu.dma_semaphore, #tpu.memory_space<semaphore_mem>>) src(%arg7 : memref<640xf32, #tpu.memory_space<vmem>>) dst(%dma_wait3A_275 : memref<640xf32, #tpu.memory_space<vmem_shared>>)
      tpu.yield
    }) : () -> ()
    %barrier3A = arith.constant 0 : index
    tpu.barrier barrier_id(%barrier3A)
    %run_scoped3A = arith.constant 0 : i32
    "tpu.region"() ({
      %run_scoped3A_271 = tpu.sem_alloc : memref<!tpu.dma_semaphore, #tpu.memory_space<semaphore_mem>>
      %dma_start3A_272 = arith.constant 0 : i32
      %dma_start3A_273 = arith.constant 0 : i32
      %dma_start3A_274 = tpu.memref_slice %arg2[%add3A, %run_scoped3A, %dma_start3A_272, %dma_start3A_273] : memref<32x10x8x128xi32, #tpu.memory_space<hbm>> -> memref<1x1x8x128xi32, #tpu.memory_space<hbm>>
      %dma_start3A_275 = tpu.memref_squeeze %dma_start3A_274 : memref<1x1x8x128xi32, #tpu.memory_space<hbm>> -> memref<8x128xi32, #tpu.memory_space<hbm>>
      %dma_start3A_276 = arith.constant 0 : i32
      %dma_start3A_277 = arith.constant 0 : i32
      %dma_start3A_278 = tpu.memref_slice %arg2[%add3A, %run_scoped3A, %dma_start3A_276, %dma_start3A_277] : memref<32x10x8x128xi32, #tpu.memory_space<hbm>> -> memref<1x1x8x128xi32, #tpu.memory_space<hbm>>
      %dma_start3A_279 = tpu.memref_squeeze %dma_start3A_278 : memref<1x1x8x128xi32, #tpu.memory_space<hbm>> -> memref<8x128xi32, #tpu.memory_space<hbm>>
      tpu.enqueue_dma source(%dma_start3A_279 : memref<8x128xi32, #tpu.memory_space<hbm>>) target(%arg4 : memref<8x128xi32, #tpu.memory_space<vmem>>) target_semaphore(%run_scoped3A_271 : memref<!tpu.dma_semaphore, #tpu.memory_space<semaphore_mem>>)
      %dma_wait3A_280 = arith.constant 0 : i32
      %dma_wait3A_281 = arith.constant 0 : i32
      %dma_wait3A_282 = tpu.memref_slice %arg2[%add3A, %run_scoped3A, %dma_wait3A_280, %dma_wait3A_281] : memref<32x10x8x128xi32, #tpu.memory_space<hbm>> -> memref<1x1x8x128xi32, #tpu.memory_space<hbm>>
      %dma_wait3A_283 = tpu.memref_squeeze %dma_wait3A_282 : memref<1x1x8x128xi32, #tpu.memory_space<hbm>> -> memref<8x128xi32, #tpu.memory_space<hbm>>
      %dma_wait3A_284 = arith.constant 0 : i32
      %dma_wait3A_285 = arith.constant 0 : i32
      %dma_wait3A_286 = tpu.memref_slice %arg2[%add3A, %run_scoped3A, %dma_wait3A_284, %dma_wait3A_285] : memref<32x10x8x128xi32, #tpu.memory_space<hbm>> -> memref<1x1x8x128xi32, #tpu.memory_space<hbm>>
      %dma_wait3A_287 = tpu.memref_squeeze %dma_wait3A_286 : memref<1x1x8x128xi32, #tpu.memory_space<hbm>> -> memref<8x128xi32, #tpu.memory_space<hbm>>
      tpu.wait_dma2 semaphore(%run_scoped3A_271 : memref<!tpu.dma_semaphore, #tpu.memory_space<semaphore_mem>>) src(%dma_wait3A_287 : memref<8x128xi32, #tpu.memory_space<hbm>>) dst(%arg4 : memref<8x128xi32, #tpu.memory_space<vmem>>)
      tpu.yield
    }) : () -> ()
    %dma_start3A = arith.constant 0 : i32
    %dma_start3A_54 = arith.constant 0 : i32
    %dma_start3A_55 = tpu.memref_slice %arg4[%dma_start3A, %dma_start3A_54] : memref<8x128xi32, #tpu.memory_space<vmem>> -> memref<1x128xi32, #tpu.memory_space<vmem>>
    %dma_start3A_56 = tpu.memref_squeeze %dma_start3A_55 : memref<1x128xi32, #tpu.memory_space<vmem>> -> memref<128xi32, #tpu.memory_space<vmem>>
    %dma_start3A_57 = arith.constant 0 : i32
    %dma_start3A_58 = tpu.memref_slice %arg12[%dma_start3A_57] : memref<10240xf32, #tpu.memory_space<vmem_shared>> -> memref<10240xf32, #tpu.memory_space<vmem_shared>>
    tpu.enqueue_indirect_dma source(%arg6 : memref<128xf32, #tpu.memory_space<vmem>>) target(%dma_start3A_58 : memref<10240xf32, #tpu.memory_space<vmem_shared>>) offsets(%dma_start3A_56 : memref<128xi32, #tpu.memory_space<vmem>>) semaphore(%arg10 : memref<!tpu.dma_semaphore, #tpu.memory_space<semaphore_mem>>) {add = true}
    %dma_start3A_59 = arith.constant 1 : i32
    %dma_start3A_60 = arith.constant 0 : i32
    %dma_start3A_61 = tpu.memref_slice %arg4[%dma_start3A_59, %dma_start3A_60] : memref<8x128xi32, #tpu.memory_space<vmem>> -> memref<1x128xi32, #tpu.memory_space<vmem>>
    %dma_start3A_62 = tpu.memref_squeeze %dma_start3A_61 : memref<1x128xi32, #tpu.memory_space<vmem>> -> memref<128xi32, #tpu.memory_space<vmem>>
    %dma_start3A_63 = arith.constant 0 : i32
    %dma_start3A_64 = tpu.memref_slice %arg12[%dma_start3A_63] : memref<10240xf32, #tpu.memory_space<vmem_shared>> -> memref<10240xf32, #tpu.memory_space<vmem_shared>>
    tpu.enqueue_indirect_dma source(%arg6 : memref<128xf32, #tpu.memory_space<vmem>>) target(%dma_start3A_64 : memref<10240xf32, #tpu.memory_space<vmem_shared>>) offsets(%dma_start3A_62 : memref<128xi32, #tpu.memory_space<vmem>>) semaphore(%arg10 : memref<!tpu.dma_semaphore, #tpu.memory_space<semaphore_mem>>) {add = true}
    %dma_start3A_65 = arith.constant 2 : i32
    %dma_start3A_66 = arith.constant 0 : i32
    %dma_start3A_67 = tpu.memref_slice %arg4[%dma_start3A_65, %dma_start3A_66] : memref<8x128xi32, #tpu.memory_space<vmem>> -> memref<1x128xi32, #tpu.memory_space<vmem>>
    %dma_start3A_68 = tpu.memref_squeeze %dma_start3A_67 : memref<1x128xi32, #tpu.memory_space<vmem>> -> memref<128xi32, #tpu.memory_space<vmem>>
    %dma_start3A_69 = arith.constant 0 : i32
    %dma_start3A_70 = tpu.memref_slice %arg12[%dma_start3A_69] : memref<10240xf32, #tpu.memory_space<vmem_shared>> -> memref<10240xf32, #tpu.memory_space<vmem_shared>>
    tpu.enqueue_indirect_dma source(%arg6 : memref<128xf32, #tpu.memory_space<vmem>>) target(%dma_start3A_70 : memref<10240xf32, #tpu.memory_space<vmem_shared>>) offsets(%dma_start3A_68 : memref<128xi32, #tpu.memory_space<vmem>>) semaphore(%arg10 : memref<!tpu.dma_semaphore, #tpu.memory_space<semaphore_mem>>) {add = true}
    %dma_start3A_71 = arith.constant 3 : i32
    %dma_start3A_72 = arith.constant 0 : i32
    %dma_start3A_73 = tpu.memref_slice %arg4[%dma_start3A_71, %dma_start3A_72] : memref<8x128xi32, #tpu.memory_space<vmem>> -> memref<1x128xi32, #tpu.memory_space<vmem>>
    %dma_start3A_74 = tpu.memref_squeeze %dma_start3A_73 : memref<1x128xi32, #tpu.memory_space<vmem>> -> memref<128xi32, #tpu.memory_space<vmem>>
    %dma_start3A_75 = arith.constant 0 : i32
    %dma_start3A_76 = tpu.memref_slice %arg12[%dma_start3A_75] : memref<10240xf32, #tpu.memory_space<vmem_shared>> -> memref<10240xf32, #tpu.memory_space<vmem_shared>>
    tpu.enqueue_indirect_dma source(%arg6 : memref<128xf32, #tpu.memory_space<vmem>>) target(%dma_start3A_76 : memref<10240xf32, #tpu.memory_space<vmem_shared>>) offsets(%dma_start3A_74 : memref<128xi32, #tpu.memory_space<vmem>>) semaphore(%arg10 : memref<!tpu.dma_semaphore, #tpu.memory_space<semaphore_mem>>) {add = true}
    %dma_start3A_77 = arith.constant 4 : i32
    %dma_start3A_78 = arith.constant 0 : i32
    %dma_start3A_79 = tpu.memref_slice %arg4[%dma_start3A_77, %dma_start3A_78] : memref<8x128xi32, #tpu.memory_space<vmem>> -> memref<1x128xi32, #tpu.memory_space<vmem>>
    %dma_start3A_80 = tpu.memref_squeeze %dma_start3A_79 : memref<1x128xi32, #tpu.memory_space<vmem>> -> memref<128xi32, #tpu.memory_space<vmem>>
    %dma_start3A_81 = arith.constant 0 : i32
    %dma_start3A_82 = tpu.memref_slice %arg12[%dma_start3A_81] : memref<10240xf32, #tpu.memory_space<vmem_shared>> -> memref<10240xf32, #tpu.memory_space<vmem_shared>>
    tpu.enqueue_indirect_dma source(%arg6 : memref<128xf32, #tpu.memory_space<vmem>>) target(%dma_start3A_82 : memref<10240xf32, #tpu.memory_space<vmem_shared>>) offsets(%dma_start3A_80 : memref<128xi32, #tpu.memory_space<vmem>>) semaphore(%arg10 : memref<!tpu.dma_semaphore, #tpu.memory_space<semaphore_mem>>) {add = true}
    %dma_start3A_83 = arith.constant 5 : i32
    %dma_start3A_84 = arith.constant 0 : i32
    %dma_start3A_85 = tpu.memref_slice %arg4[%dma_start3A_83, %dma_start3A_84] : memref<8x128xi32, #tpu.memory_space<vmem>> -> memref<1x128xi32, #tpu.memory_space<vmem>>
    %dma_start3A_86 = tpu.memref_squeeze %dma_start3A_85 : memref<1x128xi32, #tpu.memory_space<vmem>> -> memref<128xi32, #tpu.memory_space<vmem>>
    %dma_start3A_87 = arith.constant 0 : i32
    %dma_start3A_88 = tpu.memref_slice %arg12[%dma_start3A_87] : memref<10240xf32, #tpu.memory_space<vmem_shared>> -> memref<10240xf32, #tpu.memory_space<vmem_shared>>
    tpu.enqueue_indirect_dma source(%arg6 : memref<128xf32, #tpu.memory_space<vmem>>) target(%dma_start3A_88 : memref<10240xf32, #tpu.memory_space<vmem_shared>>) offsets(%dma_start3A_86 : memref<128xi32, #tpu.memory_space<vmem>>) semaphore(%arg10 : memref<!tpu.dma_semaphore, #tpu.memory_space<semaphore_mem>>) {add = true}
    %dma_start3A_89 = arith.constant 6 : i32
    %dma_start3A_90 = arith.constant 0 : i32
    %dma_start3A_91 = tpu.memref_slice %arg4[%dma_start3A_89, %dma_start3A_90] : memref<8x128xi32, #tpu.memory_space<vmem>> -> memref<1x128xi32, #tpu.memory_space<vmem>>
    %dma_start3A_92 = tpu.memref_squeeze %dma_start3A_91 : memref<1x128xi32, #tpu.memory_space<vmem>> -> memref<128xi32, #tpu.memory_space<vmem>>
    %dma_start3A_93 = arith.constant 0 : i32
    %dma_start3A_94 = tpu.memref_slice %arg12[%dma_start3A_93] : memref<10240xf32, #tpu.memory_space<vmem_shared>> -> memref<10240xf32, #tpu.memory_space<vmem_shared>>
    tpu.enqueue_indirect_dma source(%arg6 : memref<128xf32, #tpu.memory_space<vmem>>) target(%dma_start3A_94 : memref<10240xf32, #tpu.memory_space<vmem_shared>>) offsets(%dma_start3A_92 : memref<128xi32, #tpu.memory_space<vmem>>) semaphore(%arg10 : memref<!tpu.dma_semaphore, #tpu.memory_space<semaphore_mem>>) {add = true}
    %dma_start3A_95 = arith.constant 7 : i32
    %dma_start3A_96 = arith.constant 0 : i32
    %dma_start3A_97 = tpu.memref_slice %arg4[%dma_start3A_95, %dma_start3A_96] : memref<8x128xi32, #tpu.memory_space<vmem>> -> memref<1x128xi32, #tpu.memory_space<vmem>>
    %dma_start3A_98 = tpu.memref_squeeze %dma_start3A_97 : memref<1x128xi32, #tpu.memory_space<vmem>> -> memref<128xi32, #tpu.memory_space<vmem>>
    %dma_start3A_99 = arith.constant 0 : i32
    %dma_start3A_100 = tpu.memref_slice %arg12[%dma_start3A_99] : memref<10240xf32, #tpu.memory_space<vmem_shared>> -> memref<10240xf32, #tpu.memory_space<vmem_shared>>
    tpu.enqueue_indirect_dma source(%arg6 : memref<128xf32, #tpu.memory_space<vmem>>) target(%dma_start3A_100 : memref<10240xf32, #tpu.memory_space<vmem_shared>>) offsets(%dma_start3A_98 : memref<128xi32, #tpu.memory_space<vmem>>) semaphore(%arg10 : memref<!tpu.dma_semaphore, #tpu.memory_space<semaphore_mem>>) {add = true}
    %dma_start3A_101 = arith.constant 1 : i32
    %dma_start3A_102 = arith.constant 0 : i32
    %dma_start3A_103 = arith.constant 0 : i32
    %dma_start3A_104 = tpu.memref_slice %arg2[%add3A, %dma_start3A_101, %dma_start3A_102, %dma_start3A_103] : memref<32x10x8x128xi32, #tpu.memory_space<hbm>> -> memref<1x1x8x128xi32, #tpu.memory_space<hbm>>
    %dma_start3A_105 = tpu.memref_squeeze %dma_start3A_104 : memref<1x1x8x128xi32, #tpu.memory_space<hbm>> -> memref<8x128xi32, #tpu.memory_space<hbm>>
    %dma_start3A_106 = arith.constant 0 : i32
    %dma_start3A_107 = arith.constant 0 : i32
    %dma_start3A_108 = tpu.memref_slice %arg2[%add3A, %dma_start3A_101, %dma_start3A_106, %dma_start3A_107] : memref<32x10x8x128xi32, #tpu.memory_space<hbm>> -> memref<1x1x8x128xi32, #tpu.memory_space<hbm>>
    %dma_start3A_109 = tpu.memref_squeeze %dma_start3A_108 : memref<1x1x8x128xi32, #tpu.memory_space<hbm>> -> memref<8x128xi32, #tpu.memory_space<hbm>>
    tpu.enqueue_dma source(%dma_start3A_109 : memref<8x128xi32, #tpu.memory_space<hbm>>) target(%arg5 : memref<8x128xi32, #tpu.memory_space<vmem>>) target_semaphore(%arg9 : memref<!tpu.dma_semaphore, #tpu.memory_space<semaphore_mem>>)
    %scan3A_110 = arith.constant 0 : i32
    %scan3A_111 = arith.constant 0 : i32
    %scan3A_112 = arith.constant 4 : i32
    %scan3A_113 = arith.addi %scan3A_111, %scan3A_112 : i32
    %scan3A_114 = arith.constant 1 : i32
    scf.for %scan3A_271 = %scan3A_111 to %scan3A_113 step %scan3A_114  : i32 {
      %dma_wait3A_272 = arith.constant 0 : i32
      %dma_wait3A_273 = arith.constant 0 : i32
      %dma_wait3A_274 = arith.constant 0 : i32
      %dma_wait3A_275 = tpu.memref_slice %arg2[%add3A, %dma_wait3A_272, %dma_wait3A_273, %dma_wait3A_274] : memref<32x10x8x128xi32, #tpu.memory_space<hbm>> -> memref<1x1x8x128xi32, #tpu.memory_space<hbm>>
      %dma_wait3A_276 = tpu.memref_squeeze %dma_wait3A_275 : memref<1x1x8x128xi32, #tpu.memory_space<hbm>> -> memref<8x128xi32, #tpu.memory_space<hbm>>
      %dma_wait3A_277 = arith.constant 0 : i32
      %dma_wait3A_278 = arith.constant 0 : i32
      %dma_wait3A_279 = tpu.memref_slice %arg2[%add3A, %dma_wait3A_272, %dma_wait3A_277, %dma_wait3A_278] : memref<32x10x8x128xi32, #tpu.memory_space<hbm>> -> memref<1x1x8x128xi32, #tpu.memory_space<hbm>>
      %dma_wait3A_280 = tpu.memref_squeeze %dma_wait3A_279 : memref<1x1x8x128xi32, #tpu.memory_space<hbm>> -> memref<8x128xi32, #tpu.memory_space<hbm>>
      tpu.wait_dma2 semaphore(%arg9 : memref<!tpu.dma_semaphore, #tpu.memory_space<semaphore_mem>>) src(%dma_wait3A_280 : memref<8x128xi32, #tpu.memory_space<hbm>>) dst(%arg5 : memref<8x128xi32, #tpu.memory_space<vmem>>)
      %dma_start3A_281 = arith.constant 0 : i32
      %dma_start3A_282 = arith.constant 0 : i32
      %dma_start3A_283 = tpu.memref_slice %arg5[%dma_start3A_281, %dma_start3A_282] : memref<8x128xi32, #tpu.memory_space<vmem>> -> memref<1x128xi32, #tpu.memory_space<vmem>>
      %dma_start3A_284 = tpu.memref_squeeze %dma_start3A_283 : memref<1x128xi32, #tpu.memory_space<vmem>> -> memref<128xi32, #tpu.memory_space<vmem>>
      %dma_start3A_285 = arith.constant 0 : i32
      %dma_start3A_286 = tpu.memref_slice %arg12[%dma_start3A_285] : memref<10240xf32, #tpu.memory_space<vmem_shared>> -> memref<10240xf32, #tpu.memory_space<vmem_shared>>
      tpu.enqueue_indirect_dma source(%arg6 : memref<128xf32, #tpu.memory_space<vmem>>) target(%dma_start3A_286 : memref<10240xf32, #tpu.memory_space<vmem_shared>>) offsets(%dma_start3A_284 : memref<128xi32, #tpu.memory_space<vmem>>) semaphore(%arg11 : memref<!tpu.dma_semaphore, #tpu.memory_space<semaphore_mem>>) {add = true}
      %dma_start3A_287 = arith.constant 1 : i32
      %dma_start3A_288 = arith.constant 0 : i32
      %dma_start3A_289 = tpu.memref_slice %arg5[%dma_start3A_287, %dma_start3A_288] : memref<8x128xi32, #tpu.memory_space<vmem>> -> memref<1x128xi32, #tpu.memory_space<vmem>>
      %dma_start3A_290 = tpu.memref_squeeze %dma_start3A_289 : memref<1x128xi32, #tpu.memory_space<vmem>> -> memref<128xi32, #tpu.memory_space<vmem>>
      %dma_start3A_291 = arith.constant 0 : i32
      %dma_start3A_292 = tpu.memref_slice %arg12[%dma_start3A_291] : memref<10240xf32, #tpu.memory_space<vmem_shared>> -> memref<10240xf32, #tpu.memory_space<vmem_shared>>
      tpu.enqueue_indirect_dma source(%arg6 : memref<128xf32, #tpu.memory_space<vmem>>) target(%dma_start3A_292 : memref<10240xf32, #tpu.memory_space<vmem_shared>>) offsets(%dma_start3A_290 : memref<128xi32, #tpu.memory_space<vmem>>) semaphore(%arg11 : memref<!tpu.dma_semaphore, #tpu.memory_space<semaphore_mem>>) {add = true}
      %dma_start3A_293 = arith.constant 2 : i32
      %dma_start3A_294 = arith.constant 0 : i32
      %dma_start3A_295 = tpu.memref_slice %arg5[%dma_start3A_293, %dma_start3A_294] : memref<8x128xi32, #tpu.memory_space<vmem>> -> memref<1x128xi32, #tpu.memory_space<vmem>>
      %dma_start3A_296 = tpu.memref_squeeze %dma_start3A_295 : memref<1x128xi32, #tpu.memory_space<vmem>> -> memref<128xi32, #tpu.memory_space<vmem>>
      %dma_start3A_297 = arith.constant 0 : i32
      %dma_start3A_298 = tpu.memref_slice %arg12[%dma_start3A_297] : memref<10240xf32, #tpu.memory_space<vmem_shared>> -> memref<10240xf32, #tpu.memory_space<vmem_shared>>
      tpu.enqueue_indirect_dma source(%arg6 : memref<128xf32, #tpu.memory_space<vmem>>) target(%dma_start3A_298 : memref<10240xf32, #tpu.memory_space<vmem_shared>>) offsets(%dma_start3A_296 : memref<128xi32, #tpu.memory_space<vmem>>) semaphore(%arg11 : memref<!tpu.dma_semaphore, #tpu.memory_space<semaphore_mem>>) {add = true}
      %dma_start3A_299 = arith.constant 3 : i32
      %dma_start3A_300 = arith.constant 0 : i32
      %dma_start3A_301 = tpu.memref_slice %arg5[%dma_start3A_299, %dma_start3A_300] : memref<8x128xi32, #tpu.memory_space<vmem>> -> memref<1x128xi32, #tpu.memory_space<vmem>>
      %dma_start3A_302 = tpu.memref_squeeze %dma_start3A_301 : memref<1x128xi32, #tpu.memory_space<vmem>> -> memref<128xi32, #tpu.memory_space<vmem>>
      %dma_start3A_303 = arith.constant 0 : i32
      %dma_start3A_304 = tpu.memref_slice %arg12[%dma_start3A_303] : memref<10240xf32, #tpu.memory_space<vmem_shared>> -> memref<10240xf32, #tpu.memory_space<vmem_shared>>
      tpu.enqueue_indirect_dma source(%arg6 : memref<128xf32, #tpu.memory_space<vmem>>) target(%dma_start3A_304 : memref<10240xf32, #tpu.memory_space<vmem_shared>>) offsets(%dma_start3A_302 : memref<128xi32, #tpu.memory_space<vmem>>) semaphore(%arg11 : memref<!tpu.dma_semaphore, #tpu.memory_space<semaphore_mem>>) {add = true}
      %dma_start3A_305 = arith.constant 4 : i32
      %dma_start3A_306 = arith.constant 0 : i32
      %dma_start3A_307 = tpu.memref_slice %arg5[%dma_start3A_305, %dma_start3A_306] : memref<8x128xi32, #tpu.memory_space<vmem>> -> memref<1x128xi32, #tpu.memory_space<vmem>>
      %dma_start3A_308 = tpu.memref_squeeze %dma_start3A_307 : memref<1x128xi32, #tpu.memory_space<vmem>> -> memref<128xi32, #tpu.memory_space<vmem>>
      %dma_start3A_309 = arith.constant 0 : i32
      %dma_start3A_310 = tpu.memref_slice %arg12[%dma_start3A_309] : memref<10240xf32, #tpu.memory_space<vmem_shared>> -> memref<10240xf32, #tpu.memory_space<vmem_shared>>
      tpu.enqueue_indirect_dma source(%arg6 : memref<128xf32, #tpu.memory_space<vmem>>) target(%dma_start3A_310 : memref<10240xf32, #tpu.memory_space<vmem_shared>>) offsets(%dma_start3A_308 : memref<128xi32, #tpu.memory_space<vmem>>) semaphore(%arg11 : memref<!tpu.dma_semaphore, #tpu.memory_space<semaphore_mem>>) {add = true}
      %dma_start3A_311 = arith.constant 5 : i32
      %dma_start3A_312 = arith.constant 0 : i32
      %dma_start3A_313 = tpu.memref_slice %arg5[%dma_start3A_311, %dma_start3A_312] : memref<8x128xi32, #tpu.memory_space<vmem>> -> memref<1x128xi32, #tpu.memory_space<vmem>>
      %dma_start3A_314 = tpu.memref_squeeze %dma_start3A_313 : memref<1x128xi32, #tpu.memory_space<vmem>> -> memref<128xi32, #tpu.memory_space<vmem>>
      %dma_start3A_315 = arith.constant 0 : i32
      %dma_start3A_316 = tpu.memref_slice %arg12[%dma_start3A_315] : memref<10240xf32, #tpu.memory_space<vmem_shared>> -> memref<10240xf32, #tpu.memory_space<vmem_shared>>
      tpu.enqueue_indirect_dma source(%arg6 : memref<128xf32, #tpu.memory_space<vmem>>) target(%dma_start3A_316 : memref<10240xf32, #tpu.memory_space<vmem_shared>>) offsets(%dma_start3A_314 : memref<128xi32, #tpu.memory_space<vmem>>) semaphore(%arg11 : memref<!tpu.dma_semaphore, #tpu.memory_space<semaphore_mem>>) {add = true}
      %dma_start3A_317 = arith.constant 6 : i32
      %dma_start3A_318 = arith.constant 0 : i32
      %dma_start3A_319 = tpu.memref_slice %arg5[%dma_start3A_317, %dma_start3A_318] : memref<8x128xi32, #tpu.memory_space<vmem>> -> memref<1x128xi32, #tpu.memory_space<vmem>>
      %dma_start3A_320 = tpu.memref_squeeze %dma_start3A_319 : memref<1x128xi32, #tpu.memory_space<vmem>> -> memref<128xi32, #tpu.memory_space<vmem>>
      %dma_start3A_321 = arith.constant 0 : i32
      %dma_start3A_322 = tpu.memref_slice %arg12[%dma_start3A_321] : memref<10240xf32, #tpu.memory_space<vmem_shared>> -> memref<10240xf32, #tpu.memory_space<vmem_shared>>
      tpu.enqueue_indirect_dma source(%arg6 : memref<128xf32, #tpu.memory_space<vmem>>) target(%dma_start3A_322 : memref<10240xf32, #tpu.memory_space<vmem_shared>>) offsets(%dma_start3A_320 : memref<128xi32, #tpu.memory_space<vmem>>) semaphore(%arg11 : memref<!tpu.dma_semaphore, #tpu.memory_space<semaphore_mem>>) {add = true}
      %dma_start3A_323 = arith.constant 7 : i32
      %dma_start3A_324 = arith.constant 0 : i32
      %dma_start3A_325 = tpu.memref_slice %arg5[%dma_start3A_323, %dma_start3A_324] : memref<8x128xi32, #tpu.memory_space<vmem>> -> memref<1x128xi32, #tpu.memory_space<vmem>>
      %dma_start3A_326 = tpu.memref_squeeze %dma_start3A_325 : memref<1x128xi32, #tpu.memory_space<vmem>> -> memref<128xi32, #tpu.memory_space<vmem>>
      %dma_start3A_327 = arith.constant 0 : i32
      %dma_start3A_328 = tpu.memref_slice %arg12[%dma_start3A_327] : memref<10240xf32, #tpu.memory_space<vmem_shared>> -> memref<10240xf32, #tpu.memory_space<vmem_shared>>
      tpu.enqueue_indirect_dma source(%arg6 : memref<128xf32, #tpu.memory_space<vmem>>) target(%dma_start3A_328 : memref<10240xf32, #tpu.memory_space<vmem_shared>>) offsets(%dma_start3A_326 : memref<128xi32, #tpu.memory_space<vmem>>) semaphore(%arg11 : memref<!tpu.dma_semaphore, #tpu.memory_space<semaphore_mem>>) {add = true}
      %dma_wait3A_329 = arith.constant 0 : i32
      %dma_wait3A_330 = arith.constant 0 : i32
      %dma_wait3A_331 = tpu.memref_slice %arg4[%dma_wait3A_329, %dma_wait3A_330] : memref<8x128xi32, #tpu.memory_space<vmem>> -> memref<1x128xi32, #tpu.memory_space<vmem>>
      %dma_wait3A_332 = tpu.memref_squeeze %dma_wait3A_331 : memref<1x128xi32, #tpu.memory_space<vmem>> -> memref<128xi32, #tpu.memory_space<vmem>>
      %dma_wait3A_333 = arith.constant 0 : i32
      %dma_wait3A_334 = tpu.memref_slice %arg12[%dma_wait3A_333] : memref<10240xf32, #tpu.memory_space<vmem_shared>> -> memref<10240xf32, #tpu.memory_space<vmem_shared>>
      tpu.wait_indirect_dma semaphore(%arg10 : memref<!tpu.dma_semaphore, #tpu.memory_space<semaphore_mem>>) src(%arg6 : memref<128xf32, #tpu.memory_space<vmem>>) dst(%dma_wait3A_334 : memref<10240xf32, #tpu.memory_space<vmem_shared>>)
      %dma_wait3A_335 = arith.constant 1 : i32
      %dma_wait3A_336 = arith.constant 0 : i32
      %dma_wait3A_337 = tpu.memref_slice %arg4[%dma_wait3A_335, %dma_wait3A_336] : memref<8x128xi32, #tpu.memory_space<vmem>> -> memref<1x128xi32, #tpu.memory_space<vmem>>
      %dma_wait3A_338 = tpu.memref_squeeze %dma_wait3A_337 : memref<1x128xi32, #tpu.memory_space<vmem>> -> memref<128xi32, #tpu.memory_space<vmem>>
      %dma_wait3A_339 = arith.constant 0 : i32
      %dma_wait3A_340 = tpu.memref_slice %arg12[%dma_wait3A_339] : memref<10240xf32, #tpu.memory_space<vmem_shared>> -> memref<10240xf32, #tpu.memory_space<vmem_shared>>
      tpu.wait_indirect_dma semaphore(%arg10 : memref<!tpu.dma_semaphore, #tpu.memory_space<semaphore_mem>>) src(%arg6 : memref<128xf32, #tpu.memory_space<vmem>>) dst(%dma_wait3A_340 : memref<10240xf32, #tpu.memory_space<vmem_shared>>)
      %dma_wait3A_341 = arith.constant 2 : i32
      %dma_wait3A_342 = arith.constant 0 : i32
      %dma_wait3A_343 = tpu.memref_slice %arg4[%dma_wait3A_341, %dma_wait3A_342] : memref<8x128xi32, #tpu.memory_space<vmem>> -> memref<1x128xi32, #tpu.memory_space<vmem>>
      %dma_wait3A_344 = tpu.memref_squeeze %dma_wait3A_343 : memref<1x128xi32, #tpu.memory_space<vmem>> -> memref<128xi32, #tpu.memory_space<vmem>>
      %dma_wait3A_345 = arith.constant 0 : i32
      %dma_wait3A_346 = tpu.memref_slice %arg12[%dma_wait3A_345] : memref<10240xf32, #tpu.memory_space<vmem_shared>> -> memref<10240xf32, #tpu.memory_space<vmem_shared>>
      tpu.wait_indirect_dma semaphore(%arg10 : memref<!tpu.dma_semaphore, #tpu.memory_space<semaphore_mem>>) src(%arg6 : memref<128xf32, #tpu.memory_space<vmem>>) dst(%dma_wait3A_346 : memref<10240xf32, #tpu.memory_space<vmem_shared>>)
      %dma_wait3A_347 = arith.constant 3 : i32
      %dma_wait3A_348 = arith.constant 0 : i32
      %dma_wait3A_349 = tpu.memref_slice %arg4[%dma_wait3A_347, %dma_wait3A_348] : memref<8x128xi32, #tpu.memory_space<vmem>> -> memref<1x128xi32, #tpu.memory_space<vmem>>
      %dma_wait3A_350 = tpu.memref_squeeze %dma_wait3A_349 : memref<1x128xi32, #tpu.memory_space<vmem>> -> memref<128xi32, #tpu.memory_space<vmem>>
      %dma_wait3A_351 = arith.constant 0 : i32
      %dma_wait3A_352 = tpu.memref_slice %arg12[%dma_wait3A_351] : memref<10240xf32, #tpu.memory_space<vmem_shared>> -> memref<10240xf32, #tpu.memory_space<vmem_shared>>
      tpu.wait_indirect_dma semaphore(%arg10 : memref<!tpu.dma_semaphore, #tpu.memory_space<semaphore_mem>>) src(%arg6 : memref<128xf32, #tpu.memory_space<vmem>>) dst(%dma_wait3A_352 : memref<10240xf32, #tpu.memory_space<vmem_shared>>)
      %dma_wait3A_353 = arith.constant 4 : i32
      %dma_wait3A_354 = arith.constant 0 : i32
      %dma_wait3A_355 = tpu.memref_slice %arg4[%dma_wait3A_353, %dma_wait3A_354] : memref<8x128xi32, #tpu.memory_space<vmem>> -> memref<1x128xi32, #tpu.memory_space<vmem>>
      %dma_wait3A_356 = tpu.memref_squeeze %dma_wait3A_355 : memref<1x128xi32, #tpu.memory_space<vmem>> -> memref<128xi32, #tpu.memory_space<vmem>>
      %dma_wait3A_357 = arith.constant 0 : i32
      %dma_wait3A_358 = tpu.memref_slice %arg12[%dma_wait3A_357] : memref<10240xf32, #tpu.memory_space<vmem_shared>> -> memref<10240xf32, #tpu.memory_space<vmem_shared>>
      tpu.wait_indirect_dma semaphore(%arg10 : memref<!tpu.dma_semaphore, #tpu.memory_space<semaphore_mem>>) src(%arg6 : memref<128xf32, #tpu.memory_space<vmem>>) dst(%dma_wait3A_358 : memref<10240xf32, #tpu.memory_space<vmem_shared>>)
      %dma_wait3A_359 = arith.constant 5 : i32
      %dma_wait3A_360 = arith.constant 0 : i32
      %dma_wait3A_361 = tpu.memref_slice %arg4[%dma_wait3A_359, %dma_wait3A_360] : memref<8x128xi32, #tpu.memory_space<vmem>> -> memref<1x128xi32, #tpu.memory_space<vmem>>
      %dma_wait3A_362 = tpu.memref_squeeze %dma_wait3A_361 : memref<1x128xi32, #tpu.memory_space<vmem>> -> memref<128xi32, #tpu.memory_space<vmem>>
      %dma_wait3A_363 = arith.constant 0 : i32
      %dma_wait3A_364 = tpu.memref_slice %arg12[%dma_wait3A_363] : memref<10240xf32, #tpu.memory_space<vmem_shared>> -> memref<10240xf32, #tpu.memory_space<vmem_shared>>
      tpu.wait_indirect_dma semaphore(%arg10 : memref<!tpu.dma_semaphore, #tpu.memory_space<semaphore_mem>>) src(%arg6 : memref<128xf32, #tpu.memory_space<vmem>>) dst(%dma_wait3A_364 : memref<10240xf32, #tpu.memory_space<vmem_shared>>)
      %dma_wait3A_365 = arith.constant 6 : i32
      %dma_wait3A_366 = arith.constant 0 : i32
      %dma_wait3A_367 = tpu.memref_slice %arg4[%dma_wait3A_365, %dma_wait3A_366] : memref<8x128xi32, #tpu.memory_space<vmem>> -> memref<1x128xi32, #tpu.memory_space<vmem>>
      %dma_wait3A_368 = tpu.memref_squeeze %dma_wait3A_367 : memref<1x128xi32, #tpu.memory_space<vmem>> -> memref<128xi32, #tpu.memory_space<vmem>>
      %dma_wait3A_369 = arith.constant 0 : i32
      %dma_wait3A_370 = tpu.memref_slice %arg12[%dma_wait3A_369] : memref<10240xf32, #tpu.memory_space<vmem_shared>> -> memref<10240xf32, #tpu.memory_space<vmem_shared>>
      tpu.wait_indirect_dma semaphore(%arg10 : memref<!tpu.dma_semaphore, #tpu.memory_space<semaphore_mem>>) src(%arg6 : memref<128xf32, #tpu.memory_space<vmem>>) dst(%dma_wait3A_370 : memref<10240xf32, #tpu.memory_space<vmem_shared>>)
      %dma_wait3A_371 = arith.constant 7 : i32
      %dma_wait3A_372 = arith.constant 0 : i32
      %dma_wait3A_373 = tpu.memref_slice %arg4[%dma_wait3A_371, %dma_wait3A_372] : memref<8x128xi32, #tpu.memory_space<vmem>> -> memref<1x128xi32, #tpu.memory_space<vmem>>
      %dma_wait3A_374 = tpu.memref_squeeze %dma_wait3A_373 : memref<1x128xi32, #tpu.memory_space<vmem>> -> memref<128xi32, #tpu.memory_space<vmem>>
      %dma_wait3A_375 = arith.constant 0 : i32
      %dma_wait3A_376 = tpu.memref_slice %arg12[%dma_wait3A_375] : memref<10240xf32, #tpu.memory_space<vmem_shared>> -> memref<10240xf32, #tpu.memory_space<vmem_shared>>
      tpu.wait_indirect_dma semaphore(%arg10 : memref<!tpu.dma_semaphore, #tpu.memory_space<semaphore_mem>>) src(%arg6 : memref<128xf32, #tpu.memory_space<vmem>>) dst(%dma_wait3A_376 : memref<10240xf32, #tpu.memory_space<vmem_shared>>)
      %mul3A_377 = arith.constant 2 : i32
      %mul3A_378 = arith.muli %mul3A_377, %scan3A_271 : i32
      %add3A_379 = arith.constant 2 : i32
      %add3A_380 = arith.addi %mul3A_378, %add3A_379 : i32
      %dma_start3A_381 = arith.constant 0 : i32
      %dma_start3A_382 = arith.constant 0 : i32
      %dma_start3A_383 = tpu.memref_slice %arg2[%add3A, %add3A_380, %dma_start3A_381, %dma_start3A_382] : memref<32x10x8x128xi32, #tpu.memory_space<hbm>> -> memref<1x1x8x128xi32, #tpu.memory_space<hbm>>
      %dma_start3A_384 = tpu.memref_squeeze %dma_start3A_383 : memref<1x1x8x128xi32, #tpu.memory_space<hbm>> -> memref<8x128xi32, #tpu.memory_space<hbm>>
      %dma_start3A_385 = arith.constant 0 : i32
      %dma_start3A_386 = arith.constant 0 : i32
      %dma_start3A_387 = tpu.memref_slice %arg2[%add3A, %add3A_380, %dma_start3A_385, %dma_start3A_386] : memref<32x10x8x128xi32, #tpu.memory_space<hbm>> -> memref<1x1x8x128xi32, #tpu.memory_space<hbm>>
      %dma_start3A_388 = tpu.memref_squeeze %dma_start3A_387 : memref<1x1x8x128xi32, #tpu.memory_space<hbm>> -> memref<8x128xi32, #tpu.memory_space<hbm>>
      tpu.enqueue_dma source(%dma_start3A_388 : memref<8x128xi32, #tpu.memory_space<hbm>>) target(%arg4 : memref<8x128xi32, #tpu.memory_space<vmem>>) target_semaphore(%arg8 : memref<!tpu.dma_semaphore, #tpu.memory_space<semaphore_mem>>)
      %dma_wait3A_389 = arith.constant 0 : i32
      %dma_wait3A_390 = arith.constant 0 : i32
      %dma_wait3A_391 = arith.constant 0 : i32
      %dma_wait3A_392 = tpu.memref_slice %arg2[%add3A, %dma_wait3A_389, %dma_wait3A_390, %dma_wait3A_391] : memref<32x10x8x128xi32, #tpu.memory_space<hbm>> -> memref<1x1x8x128xi32, #tpu.memory_space<hbm>>
      %dma_wait3A_393 = tpu.memref_squeeze %dma_wait3A_392 : memref<1x1x8x128xi32, #tpu.memory_space<hbm>> -> memref<8x128xi32, #tpu.memory_space<hbm>>
      %dma_wait3A_394 = arith.constant 0 : i32
      %dma_wait3A_395 = arith.constant 0 : i32
      %dma_wait3A_396 = tpu.memref_slice %arg2[%add3A, %dma_wait3A_389, %dma_wait3A_394, %dma_wait3A_395] : memref<32x10x8x128xi32, #tpu.memory_space<hbm>> -> memref<1x1x8x128xi32, #tpu.memory_space<hbm>>
      %dma_wait3A_397 = tpu.memref_squeeze %dma_wait3A_396 : memref<1x1x8x128xi32, #tpu.memory_space<hbm>> -> memref<8x128xi32, #tpu.memory_space<hbm>>
      tpu.wait_dma2 semaphore(%arg8 : memref<!tpu.dma_semaphore, #tpu.memory_space<semaphore_mem>>) src(%dma_wait3A_397 : memref<8x128xi32, #tpu.memory_space<hbm>>) dst(%arg4 : memref<8x128xi32, #tpu.memory_space<vmem>>)
      %dma_start3A_398 = arith.constant 0 : i32
      %dma_start3A_399 = arith.constant 0 : i32
      %dma_start3A_400 = tpu.memref_slice %arg4[%dma_start3A_398, %dma_start3A_399] : memref<8x128xi32, #tpu.memory_space<vmem>> -> memref<1x128xi32, #tpu.memory_space<vmem>>
      %dma_start3A_401 = tpu.memref_squeeze %dma_start3A_400 : memref<1x128xi32, #tpu.memory_space<vmem>> -> memref<128xi32, #tpu.memory_space<vmem>>
      %dma_start3A_402 = arith.constant 0 : i32
      %dma_start3A_403 = tpu.memref_slice %arg12[%dma_start3A_402] : memref<10240xf32, #tpu.memory_space<vmem_shared>> -> memref<10240xf32, #tpu.memory_space<vmem_shared>>
      tpu.enqueue_indirect_dma source(%arg6 : memref<128xf32, #tpu.memory_space<vmem>>) target(%dma_start3A_403 : memref<10240xf32, #tpu.memory_space<vmem_shared>>) offsets(%dma_start3A_401 : memref<128xi32, #tpu.memory_space<vmem>>) semaphore(%arg10 : memref<!tpu.dma_semaphore, #tpu.memory_space<semaphore_mem>>) {add = true}
      %dma_start3A_404 = arith.constant 1 : i32
      %dma_start3A_405 = arith.constant 0 : i32
      %dma_start3A_406 = tpu.memref_slice %arg4[%dma_start3A_404, %dma_start3A_405] : memref<8x128xi32, #tpu.memory_space<vmem>> -> memref<1x128xi32, #tpu.memory_space<vmem>>
      %dma_start3A_407 = tpu.memref_squeeze %dma_start3A_406 : memref<1x128xi32, #tpu.memory_space<vmem>> -> memref<128xi32, #tpu.memory_space<vmem>>
      %dma_start3A_408 = arith.constant 0 : i32
      %dma_start3A_409 = tpu.memref_slice %arg12[%dma_start3A_408] : memref<10240xf32, #tpu.memory_space<vmem_shared>> -> memref<10240xf32, #tpu.memory_space<vmem_shared>>
      tpu.enqueue_indirect_dma source(%arg6 : memref<128xf32, #tpu.memory_space<vmem>>) target(%dma_start3A_409 : memref<10240xf32, #tpu.memory_space<vmem_shared>>) offsets(%dma_start3A_407 : memref<128xi32, #tpu.memory_space<vmem>>) semaphore(%arg10 : memref<!tpu.dma_semaphore, #tpu.memory_space<semaphore_mem>>) {add = true}
      %dma_start3A_410 = arith.constant 2 : i32
      %dma_start3A_411 = arith.constant 0 : i32
      %dma_start3A_412 = tpu.memref_slice %arg4[%dma_start3A_410, %dma_start3A_411] : memref<8x128xi32, #tpu.memory_space<vmem>> -> memref<1x128xi32, #tpu.memory_space<vmem>>
      %dma_start3A_413 = tpu.memref_squeeze %dma_start3A_412 : memref<1x128xi32, #tpu.memory_space<vmem>> -> memref<128xi32, #tpu.memory_space<vmem>>
      %dma_start3A_414 = arith.constant 0 : i32
      %dma_start3A_415 = tpu.memref_slice %arg12[%dma_start3A_414] : memref<10240xf32, #tpu.memory_space<vmem_shared>> -> memref<10240xf32, #tpu.memory_space<vmem_shared>>
      tpu.enqueue_indirect_dma source(%arg6 : memref<128xf32, #tpu.memory_space<vmem>>) target(%dma_start3A_415 : memref<10240xf32, #tpu.memory_space<vmem_shared>>) offsets(%dma_start3A_413 : memref<128xi32, #tpu.memory_space<vmem>>) semaphore(%arg10 : memref<!tpu.dma_semaphore, #tpu.memory_space<semaphore_mem>>) {add = true}
      %dma_start3A_416 = arith.constant 3 : i32
      %dma_start3A_417 = arith.constant 0 : i32
      %dma_start3A_418 = tpu.memref_slice %arg4[%dma_start3A_416, %dma_start3A_417] : memref<8x128xi32, #tpu.memory_space<vmem>> -> memref<1x128xi32, #tpu.memory_space<vmem>>
      %dma_start3A_419 = tpu.memref_squeeze %dma_start3A_418 : memref<1x128xi32, #tpu.memory_space<vmem>> -> memref<128xi32, #tpu.memory_space<vmem>>
      %dma_start3A_420 = arith.constant 0 : i32
      %dma_start3A_421 = tpu.memref_slice %arg12[%dma_start3A_420] : memref<10240xf32, #tpu.memory_space<vmem_shared>> -> memref<10240xf32, #tpu.memory_space<vmem_shared>>
      tpu.enqueue_indirect_dma source(%arg6 : memref<128xf32, #tpu.memory_space<vmem>>) target(%dma_start3A_421 : memref<10240xf32, #tpu.memory_space<vmem_shared>>) offsets(%dma_start3A_419 : memref<128xi32, #tpu.memory_space<vmem>>) semaphore(%arg10 : memref<!tpu.dma_semaphore, #tpu.memory_space<semaphore_mem>>) {add = true}
      %dma_start3A_422 = arith.constant 4 : i32
      %dma_start3A_423 = arith.constant 0 : i32
      %dma_start3A_424 = tpu.memref_slice %arg4[%dma_start3A_422, %dma_start3A_423] : memref<8x128xi32, #tpu.memory_space<vmem>> -> memref<1x128xi32, #tpu.memory_space<vmem>>
      %dma_start3A_425 = tpu.memref_squeeze %dma_start3A_424 : memref<1x128xi32, #tpu.memory_space<vmem>> -> memref<128xi32, #tpu.memory_space<vmem>>
      %dma_start3A_426 = arith.constant 0 : i32
      %dma_start3A_427 = tpu.memref_slice %arg12[%dma_start3A_426] : memref<10240xf32, #tpu.memory_space<vmem_shared>> -> memref<10240xf32, #tpu.memory_space<vmem_shared>>
      tpu.enqueue_indirect_dma source(%arg6 : memref<128xf32, #tpu.memory_space<vmem>>) target(%dma_start3A_427 : memref<10240xf32, #tpu.memory_space<vmem_shared>>) offsets(%dma_start3A_425 : memref<128xi32, #tpu.memory_space<vmem>>) semaphore(%arg10 : memref<!tpu.dma_semaphore, #tpu.memory_space<semaphore_mem>>) {add = true}
      %dma_start3A_428 = arith.constant 5 : i32
      %dma_start3A_429 = arith.constant 0 : i32
      %dma_start3A_430 = tpu.memref_slice %arg4[%dma_start3A_428, %dma_start3A_429] : memref<8x128xi32, #tpu.memory_space<vmem>> -> memref<1x128xi32, #tpu.memory_space<vmem>>
      %dma_start3A_431 = tpu.memref_squeeze %dma_start3A_430 : memref<1x128xi32, #tpu.memory_space<vmem>> -> memref<128xi32, #tpu.memory_space<vmem>>
      %dma_start3A_432 = arith.constant 0 : i32
      %dma_start3A_433 = tpu.memref_slice %arg12[%dma_start3A_432] : memref<10240xf32, #tpu.memory_space<vmem_shared>> -> memref<10240xf32, #tpu.memory_space<vmem_shared>>
      tpu.enqueue_indirect_dma source(%arg6 : memref<128xf32, #tpu.memory_space<vmem>>) target(%dma_start3A_433 : memref<10240xf32, #tpu.memory_space<vmem_shared>>) offsets(%dma_start3A_431 : memref<128xi32, #tpu.memory_space<vmem>>) semaphore(%arg10 : memref<!tpu.dma_semaphore, #tpu.memory_space<semaphore_mem>>) {add = true}
      %dma_start3A_434 = arith.constant 6 : i32
      %dma_start3A_435 = arith.constant 0 : i32
      %dma_start3A_436 = tpu.memref_slice %arg4[%dma_start3A_434, %dma_start3A_435] : memref<8x128xi32, #tpu.memory_space<vmem>> -> memref<1x128xi32, #tpu.memory_space<vmem>>
      %dma_start3A_437 = tpu.memref_squeeze %dma_start3A_436 : memref<1x128xi32, #tpu.memory_space<vmem>> -> memref<128xi32, #tpu.memory_space<vmem>>
      %dma_start3A_438 = arith.constant 0 : i32
      %dma_start3A_439 = tpu.memref_slice %arg12[%dma_start3A_438] : memref<10240xf32, #tpu.memory_space<vmem_shared>> -> memref<10240xf32, #tpu.memory_space<vmem_shared>>
      tpu.enqueue_indirect_dma source(%arg6 : memref<128xf32, #tpu.memory_space<vmem>>) target(%dma_start3A_439 : memref<10240xf32, #tpu.memory_space<vmem_shared>>) offsets(%dma_start3A_437 : memref<128xi32, #tpu.memory_space<vmem>>) semaphore(%arg10 : memref<!tpu.dma_semaphore, #tpu.memory_space<semaphore_mem>>) {add = true}
      %dma_start3A_440 = arith.constant 7 : i32
      %dma_start3A_441 = arith.constant 0 : i32
      %dma_start3A_442 = tpu.memref_slice %arg4[%dma_start3A_440, %dma_start3A_441] : memref<8x128xi32, #tpu.memory_space<vmem>> -> memref<1x128xi32, #tpu.memory_space<vmem>>
      %dma_start3A_443 = tpu.memref_squeeze %dma_start3A_442 : memref<1x128xi32, #tpu.memory_space<vmem>> -> memref<128xi32, #tpu.memory_space<vmem>>
      %dma_start3A_444 = arith.constant 0 : i32
      %dma_start3A_445 = tpu.memref_slice %arg12[%dma_start3A_444] : memref<10240xf32, #tpu.memory_space<vmem_shared>> -> memref<10240xf32, #tpu.memory_space<vmem_shared>>
      tpu.enqueue_indirect_dma source(%arg6 : memref<128xf32, #tpu.memory_space<vmem>>) target(%dma_start3A_445 : memref<10240xf32, #tpu.memory_space<vmem_shared>>) offsets(%dma_start3A_443 : memref<128xi32, #tpu.memory_space<vmem>>) semaphore(%arg10 : memref<!tpu.dma_semaphore, #tpu.memory_space<semaphore_mem>>) {add = true}
      %dma_wait3A_446 = arith.constant 0 : i32
      %dma_wait3A_447 = arith.constant 0 : i32
      %dma_wait3A_448 = tpu.memref_slice %arg5[%dma_wait3A_446, %dma_wait3A_447] : memref<8x128xi32, #tpu.memory_space<vmem>> -> memref<1x128xi32, #tpu.memory_space<vmem>>
      %dma_wait3A_449 = tpu.memref_squeeze %dma_wait3A_448 : memref<1x128xi32, #tpu.memory_space<vmem>> -> memref<128xi32, #tpu.memory_space<vmem>>
      %dma_wait3A_450 = arith.constant 0 : i32
      %dma_wait3A_451 = tpu.memref_slice %arg12[%dma_wait3A_450] : memref<10240xf32, #tpu.memory_space<vmem_shared>> -> memref<10240xf32, #tpu.memory_space<vmem_shared>>
      tpu.wait_indirect_dma semaphore(%arg11 : memref<!tpu.dma_semaphore, #tpu.memory_space<semaphore_mem>>) src(%arg6 : memref<128xf32, #tpu.memory_space<vmem>>) dst(%dma_wait3A_451 : memref<10240xf32, #tpu.memory_space<vmem_shared>>)
      %dma_wait3A_452 = arith.constant 1 : i32
      %dma_wait3A_453 = arith.constant 0 : i32
      %dma_wait3A_454 = tpu.memref_slice %arg5[%dma_wait3A_452, %dma_wait3A_453] : memref<8x128xi32, #tpu.memory_space<vmem>> -> memref<1x128xi32, #tpu.memory_space<vmem>>
      %dma_wait3A_455 = tpu.memref_squeeze %dma_wait3A_454 : memref<1x128xi32, #tpu.memory_space<vmem>> -> memref<128xi32, #tpu.memory_space<vmem>>
      %dma_wait3A_456 = arith.constant 0 : i32
      %dma_wait3A_457 = tpu.memref_slice %arg12[%dma_wait3A_456] : memref<10240xf32, #tpu.memory_space<vmem_shared>> -> memref<10240xf32, #tpu.memory_space<vmem_shared>>
      tpu.wait_indirect_dma semaphore(%arg11 : memref<!tpu.dma_semaphore, #tpu.memory_space<semaphore_mem>>) src(%arg6 : memref<128xf32, #tpu.memory_space<vmem>>) dst(%dma_wait3A_457 : memref<10240xf32, #tpu.memory_space<vmem_shared>>)
      %dma_wait3A_458 = arith.constant 2 : i32
      %dma_wait3A_459 = arith.constant 0 : i32
      %dma_wait3A_460 = tpu.memref_slice %arg5[%dma_wait3A_458, %dma_wait3A_459] : memref<8x128xi32, #tpu.memory_space<vmem>> -> memref<1x128xi32, #tpu.memory_space<vmem>>
      %dma_wait3A_461 = tpu.memref_squeeze %dma_wait3A_460 : memref<1x128xi32, #tpu.memory_space<vmem>> -> memref<128xi32, #tpu.memory_space<vmem>>
      %dma_wait3A_462 = arith.constant 0 : i32
      %dma_wait3A_463 = tpu.memref_slice %arg12[%dma_wait3A_462] : memref<10240xf32, #tpu.memory_space<vmem_shared>> -> memref<10240xf32, #tpu.memory_space<vmem_shared>>
      tpu.wait_indirect_dma semaphore(%arg11 : memref<!tpu.dma_semaphore, #tpu.memory_space<semaphore_mem>>) src(%arg6 : memref<128xf32, #tpu.memory_space<vmem>>) dst(%dma_wait3A_463 : memref<10240xf32, #tpu.memory_space<vmem_shared>>)
      %dma_wait3A_464 = arith.constant 3 : i32
      %dma_wait3A_465 = arith.constant 0 : i32
      %dma_wait3A_466 = tpu.memref_slice %arg5[%dma_wait3A_464, %dma_wait3A_465] : memref<8x128xi32, #tpu.memory_space<vmem>> -> memref<1x128xi32, #tpu.memory_space<vmem>>
      %dma_wait3A_467 = tpu.memref_squeeze %dma_wait3A_466 : memref<1x128xi32, #tpu.memory_space<vmem>> -> memref<128xi32, #tpu.memory_space<vmem>>
      %dma_wait3A_468 = arith.constant 0 : i32
      %dma_wait3A_469 = tpu.memref_slice %arg12[%dma_wait3A_468] : memref<10240xf32, #tpu.memory_space<vmem_shared>> -> memref<10240xf32, #tpu.memory_space<vmem_shared>>
      tpu.wait_indirect_dma semaphore(%arg11 : memref<!tpu.dma_semaphore, #tpu.memory_space<semaphore_mem>>) src(%arg6 : memref<128xf32, #tpu.memory_space<vmem>>) dst(%dma_wait3A_469 : memref<10240xf32, #tpu.memory_space<vmem_shared>>)
      %dma_wait3A_470 = arith.constant 4 : i32
      %dma_wait3A_471 = arith.constant 0 : i32
      %dma_wait3A_472 = tpu.memref_slice %arg5[%dma_wait3A_470, %dma_wait3A_471] : memref<8x128xi32, #tpu.memory_space<vmem>> -> memref<1x128xi32, #tpu.memory_space<vmem>>
      %dma_wait3A_473 = tpu.memref_squeeze %dma_wait3A_472 : memref<1x128xi32, #tpu.memory_space<vmem>> -> memref<128xi32, #tpu.memory_space<vmem>>
      %dma_wait3A_474 = arith.constant 0 : i32
      %dma_wait3A_475 = tpu.memref_slice %arg12[%dma_wait3A_474] : memref<10240xf32, #tpu.memory_space<vmem_shared>> -> memref<10240xf32, #tpu.memory_space<vmem_shared>>
      tpu.wait_indirect_dma semaphore(%arg11 : memref<!tpu.dma_semaphore, #tpu.memory_space<semaphore_mem>>) src(%arg6 : memref<128xf32, #tpu.memory_space<vmem>>) dst(%dma_wait3A_475 : memref<10240xf32, #tpu.memory_space<vmem_shared>>)
      %dma_wait3A_476 = arith.constant 5 : i32
      %dma_wait3A_477 = arith.constant 0 : i32
      %dma_wait3A_478 = tpu.memref_slice %arg5[%dma_wait3A_476, %dma_wait3A_477] : memref<8x128xi32, #tpu.memory_space<vmem>> -> memref<1x128xi32, #tpu.memory_space<vmem>>
      %dma_wait3A_479 = tpu.memref_squeeze %dma_wait3A_478 : memref<1x128xi32, #tpu.memory_space<vmem>> -> memref<128xi32, #tpu.memory_space<vmem>>
      %dma_wait3A_480 = arith.constant 0 : i32
      %dma_wait3A_481 = tpu.memref_slice %arg12[%dma_wait3A_480] : memref<10240xf32, #tpu.memory_space<vmem_shared>> -> memref<10240xf32, #tpu.memory_space<vmem_shared>>
      tpu.wait_indirect_dma semaphore(%arg11 : memref<!tpu.dma_semaphore, #tpu.memory_space<semaphore_mem>>) src(%arg6 : memref<128xf32, #tpu.memory_space<vmem>>) dst(%dma_wait3A_481 : memref<10240xf32, #tpu.memory_space<vmem_shared>>)
      %dma_wait3A_482 = arith.constant 6 : i32
      %dma_wait3A_483 = arith.constant 0 : i32
      %dma_wait3A_484 = tpu.memref_slice %arg5[%dma_wait3A_482, %dma_wait3A_483] : memref<8x128xi32, #tpu.memory_space<vmem>> -> memref<1x128xi32, #tpu.memory_space<vmem>>
      %dma_wait3A_485 = tpu.memref_squeeze %dma_wait3A_484 : memref<1x128xi32, #tpu.memory_space<vmem>> -> memref<128xi32, #tpu.memory_space<vmem>>
      %dma_wait3A_486 = arith.constant 0 : i32
      %dma_wait3A_487 = tpu.memref_slice %arg12[%dma_wait3A_486] : memref<10240xf32, #tpu.memory_space<vmem_shared>> -> memref<10240xf32, #tpu.memory_space<vmem_shared>>
      tpu.wait_indirect_dma semaphore(%arg11 : memref<!tpu.dma_semaphore, #tpu.memory_space<semaphore_mem>>) src(%arg6 : memref<128xf32, #tpu.memory_space<vmem>>) dst(%dma_wait3A_487 : memref<10240xf32, #tpu.memory_space<vmem_shared>>)
      %dma_wait3A_488 = arith.constant 7 : i32
      %dma_wait3A_489 = arith.constant 0 : i32
      %dma_wait3A_490 = tpu.memref_slice %arg5[%dma_wait3A_488, %dma_wait3A_489] : memref<8x128xi32, #tpu.memory_space<vmem>> -> memref<1x128xi32, #tpu.memory_space<vmem>>
      %dma_wait3A_491 = tpu.memref_squeeze %dma_wait3A_490 : memref<1x128xi32, #tpu.memory_space<vmem>> -> memref<128xi32, #tpu.memory_space<vmem>>
      %dma_wait3A_492 = arith.constant 0 : i32
      %dma_wait3A_493 = tpu.memref_slice %arg12[%dma_wait3A_492] : memref<10240xf32, #tpu.memory_space<vmem_shared>> -> memref<10240xf32, #tpu.memory_space<vmem_shared>>
      tpu.wait_indirect_dma semaphore(%arg11 : memref<!tpu.dma_semaphore, #tpu.memory_space<semaphore_mem>>) src(%arg6 : memref<128xf32, #tpu.memory_space<vmem>>) dst(%dma_wait3A_493 : memref<10240xf32, #tpu.memory_space<vmem_shared>>)
      %mul3A_494 = arith.constant 2 : i32
      %mul3A_495 = arith.muli %mul3A_494, %scan3A_271 : i32
      %add3A_496 = arith.constant 3 : i32
      %add3A_497 = arith.addi %mul3A_495, %add3A_496 : i32
      %dma_start3A_498 = arith.constant 0 : i32
      %dma_start3A_499 = arith.constant 0 : i32
      %dma_start3A_500 = tpu.memref_slice %arg2[%add3A, %add3A_497, %dma_start3A_498, %dma_start3A_499] : memref<32x10x8x128xi32, #tpu.memory_space<hbm>> -> memref<1x1x8x128xi32, #tpu.memory_space<hbm>>
      %dma_start3A_501 = tpu.memref_squeeze %dma_start3A_500 : memref<1x1x8x128xi32, #tpu.memory_space<hbm>> -> memref<8x128xi32, #tpu.memory_space<hbm>>
      %dma_start3A_502 = arith.constant 0 : i32
      %dma_start3A_503 = arith.constant 0 : i32
      %dma_start3A_504 = tpu.memref_slice %arg2[%add3A, %add3A_497, %dma_start3A_502, %dma_start3A_503] : memref<32x10x8x128xi32, #tpu.memory_space<hbm>> -> memref<1x1x8x128xi32, #tpu.memory_space<hbm>>
      %dma_start3A_505 = tpu.memref_squeeze %dma_start3A_504 : memref<1x1x8x128xi32, #tpu.memory_space<hbm>> -> memref<8x128xi32, #tpu.memory_space<hbm>>
      tpu.enqueue_dma source(%dma_start3A_505 : memref<8x128xi32, #tpu.memory_space<hbm>>) target(%arg5 : memref<8x128xi32, #tpu.memory_space<vmem>>) target_semaphore(%arg9 : memref<!tpu.dma_semaphore, #tpu.memory_space<semaphore_mem>>)
    }
    %scan3A_115 = arith.constant 4 : i32
    %dma_wait3A = arith.constant 0 : i32
    %dma_wait3A_116 = arith.constant 0 : i32
    %dma_wait3A_117 = arith.constant 0 : i32
    %dma_wait3A_118 = tpu.memref_slice %arg2[%add3A, %dma_wait3A, %dma_wait3A_116, %dma_wait3A_117] : memref<32x10x8x128xi32, #tpu.memory_space<hbm>> -> memref<1x1x8x128xi32, #tpu.memory_space<hbm>>
    %dma_wait3A_119 = tpu.memref_squeeze %dma_wait3A_118 : memref<1x1x8x128xi32, #tpu.memory_space<hbm>> -> memref<8x128xi32, #tpu.memory_space<hbm>>
    %dma_wait3A_120 = arith.constant 0 : i32
    %dma_wait3A_121 = arith.constant 0 : i32
    %dma_wait3A_122 = tpu.memref_slice %arg2[%add3A, %dma_wait3A, %dma_wait3A_120, %dma_wait3A_121] : memref<32x10x8x128xi32, #tpu.memory_space<hbm>> -> memref<1x1x8x128xi32, #tpu.memory_space<hbm>>
    %dma_wait3A_123 = tpu.memref_squeeze %dma_wait3A_122 : memref<1x1x8x128xi32, #tpu.memory_space<hbm>> -> memref<8x128xi32, #tpu.memory_space<hbm>>
    tpu.wait_dma2 semaphore(%arg9 : memref<!tpu.dma_semaphore, #tpu.memory_space<semaphore_mem>>) src(%dma_wait3A_123 : memref<8x128xi32, #tpu.memory_space<hbm>>) dst(%arg5 : memref<8x128xi32, #tpu.memory_space<vmem>>)
    %dma_start3A_124 = arith.constant 0 : i32
    %dma_start3A_125 = arith.constant 0 : i32
    %dma_start3A_126 = tpu.memref_slice %arg5[%dma_start3A_124, %dma_start3A_125] : memref<8x128xi32, #tpu.memory_space<vmem>> -> memref<1x128xi32, #tpu.memory_space<vmem>>
    %dma_start3A_127 = tpu.memref_squeeze %dma_start3A_126 : memref<1x128xi32, #tpu.memory_space<vmem>> -> memref<128xi32, #tpu.memory_space<vmem>>
    %dma_start3A_128 = arith.constant 0 : i32
    %dma_start3A_129 = tpu.memref_slice %arg12[%dma_start3A_128] : memref<10240xf32, #tpu.memory_space<vmem_shared>> -> memref<10240xf32, #tpu.memory_space<vmem_shared>>
    tpu.enqueue_indirect_dma source(%arg6 : memref<128xf32, #tpu.memory_space<vmem>>) target(%dma_start3A_129 : memref<10240xf32, #tpu.memory_space<vmem_shared>>) offsets(%dma_start3A_127 : memref<128xi32, #tpu.memory_space<vmem>>) semaphore(%arg11 : memref<!tpu.dma_semaphore, #tpu.memory_space<semaphore_mem>>) {add = true}
    %dma_start3A_130 = arith.constant 1 : i32
    %dma_start3A_131 = arith.constant 0 : i32
    %dma_start3A_132 = tpu.memref_slice %arg5[%dma_start3A_130, %dma_start3A_131] : memref<8x128xi32, #tpu.memory_space<vmem>> -> memref<1x128xi32, #tpu.memory_space<vmem>>
    %dma_start3A_133 = tpu.memref_squeeze %dma_start3A_132 : memref<1x128xi32, #tpu.memory_space<vmem>> -> memref<128xi32, #tpu.memory_space<vmem>>
    %dma_start3A_134 = arith.constant 0 : i32
    %dma_start3A_135 = tpu.memref_slice %arg12[%dma_start3A_134] : memref<10240xf32, #tpu.memory_space<vmem_shared>> -> memref<10240xf32, #tpu.memory_space<vmem_shared>>
    tpu.enqueue_indirect_dma source(%arg6 : memref<128xf32, #tpu.memory_space<vmem>>) target(%dma_start3A_135 : memref<10240xf32, #tpu.memory_space<vmem_shared>>) offsets(%dma_start3A_133 : memref<128xi32, #tpu.memory_space<vmem>>) semaphore(%arg11 : memref<!tpu.dma_semaphore, #tpu.memory_space<semaphore_mem>>) {add = true}
    %dma_start3A_136 = arith.constant 2 : i32
    %dma_start3A_137 = arith.constant 0 : i32
    %dma_start3A_138 = tpu.memref_slice %arg5[%dma_start3A_136, %dma_start3A_137] : memref<8x128xi32, #tpu.memory_space<vmem>> -> memref<1x128xi32, #tpu.memory_space<vmem>>
    %dma_start3A_139 = tpu.memref_squeeze %dma_start3A_138 : memref<1x128xi32, #tpu.memory_space<vmem>> -> memref<128xi32, #tpu.memory_space<vmem>>
    %dma_start3A_140 = arith.constant 0 : i32
    %dma_start3A_141 = tpu.memref_slice %arg12[%dma_start3A_140] : memref<10240xf32, #tpu.memory_space<vmem_shared>> -> memref<10240xf32, #tpu.memory_space<vmem_shared>>
    tpu.enqueue_indirect_dma source(%arg6 : memref<128xf32, #tpu.memory_space<vmem>>) target(%dma_start3A_141 : memref<10240xf32, #tpu.memory_space<vmem_shared>>) offsets(%dma_start3A_139 : memref<128xi32, #tpu.memory_space<vmem>>) semaphore(%arg11 : memref<!tpu.dma_semaphore, #tpu.memory_space<semaphore_mem>>) {add = true}
    %dma_start3A_142 = arith.constant 3 : i32
    %dma_start3A_143 = arith.constant 0 : i32
    %dma_start3A_144 = tpu.memref_slice %arg5[%dma_start3A_142, %dma_start3A_143] : memref<8x128xi32, #tpu.memory_space<vmem>> -> memref<1x128xi32, #tpu.memory_space<vmem>>
    %dma_start3A_145 = tpu.memref_squeeze %dma_start3A_144 : memref<1x128xi32, #tpu.memory_space<vmem>> -> memref<128xi32, #tpu.memory_space<vmem>>
    %dma_start3A_146 = arith.constant 0 : i32
    %dma_start3A_147 = tpu.memref_slice %arg12[%dma_start3A_146] : memref<10240xf32, #tpu.memory_space<vmem_shared>> -> memref<10240xf32, #tpu.memory_space<vmem_shared>>
    tpu.enqueue_indirect_dma source(%arg6 : memref<128xf32, #tpu.memory_space<vmem>>) target(%dma_start3A_147 : memref<10240xf32, #tpu.memory_space<vmem_shared>>) offsets(%dma_start3A_145 : memref<128xi32, #tpu.memory_space<vmem>>) semaphore(%arg11 : memref<!tpu.dma_semaphore, #tpu.memory_space<semaphore_mem>>) {add = true}
    %dma_start3A_148 = arith.constant 4 : i32
    %dma_start3A_149 = arith.constant 0 : i32
    %dma_start3A_150 = tpu.memref_slice %arg5[%dma_start3A_148, %dma_start3A_149] : memref<8x128xi32, #tpu.memory_space<vmem>> -> memref<1x128xi32, #tpu.memory_space<vmem>>
    %dma_start3A_151 = tpu.memref_squeeze %dma_start3A_150 : memref<1x128xi32, #tpu.memory_space<vmem>> -> memref<128xi32, #tpu.memory_space<vmem>>
    %dma_start3A_152 = arith.constant 0 : i32
    %dma_start3A_153 = tpu.memref_slice %arg12[%dma_start3A_152] : memref<10240xf32, #tpu.memory_space<vmem_shared>> -> memref<10240xf32, #tpu.memory_space<vmem_shared>>
    tpu.enqueue_indirect_dma source(%arg6 : memref<128xf32, #tpu.memory_space<vmem>>) target(%dma_start3A_153 : memref<10240xf32, #tpu.memory_space<vmem_shared>>) offsets(%dma_start3A_151 : memref<128xi32, #tpu.memory_space<vmem>>) semaphore(%arg11 : memref<!tpu.dma_semaphore, #tpu.memory_space<semaphore_mem>>) {add = true}
    %dma_start3A_154 = arith.constant 5 : i32
    %dma_start3A_155 = arith.constant 0 : i32
    %dma_start3A_156 = tpu.memref_slice %arg5[%dma_start3A_154, %dma_start3A_155] : memref<8x128xi32, #tpu.memory_space<vmem>> -> memref<1x128xi32, #tpu.memory_space<vmem>>
    %dma_start3A_157 = tpu.memref_squeeze %dma_start3A_156 : memref<1x128xi32, #tpu.memory_space<vmem>> -> memref<128xi32, #tpu.memory_space<vmem>>
    %dma_start3A_158 = arith.constant 0 : i32
    %dma_start3A_159 = tpu.memref_slice %arg12[%dma_start3A_158] : memref<10240xf32, #tpu.memory_space<vmem_shared>> -> memref<10240xf32, #tpu.memory_space<vmem_shared>>
    tpu.enqueue_indirect_dma source(%arg6 : memref<128xf32, #tpu.memory_space<vmem>>) target(%dma_start3A_159 : memref<10240xf32, #tpu.memory_space<vmem_shared>>) offsets(%dma_start3A_157 : memref<128xi32, #tpu.memory_space<vmem>>) semaphore(%arg11 : memref<!tpu.dma_semaphore, #tpu.memory_space<semaphore_mem>>) {add = true}
    %dma_start3A_160 = arith.constant 6 : i32
    %dma_start3A_161 = arith.constant 0 : i32
    %dma_start3A_162 = tpu.memref_slice %arg5[%dma_start3A_160, %dma_start3A_161] : memref<8x128xi32, #tpu.memory_space<vmem>> -> memref<1x128xi32, #tpu.memory_space<vmem>>
    %dma_start3A_163 = tpu.memref_squeeze %dma_start3A_162 : memref<1x128xi32, #tpu.memory_space<vmem>> -> memref<128xi32, #tpu.memory_space<vmem>>
    %dma_start3A_164 = arith.constant 0 : i32
    %dma_start3A_165 = tpu.memref_slice %arg12[%dma_start3A_164] : memref<10240xf32, #tpu.memory_space<vmem_shared>> -> memref<10240xf32, #tpu.memory_space<vmem_shared>>
    tpu.enqueue_indirect_dma source(%arg6 : memref<128xf32, #tpu.memory_space<vmem>>) target(%dma_start3A_165 : memref<10240xf32, #tpu.memory_space<vmem_shared>>) offsets(%dma_start3A_163 : memref<128xi32, #tpu.memory_space<vmem>>) semaphore(%arg11 : memref<!tpu.dma_semaphore, #tpu.memory_space<semaphore_mem>>) {add = true}
    %dma_start3A_166 = arith.constant 7 : i32
    %dma_start3A_167 = arith.constant 0 : i32
    %dma_start3A_168 = tpu.memref_slice %arg5[%dma_start3A_166, %dma_start3A_167] : memref<8x128xi32, #tpu.memory_space<vmem>> -> memref<1x128xi32, #tpu.memory_space<vmem>>
    %dma_start3A_169 = tpu.memref_squeeze %dma_start3A_168 : memref<1x128xi32, #tpu.memory_space<vmem>> -> memref<128xi32, #tpu.memory_space<vmem>>
    %dma_start3A_170 = arith.constant 0 : i32
    %dma_start3A_171 = tpu.memref_slice %arg12[%dma_start3A_170] : memref<10240xf32, #tpu.memory_space<vmem_shared>> -> memref<10240xf32, #tpu.memory_space<vmem_shared>>
    tpu.enqueue_indirect_dma source(%arg6 : memref<128xf32, #tpu.memory_space<vmem>>) target(%dma_start3A_171 : memref<10240xf32, #tpu.memory_space<vmem_shared>>) offsets(%dma_start3A_169 : memref<128xi32, #tpu.memory_space<vmem>>) semaphore(%arg11 : memref<!tpu.dma_semaphore, #tpu.memory_space<semaphore_mem>>) {add = true}
    %dma_wait3A_172 = arith.constant 0 : i32
    %dma_wait3A_173 = arith.constant 0 : i32
    %dma_wait3A_174 = tpu.memref_slice %arg4[%dma_wait3A_172, %dma_wait3A_173] : memref<8x128xi32, #tpu.memory_space<vmem>> -> memref<1x128xi32, #tpu.memory_space<vmem>>
    %dma_wait3A_175 = tpu.memref_squeeze %dma_wait3A_174 : memref<1x128xi32, #tpu.memory_space<vmem>> -> memref<128xi32, #tpu.memory_space<vmem>>
    %dma_wait3A_176 = arith.constant 0 : i32
    %dma_wait3A_177 = tpu.memref_slice %arg12[%dma_wait3A_176] : memref<10240xf32, #tpu.memory_space<vmem_shared>> -> memref<10240xf32, #tpu.memory_space<vmem_shared>>
    tpu.wait_indirect_dma semaphore(%arg10 : memref<!tpu.dma_semaphore, #tpu.memory_space<semaphore_mem>>) src(%arg6 : memref<128xf32, #tpu.memory_space<vmem>>) dst(%dma_wait3A_177 : memref<10240xf32, #tpu.memory_space<vmem_shared>>)
    %dma_wait3A_178 = arith.constant 1 : i32
    %dma_wait3A_179 = arith.constant 0 : i32
    %dma_wait3A_180 = tpu.memref_slice %arg4[%dma_wait3A_178, %dma_wait3A_179] : memref<8x128xi32, #tpu.memory_space<vmem>> -> memref<1x128xi32, #tpu.memory_space<vmem>>
    %dma_wait3A_181 = tpu.memref_squeeze %dma_wait3A_180 : memref<1x128xi32, #tpu.memory_space<vmem>> -> memref<128xi32, #tpu.memory_space<vmem>>
    %dma_wait3A_182 = arith.constant 0 : i32
    %dma_wait3A_183 = tpu.memref_slice %arg12[%dma_wait3A_182] : memref<10240xf32, #tpu.memory_space<vmem_shared>> -> memref<10240xf32, #tpu.memory_space<vmem_shared>>
    tpu.wait_indirect_dma semaphore(%arg10 : memref<!tpu.dma_semaphore, #tpu.memory_space<semaphore_mem>>) src(%arg6 : memref<128xf32, #tpu.memory_space<vmem>>) dst(%dma_wait3A_183 : memref<10240xf32, #tpu.memory_space<vmem_shared>>)
    %dma_wait3A_184 = arith.constant 2 : i32
    %dma_wait3A_185 = arith.constant 0 : i32
    %dma_wait3A_186 = tpu.memref_slice %arg4[%dma_wait3A_184, %dma_wait3A_185] : memref<8x128xi32, #tpu.memory_space<vmem>> -> memref<1x128xi32, #tpu.memory_space<vmem>>
    %dma_wait3A_187 = tpu.memref_squeeze %dma_wait3A_186 : memref<1x128xi32, #tpu.memory_space<vmem>> -> memref<128xi32, #tpu.memory_space<vmem>>
    %dma_wait3A_188 = arith.constant 0 : i32
    %dma_wait3A_189 = tpu.memref_slice %arg12[%dma_wait3A_188] : memref<10240xf32, #tpu.memory_space<vmem_shared>> -> memref<10240xf32, #tpu.memory_space<vmem_shared>>
    tpu.wait_indirect_dma semaphore(%arg10 : memref<!tpu.dma_semaphore, #tpu.memory_space<semaphore_mem>>) src(%arg6 : memref<128xf32, #tpu.memory_space<vmem>>) dst(%dma_wait3A_189 : memref<10240xf32, #tpu.memory_space<vmem_shared>>)
    %dma_wait3A_190 = arith.constant 3 : i32
    %dma_wait3A_191 = arith.constant 0 : i32
    %dma_wait3A_192 = tpu.memref_slice %arg4[%dma_wait3A_190, %dma_wait3A_191] : memref<8x128xi32, #tpu.memory_space<vmem>> -> memref<1x128xi32, #tpu.memory_space<vmem>>
    %dma_wait3A_193 = tpu.memref_squeeze %dma_wait3A_192 : memref<1x128xi32, #tpu.memory_space<vmem>> -> memref<128xi32, #tpu.memory_space<vmem>>
    %dma_wait3A_194 = arith.constant 0 : i32
    %dma_wait3A_195 = tpu.memref_slice %arg12[%dma_wait3A_194] : memref<10240xf32, #tpu.memory_space<vmem_shared>> -> memref<10240xf32, #tpu.memory_space<vmem_shared>>
    tpu.wait_indirect_dma semaphore(%arg10 : memref<!tpu.dma_semaphore, #tpu.memory_space<semaphore_mem>>) src(%arg6 : memref<128xf32, #tpu.memory_space<vmem>>) dst(%dma_wait3A_195 : memref<10240xf32, #tpu.memory_space<vmem_shared>>)
    %dma_wait3A_196 = arith.constant 4 : i32
    %dma_wait3A_197 = arith.constant 0 : i32
    %dma_wait3A_198 = tpu.memref_slice %arg4[%dma_wait3A_196, %dma_wait3A_197] : memref<8x128xi32, #tpu.memory_space<vmem>> -> memref<1x128xi32, #tpu.memory_space<vmem>>
    %dma_wait3A_199 = tpu.memref_squeeze %dma_wait3A_198 : memref<1x128xi32, #tpu.memory_space<vmem>> -> memref<128xi32, #tpu.memory_space<vmem>>
    %dma_wait3A_200 = arith.constant 0 : i32
    %dma_wait3A_201 = tpu.memref_slice %arg12[%dma_wait3A_200] : memref<10240xf32, #tpu.memory_space<vmem_shared>> -> memref<10240xf32, #tpu.memory_space<vmem_shared>>
    tpu.wait_indirect_dma semaphore(%arg10 : memref<!tpu.dma_semaphore, #tpu.memory_space<semaphore_mem>>) src(%arg6 : memref<128xf32, #tpu.memory_space<vmem>>) dst(%dma_wait3A_201 : memref<10240xf32, #tpu.memory_space<vmem_shared>>)
    %dma_wait3A_202 = arith.constant 5 : i32
    %dma_wait3A_203 = arith.constant 0 : i32
    %dma_wait3A_204 = tpu.memref_slice %arg4[%dma_wait3A_202, %dma_wait3A_203] : memref<8x128xi32, #tpu.memory_space<vmem>> -> memref<1x128xi32, #tpu.memory_space<vmem>>
    %dma_wait3A_205 = tpu.memref_squeeze %dma_wait3A_204 : memref<1x128xi32, #tpu.memory_space<vmem>> -> memref<128xi32, #tpu.memory_space<vmem>>
    %dma_wait3A_206 = arith.constant 0 : i32
    %dma_wait3A_207 = tpu.memref_slice %arg12[%dma_wait3A_206] : memref<10240xf32, #tpu.memory_space<vmem_shared>> -> memref<10240xf32, #tpu.memory_space<vmem_shared>>
    tpu.wait_indirect_dma semaphore(%arg10 : memref<!tpu.dma_semaphore, #tpu.memory_space<semaphore_mem>>) src(%arg6 : memref<128xf32, #tpu.memory_space<vmem>>) dst(%dma_wait3A_207 : memref<10240xf32, #tpu.memory_space<vmem_shared>>)
    %dma_wait3A_208 = arith.constant 6 : i32
    %dma_wait3A_209 = arith.constant 0 : i32
    %dma_wait3A_210 = tpu.memref_slice %arg4[%dma_wait3A_208, %dma_wait3A_209] : memref<8x128xi32, #tpu.memory_space<vmem>> -> memref<1x128xi32, #tpu.memory_space<vmem>>
    %dma_wait3A_211 = tpu.memref_squeeze %dma_wait3A_210 : memref<1x128xi32, #tpu.memory_space<vmem>> -> memref<128xi32, #tpu.memory_space<vmem>>
    %dma_wait3A_212 = arith.constant 0 : i32
    %dma_wait3A_213 = tpu.memref_slice %arg12[%dma_wait3A_212] : memref<10240xf32, #tpu.memory_space<vmem_shared>> -> memref<10240xf32, #tpu.memory_space<vmem_shared>>
    tpu.wait_indirect_dma semaphore(%arg10 : memref<!tpu.dma_semaphore, #tpu.memory_space<semaphore_mem>>) src(%arg6 : memref<128xf32, #tpu.memory_space<vmem>>) dst(%dma_wait3A_213 : memref<10240xf32, #tpu.memory_space<vmem_shared>>)
    %dma_wait3A_214 = arith.constant 7 : i32
    %dma_wait3A_215 = arith.constant 0 : i32
    %dma_wait3A_216 = tpu.memref_slice %arg4[%dma_wait3A_214, %dma_wait3A_215] : memref<8x128xi32, #tpu.memory_space<vmem>> -> memref<1x128xi32, #tpu.memory_space<vmem>>
    %dma_wait3A_217 = tpu.memref_squeeze %dma_wait3A_216 : memref<1x128xi32, #tpu.memory_space<vmem>> -> memref<128xi32, #tpu.memory_space<vmem>>
    %dma_wait3A_218 = arith.constant 0 : i32
    %dma_wait3A_219 = tpu.memref_slice %arg12[%dma_wait3A_218] : memref<10240xf32, #tpu.memory_space<vmem_shared>> -> memref<10240xf32, #tpu.memory_space<vmem_shared>>
    tpu.wait_indirect_dma semaphore(%arg10 : memref<!tpu.dma_semaphore, #tpu.memory_space<semaphore_mem>>) src(%arg6 : memref<128xf32, #tpu.memory_space<vmem>>) dst(%dma_wait3A_219 : memref<10240xf32, #tpu.memory_space<vmem_shared>>)
    %dma_wait3A_220 = arith.constant 0 : i32
    %dma_wait3A_221 = arith.constant 0 : i32
    %dma_wait3A_222 = tpu.memref_slice %arg5[%dma_wait3A_220, %dma_wait3A_221] : memref<8x128xi32, #tpu.memory_space<vmem>> -> memref<1x128xi32, #tpu.memory_space<vmem>>
    %dma_wait3A_223 = tpu.memref_squeeze %dma_wait3A_222 : memref<1x128xi32, #tpu.memory_space<vmem>> -> memref<128xi32, #tpu.memory_space<vmem>>
    %dma_wait3A_224 = arith.constant 0 : i32
    %dma_wait3A_225 = tpu.memref_slice %arg12[%dma_wait3A_224] : memref<10240xf32, #tpu.memory_space<vmem_shared>> -> memref<10240xf32, #tpu.memory_space<vmem_shared>>
    tpu.wait_indirect_dma semaphore(%arg11 : memref<!tpu.dma_semaphore, #tpu.memory_space<semaphore_mem>>) src(%arg6 : memref<128xf32, #tpu.memory_space<vmem>>) dst(%dma_wait3A_225 : memref<10240xf32, #tpu.memory_space<vmem_shared>>)
    %dma_wait3A_226 = arith.constant 1 : i32
    %dma_wait3A_227 = arith.constant 0 : i32
    %dma_wait3A_228 = tpu.memref_slice %arg5[%dma_wait3A_226, %dma_wait3A_227] : memref<8x128xi32, #tpu.memory_space<vmem>> -> memref<1x128xi32, #tpu.memory_space<vmem>>
    %dma_wait3A_229 = tpu.memref_squeeze %dma_wait3A_228 : memref<1x128xi32, #tpu.memory_space<vmem>> -> memref<128xi32, #tpu.memory_space<vmem>>
    %dma_wait3A_230 = arith.constant 0 : i32
    %dma_wait3A_231 = tpu.memref_slice %arg12[%dma_wait3A_230] : memref<10240xf32, #tpu.memory_space<vmem_shared>> -> memref<10240xf32, #tpu.memory_space<vmem_shared>>
    tpu.wait_indirect_dma semaphore(%arg11 : memref<!tpu.dma_semaphore, #tpu.memory_space<semaphore_mem>>) src(%arg6 : memref<128xf32, #tpu.memory_space<vmem>>) dst(%dma_wait3A_231 : memref<10240xf32, #tpu.memory_space<vmem_shared>>)
    %dma_wait3A_232 = arith.constant 2 : i32
    %dma_wait3A_233 = arith.constant 0 : i32
    %dma_wait3A_234 = tpu.memref_slice %arg5[%dma_wait3A_232, %dma_wait3A_233] : memref<8x128xi32, #tpu.memory_space<vmem>> -> memref<1x128xi32, #tpu.memory_space<vmem>>
    %dma_wait3A_235 = tpu.memref_squeeze %dma_wait3A_234 : memref<1x128xi32, #tpu.memory_space<vmem>> -> memref<128xi32, #tpu.memory_space<vmem>>
    %dma_wait3A_236 = arith.constant 0 : i32
    %dma_wait3A_237 = tpu.memref_slice %arg12[%dma_wait3A_236] : memref<10240xf32, #tpu.memory_space<vmem_shared>> -> memref<10240xf32, #tpu.memory_space<vmem_shared>>
    tpu.wait_indirect_dma semaphore(%arg11 : memref<!tpu.dma_semaphore, #tpu.memory_space<semaphore_mem>>) src(%arg6 : memref<128xf32, #tpu.memory_space<vmem>>) dst(%dma_wait3A_237 : memref<10240xf32, #tpu.memory_space<vmem_shared>>)
    %dma_wait3A_238 = arith.constant 3 : i32
    %dma_wait3A_239 = arith.constant 0 : i32
    %dma_wait3A_240 = tpu.memref_slice %arg5[%dma_wait3A_238, %dma_wait3A_239] : memref<8x128xi32, #tpu.memory_space<vmem>> -> memref<1x128xi32, #tpu.memory_space<vmem>>
    %dma_wait3A_241 = tpu.memref_squeeze %dma_wait3A_240 : memref<1x128xi32, #tpu.memory_space<vmem>> -> memref<128xi32, #tpu.memory_space<vmem>>
    %dma_wait3A_242 = arith.constant 0 : i32
    %dma_wait3A_243 = tpu.memref_slice %arg12[%dma_wait3A_242] : memref<10240xf32, #tpu.memory_space<vmem_shared>> -> memref<10240xf32, #tpu.memory_space<vmem_shared>>
    tpu.wait_indirect_dma semaphore(%arg11 : memref<!tpu.dma_semaphore, #tpu.memory_space<semaphore_mem>>) src(%arg6 : memref<128xf32, #tpu.memory_space<vmem>>) dst(%dma_wait3A_243 : memref<10240xf32, #tpu.memory_space<vmem_shared>>)
    %dma_wait3A_244 = arith.constant 4 : i32
    %dma_wait3A_245 = arith.constant 0 : i32
    %dma_wait3A_246 = tpu.memref_slice %arg5[%dma_wait3A_244, %dma_wait3A_245] : memref<8x128xi32, #tpu.memory_space<vmem>> -> memref<1x128xi32, #tpu.memory_space<vmem>>
    %dma_wait3A_247 = tpu.memref_squeeze %dma_wait3A_246 : memref<1x128xi32, #tpu.memory_space<vmem>> -> memref<128xi32, #tpu.memory_space<vmem>>
    %dma_wait3A_248 = arith.constant 0 : i32
    %dma_wait3A_249 = tpu.memref_slice %arg12[%dma_wait3A_248] : memref<10240xf32, #tpu.memory_space<vmem_shared>> -> memref<10240xf32, #tpu.memory_space<vmem_shared>>
    tpu.wait_indirect_dma semaphore(%arg11 : memref<!tpu.dma_semaphore, #tpu.memory_space<semaphore_mem>>) src(%arg6 : memref<128xf32, #tpu.memory_space<vmem>>) dst(%dma_wait3A_249 : memref<10240xf32, #tpu.memory_space<vmem_shared>>)
    %dma_wait3A_250 = arith.constant 5 : i32
    %dma_wait3A_251 = arith.constant 0 : i32
    %dma_wait3A_252 = tpu.memref_slice %arg5[%dma_wait3A_250, %dma_wait3A_251] : memref<8x128xi32, #tpu.memory_space<vmem>> -> memref<1x128xi32, #tpu.memory_space<vmem>>
    %dma_wait3A_253 = tpu.memref_squeeze %dma_wait3A_252 : memref<1x128xi32, #tpu.memory_space<vmem>> -> memref<128xi32, #tpu.memory_space<vmem>>
    %dma_wait3A_254 = arith.constant 0 : i32
    %dma_wait3A_255 = tpu.memref_slice %arg12[%dma_wait3A_254] : memref<10240xf32, #tpu.memory_space<vmem_shared>> -> memref<10240xf32, #tpu.memory_space<vmem_shared>>
    tpu.wait_indirect_dma semaphore(%arg11 : memref<!tpu.dma_semaphore, #tpu.memory_space<semaphore_mem>>) src(%arg6 : memref<128xf32, #tpu.memory_space<vmem>>) dst(%dma_wait3A_255 : memref<10240xf32, #tpu.memory_space<vmem_shared>>)
    %dma_wait3A_256 = arith.constant 6 : i32
    %dma_wait3A_257 = arith.constant 0 : i32
    %dma_wait3A_258 = tpu.memref_slice %arg5[%dma_wait3A_256, %dma_wait3A_257] : memref<8x128xi32, #tpu.memory_space<vmem>> -> memref<1x128xi32, #tpu.memory_space<vmem>>
    %dma_wait3A_259 = tpu.memref_squeeze %dma_wait3A_258 : memref<1x128xi32, #tpu.memory_space<vmem>> -> memref<128xi32, #tpu.memory_space<vmem>>
    %dma_wait3A_260 = arith.constant 0 : i32
    %dma_wait3A_261 = tpu.memref_slice %arg12[%dma_wait3A_260] : memref<10240xf32, #tpu.memory_space<vmem_shared>> -> memref<10240xf32, #tpu.memory_space<vmem_shared>>
    tpu.wait_indirect_dma semaphore(%arg11 : memref<!tpu.dma_semaphore, #tpu.memory_space<semaphore_mem>>) src(%arg6 : memref<128xf32, #tpu.memory_space<vmem>>) dst(%dma_wait3A_261 : memref<10240xf32, #tpu.memory_space<vmem_shared>>)
    %dma_wait3A_262 = arith.constant 7 : i32
    %dma_wait3A_263 = arith.constant 0 : i32
    %dma_wait3A_264 = tpu.memref_slice %arg5[%dma_wait3A_262, %dma_wait3A_263] : memref<8x128xi32, #tpu.memory_space<vmem>> -> memref<1x128xi32, #tpu.memory_space<vmem>>
    %dma_wait3A_265 = tpu.memref_squeeze %dma_wait3A_264 : memref<1x128xi32, #tpu.memory_space<vmem>> -> memref<128xi32, #tpu.memory_space<vmem>>
    %dma_wait3A_266 = arith.constant 0 : i32
    %dma_wait3A_267 = tpu.memref_slice %arg12[%dma_wait3A_266] : memref<10240xf32, #tpu.memory_space<vmem_shared>> -> memref<10240xf32, #tpu.memory_space<vmem_shared>>
    tpu.wait_indirect_dma semaphore(%arg11 : memref<!tpu.dma_semaphore, #tpu.memory_space<semaphore_mem>>) src(%arg6 : memref<128xf32, #tpu.memory_space<vmem>>) dst(%dma_wait3A_267 : memref<10240xf32, #tpu.memory_space<vmem_shared>>)
    %barrier3A_268 = arith.constant 0 : index
    tpu.barrier barrier_id(%barrier3A_268)
    %mul3A_269 = arith.constant 640 : i32
    %mul3A_270 = arith.muli %arg1, %mul3A_269 : i32
    "tpu.region"() ({
      %run_scoped3A_271 = tpu.sem_alloc : memref<!tpu.dma_semaphore, #tpu.memory_space<semaphore_mem>>
      %dma_start3A_272 = arith.constant 0 : i32
      %dma_start3A_273 = tpu.memref_slice %arg3[%arg0, %arg1, %dma_start3A_272] : memref<2x16x640xf32, #tpu.memory_space<hbm>> -> memref<1x1x640xf32, #tpu.memory_space<hbm>>
      %dma_start3A_274 = tpu.memref_squeeze %dma_start3A_273 : memref<1x1x640xf32, #tpu.memory_space<hbm>> -> memref<640xf32, #tpu.memory_space<hbm>>
      %dma_start3A_275 = tpu.memref_slice %arg12[%mul3A_270] : memref<10240xf32, #tpu.memory_space<vmem_shared>> -> memref<640xf32, #tpu.memory_space<vmem_shared>>
      tpu.enqueue_dma source(%dma_start3A_275 : memref<640xf32, #tpu.memory_space<vmem_shared>>) target(%dma_start3A_274 : memref<640xf32, #tpu.memory_space<hbm>>) target_semaphore(%run_scoped3A_271 : memref<!tpu.dma_semaphore, #tpu.memory_space<semaphore_mem>>)
      %dma_wait3A_276 = arith.constant 0 : i32
      %dma_wait3A_277 = tpu.memref_slice %arg3[%arg0, %arg1, %dma_wait3A_276] : memref<2x16x640xf32, #tpu.memory_space<hbm>> -> memref<1x1x640xf32, #tpu.memory_space<hbm>>
      %dma_wait3A_278 = tpu.memref_squeeze %dma_wait3A_277 : memref<1x1x640xf32, #tpu.memory_space<hbm>> -> memref<640xf32, #tpu.memory_space<hbm>>
      %dma_wait3A_279 = tpu.memref_slice %arg12[%mul3A_270] : memref<10240xf32, #tpu.memory_space<vmem_shared>> -> memref<640xf32, #tpu.memory_space<vmem_shared>>
      tpu.wait_dma2 semaphore(%run_scoped3A_271 : memref<!tpu.dma_semaphore, #tpu.memory_space<semaphore_mem>>) src(%dma_wait3A_279 : memref<640xf32, #tpu.memory_space<vmem_shared>>) dst(%dma_wait3A_278 : memref<640xf32, #tpu.memory_space<hbm>>)
      tpu.yield
    }) : () -> ()
    return
  }
}

#map = affine_map<(d0, d1) -> (0, 0)>
#map1 = affine_map<(d0, d1) -> (0, 0, 0, 0)>
#map2 = affine_map<(d0, d1) -> (0, 0, 0)>
module attributes {stable_mosaic.version = 14 : i64} {
  func.func @k(%arg0: i32, %arg1: i32, %arg2: memref<10000x128xf32, #tpu.memory_space<hbm>>, %arg3: memref<32x10x8x128xi32, #tpu.memory_space<hbm>>, %arg4: memref<32x10x8x128xi32, #tpu.memory_space<hbm>>, %arg5: memref<2x10240x128xf32, #tpu.memory_space<hbm>>, %arg6: memref<8x128xi32, #tpu.memory_space<vmem>>, %arg7: memref<8x128xi32, #tpu.memory_space<vmem>>, %arg8: memref<8x128xi32, #tpu.memory_space<vmem>>, %arg9: memref<8x128xi32, #tpu.memory_space<vmem>>, %arg10: memref<128x128xf32, #tpu.memory_space<vmem>>, %arg11: memref<128x128xf32, #tpu.memory_space<vmem>>, %arg12: memref<!tpu.dma_semaphore, #tpu.memory_space<semaphore_mem>>, %arg13: memref<!tpu.dma_semaphore, #tpu.memory_space<semaphore_mem>>, %arg14: memref<!tpu.dma_semaphore, #tpu.memory_space<semaphore_mem>>, %arg15: memref<!tpu.dma_semaphore, #tpu.memory_space<semaphore_mem>>, %arg16: memref<!tpu.dma_semaphore, #tpu.memory_space<semaphore_mem>>, %arg17: memref<!tpu.dma_semaphore, #tpu.memory_space<semaphore_mem>>, %arg18: memref<10240x128xf32, #tpu.memory_space<vmem_shared>>) attributes {dimension_semantics = [#tpu.dimension_semantics<core_parallel>, #tpu.dimension_semantics<subcore_parallel>], iteration_bounds = array<i64: 2, 16>, scalar_prefetch = 0 : i64, scratch_operands = 13 : i64, tpu.core_type = #tpu.core_type<sc_vector_subcore>, window_params = [{transform_indices = #map}, {transform_indices = #map1}, {transform_indices = #map1}, {transform_indices = #map2}]} {
    %mul3A = arith.constant 16 : i32
    %mul3A_0 = arith.muli %arg0, %mul3A : i32
    %add3A = arith.addi %mul3A_0, %arg1 : i32
    %scan3A = arith.constant 0 : i32
    %scan3A_1 = arith.constant 0 : i32
    %scan3A_2 = arith.constant 128 : i32
    %scan3A_3 = arith.addi %scan3A_1, %scan3A_2 : i32
    %scan3A_4 = arith.constant 1 : i32
    scf.for %scan3A_518 = %scan3A_1 to %scan3A_3 step %scan3A_4  : i32 {
      %broadcast_in_dim3A = arith.constant 0.000000e+00 : f32
      %broadcast_in_dim3A_519 = vector.broadcast %broadcast_in_dim3A : f32 to vector<16xf32>
      %swap3A = arith.index_cast %scan3A_518 : i32 to index
      %swap3A_520 = arith.constant 0 : index
      %swap3A_521 = tpu.vector_load %arg10[%swap3A, %swap3A_520] {strides = array<i32>} : memref<128x128xf32, #tpu.memory_space<vmem>>, vector<1x16xf32>,
      %swap3A_522 = vector.shape_cast %swap3A_521 : vector<1x16xf32> to vector<16xf32>
      %swap3A_523 = vector.shape_cast %broadcast_in_dim3A_519 : vector<16xf32> to vector<1x16xf32>
      tpu.vector_store %arg10[%swap3A, %swap3A_520], %swap3A_523 {strides = array<i32>} : memref<128x128xf32, #tpu.memory_space<vmem>>, vector<1x16xf32>,
      %broadcast_in_dim3A_524 = arith.constant 0.000000e+00 : f32
      %broadcast_in_dim3A_525 = vector.broadcast %broadcast_in_dim3A_524 : f32 to vector<16xf32>
      %swap3A_526 = arith.index_cast %scan3A_518 : i32 to index
      %swap3A_527 = arith.constant 16 : index
      %swap3A_528 = tpu.vector_load %arg10[%swap3A_526, %swap3A_527] {strides = array<i32>} : memref<128x128xf32, #tpu.memory_space<vmem>>, vector<1x16xf32>,
      %swap3A_529 = vector.shape_cast %swap3A_528 : vector<1x16xf32> to vector<16xf32>
      %swap3A_530 = vector.shape_cast %broadcast_in_dim3A_525 : vector<16xf32> to vector<1x16xf32>
      tpu.vector_store %arg10[%swap3A_526, %swap3A_527], %swap3A_530 {strides = array<i32>} : memref<128x128xf32, #tpu.memory_space<vmem>>, vector<1x16xf32>,
      %broadcast_in_dim3A_531 = arith.constant 0.000000e+00 : f32
      %broadcast_in_dim3A_532 = vector.broadcast %broadcast_in_dim3A_531 : f32 to vector<16xf32>
      %swap3A_533 = arith.index_cast %scan3A_518 : i32 to index
      %swap3A_534 = arith.constant 32 : index
      %swap3A_535 = tpu.vector_load %arg10[%swap3A_533, %swap3A_534] {strides = array<i32>} : memref<128x128xf32, #tpu.memory_space<vmem>>, vector<1x16xf32>,
      %swap3A_536 = vector.shape_cast %swap3A_535 : vector<1x16xf32> to vector<16xf32>
      %swap3A_537 = vector.shape_cast %broadcast_in_dim3A_532 : vector<16xf32> to vector<1x16xf32>
      tpu.vector_store %arg10[%swap3A_533, %swap3A_534], %swap3A_537 {strides = array<i32>} : memref<128x128xf32, #tpu.memory_space<vmem>>, vector<1x16xf32>,
      %broadcast_in_dim3A_538 = arith.constant 0.000000e+00 : f32
      %broadcast_in_dim3A_539 = vector.broadcast %broadcast_in_dim3A_538 : f32 to vector<16xf32>
      %swap3A_540 = arith.index_cast %scan3A_518 : i32 to index
      %swap3A_541 = arith.constant 48 : index
      %swap3A_542 = tpu.vector_load %arg10[%swap3A_540, %swap3A_541] {strides = array<i32>} : memref<128x128xf32, #tpu.memory_space<vmem>>, vector<1x16xf32>,
      %swap3A_543 = vector.shape_cast %swap3A_542 : vector<1x16xf32> to vector<16xf32>
      %swap3A_544 = vector.shape_cast %broadcast_in_dim3A_539 : vector<16xf32> to vector<1x16xf32>
      tpu.vector_store %arg10[%swap3A_540, %swap3A_541], %swap3A_544 {strides = array<i32>} : memref<128x128xf32, #tpu.memory_space<vmem>>, vector<1x16xf32>,
      %broadcast_in_dim3A_545 = arith.constant 0.000000e+00 : f32
      %broadcast_in_dim3A_546 = vector.broadcast %broadcast_in_dim3A_545 : f32 to vector<16xf32>
      %swap3A_547 = arith.index_cast %scan3A_518 : i32 to index
      %swap3A_548 = arith.constant 64 : index
      %swap3A_549 = tpu.vector_load %arg10[%swap3A_547, %swap3A_548] {strides = array<i32>} : memref<128x128xf32, #tpu.memory_space<vmem>>, vector<1x16xf32>,
      %swap3A_550 = vector.shape_cast %swap3A_549 : vector<1x16xf32> to vector<16xf32>
      %swap3A_551 = vector.shape_cast %broadcast_in_dim3A_546 : vector<16xf32> to vector<1x16xf32>
      tpu.vector_store %arg10[%swap3A_547, %swap3A_548], %swap3A_551 {strides = array<i32>} : memref<128x128xf32, #tpu.memory_space<vmem>>, vector<1x16xf32>,
      %broadcast_in_dim3A_552 = arith.constant 0.000000e+00 : f32
      %broadcast_in_dim3A_553 = vector.broadcast %broadcast_in_dim3A_552 : f32 to vector<16xf32>
      %swap3A_554 = arith.index_cast %scan3A_518 : i32 to index
      %swap3A_555 = arith.constant 80 : index
      %swap3A_556 = tpu.vector_load %arg10[%swap3A_554, %swap3A_555] {strides = array<i32>} : memref<128x128xf32, #tpu.memory_space<vmem>>, vector<1x16xf32>,
      %swap3A_557 = vector.shape_cast %swap3A_556 : vector<1x16xf32> to vector<16xf32>
      %swap3A_558 = vector.shape_cast %broadcast_in_dim3A_553 : vector<16xf32> to vector<1x16xf32>
      tpu.vector_store %arg10[%swap3A_554, %swap3A_555], %swap3A_558 {strides = array<i32>} : memref<128x128xf32, #tpu.memory_space<vmem>>, vector<1x16xf32>,
      %broadcast_in_dim3A_559 = arith.constant 0.000000e+00 : f32
      %broadcast_in_dim3A_560 = vector.broadcast %broadcast_in_dim3A_559 : f32 to vector<16xf32>
      %swap3A_561 = arith.index_cast %scan3A_518 : i32 to index
      %swap3A_562 = arith.constant 96 : index
      %swap3A_563 = tpu.vector_load %arg10[%swap3A_561, %swap3A_562] {strides = array<i32>} : memref<128x128xf32, #tpu.memory_space<vmem>>, vector<1x16xf32>,
      %swap3A_564 = vector.shape_cast %swap3A_563 : vector<1x16xf32> to vector<16xf32>
      %swap3A_565 = vector.shape_cast %broadcast_in_dim3A_560 : vector<16xf32> to vector<1x16xf32>
      tpu.vector_store %arg10[%swap3A_561, %swap3A_562], %swap3A_565 {strides = array<i32>} : memref<128x128xf32, #tpu.memory_space<vmem>>, vector<1x16xf32>,
      %broadcast_in_dim3A_566 = arith.constant 0.000000e+00 : f32
      %broadcast_in_dim3A_567 = vector.broadcast %broadcast_in_dim3A_566 : f32 to vector<16xf32>
      %swap3A_568 = arith.index_cast %scan3A_518 : i32 to index
      %swap3A_569 = arith.constant 112 : index
      %swap3A_570 = tpu.vector_load %arg10[%swap3A_568, %swap3A_569] {strides = array<i32>} : memref<128x128xf32, #tpu.memory_space<vmem>>, vector<1x16xf32>,
      %swap3A_571 = vector.shape_cast %swap3A_570 : vector<1x16xf32> to vector<16xf32>
      %swap3A_572 = vector.shape_cast %broadcast_in_dim3A_567 : vector<16xf32> to vector<1x16xf32>
      tpu.vector_store %arg10[%swap3A_568, %swap3A_569], %swap3A_572 {strides = array<i32>} : memref<128x128xf32, #tpu.memory_space<vmem>>, vector<1x16xf32>,
    }
    %scan3A_5 = arith.constant 128 : i32
    %mul3A_6 = arith.constant 640 : i32
    %mul3A_7 = arith.muli %arg1, %mul3A_6 : i32
    %add3A_8 = arith.constant 0 : i32
    %add3A_9 = arith.addi %mul3A_7, %add3A_8 : i32
    "tpu.region"() ({
      %run_scoped3A_518 = tpu.sem_alloc : memref<!tpu.dma_semaphore, #tpu.memory_space<semaphore_mem>>
      %dma_start3A_519 = arith.constant 0 : i32
      %dma_start3A_520 = tpu.memref_slice %arg18[%add3A_9, %dma_start3A_519] : memref<10240x128xf32, #tpu.memory_space<vmem_shared>> -> memref<128x128xf32, #tpu.memory_space<vmem_shared>>
      %dma_start3A_521 = arith.constant 0 : i32
      %dma_start3A_522 = tpu.memref_slice %arg18[%add3A_9, %dma_start3A_521] : memref<10240x128xf32, #tpu.memory_space<vmem_shared>> -> memref<128x128xf32, #tpu.memory_space<vmem_shared>>
      tpu.enqueue_dma source(%arg10 : memref<128x128xf32, #tpu.memory_space<vmem>>) target(%dma_start3A_522 : memref<128x128xf32, #tpu.memory_space<vmem_shared>>) target_semaphore(%run_scoped3A_518 : memref<!tpu.dma_semaphore, #tpu.memory_space<semaphore_mem>>)
      %dma_wait3A_523 = arith.constant 0 : i32
      %dma_wait3A_524 = tpu.memref_slice %arg18[%add3A_9, %dma_wait3A_523] : memref<10240x128xf32, #tpu.memory_space<vmem_shared>> -> memref<128x128xf32, #tpu.memory_space<vmem_shared>>
      %dma_wait3A_525 = arith.constant 0 : i32
      %dma_wait3A_526 = tpu.memref_slice %arg18[%add3A_9, %dma_wait3A_525] : memref<10240x128xf32, #tpu.memory_space<vmem_shared>> -> memref<128x128xf32, #tpu.memory_space<vmem_shared>>
      tpu.wait_dma2 semaphore(%run_scoped3A_518 : memref<!tpu.dma_semaphore, #tpu.memory_space<semaphore_mem>>) src(%arg10 : memref<128x128xf32, #tpu.memory_space<vmem>>) dst(%dma_wait3A_526 : memref<128x128xf32, #tpu.memory_space<vmem_shared>>)
      tpu.yield
    }) : () -> ()
    %mul3A_10 = arith.constant 640 : i32
    %mul3A_11 = arith.muli %arg1, %mul3A_10 : i32
    %add3A_12 = arith.constant 128 : i32
    %add3A_13 = arith.addi %mul3A_11, %add3A_12 : i32
    "tpu.region"() ({
      %run_scoped3A_518 = tpu.sem_alloc : memref<!tpu.dma_semaphore, #tpu.memory_space<semaphore_mem>>
      %dma_start3A_519 = arith.constant 0 : i32
      %dma_start3A_520 = tpu.memref_slice %arg18[%add3A_13, %dma_start3A_519] : memref<10240x128xf32, #tpu.memory_space<vmem_shared>> -> memref<128x128xf32, #tpu.memory_space<vmem_shared>>
      %dma_start3A_521 = arith.constant 0 : i32
      %dma_start3A_522 = tpu.memref_slice %arg18[%add3A_13, %dma_start3A_521] : memref<10240x128xf32, #tpu.memory_space<vmem_shared>> -> memref<128x128xf32, #tpu.memory_space<vmem_shared>>
      tpu.enqueue_dma source(%arg10 : memref<128x128xf32, #tpu.memory_space<vmem>>) target(%dma_start3A_522 : memref<128x128xf32, #tpu.memory_space<vmem_shared>>) target_semaphore(%run_scoped3A_518 : memref<!tpu.dma_semaphore, #tpu.memory_space<semaphore_mem>>)
      %dma_wait3A_523 = arith.constant 0 : i32
      %dma_wait3A_524 = tpu.memref_slice %arg18[%add3A_13, %dma_wait3A_523] : memref<10240x128xf32, #tpu.memory_space<vmem_shared>> -> memref<128x128xf32, #tpu.memory_space<vmem_shared>>
      %dma_wait3A_525 = arith.constant 0 : i32
      %dma_wait3A_526 = tpu.memref_slice %arg18[%add3A_13, %dma_wait3A_525] : memref<10240x128xf32, #tpu.memory_space<vmem_shared>> -> memref<128x128xf32, #tpu.memory_space<vmem_shared>>
      tpu.wait_dma2 semaphore(%run_scoped3A_518 : memref<!tpu.dma_semaphore, #tpu.memory_space<semaphore_mem>>) src(%arg10 : memref<128x128xf32, #tpu.memory_space<vmem>>) dst(%dma_wait3A_526 : memref<128x128xf32, #tpu.memory_space<vmem_shared>>)
      tpu.yield
    }) : () -> ()
    %mul3A_14 = arith.constant 640 : i32
    %mul3A_15 = arith.muli %arg1, %mul3A_14 : i32
    %add3A_16 = arith.constant 256 : i32
    %add3A_17 = arith.addi %mul3A_15, %add3A_16 : i32
    "tpu.region"() ({
      %run_scoped3A_518 = tpu.sem_alloc : memref<!tpu.dma_semaphore, #tpu.memory_space<semaphore_mem>>
      %dma_start3A_519 = arith.constant 0 : i32
      %dma_start3A_520 = tpu.memref_slice %arg18[%add3A_17, %dma_start3A_519] : memref<10240x128xf32, #tpu.memory_space<vmem_shared>> -> memref<128x128xf32, #tpu.memory_space<vmem_shared>>
      %dma_start3A_521 = arith.constant 0 : i32
      %dma_start3A_522 = tpu.memref_slice %arg18[%add3A_17, %dma_start3A_521] : memref<10240x128xf32, #tpu.memory_space<vmem_shared>> -> memref<128x128xf32, #tpu.memory_space<vmem_shared>>
      tpu.enqueue_dma source(%arg10 : memref<128x128xf32, #tpu.memory_space<vmem>>) target(%dma_start3A_522 : memref<128x128xf32, #tpu.memory_space<vmem_shared>>) target_semaphore(%run_scoped3A_518 : memref<!tpu.dma_semaphore, #tpu.memory_space<semaphore_mem>>)
      %dma_wait3A_523 = arith.constant 0 : i32
      %dma_wait3A_524 = tpu.memref_slice %arg18[%add3A_17, %dma_wait3A_523] : memref<10240x128xf32, #tpu.memory_space<vmem_shared>> -> memref<128x128xf32, #tpu.memory_space<vmem_shared>>
      %dma_wait3A_525 = arith.constant 0 : i32
      %dma_wait3A_526 = tpu.memref_slice %arg18[%add3A_17, %dma_wait3A_525] : memref<10240x128xf32, #tpu.memory_space<vmem_shared>> -> memref<128x128xf32, #tpu.memory_space<vmem_shared>>
      tpu.wait_dma2 semaphore(%run_scoped3A_518 : memref<!tpu.dma_semaphore, #tpu.memory_space<semaphore_mem>>) src(%arg10 : memref<128x128xf32, #tpu.memory_space<vmem>>) dst(%dma_wait3A_526 : memref<128x128xf32, #tpu.memory_space<vmem_shared>>)
      tpu.yield
    }) : () -> ()
    %mul3A_18 = arith.constant 640 : i32
    %mul3A_19 = arith.muli %arg1, %mul3A_18 : i32
    %add3A_20 = arith.constant 384 : i32
    %add3A_21 = arith.addi %mul3A_19, %add3A_20 : i32
    "tpu.region"() ({
      %run_scoped3A_518 = tpu.sem_alloc : memref<!tpu.dma_semaphore, #tpu.memory_space<semaphore_mem>>
      %dma_start3A_519 = arith.constant 0 : i32
      %dma_start3A_520 = tpu.memref_slice %arg18[%add3A_21, %dma_start3A_519] : memref<10240x128xf32, #tpu.memory_space<vmem_shared>> -> memref<128x128xf32, #tpu.memory_space<vmem_shared>>
      %dma_start3A_521 = arith.constant 0 : i32
      %dma_start3A_522 = tpu.memref_slice %arg18[%add3A_21, %dma_start3A_521] : memref<10240x128xf32, #tpu.memory_space<vmem_shared>> -> memref<128x128xf32, #tpu.memory_space<vmem_shared>>
      tpu.enqueue_dma source(%arg10 : memref<128x128xf32, #tpu.memory_space<vmem>>) target(%dma_start3A_522 : memref<128x128xf32, #tpu.memory_space<vmem_shared>>) target_semaphore(%run_scoped3A_518 : memref<!tpu.dma_semaphore, #tpu.memory_space<semaphore_mem>>)
      %dma_wait3A_523 = arith.constant 0 : i32
      %dma_wait3A_524 = tpu.memref_slice %arg18[%add3A_21, %dma_wait3A_523] : memref<10240x128xf32, #tpu.memory_space<vmem_shared>> -> memref<128x128xf32, #tpu.memory_space<vmem_shared>>
      %dma_wait3A_525 = arith.constant 0 : i32
      %dma_wait3A_526 = tpu.memref_slice %arg18[%add3A_21, %dma_wait3A_525] : memref<10240x128xf32, #tpu.memory_space<vmem_shared>> -> memref<128x128xf32, #tpu.memory_space<vmem_shared>>
      tpu.wait_dma2 semaphore(%run_scoped3A_518 : memref<!tpu.dma_semaphore, #tpu.memory_space<semaphore_mem>>) src(%arg10 : memref<128x128xf32, #tpu.memory_space<vmem>>) dst(%dma_wait3A_526 : memref<128x128xf32, #tpu.memory_space<vmem_shared>>)
      tpu.yield
    }) : () -> ()
    %mul3A_22 = arith.constant 640 : i32
    %mul3A_23 = arith.muli %arg1, %mul3A_22 : i32
    %add3A_24 = arith.constant 512 : i32
    %add3A_25 = arith.addi %mul3A_23, %add3A_24 : i32
    "tpu.region"() ({
      %run_scoped3A_518 = tpu.sem_alloc : memref<!tpu.dma_semaphore, #tpu.memory_space<semaphore_mem>>
      %dma_start3A_519 = arith.constant 0 : i32
      %dma_start3A_520 = tpu.memref_slice %arg18[%add3A_25, %dma_start3A_519] : memref<10240x128xf32, #tpu.memory_space<vmem_shared>> -> memref<128x128xf32, #tpu.memory_space<vmem_shared>>
      %dma_start3A_521 = arith.constant 0 : i32
      %dma_start3A_522 = tpu.memref_slice %arg18[%add3A_25, %dma_start3A_521] : memref<10240x128xf32, #tpu.memory_space<vmem_shared>> -> memref<128x128xf32, #tpu.memory_space<vmem_shared>>
      tpu.enqueue_dma source(%arg10 : memref<128x128xf32, #tpu.memory_space<vmem>>) target(%dma_start3A_522 : memref<128x128xf32, #tpu.memory_space<vmem_shared>>) target_semaphore(%run_scoped3A_518 : memref<!tpu.dma_semaphore, #tpu.memory_space<semaphore_mem>>)
      %dma_wait3A_523 = arith.constant 0 : i32
      %dma_wait3A_524 = tpu.memref_slice %arg18[%add3A_25, %dma_wait3A_523] : memref<10240x128xf32, #tpu.memory_space<vmem_shared>> -> memref<128x128xf32, #tpu.memory_space<vmem_shared>>
      %dma_wait3A_525 = arith.constant 0 : i32
      %dma_wait3A_526 = tpu.memref_slice %arg18[%add3A_25, %dma_wait3A_525] : memref<10240x128xf32, #tpu.memory_space<vmem_shared>> -> memref<128x128xf32, #tpu.memory_space<vmem_shared>>
      tpu.wait_dma2 semaphore(%run_scoped3A_518 : memref<!tpu.dma_semaphore, #tpu.memory_space<semaphore_mem>>) src(%arg10 : memref<128x128xf32, #tpu.memory_space<vmem>>) dst(%dma_wait3A_526 : memref<128x128xf32, #tpu.memory_space<vmem_shared>>)
      tpu.yield
    }) : () -> ()
    %barrier3A = arith.constant 0 : index
    tpu.barrier barrier_id(%barrier3A)
    %run_scoped3A = arith.constant 0 : i32
    "tpu.region"() ({
      %run_scoped3A_518 = tpu.sem_alloc : memref<!tpu.dma_semaphore, #tpu.memory_space<semaphore_mem>>
      %dma_start3A_519 = arith.constant 0 : i32
      %dma_start3A_520 = arith.constant 0 : i32
      %dma_start3A_521 = tpu.memref_slice %arg3[%add3A, %run_scoped3A, %dma_start3A_519, %dma_start3A_520] : memref<32x10x8x128xi32, #tpu.memory_space<hbm>> -> memref<1x1x8x128xi32, #tpu.memory_space<hbm>>
      %dma_start3A_522 = tpu.memref_squeeze %dma_start3A_521 : memref<1x1x8x128xi32, #tpu.memory_space<hbm>> -> memref<8x128xi32, #tpu.memory_space<hbm>>
      %dma_start3A_523 = arith.constant 0 : i32
      %dma_start3A_524 = arith.constant 0 : i32
      %dma_start3A_525 = tpu.memref_slice %arg3[%add3A, %run_scoped3A, %dma_start3A_523, %dma_start3A_524] : memref<32x10x8x128xi32, #tpu.memory_space<hbm>> -> memref<1x1x8x128xi32, #tpu.memory_space<hbm>>
      %dma_start3A_526 = tpu.memref_squeeze %dma_start3A_525 : memref<1x1x8x128xi32, #tpu.memory_space<hbm>> -> memref<8x128xi32, #tpu.memory_space<hbm>>
      tpu.enqueue_dma source(%dma_start3A_526 : memref<8x128xi32, #tpu.memory_space<hbm>>) target(%arg6 : memref<8x128xi32, #tpu.memory_space<vmem>>) target_semaphore(%run_scoped3A_518 : memref<!tpu.dma_semaphore, #tpu.memory_space<semaphore_mem>>)
      %dma_wait3A_527 = arith.constant 0 : i32
      %dma_wait3A_528 = arith.constant 0 : i32
      %dma_wait3A_529 = tpu.memref_slice %arg3[%add3A, %run_scoped3A, %dma_wait3A_527, %dma_wait3A_528] : memref<32x10x8x128xi32, #tpu.memory_space<hbm>> -> memref<1x1x8x128xi32, #tpu.memory_space<hbm>>
      %dma_wait3A_530 = tpu.memref_squeeze %dma_wait3A_529 : memref<1x1x8x128xi32, #tpu.memory_space<hbm>> -> memref<8x128xi32, #tpu.memory_space<hbm>>
      %dma_wait3A_531 = arith.constant 0 : i32
      %dma_wait3A_532 = arith.constant 0 : i32
      %dma_wait3A_533 = tpu.memref_slice %arg3[%add3A, %run_scoped3A, %dma_wait3A_531, %dma_wait3A_532] : memref<32x10x8x128xi32, #tpu.memory_space<hbm>> -> memref<1x1x8x128xi32, #tpu.memory_space<hbm>>
      %dma_wait3A_534 = tpu.memref_squeeze %dma_wait3A_533 : memref<1x1x8x128xi32, #tpu.memory_space<hbm>> -> memref<8x128xi32, #tpu.memory_space<hbm>>
      tpu.wait_dma2 semaphore(%run_scoped3A_518 : memref<!tpu.dma_semaphore, #tpu.memory_space<semaphore_mem>>) src(%dma_wait3A_534 : memref<8x128xi32, #tpu.memory_space<hbm>>) dst(%arg6 : memref<8x128xi32, #tpu.memory_space<vmem>>)
      tpu.yield
    }) : () -> ()
    %run_scoped3A_26 = arith.constant 0 : i32
    "tpu.region"() ({
      %run_scoped3A_518 = tpu.sem_alloc : memref<!tpu.dma_semaphore, #tpu.memory_space<semaphore_mem>>
      %dma_start3A_519 = arith.constant 0 : i32
      %dma_start3A_520 = arith.constant 0 : i32
      %dma_start3A_521 = tpu.memref_slice %arg4[%add3A, %run_scoped3A_26, %dma_start3A_519, %dma_start3A_520] : memref<32x10x8x128xi32, #tpu.memory_space<hbm>> -> memref<1x1x8x128xi32, #tpu.memory_space<hbm>>
      %dma_start3A_522 = tpu.memref_squeeze %dma_start3A_521 : memref<1x1x8x128xi32, #tpu.memory_space<hbm>> -> memref<8x128xi32, #tpu.memory_space<hbm>>
      %dma_start3A_523 = arith.constant 0 : i32
      %dma_start3A_524 = arith.constant 0 : i32
      %dma_start3A_525 = tpu.memref_slice %arg4[%add3A, %run_scoped3A_26, %dma_start3A_523, %dma_start3A_524] : memref<32x10x8x128xi32, #tpu.memory_space<hbm>> -> memref<1x1x8x128xi32, #tpu.memory_space<hbm>>
      %dma_start3A_526 = tpu.memref_squeeze %dma_start3A_525 : memref<1x1x8x128xi32, #tpu.memory_space<hbm>> -> memref<8x128xi32, #tpu.memory_space<hbm>>
      tpu.enqueue_dma source(%dma_start3A_526 : memref<8x128xi32, #tpu.memory_space<hbm>>) target(%arg8 : memref<8x128xi32, #tpu.memory_space<vmem>>) target_semaphore(%run_scoped3A_518 : memref<!tpu.dma_semaphore, #tpu.memory_space<semaphore_mem>>)
      %dma_wait3A_527 = arith.constant 0 : i32
      %dma_wait3A_528 = arith.constant 0 : i32
      %dma_wait3A_529 = tpu.memref_slice %arg4[%add3A, %run_scoped3A_26, %dma_wait3A_527, %dma_wait3A_528] : memref<32x10x8x128xi32, #tpu.memory_space<hbm>> -> memref<1x1x8x128xi32, #tpu.memory_space<hbm>>
      %dma_wait3A_530 = tpu.memref_squeeze %dma_wait3A_529 : memref<1x1x8x128xi32, #tpu.memory_space<hbm>> -> memref<8x128xi32, #tpu.memory_space<hbm>>
      %dma_wait3A_531 = arith.constant 0 : i32
      %dma_wait3A_532 = arith.constant 0 : i32
      %dma_wait3A_533 = tpu.memref_slice %arg4[%add3A, %run_scoped3A_26, %dma_wait3A_531, %dma_wait3A_532] : memref<32x10x8x128xi32, #tpu.memory_space<hbm>> -> memref<1x1x8x128xi32, #tpu.memory_space<hbm>>
      %dma_wait3A_534 = tpu.memref_squeeze %dma_wait3A_533 : memref<1x1x8x128xi32, #tpu.memory_space<hbm>> -> memref<8x128xi32, #tpu.memory_space<hbm>>
      tpu.wait_dma2 semaphore(%run_scoped3A_518 : memref<!tpu.dma_semaphore, #tpu.memory_space<semaphore_mem>>) src(%dma_wait3A_534 : memref<8x128xi32, #tpu.memory_space<hbm>>) dst(%arg8 : memref<8x128xi32, #tpu.memory_space<vmem>>)
      tpu.yield
    }) : () -> ()
    %dma_start3A = arith.constant 0 : i32
    %dma_start3A_27 = arith.constant 0 : i32
    %dma_start3A_28 = tpu.memref_slice %arg6[%dma_start3A, %dma_start3A_27] : memref<8x128xi32, #tpu.memory_space<vmem>> -> memref<1x128xi32, #tpu.memory_space<vmem>>
    %dma_start3A_29 = tpu.memref_squeeze %dma_start3A_28 : memref<1x128xi32, #tpu.memory_space<vmem>> -> memref<128xi32, #tpu.memory_space<vmem>>
    %dma_start3A_30 = arith.constant 0 : i32
    %dma_start3A_31 = arith.constant 0 : i32
    %dma_start3A_32 = tpu.memref_slice %arg2[%dma_start3A_30, %dma_start3A_31] : memref<10000x128xf32, #tpu.memory_space<hbm>> -> memref<10000x128xf32, #tpu.memory_space<hbm>>
    tpu.enqueue_indirect_dma source(%dma_start3A_32 : memref<10000x128xf32, #tpu.memory_space<hbm>>) target(%arg10 : memref<128x128xf32, #tpu.memory_space<vmem>>) offsets(%dma_start3A_29 : memref<128xi32, #tpu.memory_space<vmem>>) semaphore(%arg14 : memref<!tpu.dma_semaphore, #tpu.memory_space<semaphore_mem>>)
    %dma_start3A_33 = arith.constant 1 : i32
    %dma_start3A_34 = arith.constant 0 : i32
    %dma_start3A_35 = tpu.memref_slice %arg6[%dma_start3A_33, %dma_start3A_34] : memref<8x128xi32, #tpu.memory_space<vmem>> -> memref<1x128xi32, #tpu.memory_space<vmem>>
    %dma_start3A_36 = tpu.memref_squeeze %dma_start3A_35 : memref<1x128xi32, #tpu.memory_space<vmem>> -> memref<128xi32, #tpu.memory_space<vmem>>
    %dma_start3A_37 = arith.constant 0 : i32
    %dma_start3A_38 = arith.constant 0 : i32
    %dma_start3A_39 = tpu.memref_slice %arg2[%dma_start3A_37, %dma_start3A_38] : memref<10000x128xf32, #tpu.memory_space<hbm>> -> memref<10000x128xf32, #tpu.memory_space<hbm>>
    tpu.enqueue_indirect_dma source(%dma_start3A_39 : memref<10000x128xf32, #tpu.memory_space<hbm>>) target(%arg11 : memref<128x128xf32, #tpu.memory_space<vmem>>) offsets(%dma_start3A_36 : memref<128xi32, #tpu.memory_space<vmem>>) semaphore(%arg15 : memref<!tpu.dma_semaphore, #tpu.memory_space<semaphore_mem>>)
    %dma_wait3A = arith.constant 0 : i32
    %dma_wait3A_40 = arith.constant 0 : i32
    %dma_wait3A_41 = tpu.memref_slice %arg6[%dma_wait3A, %dma_wait3A_40] : memref<8x128xi32, #tpu.memory_space<vmem>> -> memref<1x128xi32, #tpu.memory_space<vmem>>
    %dma_wait3A_42 = tpu.memref_squeeze %dma_wait3A_41 : memref<1x128xi32, #tpu.memory_space<vmem>> -> memref<128xi32, #tpu.memory_space<vmem>>
    %dma_wait3A_43 = arith.constant 0 : i32
    %dma_wait3A_44 = arith.constant 0 : i32
    %dma_wait3A_45 = tpu.memref_slice %arg2[%dma_wait3A_43, %dma_wait3A_44] : memref<10000x128xf32, #tpu.memory_space<hbm>> -> memref<10000x128xf32, #tpu.memory_space<hbm>>
    tpu.wait_indirect_dma semaphore(%arg14 : memref<!tpu.dma_semaphore, #tpu.memory_space<semaphore_mem>>) src(%dma_wait3A_45 : memref<10000x128xf32, #tpu.memory_space<hbm>>) dst(%arg10 : memref<128x128xf32, #tpu.memory_space<vmem>>)
    %dma_start3A_46 = arith.constant 0 : i32
    %dma_start3A_47 = arith.constant 0 : i32
    %dma_start3A_48 = tpu.memref_slice %arg8[%dma_start3A_46, %dma_start3A_47] : memref<8x128xi32, #tpu.memory_space<vmem>> -> memref<1x128xi32, #tpu.memory_space<vmem>>
    %dma_start3A_49 = tpu.memref_squeeze %dma_start3A_48 : memref<1x128xi32, #tpu.memory_space<vmem>> -> memref<128xi32, #tpu.memory_space<vmem>>
    %dma_start3A_50 = arith.constant 0 : i32
    %dma_start3A_51 = arith.constant 0 : i32
    %dma_start3A_52 = tpu.memref_slice %arg18[%dma_start3A_50, %dma_start3A_51] : memref<10240x128xf32, #tpu.memory_space<vmem_shared>> -> memref<10240x128xf32, #tpu.memory_space<vmem_shared>>
    tpu.enqueue_indirect_dma source(%arg10 : memref<128x128xf32, #tpu.memory_space<vmem>>) target(%dma_start3A_52 : memref<10240x128xf32, #tpu.memory_space<vmem_shared>>) offsets(%dma_start3A_49 : memref<128xi32, #tpu.memory_space<vmem>>) semaphore(%arg16 : memref<!tpu.dma_semaphore, #tpu.memory_space<semaphore_mem>>) {add = true}
    %dma_start3A_53 = arith.constant 1 : i32
    %dma_start3A_54 = arith.constant 0 : i32
    %dma_start3A_55 = arith.constant 0 : i32
    %dma_start3A_56 = tpu.memref_slice %arg3[%add3A, %dma_start3A_53, %dma_start3A_54, %dma_start3A_55] : memref<32x10x8x128xi32, #tpu.memory_space<hbm>> -> memref<1x1x8x128xi32, #tpu.memory_space<hbm>>
    %dma_start3A_57 = tpu.memref_squeeze %dma_start3A_56 : memref<1x1x8x128xi32, #tpu.memory_space<hbm>> -> memref<8x128xi32, #tpu.memory_space<hbm>>
    %dma_start3A_58 = arith.constant 0 : i32
    %dma_start3A_59 = arith.constant 0 : i32
    %dma_start3A_60 = tpu.memref_slice %arg3[%add3A, %dma_start3A_53, %dma_start3A_58, %dma_start3A_59] : memref<32x10x8x128xi32, #tpu.memory_space<hbm>> -> memref<1x1x8x128xi32, #tpu.memory_space<hbm>>
    %dma_start3A_61 = tpu.memref_squeeze %dma_start3A_60 : memref<1x1x8x128xi32, #tpu.memory_space<hbm>> -> memref<8x128xi32, #tpu.memory_space<hbm>>
    tpu.enqueue_dma source(%dma_start3A_61 : memref<8x128xi32, #tpu.memory_space<hbm>>) target(%arg7 : memref<8x128xi32, #tpu.memory_space<vmem>>) target_semaphore(%arg13 : memref<!tpu.dma_semaphore, #tpu.memory_space<semaphore_mem>>)
    %dma_start3A_62 = arith.constant 1 : i32
    %dma_start3A_63 = arith.constant 0 : i32
    %dma_start3A_64 = arith.constant 0 : i32
    %dma_start3A_65 = tpu.memref_slice %arg4[%add3A, %dma_start3A_62, %dma_start3A_63, %dma_start3A_64] : memref<32x10x8x128xi32, #tpu.memory_space<hbm>> -> memref<1x1x8x128xi32, #tpu.memory_space<hbm>>
    %dma_start3A_66 = tpu.memref_squeeze %dma_start3A_65 : memref<1x1x8x128xi32, #tpu.memory_space<hbm>> -> memref<8x128xi32, #tpu.memory_space<hbm>>
    %dma_start3A_67 = arith.constant 0 : i32
    %dma_start3A_68 = arith.constant 0 : i32
    %dma_start3A_69 = tpu.memref_slice %arg4[%add3A, %dma_start3A_62, %dma_start3A_67, %dma_start3A_68] : memref<32x10x8x128xi32, #tpu.memory_space<hbm>> -> memref<1x1x8x128xi32, #tpu.memory_space<hbm>>
    %dma_start3A_70 = tpu.memref_squeeze %dma_start3A_69 : memref<1x1x8x128xi32, #tpu.memory_space<hbm>> -> memref<8x128xi32, #tpu.memory_space<hbm>>
    tpu.enqueue_dma source(%dma_start3A_70 : memref<8x128xi32, #tpu.memory_space<hbm>>) target(%arg9 : memref<8x128xi32, #tpu.memory_space<vmem>>) target_semaphore(%arg13 : memref<!tpu.dma_semaphore, #tpu.memory_space<semaphore_mem>>)
    %dma_wait3A_71 = arith.constant 0 : i32
    %dma_wait3A_72 = arith.constant 0 : i32
    %dma_wait3A_73 = tpu.memref_slice %arg8[%dma_wait3A_71, %dma_wait3A_72] : memref<8x128xi32, #tpu.memory_space<vmem>> -> memref<1x128xi32, #tpu.memory_space<vmem>>
    %dma_wait3A_74 = tpu.memref_squeeze %dma_wait3A_73 : memref<1x128xi32, #tpu.memory_space<vmem>> -> memref<128xi32, #tpu.memory_space<vmem>>
    %dma_wait3A_75 = arith.constant 0 : i32
    %dma_wait3A_76 = arith.constant 0 : i32
    %dma_wait3A_77 = tpu.memref_slice %arg18[%dma_wait3A_75, %dma_wait3A_76] : memref<10240x128xf32, #tpu.memory_space<vmem_shared>> -> memref<10240x128xf32, #tpu.memory_space<vmem_shared>>
    tpu.wait_indirect_dma semaphore(%arg16 : memref<!tpu.dma_semaphore, #tpu.memory_space<semaphore_mem>>) src(%arg10 : memref<128x128xf32, #tpu.memory_space<vmem>>) dst(%dma_wait3A_77 : memref<10240x128xf32, #tpu.memory_space<vmem_shared>>)
    %dma_start3A_78 = arith.constant 2 : i32
    %dma_start3A_79 = arith.constant 0 : i32
    %dma_start3A_80 = tpu.memref_slice %arg6[%dma_start3A_78, %dma_start3A_79] : memref<8x128xi32, #tpu.memory_space<vmem>> -> memref<1x128xi32, #tpu.memory_space<vmem>>
    %dma_start3A_81 = tpu.memref_squeeze %dma_start3A_80 : memref<1x128xi32, #tpu.memory_space<vmem>> -> memref<128xi32, #tpu.memory_space<vmem>>
    %dma_start3A_82 = arith.constant 0 : i32
    %dma_start3A_83 = arith.constant 0 : i32
    %dma_start3A_84 = tpu.memref_slice %arg2[%dma_start3A_82, %dma_start3A_83] : memref<10000x128xf32, #tpu.memory_space<hbm>> -> memref<10000x128xf32, #tpu.memory_space<hbm>>
    tpu.enqueue_indirect_dma source(%dma_start3A_84 : memref<10000x128xf32, #tpu.memory_space<hbm>>) target(%arg10 : memref<128x128xf32, #tpu.memory_space<vmem>>) offsets(%dma_start3A_81 : memref<128xi32, #tpu.memory_space<vmem>>) semaphore(%arg14 : memref<!tpu.dma_semaphore, #tpu.memory_space<semaphore_mem>>)
    %dma_wait3A_85 = arith.constant 1 : i32
    %dma_wait3A_86 = arith.constant 0 : i32
    %dma_wait3A_87 = tpu.memref_slice %arg6[%dma_wait3A_85, %dma_wait3A_86] : memref<8x128xi32, #tpu.memory_space<vmem>> -> memref<1x128xi32, #tpu.memory_space<vmem>>
    %dma_wait3A_88 = tpu.memref_squeeze %dma_wait3A_87 : memref<1x128xi32, #tpu.memory_space<vmem>> -> memref<128xi32, #tpu.memory_space<vmem>>
    %dma_wait3A_89 = arith.constant 0 : i32
    %dma_wait3A_90 = arith.constant 0 : i32
    %dma_wait3A_91 = tpu.memref_slice %arg2[%dma_wait3A_89, %dma_wait3A_90] : memref<10000x128xf32, #tpu.memory_space<hbm>> -> memref<10000x128xf32, #tpu.memory_space<hbm>>
    tpu.wait_indirect_dma semaphore(%arg15 : memref<!tpu.dma_semaphore, #tpu.memory_space<semaphore_mem>>) src(%dma_wait3A_91 : memref<10000x128xf32, #tpu.memory_space<hbm>>) dst(%arg11 : memref<128x128xf32, #tpu.memory_space<vmem>>)
    %dma_start3A_92 = arith.constant 1 : i32
    %dma_start3A_93 = arith.constant 0 : i32
    %dma_start3A_94 = tpu.memref_slice %arg8[%dma_start3A_92, %dma_start3A_93] : memref<8x128xi32, #tpu.memory_space<vmem>> -> memref<1x128xi32, #tpu.memory_space<vmem>>
    %dma_start3A_95 = tpu.memref_squeeze %dma_start3A_94 : memref<1x128xi32, #tpu.memory_space<vmem>> -> memref<128xi32, #tpu.memory_space<vmem>>
    %dma_start3A_96 = arith.constant 0 : i32
    %dma_start3A_97 = arith.constant 0 : i32
    %dma_start3A_98 = tpu.memref_slice %arg18[%dma_start3A_96, %dma_start3A_97] : memref<10240x128xf32, #tpu.memory_space<vmem_shared>> -> memref<10240x128xf32, #tpu.memory_space<vmem_shared>>
    tpu.enqueue_indirect_dma source(%arg11 : memref<128x128xf32, #tpu.memory_space<vmem>>) target(%dma_start3A_98 : memref<10240x128xf32, #tpu.memory_space<vmem_shared>>) offsets(%dma_start3A_95 : memref<128xi32, #tpu.memory_space<vmem>>) semaphore(%arg17 : memref<!tpu.dma_semaphore, #tpu.memory_space<semaphore_mem>>) {add = true}
    %dma_wait3A_99 = arith.constant 1 : i32
    %dma_wait3A_100 = arith.constant 0 : i32
    %dma_wait3A_101 = tpu.memref_slice %arg8[%dma_wait3A_99, %dma_wait3A_100] : memref<8x128xi32, #tpu.memory_space<vmem>> -> memref<1x128xi32, #tpu.memory_space<vmem>>
    %dma_wait3A_102 = tpu.memref_squeeze %dma_wait3A_101 : memref<1x128xi32, #tpu.memory_space<vmem>> -> memref<128xi32, #tpu.memory_space<vmem>>
    %dma_wait3A_103 = arith.constant 0 : i32
    %dma_wait3A_104 = arith.constant 0 : i32
    %dma_wait3A_105 = tpu.memref_slice %arg18[%dma_wait3A_103, %dma_wait3A_104] : memref<10240x128xf32, #tpu.memory_space<vmem_shared>> -> memref<10240x128xf32, #tpu.memory_space<vmem_shared>>
    tpu.wait_indirect_dma semaphore(%arg17 : memref<!tpu.dma_semaphore, #tpu.memory_space<semaphore_mem>>) src(%arg11 : memref<128x128xf32, #tpu.memory_space<vmem>>) dst(%dma_wait3A_105 : memref<10240x128xf32, #tpu.memory_space<vmem_shared>>)
    %dma_start3A_106 = arith.constant 3 : i32
    %dma_start3A_107 = arith.constant 0 : i32
    %dma_start3A_108 = tpu.memref_slice %arg6[%dma_start3A_106, %dma_start3A_107] : memref<8x128xi32, #tpu.memory_space<vmem>> -> memref<1x128xi32, #tpu.memory_space<vmem>>
    %dma_start3A_109 = tpu.memref_squeeze %dma_start3A_108 : memref<1x128xi32, #tpu.memory_space<vmem>> -> memref<128xi32, #tpu.memory_space<vmem>>
    %dma_start3A_110 = arith.constant 0 : i32
    %dma_start3A_111 = arith.constant 0 : i32
    %dma_start3A_112 = tpu.memref_slice %arg2[%dma_start3A_110, %dma_start3A_111] : memref<10000x128xf32, #tpu.memory_space<hbm>> -> memref<10000x128xf32, #tpu.memory_space<hbm>>
    tpu.enqueue_indirect_dma source(%dma_start3A_112 : memref<10000x128xf32, #tpu.memory_space<hbm>>) target(%arg11 : memref<128x128xf32, #tpu.memory_space<vmem>>) offsets(%dma_start3A_109 : memref<128xi32, #tpu.memory_space<vmem>>) semaphore(%arg15 : memref<!tpu.dma_semaphore, #tpu.memory_space<semaphore_mem>>)
    %dma_wait3A_113 = arith.constant 2 : i32
    %dma_wait3A_114 = arith.constant 0 : i32
    %dma_wait3A_115 = tpu.memref_slice %arg6[%dma_wait3A_113, %dma_wait3A_114] : memref<8x128xi32, #tpu.memory_space<vmem>> -> memref<1x128xi32, #tpu.memory_space<vmem>>
    %dma_wait3A_116 = tpu.memref_squeeze %dma_wait3A_115 : memref<1x128xi32, #tpu.memory_space<vmem>> -> memref<128xi32, #tpu.memory_space<vmem>>
    %dma_wait3A_117 = arith.constant 0 : i32
    %dma_wait3A_118 = arith.constant 0 : i32
    %dma_wait3A_119 = tpu.memref_slice %arg2[%dma_wait3A_117, %dma_wait3A_118] : memref<10000x128xf32, #tpu.memory_space<hbm>> -> memref<10000x128xf32, #tpu.memory_space<hbm>>
    tpu.wait_indirect_dma semaphore(%arg14 : memref<!tpu.dma_semaphore, #tpu.memory_space<semaphore_mem>>) src(%dma_wait3A_119 : memref<10000x128xf32, #tpu.memory_space<hbm>>) dst(%arg10 : memref<128x128xf32, #tpu.memory_space<vmem>>)
    %dma_start3A_120 = arith.constant 2 : i32
    %dma_start3A_121 = arith.constant 0 : i32
    %dma_start3A_122 = tpu.memref_slice %arg8[%dma_start3A_120, %dma_start3A_121] : memref<8x128xi32, #tpu.memory_space<vmem>> -> memref<1x128xi32, #tpu.memory_space<vmem>>
    %dma_start3A_123 = tpu.memref_squeeze %dma_start3A_122 : memref<1x128xi32, #tpu.memory_space<vmem>> -> memref<128xi32, #tpu.memory_space<vmem>>
    %dma_start3A_124 = arith.constant 0 : i32
    %dma_start3A_125 = arith.constant 0 : i32
    %dma_start3A_126 = tpu.memref_slice %arg18[%dma_start3A_124, %dma_start3A_125] : memref<10240x128xf32, #tpu.memory_space<vmem_shared>> -> memref<10240x128xf32, #tpu.memory_space<vmem_shared>>
    tpu.enqueue_indirect_dma source(%arg10 : memref<128x128xf32, #tpu.memory_space<vmem>>) target(%dma_start3A_126 : memref<10240x128xf32, #tpu.memory_space<vmem_shared>>) offsets(%dma_start3A_123 : memref<128xi32, #tpu.memory_space<vmem>>) semaphore(%arg16 : memref<!tpu.dma_semaphore, #tpu.memory_space<semaphore_mem>>) {add = true}
    %dma_wait3A_127 = arith.constant 2 : i32
    %dma_wait3A_128 = arith.constant 0 : i32
    %dma_wait3A_129 = tpu.memref_slice %arg8[%dma_wait3A_127, %dma_wait3A_128] : memref<8x128xi32, #tpu.memory_space<vmem>> -> memref<1x128xi32, #tpu.memory_space<vmem>>
    %dma_wait3A_130 = tpu.memref_squeeze %dma_wait3A_129 : memref<1x128xi32, #tpu.memory_space<vmem>> -> memref<128xi32, #tpu.memory_space<vmem>>
    %dma_wait3A_131 = arith.constant 0 : i32
    %dma_wait3A_132 = arith.constant 0 : i32
    %dma_wait3A_133 = tpu.memref_slice %arg18[%dma_wait3A_131, %dma_wait3A_132] : memref<10240x128xf32, #tpu.memory_space<vmem_shared>> -> memref<10240x128xf32, #tpu.memory_space<vmem_shared>>
    tpu.wait_indirect_dma semaphore(%arg16 : memref<!tpu.dma_semaphore, #tpu.memory_space<semaphore_mem>>) src(%arg10 : memref<128x128xf32, #tpu.memory_space<vmem>>) dst(%dma_wait3A_133 : memref<10240x128xf32, #tpu.memory_space<vmem_shared>>)
    %dma_start3A_134 = arith.constant 4 : i32
    %dma_start3A_135 = arith.constant 0 : i32
    %dma_start3A_136 = tpu.memref_slice %arg6[%dma_start3A_134, %dma_start3A_135] : memref<8x128xi32, #tpu.memory_space<vmem>> -> memref<1x128xi32, #tpu.memory_space<vmem>>
    %dma_start3A_137 = tpu.memref_squeeze %dma_start3A_136 : memref<1x128xi32, #tpu.memory_space<vmem>> -> memref<128xi32, #tpu.memory_space<vmem>>
    %dma_start3A_138 = arith.constant 0 : i32
    %dma_start3A_139 = arith.constant 0 : i32
    %dma_start3A_140 = tpu.memref_slice %arg2[%dma_start3A_138, %dma_start3A_139] : memref<10000x128xf32, #tpu.memory_space<hbm>> -> memref<10000x128xf32, #tpu.memory_space<hbm>>
    tpu.enqueue_indirect_dma source(%dma_start3A_140 : memref<10000x128xf32, #tpu.memory_space<hbm>>) target(%arg10 : memref<128x128xf32, #tpu.memory_space<vmem>>) offsets(%dma_start3A_137 : memref<128xi32, #tpu.memory_space<vmem>>) semaphore(%arg14 : memref<!tpu.dma_semaphore, #tpu.memory_space<semaphore_mem>>)
    %dma_wait3A_141 = arith.constant 3 : i32
    %dma_wait3A_142 = arith.constant 0 : i32
    %dma_wait3A_143 = tpu.memref_slice %arg6[%dma_wait3A_141, %dma_wait3A_142] : memref<8x128xi32, #tpu.memory_space<vmem>> -> memref<1x128xi32, #tpu.memory_space<vmem>>
    %dma_wait3A_144 = tpu.memref_squeeze %dma_wait3A_143 : memref<1x128xi32, #tpu.memory_space<vmem>> -> memref<128xi32, #tpu.memory_space<vmem>>
    %dma_wait3A_145 = arith.constant 0 : i32
    %dma_wait3A_146 = arith.constant 0 : i32
    %dma_wait3A_147 = tpu.memref_slice %arg2[%dma_wait3A_145, %dma_wait3A_146] : memref<10000x128xf32, #tpu.memory_space<hbm>> -> memref<10000x128xf32, #tpu.memory_space<hbm>>
    tpu.wait_indirect_dma semaphore(%arg15 : memref<!tpu.dma_semaphore, #tpu.memory_space<semaphore_mem>>) src(%dma_wait3A_147 : memref<10000x128xf32, #tpu.memory_space<hbm>>) dst(%arg11 : memref<128x128xf32, #tpu.memory_space<vmem>>)
    %dma_start3A_148 = arith.constant 3 : i32
    %dma_start3A_149 = arith.constant 0 : i32
    %dma_start3A_150 = tpu.memref_slice %arg8[%dma_start3A_148, %dma_start3A_149] : memref<8x128xi32, #tpu.memory_space<vmem>> -> memref<1x128xi32, #tpu.memory_space<vmem>>
    %dma_start3A_151 = tpu.memref_squeeze %dma_start3A_150 : memref<1x128xi32, #tpu.memory_space<vmem>> -> memref<128xi32, #tpu.memory_space<vmem>>
    %dma_start3A_152 = arith.constant 0 : i32
    %dma_start3A_153 = arith.constant 0 : i32
    %dma_start3A_154 = tpu.memref_slice %arg18[%dma_start3A_152, %dma_start3A_153] : memref<10240x128xf32, #tpu.memory_space<vmem_shared>> -> memref<10240x128xf32, #tpu.memory_space<vmem_shared>>
    tpu.enqueue_indirect_dma source(%arg11 : memref<128x128xf32, #tpu.memory_space<vmem>>) target(%dma_start3A_154 : memref<10240x128xf32, #tpu.memory_space<vmem_shared>>) offsets(%dma_start3A_151 : memref<128xi32, #tpu.memory_space<vmem>>) semaphore(%arg17 : memref<!tpu.dma_semaphore, #tpu.memory_space<semaphore_mem>>) {add = true}
    %dma_wait3A_155 = arith.constant 3 : i32
    %dma_wait3A_156 = arith.constant 0 : i32
    %dma_wait3A_157 = tpu.memref_slice %arg8[%dma_wait3A_155, %dma_wait3A_156] : memref<8x128xi32, #tpu.memory_space<vmem>> -> memref<1x128xi32, #tpu.memory_space<vmem>>
    %dma_wait3A_158 = tpu.memref_squeeze %dma_wait3A_157 : memref<1x128xi32, #tpu.memory_space<vmem>> -> memref<128xi32, #tpu.memory_space<vmem>>
    %dma_wait3A_159 = arith.constant 0 : i32
    %dma_wait3A_160 = arith.constant 0 : i32
    %dma_wait3A_161 = tpu.memref_slice %arg18[%dma_wait3A_159, %dma_wait3A_160] : memref<10240x128xf32, #tpu.memory_space<vmem_shared>> -> memref<10240x128xf32, #tpu.memory_space<vmem_shared>>
    tpu.wait_indirect_dma semaphore(%arg17 : memref<!tpu.dma_semaphore, #tpu.memory_space<semaphore_mem>>) src(%arg11 : memref<128x128xf32, #tpu.memory_space<vmem>>) dst(%dma_wait3A_161 : memref<10240x128xf32, #tpu.memory_space<vmem_shared>>)
    %dma_start3A_162 = arith.constant 5 : i32
    %dma_start3A_163 = arith.constant 0 : i32
    %dma_start3A_164 = tpu.memref_slice %arg6[%dma_start3A_162, %dma_start3A_163] : memref<8x128xi32, #tpu.memory_space<vmem>> -> memref<1x128xi32, #tpu.memory_space<vmem>>
    %dma_start3A_165 = tpu.memref_squeeze %dma_start3A_164 : memref<1x128xi32, #tpu.memory_space<vmem>> -> memref<128xi32, #tpu.memory_space<vmem>>
    %dma_start3A_166 = arith.constant 0 : i32
    %dma_start3A_167 = arith.constant 0 : i32
    %dma_start3A_168 = tpu.memref_slice %arg2[%dma_start3A_166, %dma_start3A_167] : memref<10000x128xf32, #tpu.memory_space<hbm>> -> memref<10000x128xf32, #tpu.memory_space<hbm>>
    tpu.enqueue_indirect_dma source(%dma_start3A_168 : memref<10000x128xf32, #tpu.memory_space<hbm>>) target(%arg11 : memref<128x128xf32, #tpu.memory_space<vmem>>) offsets(%dma_start3A_165 : memref<128xi32, #tpu.memory_space<vmem>>) semaphore(%arg15 : memref<!tpu.dma_semaphore, #tpu.memory_space<semaphore_mem>>)
    %dma_wait3A_169 = arith.constant 4 : i32
    %dma_wait3A_170 = arith.constant 0 : i32
    %dma_wait3A_171 = tpu.memref_slice %arg6[%dma_wait3A_169, %dma_wait3A_170] : memref<8x128xi32, #tpu.memory_space<vmem>> -> memref<1x128xi32, #tpu.memory_space<vmem>>
    %dma_wait3A_172 = tpu.memref_squeeze %dma_wait3A_171 : memref<1x128xi32, #tpu.memory_space<vmem>> -> memref<128xi32, #tpu.memory_space<vmem>>
    %dma_wait3A_173 = arith.constant 0 : i32
    %dma_wait3A_174 = arith.constant 0 : i32
    %dma_wait3A_175 = tpu.memref_slice %arg2[%dma_wait3A_173, %dma_wait3A_174] : memref<10000x128xf32, #tpu.memory_space<hbm>> -> memref<10000x128xf32, #tpu.memory_space<hbm>>
    tpu.wait_indirect_dma semaphore(%arg14 : memref<!tpu.dma_semaphore, #tpu.memory_space<semaphore_mem>>) src(%dma_wait3A_175 : memref<10000x128xf32, #tpu.memory_space<hbm>>) dst(%arg10 : memref<128x128xf32, #tpu.memory_space<vmem>>)
    %dma_start3A_176 = arith.constant 4 : i32
    %dma_start3A_177 = arith.constant 0 : i32
    %dma_start3A_178 = tpu.memref_slice %arg8[%dma_start3A_176, %dma_start3A_177] : memref<8x128xi32, #tpu.memory_space<vmem>> -> memref<1x128xi32, #tpu.memory_space<vmem>>
    %dma_start3A_179 = tpu.memref_squeeze %dma_start3A_178 : memref<1x128xi32, #tpu.memory_space<vmem>> -> memref<128xi32, #tpu.memory_space<vmem>>
    %dma_start3A_180 = arith.constant 0 : i32
    %dma_start3A_181 = arith.constant 0 : i32
    %dma_start3A_182 = tpu.memref_slice %arg18[%dma_start3A_180, %dma_start3A_181] : memref<10240x128xf32, #tpu.memory_space<vmem_shared>> -> memref<10240x128xf32, #tpu.memory_space<vmem_shared>>
    tpu.enqueue_indirect_dma source(%arg10 : memref<128x128xf32, #tpu.memory_space<vmem>>) target(%dma_start3A_182 : memref<10240x128xf32, #tpu.memory_space<vmem_shared>>) offsets(%dma_start3A_179 : memref<128xi32, #tpu.memory_space<vmem>>) semaphore(%arg16 : memref<!tpu.dma_semaphore, #tpu.memory_space<semaphore_mem>>) {add = true}
    %dma_wait3A_183 = arith.constant 4 : i32
    %dma_wait3A_184 = arith.constant 0 : i32
    %dma_wait3A_185 = tpu.memref_slice %arg8[%dma_wait3A_183, %dma_wait3A_184] : memref<8x128xi32, #tpu.memory_space<vmem>> -> memref<1x128xi32, #tpu.memory_space<vmem>>
    %dma_wait3A_186 = tpu.memref_squeeze %dma_wait3A_185 : memref<1x128xi32, #tpu.memory_space<vmem>> -> memref<128xi32, #tpu.memory_space<vmem>>
    %dma_wait3A_187 = arith.constant 0 : i32
    %dma_wait3A_188 = arith.constant 0 : i32
    %dma_wait3A_189 = tpu.memref_slice %arg18[%dma_wait3A_187, %dma_wait3A_188] : memref<10240x128xf32, #tpu.memory_space<vmem_shared>> -> memref<10240x128xf32, #tpu.memory_space<vmem_shared>>
    tpu.wait_indirect_dma semaphore(%arg16 : memref<!tpu.dma_semaphore, #tpu.memory_space<semaphore_mem>>) src(%arg10 : memref<128x128xf32, #tpu.memory_space<vmem>>) dst(%dma_wait3A_189 : memref<10240x128xf32, #tpu.memory_space<vmem_shared>>)
    %dma_start3A_190 = arith.constant 6 : i32
    %dma_start3A_191 = arith.constant 0 : i32
    %dma_start3A_192 = tpu.memref_slice %arg6[%dma_start3A_190, %dma_start3A_191] : memref<8x128xi32, #tpu.memory_space<vmem>> -> memref<1x128xi32, #tpu.memory_space<vmem>>
    %dma_start3A_193 = tpu.memref_squeeze %dma_start3A_192 : memref<1x128xi32, #tpu.memory_space<vmem>> -> memref<128xi32, #tpu.memory_space<vmem>>
    %dma_start3A_194 = arith.constant 0 : i32
    %dma_start3A_195 = arith.constant 0 : i32
    %dma_start3A_196 = tpu.memref_slice %arg2[%dma_start3A_194, %dma_start3A_195] : memref<10000x128xf32, #tpu.memory_space<hbm>> -> memref<10000x128xf32, #tpu.memory_space<hbm>>
    tpu.enqueue_indirect_dma source(%dma_start3A_196 : memref<10000x128xf32, #tpu.memory_space<hbm>>) target(%arg10 : memref<128x128xf32, #tpu.memory_space<vmem>>) offsets(%dma_start3A_193 : memref<128xi32, #tpu.memory_space<vmem>>) semaphore(%arg14 : memref<!tpu.dma_semaphore, #tpu.memory_space<semaphore_mem>>)
    %dma_wait3A_197 = arith.constant 5 : i32
    %dma_wait3A_198 = arith.constant 0 : i32
    %dma_wait3A_199 = tpu.memref_slice %arg6[%dma_wait3A_197, %dma_wait3A_198] : memref<8x128xi32, #tpu.memory_space<vmem>> -> memref<1x128xi32, #tpu.memory_space<vmem>>
    %dma_wait3A_200 = tpu.memref_squeeze %dma_wait3A_199 : memref<1x128xi32, #tpu.memory_space<vmem>> -> memref<128xi32, #tpu.memory_space<vmem>>
    %dma_wait3A_201 = arith.constant 0 : i32
    %dma_wait3A_202 = arith.constant 0 : i32
    %dma_wait3A_203 = tpu.memref_slice %arg2[%dma_wait3A_201, %dma_wait3A_202] : memref<10000x128xf32, #tpu.memory_space<hbm>> -> memref<10000x128xf32, #tpu.memory_space<hbm>>
    tpu.wait_indirect_dma semaphore(%arg15 : memref<!tpu.dma_semaphore, #tpu.memory_space<semaphore_mem>>) src(%dma_wait3A_203 : memref<10000x128xf32, #tpu.memory_space<hbm>>) dst(%arg11 : memref<128x128xf32, #tpu.memory_space<vmem>>)
    %dma_start3A_204 = arith.constant 5 : i32
    %dma_start3A_205 = arith.constant 0 : i32
    %dma_start3A_206 = tpu.memref_slice %arg8[%dma_start3A_204, %dma_start3A_205] : memref<8x128xi32, #tpu.memory_space<vmem>> -> memref<1x128xi32, #tpu.memory_space<vmem>>
    %dma_start3A_207 = tpu.memref_squeeze %dma_start3A_206 : memref<1x128xi32, #tpu.memory_space<vmem>> -> memref<128xi32, #tpu.memory_space<vmem>>
    %dma_start3A_208 = arith.constant 0 : i32
    %dma_start3A_209 = arith.constant 0 : i32
    %dma_start3A_210 = tpu.memref_slice %arg18[%dma_start3A_208, %dma_start3A_209] : memref<10240x128xf32, #tpu.memory_space<vmem_shared>> -> memref<10240x128xf32, #tpu.memory_space<vmem_shared>>
    tpu.enqueue_indirect_dma source(%arg11 : memref<128x128xf32, #tpu.memory_space<vmem>>) target(%dma_start3A_210 : memref<10240x128xf32, #tpu.memory_space<vmem_shared>>) offsets(%dma_start3A_207 : memref<128xi32, #tpu.memory_space<vmem>>) semaphore(%arg17 : memref<!tpu.dma_semaphore, #tpu.memory_space<semaphore_mem>>) {add = true}
    %dma_wait3A_211 = arith.constant 5 : i32
    %dma_wait3A_212 = arith.constant 0 : i32
    %dma_wait3A_213 = tpu.memref_slice %arg8[%dma_wait3A_211, %dma_wait3A_212] : memref<8x128xi32, #tpu.memory_space<vmem>> -> memref<1x128xi32, #tpu.memory_space<vmem>>
    %dma_wait3A_214 = tpu.memref_squeeze %dma_wait3A_213 : memref<1x128xi32, #tpu.memory_space<vmem>> -> memref<128xi32, #tpu.memory_space<vmem>>
    %dma_wait3A_215 = arith.constant 0 : i32
    %dma_wait3A_216 = arith.constant 0 : i32
    %dma_wait3A_217 = tpu.memref_slice %arg18[%dma_wait3A_215, %dma_wait3A_216] : memref<10240x128xf32, #tpu.memory_space<vmem_shared>> -> memref<10240x128xf32, #tpu.memory_space<vmem_shared>>
    tpu.wait_indirect_dma semaphore(%arg17 : memref<!tpu.dma_semaphore, #tpu.memory_space<semaphore_mem>>) src(%arg11 : memref<128x128xf32, #tpu.memory_space<vmem>>) dst(%dma_wait3A_217 : memref<10240x128xf32, #tpu.memory_space<vmem_shared>>)
    %dma_start3A_218 = arith.constant 7 : i32
    %dma_start3A_219 = arith.constant 0 : i32
    %dma_start3A_220 = tpu.memref_slice %arg6[%dma_start3A_218, %dma_start3A_219] : memref<8x128xi32, #tpu.memory_space<vmem>> -> memref<1x128xi32, #tpu.memory_space<vmem>>
    %dma_start3A_221 = tpu.memref_squeeze %dma_start3A_220 : memref<1x128xi32, #tpu.memory_space<vmem>> -> memref<128xi32, #tpu.memory_space<vmem>>
    %dma_start3A_222 = arith.constant 0 : i32
    %dma_start3A_223 = arith.constant 0 : i32
    %dma_start3A_224 = tpu.memref_slice %arg2[%dma_start3A_222, %dma_start3A_223] : memref<10000x128xf32, #tpu.memory_space<hbm>> -> memref<10000x128xf32, #tpu.memory_space<hbm>>
    tpu.enqueue_indirect_dma source(%dma_start3A_224 : memref<10000x128xf32, #tpu.memory_space<hbm>>) target(%arg11 : memref<128x128xf32, #tpu.memory_space<vmem>>) offsets(%dma_start3A_221 : memref<128xi32, #tpu.memory_space<vmem>>) semaphore(%arg15 : memref<!tpu.dma_semaphore, #tpu.memory_space<semaphore_mem>>)
    %dma_wait3A_225 = arith.constant 6 : i32
    %dma_wait3A_226 = arith.constant 0 : i32
    %dma_wait3A_227 = tpu.memref_slice %arg6[%dma_wait3A_225, %dma_wait3A_226] : memref<8x128xi32, #tpu.memory_space<vmem>> -> memref<1x128xi32, #tpu.memory_space<vmem>>
    %dma_wait3A_228 = tpu.memref_squeeze %dma_wait3A_227 : memref<1x128xi32, #tpu.memory_space<vmem>> -> memref<128xi32, #tpu.memory_space<vmem>>
    %dma_wait3A_229 = arith.constant 0 : i32
    %dma_wait3A_230 = arith.constant 0 : i32
    %dma_wait3A_231 = tpu.memref_slice %arg2[%dma_wait3A_229, %dma_wait3A_230] : memref<10000x128xf32, #tpu.memory_space<hbm>> -> memref<10000x128xf32, #tpu.memory_space<hbm>>
    tpu.wait_indirect_dma semaphore(%arg14 : memref<!tpu.dma_semaphore, #tpu.memory_space<semaphore_mem>>) src(%dma_wait3A_231 : memref<10000x128xf32, #tpu.memory_space<hbm>>) dst(%arg10 : memref<128x128xf32, #tpu.memory_space<vmem>>)
    %dma_start3A_232 = arith.constant 6 : i32
    %dma_start3A_233 = arith.constant 0 : i32
    %dma_start3A_234 = tpu.memref_slice %arg8[%dma_start3A_232, %dma_start3A_233] : memref<8x128xi32, #tpu.memory_space<vmem>> -> memref<1x128xi32, #tpu.memory_space<vmem>>
    %dma_start3A_235 = tpu.memref_squeeze %dma_start3A_234 : memref<1x128xi32, #tpu.memory_space<vmem>> -> memref<128xi32, #tpu.memory_space<vmem>>
    %dma_start3A_236 = arith.constant 0 : i32
    %dma_start3A_237 = arith.constant 0 : i32
    %dma_start3A_238 = tpu.memref_slice %arg18[%dma_start3A_236, %dma_start3A_237] : memref<10240x128xf32, #tpu.memory_space<vmem_shared>> -> memref<10240x128xf32, #tpu.memory_space<vmem_shared>>
    tpu.enqueue_indirect_dma source(%arg10 : memref<128x128xf32, #tpu.memory_space<vmem>>) target(%dma_start3A_238 : memref<10240x128xf32, #tpu.memory_space<vmem_shared>>) offsets(%dma_start3A_235 : memref<128xi32, #tpu.memory_space<vmem>>) semaphore(%arg16 : memref<!tpu.dma_semaphore, #tpu.memory_space<semaphore_mem>>) {add = true}
    %scan3A_239 = arith.constant 0 : i32
    %scan3A_240 = arith.constant 0 : i32
    %scan3A_241 = arith.constant 4 : i32
    %scan3A_242 = arith.addi %scan3A_240, %scan3A_241 : i32
    %scan3A_243 = arith.constant 1 : i32
    scf.for %scan3A_518 = %scan3A_240 to %scan3A_242 step %scan3A_243  : i32 {
      %dma_wait3A_519 = arith.constant 0 : i32
      %dma_wait3A_520 = arith.constant 0 : i32
      %dma_wait3A_521 = arith.constant 0 : i32
      %dma_wait3A_522 = tpu.memref_slice %arg3[%add3A, %dma_wait3A_519, %dma_wait3A_520, %dma_wait3A_521] : memref<32x10x8x128xi32, #tpu.memory_space<hbm>> -> memref<1x1x8x128xi32, #tpu.memory_space<hbm>>
      %dma_wait3A_523 = tpu.memref_squeeze %dma_wait3A_522 : memref<1x1x8x128xi32, #tpu.memory_space<hbm>> -> memref<8x128xi32, #tpu.memory_space<hbm>>
      %dma_wait3A_524 = arith.constant 0 : i32
      %dma_wait3A_525 = arith.constant 0 : i32
      %dma_wait3A_526 = tpu.memref_slice %arg3[%add3A, %dma_wait3A_519, %dma_wait3A_524, %dma_wait3A_525] : memref<32x10x8x128xi32, #tpu.memory_space<hbm>> -> memref<1x1x8x128xi32, #tpu.memory_space<hbm>>
      %dma_wait3A_527 = tpu.memref_squeeze %dma_wait3A_526 : memref<1x1x8x128xi32, #tpu.memory_space<hbm>> -> memref<8x128xi32, #tpu.memory_space<hbm>>
      tpu.wait_dma2 semaphore(%arg13 : memref<!tpu.dma_semaphore, #tpu.memory_space<semaphore_mem>>) src(%dma_wait3A_527 : memref<8x128xi32, #tpu.memory_space<hbm>>) dst(%arg7 : memref<8x128xi32, #tpu.memory_space<vmem>>)
      %dma_wait3A_528 = arith.constant 0 : i32
      %dma_wait3A_529 = arith.constant 0 : i32
      %dma_wait3A_530 = arith.constant 0 : i32
      %dma_wait3A_531 = tpu.memref_slice %arg4[%add3A, %dma_wait3A_528, %dma_wait3A_529, %dma_wait3A_530] : memref<32x10x8x128xi32, #tpu.memory_space<hbm>> -> memref<1x1x8x128xi32, #tpu.memory_space<hbm>>
      %dma_wait3A_532 = tpu.memref_squeeze %dma_wait3A_531 : memref<1x1x8x128xi32, #tpu.memory_space<hbm>> -> memref<8x128xi32, #tpu.memory_space<hbm>>
      %dma_wait3A_533 = arith.constant 0 : i32
      %dma_wait3A_534 = arith.constant 0 : i32
      %dma_wait3A_535 = tpu.memref_slice %arg4[%add3A, %dma_wait3A_528, %dma_wait3A_533, %dma_wait3A_534] : memref<32x10x8x128xi32, #tpu.memory_space<hbm>> -> memref<1x1x8x128xi32, #tpu.memory_space<hbm>>
      %dma_wait3A_536 = tpu.memref_squeeze %dma_wait3A_535 : memref<1x1x8x128xi32, #tpu.memory_space<hbm>> -> memref<8x128xi32, #tpu.memory_space<hbm>>
      tpu.wait_dma2 semaphore(%arg13 : memref<!tpu.dma_semaphore, #tpu.memory_space<semaphore_mem>>) src(%dma_wait3A_536 : memref<8x128xi32, #tpu.memory_space<hbm>>) dst(%arg9 : memref<8x128xi32, #tpu.memory_space<vmem>>)
      %dma_wait3A_537 = arith.constant 6 : i32
      %dma_wait3A_538 = arith.constant 0 : i32
      %dma_wait3A_539 = tpu.memref_slice %arg8[%dma_wait3A_537, %dma_wait3A_538] : memref<8x128xi32, #tpu.memory_space<vmem>> -> memref<1x128xi32, #tpu.memory_space<vmem>>
      %dma_wait3A_540 = tpu.memref_squeeze %dma_wait3A_539 : memref<1x128xi32, #tpu.memory_space<vmem>> -> memref<128xi32, #tpu.memory_space<vmem>>
      %dma_wait3A_541 = arith.constant 0 : i32
      %dma_wait3A_542 = arith.constant 0 : i32
      %dma_wait3A_543 = tpu.memref_slice %arg18[%dma_wait3A_541, %dma_wait3A_542] : memref<10240x128xf32, #tpu.memory_space<vmem_shared>> -> memref<10240x128xf32, #tpu.memory_space<vmem_shared>>
      tpu.wait_indirect_dma semaphore(%arg16 : memref<!tpu.dma_semaphore, #tpu.memory_space<semaphore_mem>>) src(%arg10 : memref<128x128xf32, #tpu.memory_space<vmem>>) dst(%dma_wait3A_543 : memref<10240x128xf32, #tpu.memory_space<vmem_shared>>)
      %dma_start3A_544 = arith.constant 0 : i32
      %dma_start3A_545 = arith.constant 0 : i32
      %dma_start3A_546 = tpu.memref_slice %arg7[%dma_start3A_544, %dma_start3A_545] : memref<8x128xi32, #tpu.memory_space<vmem>> -> memref<1x128xi32, #tpu.memory_space<vmem>>
      %dma_start3A_547 = tpu.memref_squeeze %dma_start3A_546 : memref<1x128xi32, #tpu.memory_space<vmem>> -> memref<128xi32, #tpu.memory_space<vmem>>
      %dma_start3A_548 = arith.constant 0 : i32
      %dma_start3A_549 = arith.constant 0 : i32
      %dma_start3A_550 = tpu.memref_slice %arg2[%dma_start3A_548, %dma_start3A_549] : memref<10000x128xf32, #tpu.memory_space<hbm>> -> memref<10000x128xf32, #tpu.memory_space<hbm>>
      tpu.enqueue_indirect_dma source(%dma_start3A_550 : memref<10000x128xf32, #tpu.memory_space<hbm>>) target(%arg10 : memref<128x128xf32, #tpu.memory_space<vmem>>) offsets(%dma_start3A_547 : memref<128xi32, #tpu.memory_space<vmem>>) semaphore(%arg14 : memref<!tpu.dma_semaphore, #tpu.memory_space<semaphore_mem>>)
      %dma_wait3A_551 = arith.constant 7 : i32
      %dma_wait3A_552 = arith.constant 0 : i32
      %dma_wait3A_553 = tpu.memref_slice %arg6[%dma_wait3A_551, %dma_wait3A_552] : memref<8x128xi32, #tpu.memory_space<vmem>> -> memref<1x128xi32, #tpu.memory_space<vmem>>
      %dma_wait3A_554 = tpu.memref_squeeze %dma_wait3A_553 : memref<1x128xi32, #tpu.memory_space<vmem>> -> memref<128xi32, #tpu.memory_space<vmem>>
      %dma_wait3A_555 = arith.constant 0 : i32
      %dma_wait3A_556 = arith.constant 0 : i32
      %dma_wait3A_557 = tpu.memref_slice %arg2[%dma_wait3A_555, %dma_wait3A_556] : memref<10000x128xf32, #tpu.memory_space<hbm>> -> memref<10000x128xf32, #tpu.memory_space<hbm>>
      tpu.wait_indirect_dma semaphore(%arg15 : memref<!tpu.dma_semaphore, #tpu.memory_space<semaphore_mem>>) src(%dma_wait3A_557 : memref<10000x128xf32, #tpu.memory_space<hbm>>) dst(%arg11 : memref<128x128xf32, #tpu.memory_space<vmem>>)
      %dma_start3A_558 = arith.constant 7 : i32
      %dma_start3A_559 = arith.constant 0 : i32
      %dma_start3A_560 = tpu.memref_slice %arg8[%dma_start3A_558, %dma_start3A_559] : memref<8x128xi32, #tpu.memory_space<vmem>> -> memref<1x128xi32, #tpu.memory_space<vmem>>
      %dma_start3A_561 = tpu.memref_squeeze %dma_start3A_560 : memref<1x128xi32, #tpu.memory_space<vmem>> -> memref<128xi32, #tpu.memory_space<vmem>>
      %dma_start3A_562 = arith.constant 0 : i32
      %dma_start3A_563 = arith.constant 0 : i32
      %dma_start3A_564 = tpu.memref_slice %arg18[%dma_start3A_562, %dma_start3A_563] : memref<10240x128xf32, #tpu.memory_space<vmem_shared>> -> memref<10240x128xf32, #tpu.memory_space<vmem_shared>>
      tpu.enqueue_indirect_dma source(%arg11 : memref<128x128xf32, #tpu.memory_space<vmem>>) target(%dma_start3A_564 : memref<10240x128xf32, #tpu.memory_space<vmem_shared>>) offsets(%dma_start3A_561 : memref<128xi32, #tpu.memory_space<vmem>>) semaphore(%arg17 : memref<!tpu.dma_semaphore, #tpu.memory_space<semaphore_mem>>) {add = true}
      %dma_wait3A_565 = arith.constant 7 : i32
      %dma_wait3A_566 = arith.constant 0 : i32
      %dma_wait3A_567 = tpu.memref_slice %arg8[%dma_wait3A_565, %dma_wait3A_566] : memref<8x128xi32, #tpu.memory_space<vmem>> -> memref<1x128xi32, #tpu.memory_space<vmem>>
      %dma_wait3A_568 = tpu.memref_squeeze %dma_wait3A_567 : memref<1x128xi32, #tpu.memory_space<vmem>> -> memref<128xi32, #tpu.memory_space<vmem>>
      %dma_wait3A_569 = arith.constant 0 : i32
      %dma_wait3A_570 = arith.constant 0 : i32
      %dma_wait3A_571 = tpu.memref_slice %arg18[%dma_wait3A_569, %dma_wait3A_570] : memref<10240x128xf32, #tpu.memory_space<vmem_shared>> -> memref<10240x128xf32, #tpu.memory_space<vmem_shared>>
      tpu.wait_indirect_dma semaphore(%arg17 : memref<!tpu.dma_semaphore, #tpu.memory_space<semaphore_mem>>) src(%arg11 : memref<128x128xf32, #tpu.memory_space<vmem>>) dst(%dma_wait3A_571 : memref<10240x128xf32, #tpu.memory_space<vmem_shared>>)
      %dma_start3A_572 = arith.constant 1 : i32
      %dma_start3A_573 = arith.constant 0 : i32
      %dma_start3A_574 = tpu.memref_slice %arg7[%dma_start3A_572, %dma_start3A_573] : memref<8x128xi32, #tpu.memory_space<vmem>> -> memref<1x128xi32, #tpu.memory_space<vmem>>
      %dma_start3A_575 = tpu.memref_squeeze %dma_start3A_574 : memref<1x128xi32, #tpu.memory_space<vmem>> -> memref<128xi32, #tpu.memory_space<vmem>>
      %dma_start3A_576 = arith.constant 0 : i32
      %dma_start3A_577 = arith.constant 0 : i32
      %dma_start3A_578 = tpu.memref_slice %arg2[%dma_start3A_576, %dma_start3A_577] : memref<10000x128xf32, #tpu.memory_space<hbm>> -> memref<10000x128xf32, #tpu.memory_space<hbm>>
      tpu.enqueue_indirect_dma source(%dma_start3A_578 : memref<10000x128xf32, #tpu.memory_space<hbm>>) target(%arg11 : memref<128x128xf32, #tpu.memory_space<vmem>>) offsets(%dma_start3A_575 : memref<128xi32, #tpu.memory_space<vmem>>) semaphore(%arg15 : memref<!tpu.dma_semaphore, #tpu.memory_space<semaphore_mem>>)
      %dma_wait3A_579 = arith.constant 0 : i32
      %dma_wait3A_580 = arith.constant 0 : i32
      %dma_wait3A_581 = tpu.memref_slice %arg7[%dma_wait3A_579, %dma_wait3A_580] : memref<8x128xi32, #tpu.memory_space<vmem>> -> memref<1x128xi32, #tpu.memory_space<vmem>>
      %dma_wait3A_582 = tpu.memref_squeeze %dma_wait3A_581 : memref<1x128xi32, #tpu.memory_space<vmem>> -> memref<128xi32, #tpu.memory_space<vmem>>
      %dma_wait3A_583 = arith.constant 0 : i32
      %dma_wait3A_584 = arith.constant 0 : i32
      %dma_wait3A_585 = tpu.memref_slice %arg2[%dma_wait3A_583, %dma_wait3A_584] : memref<10000x128xf32, #tpu.memory_space<hbm>> -> memref<10000x128xf32, #tpu.memory_space<hbm>>
      tpu.wait_indirect_dma semaphore(%arg14 : memref<!tpu.dma_semaphore, #tpu.memory_space<semaphore_mem>>) src(%dma_wait3A_585 : memref<10000x128xf32, #tpu.memory_space<hbm>>) dst(%arg10 : memref<128x128xf32, #tpu.memory_space<vmem>>)
      %dma_start3A_586 = arith.constant 0 : i32
      %dma_start3A_587 = arith.constant 0 : i32
      %dma_start3A_588 = tpu.memref_slice %arg9[%dma_start3A_586, %dma_start3A_587] : memref<8x128xi32, #tpu.memory_space<vmem>> -> memref<1x128xi32, #tpu.memory_space<vmem>>
      %dma_start3A_589 = tpu.memref_squeeze %dma_start3A_588 : memref<1x128xi32, #tpu.memory_space<vmem>> -> memref<128xi32, #tpu.memory_space<vmem>>
      %dma_start3A_590 = arith.constant 0 : i32
      %dma_start3A_591 = arith.constant 0 : i32
      %dma_start3A_592 = tpu.memref_slice %arg18[%dma_start3A_590, %dma_start3A_591] : memref<10240x128xf32, #tpu.memory_space<vmem_shared>> -> memref<10240x128xf32, #tpu.memory_space<vmem_shared>>
      tpu.enqueue_indirect_dma source(%arg10 : memref<128x128xf32, #tpu.memory_space<vmem>>) target(%dma_start3A_592 : memref<10240x128xf32, #tpu.memory_space<vmem_shared>>) offsets(%dma_start3A_589 : memref<128xi32, #tpu.memory_space<vmem>>) semaphore(%arg16 : memref<!tpu.dma_semaphore, #tpu.memory_space<semaphore_mem>>) {add = true}
      %mul3A_593 = arith.constant 2 : i32
      %mul3A_594 = arith.muli %mul3A_593, %scan3A_518 : i32
      %add3A_595 = arith.constant 1 : i32
      %add3A_596 = arith.addi %mul3A_594, %add3A_595 : i32
      %add3A_597 = arith.constant 1 : i32
      %add3A_598 = arith.addi %add3A_596, %add3A_597 : i32
      %dma_start3A_599 = arith.constant 0 : i32
      %dma_start3A_600 = arith.constant 0 : i32
      %dma_start3A_601 = tpu.memref_slice %arg3[%add3A, %add3A_598, %dma_start3A_599, %dma_start3A_600] : memref<32x10x8x128xi32, #tpu.memory_space<hbm>> -> memref<1x1x8x128xi32, #tpu.memory_space<hbm>>
      %dma_start3A_602 = tpu.memref_squeeze %dma_start3A_601 : memref<1x1x8x128xi32, #tpu.memory_space<hbm>> -> memref<8x128xi32, #tpu.memory_space<hbm>>
      %dma_start3A_603 = arith.constant 0 : i32
      %dma_start3A_604 = arith.constant 0 : i32
      %dma_start3A_605 = tpu.memref_slice %arg3[%add3A, %add3A_598, %dma_start3A_603, %dma_start3A_604] : memref<32x10x8x128xi32, #tpu.memory_space<hbm>> -> memref<1x1x8x128xi32, #tpu.memory_space<hbm>>
      %dma_start3A_606 = tpu.memref_squeeze %dma_start3A_605 : memref<1x1x8x128xi32, #tpu.memory_space<hbm>> -> memref<8x128xi32, #tpu.memory_space<hbm>>
      tpu.enqueue_dma source(%dma_start3A_606 : memref<8x128xi32, #tpu.memory_space<hbm>>) target(%arg6 : memref<8x128xi32, #tpu.memory_space<vmem>>) target_semaphore(%arg12 : memref<!tpu.dma_semaphore, #tpu.memory_space<semaphore_mem>>)
      %dma_start3A_607 = arith.constant 0 : i32
      %dma_start3A_608 = arith.constant 0 : i32
      %dma_start3A_609 = tpu.memref_slice %arg4[%add3A, %add3A_598, %dma_start3A_607, %dma_start3A_608] : memref<32x10x8x128xi32, #tpu.memory_space<hbm>> -> memref<1x1x8x128xi32, #tpu.memory_space<hbm>>
      %dma_start3A_610 = tpu.memref_squeeze %dma_start3A_609 : memref<1x1x8x128xi32, #tpu.memory_space<hbm>> -> memref<8x128xi32, #tpu.memory_space<hbm>>
      %dma_start3A_611 = arith.constant 0 : i32
      %dma_start3A_612 = arith.constant 0 : i32
      %dma_start3A_613 = tpu.memref_slice %arg4[%add3A, %add3A_598, %dma_start3A_611, %dma_start3A_612] : memref<32x10x8x128xi32, #tpu.memory_space<hbm>> -> memref<1x1x8x128xi32, #tpu.memory_space<hbm>>
      %dma_start3A_614 = tpu.memref_squeeze %dma_start3A_613 : memref<1x1x8x128xi32, #tpu.memory_space<hbm>> -> memref<8x128xi32, #tpu.memory_space<hbm>>
      tpu.enqueue_dma source(%dma_start3A_614 : memref<8x128xi32, #tpu.memory_space<hbm>>) target(%arg8 : memref<8x128xi32, #tpu.memory_space<vmem>>) target_semaphore(%arg12 : memref<!tpu.dma_semaphore, #tpu.memory_space<semaphore_mem>>)
      %dma_wait3A_615 = arith.constant 0 : i32
      %dma_wait3A_616 = arith.constant 0 : i32
      %dma_wait3A_617 = tpu.memref_slice %arg9[%dma_wait3A_615, %dma_wait3A_616] : memref<8x128xi32, #tpu.memory_space<vmem>> -> memref<1x128xi32, #tpu.memory_space<vmem>>
      %dma_wait3A_618 = tpu.memref_squeeze %dma_wait3A_617 : memref<1x128xi32, #tpu.memory_space<vmem>> -> memref<128xi32, #tpu.memory_space<vmem>>
      %dma_wait3A_619 = arith.constant 0 : i32
      %dma_wait3A_620 = arith.constant 0 : i32
      %dma_wait3A_621 = tpu.memref_slice %arg18[%dma_wait3A_619, %dma_wait3A_620] : memref<10240x128xf32, #tpu.memory_space<vmem_shared>> -> memref<10240x128xf32, #tpu.memory_space<vmem_shared>>
      tpu.wait_indirect_dma semaphore(%arg16 : memref<!tpu.dma_semaphore, #tpu.memory_space<semaphore_mem>>) src(%arg10 : memref<128x128xf32, #tpu.memory_space<vmem>>) dst(%dma_wait3A_621 : memref<10240x128xf32, #tpu.memory_space<vmem_shared>>)
      %dma_start3A_622 = arith.constant 2 : i32
      %dma_start3A_623 = arith.constant 0 : i32
      %dma_start3A_624 = tpu.memref_slice %arg7[%dma_start3A_622, %dma_start3A_623] : memref<8x128xi32, #tpu.memory_space<vmem>> -> memref<1x128xi32, #tpu.memory_space<vmem>>
      %dma_start3A_625 = tpu.memref_squeeze %dma_start3A_624 : memref<1x128xi32, #tpu.memory_space<vmem>> -> memref<128xi32, #tpu.memory_space<vmem>>
      %dma_start3A_626 = arith.constant 0 : i32
      %dma_start3A_627 = arith.constant 0 : i32
      %dma_start3A_628 = tpu.memref_slice %arg2[%dma_start3A_626, %dma_start3A_627] : memref<10000x128xf32, #tpu.memory_space<hbm>> -> memref<10000x128xf32, #tpu.memory_space<hbm>>
      tpu.enqueue_indirect_dma source(%dma_start3A_628 : memref<10000x128xf32, #tpu.memory_space<hbm>>) target(%arg10 : memref<128x128xf32, #tpu.memory_space<vmem>>) offsets(%dma_start3A_625 : memref<128xi32, #tpu.memory_space<vmem>>) semaphore(%arg14 : memref<!tpu.dma_semaphore, #tpu.memory_space<semaphore_mem>>)
      %dma_wait3A_629 = arith.constant 1 : i32
      %dma_wait3A_630 = arith.constant 0 : i32
      %dma_wait3A_631 = tpu.memref_slice %arg7[%dma_wait3A_629, %dma_wait3A_630] : memref<8x128xi32, #tpu.memory_space<vmem>> -> memref<1x128xi32, #tpu.memory_space<vmem>>
      %dma_wait3A_632 = tpu.memref_squeeze %dma_wait3A_631 : memref<1x128xi32, #tpu.memory_space<vmem>> -> memref<128xi32, #tpu.memory_space<vmem>>
      %dma_wait3A_633 = arith.constant 0 : i32
      %dma_wait3A_634 = arith.constant 0 : i32
      %dma_wait3A_635 = tpu.memref_slice %arg2[%dma_wait3A_633, %dma_wait3A_634] : memref<10000x128xf32, #tpu.memory_space<hbm>> -> memref<10000x128xf32, #tpu.memory_space<hbm>>
      tpu.wait_indirect_dma semaphore(%arg15 : memref<!tpu.dma_semaphore, #tpu.memory_space<semaphore_mem>>) src(%dma_wait3A_635 : memref<10000x128xf32, #tpu.memory_space<hbm>>) dst(%arg11 : memref<128x128xf32, #tpu.memory_space<vmem>>)
      %dma_start3A_636 = arith.constant 1 : i32
      %dma_start3A_637 = arith.constant 0 : i32
      %dma_start3A_638 = tpu.memref_slice %arg9[%dma_start3A_636, %dma_start3A_637] : memref<8x128xi32, #tpu.memory_space<vmem>> -> memref<1x128xi32, #tpu.memory_space<vmem>>
      %dma_start3A_639 = tpu.memref_squeeze %dma_start3A_638 : memref<1x128xi32, #tpu.memory_space<vmem>> -> memref<128xi32, #tpu.memory_space<vmem>>
      %dma_start3A_640 = arith.constant 0 : i32
      %dma_start3A_641 = arith.constant 0 : i32
      %dma_start3A_642 = tpu.memref_slice %arg18[%dma_start3A_640, %dma_start3A_641] : memref<10240x128xf32, #tpu.memory_space<vmem_shared>> -> memref<10240x128xf32, #tpu.memory_space<vmem_shared>>
      tpu.enqueue_indirect_dma source(%arg11 : memref<128x128xf32, #tpu.memory_space<vmem>>) target(%dma_start3A_642 : memref<10240x128xf32, #tpu.memory_space<vmem_shared>>) offsets(%dma_start3A_639 : memref<128xi32, #tpu.memory_space<vmem>>) semaphore(%arg17 : memref<!tpu.dma_semaphore, #tpu.memory_space<semaphore_mem>>) {add = true}
      %dma_wait3A_643 = arith.constant 1 : i32
      %dma_wait3A_644 = arith.constant 0 : i32
      %dma_wait3A_645 = tpu.memref_slice %arg9[%dma_wait3A_643, %dma_wait3A_644] : memref<8x128xi32, #tpu.memory_space<vmem>> -> memref<1x128xi32, #tpu.memory_space<vmem>>
      %dma_wait3A_646 = tpu.memref_squeeze %dma_wait3A_645 : memref<1x128xi32, #tpu.memory_space<vmem>> -> memref<128xi32, #tpu.memory_space<vmem>>
      %dma_wait3A_647 = arith.constant 0 : i32
      %dma_wait3A_648 = arith.constant 0 : i32
      %dma_wait3A_649 = tpu.memref_slice %arg18[%dma_wait3A_647, %dma_wait3A_648] : memref<10240x128xf32, #tpu.memory_space<vmem_shared>> -> memref<10240x128xf32, #tpu.memory_space<vmem_shared>>
      tpu.wait_indirect_dma semaphore(%arg17 : memref<!tpu.dma_semaphore, #tpu.memory_space<semaphore_mem>>) src(%arg11 : memref<128x128xf32, #tpu.memory_space<vmem>>) dst(%dma_wait3A_649 : memref<10240x128xf32, #tpu.memory_space<vmem_shared>>)
      %dma_start3A_650 = arith.constant 3 : i32
      %dma_start3A_651 = arith.constant 0 : i32
      %dma_start3A_652 = tpu.memref_slice %arg7[%dma_start3A_650, %dma_start3A_651] : memref<8x128xi32, #tpu.memory_space<vmem>> -> memref<1x128xi32, #tpu.memory_space<vmem>>
      %dma_start3A_653 = tpu.memref_squeeze %dma_start3A_652 : memref<1x128xi32, #tpu.memory_space<vmem>> -> memref<128xi32, #tpu.memory_space<vmem>>
      %dma_start3A_654 = arith.constant 0 : i32
      %dma_start3A_655 = arith.constant 0 : i32
      %dma_start3A_656 = tpu.memref_slice %arg2[%dma_start3A_654, %dma_start3A_655] : memref<10000x128xf32, #tpu.memory_space<hbm>> -> memref<10000x128xf32, #tpu.memory_space<hbm>>
      tpu.enqueue_indirect_dma source(%dma_start3A_656 : memref<10000x128xf32, #tpu.memory_space<hbm>>) target(%arg11 : memref<128x128xf32, #tpu.memory_space<vmem>>) offsets(%dma_start3A_653 : memref<128xi32, #tpu.memory_space<vmem>>) semaphore(%arg15 : memref<!tpu.dma_semaphore, #tpu.memory_space<semaphore_mem>>)
      %dma_wait3A_657 = arith.constant 2 : i32
      %dma_wait3A_658 = arith.constant 0 : i32
      %dma_wait3A_659 = tpu.memref_slice %arg7[%dma_wait3A_657, %dma_wait3A_658] : memref<8x128xi32, #tpu.memory_space<vmem>> -> memref<1x128xi32, #tpu.memory_space<vmem>>
      %dma_wait3A_660 = tpu.memref_squeeze %dma_wait3A_659 : memref<1x128xi32, #tpu.memory_space<vmem>> -> memref<128xi32, #tpu.memory_space<vmem>>
      %dma_wait3A_661 = arith.constant 0 : i32
      %dma_wait3A_662 = arith.constant 0 : i32
      %dma_wait3A_663 = tpu.memref_slice %arg2[%dma_wait3A_661, %dma_wait3A_662] : memref<10000x128xf32, #tpu.memory_space<hbm>> -> memref<10000x128xf32, #tpu.memory_space<hbm>>
      tpu.wait_indirect_dma semaphore(%arg14 : memref<!tpu.dma_semaphore, #tpu.memory_space<semaphore_mem>>) src(%dma_wait3A_663 : memref<10000x128xf32, #tpu.memory_space<hbm>>) dst(%arg10 : memref<128x128xf32, #tpu.memory_space<vmem>>)
      %dma_start3A_664 = arith.constant 2 : i32
      %dma_start3A_665 = arith.constant 0 : i32
      %dma_start3A_666 = tpu.memref_slice %arg9[%dma_start3A_664, %dma_start3A_665] : memref<8x128xi32, #tpu.memory_space<vmem>> -> memref<1x128xi32, #tpu.memory_space<vmem>>
      %dma_start3A_667 = tpu.memref_squeeze %dma_start3A_666 : memref<1x128xi32, #tpu.memory_space<vmem>> -> memref<128xi32, #tpu.memory_space<vmem>>
      %dma_start3A_668 = arith.constant 0 : i32
      %dma_start3A_669 = arith.constant 0 : i32
      %dma_start3A_670 = tpu.memref_slice %arg18[%dma_start3A_668, %dma_start3A_669] : memref<10240x128xf32, #tpu.memory_space<vmem_shared>> -> memref<10240x128xf32, #tpu.memory_space<vmem_shared>>
      tpu.enqueue_indirect_dma source(%arg10 : memref<128x128xf32, #tpu.memory_space<vmem>>) target(%dma_start3A_670 : memref<10240x128xf32, #tpu.memory_space<vmem_shared>>) offsets(%dma_start3A_667 : memref<128xi32, #tpu.memory_space<vmem>>) semaphore(%arg16 : memref<!tpu.dma_semaphore, #tpu.memory_space<semaphore_mem>>) {add = true}
      %dma_wait3A_671 = arith.constant 2 : i32
      %dma_wait3A_672 = arith.constant 0 : i32
      %dma_wait3A_673 = tpu.memref_slice %arg9[%dma_wait3A_671, %dma_wait3A_672] : memref<8x128xi32, #tpu.memory_space<vmem>> -> memref<1x128xi32, #tpu.memory_space<vmem>>
      %dma_wait3A_674 = tpu.memref_squeeze %dma_wait3A_673 : memref<1x128xi32, #tpu.memory_space<vmem>> -> memref<128xi32, #tpu.memory_space<vmem>>
      %dma_wait3A_675 = arith.constant 0 : i32
      %dma_wait3A_676 = arith.constant 0 : i32
      %dma_wait3A_677 = tpu.memref_slice %arg18[%dma_wait3A_675, %dma_wait3A_676] : memref<10240x128xf32, #tpu.memory_space<vmem_shared>> -> memref<10240x128xf32, #tpu.memory_space<vmem_shared>>
      tpu.wait_indirect_dma semaphore(%arg16 : memref<!tpu.dma_semaphore, #tpu.memory_space<semaphore_mem>>) src(%arg10 : memref<128x128xf32, #tpu.memory_space<vmem>>) dst(%dma_wait3A_677 : memref<10240x128xf32, #tpu.memory_space<vmem_shared>>)
      %dma_start3A_678 = arith.constant 4 : i32
      %dma_start3A_679 = arith.constant 0 : i32
      %dma_start3A_680 = tpu.memref_slice %arg7[%dma_start3A_678, %dma_start3A_679] : memref<8x128xi32, #tpu.memory_space<vmem>> -> memref<1x128xi32, #tpu.memory_space<vmem>>
      %dma_start3A_681 = tpu.memref_squeeze %dma_start3A_680 : memref<1x128xi32, #tpu.memory_space<vmem>> -> memref<128xi32, #tpu.memory_space<vmem>>
      %dma_start3A_682 = arith.constant 0 : i32
      %dma_start3A_683 = arith.constant 0 : i32
      %dma_start3A_684 = tpu.memref_slice %arg2[%dma_start3A_682, %dma_start3A_683] : memref<10000x128xf32, #tpu.memory_space<hbm>> -> memref<10000x128xf32, #tpu.memory_space<hbm>>
      tpu.enqueue_indirect_dma source(%dma_start3A_684 : memref<10000x128xf32, #tpu.memory_space<hbm>>) target(%arg10 : memref<128x128xf32, #tpu.memory_space<vmem>>) offsets(%dma_start3A_681 : memref<128xi32, #tpu.memory_space<vmem>>) semaphore(%arg14 : memref<!tpu.dma_semaphore, #tpu.memory_space<semaphore_mem>>)
      %dma_wait3A_685 = arith.constant 3 : i32
      %dma_wait3A_686 = arith.constant 0 : i32
      %dma_wait3A_687 = tpu.memref_slice %arg7[%dma_wait3A_685, %dma_wait3A_686] : memref<8x128xi32, #tpu.memory_space<vmem>> -> memref<1x128xi32, #tpu.memory_space<vmem>>
      %dma_wait3A_688 = tpu.memref_squeeze %dma_wait3A_687 : memref<1x128xi32, #tpu.memory_space<vmem>> -> memref<128xi32, #tpu.memory_space<vmem>>
      %dma_wait3A_689 = arith.constant 0 : i32
      %dma_wait3A_690 = arith.constant 0 : i32
      %dma_wait3A_691 = tpu.memref_slice %arg2[%dma_wait3A_689, %dma_wait3A_690] : memref<10000x128xf32, #tpu.memory_space<hbm>> -> memref<10000x128xf32, #tpu.memory_space<hbm>>
      tpu.wait_indirect_dma semaphore(%arg15 : memref<!tpu.dma_semaphore, #tpu.memory_space<semaphore_mem>>) src(%dma_wait3A_691 : memref<10000x128xf32, #tpu.memory_space<hbm>>) dst(%arg11 : memref<128x128xf32, #tpu.memory_space<vmem>>)
      %dma_start3A_692 = arith.constant 3 : i32
      %dma_start3A_693 = arith.constant 0 : i32
      %dma_start3A_694 = tpu.memref_slice %arg9[%dma_start3A_692, %dma_start3A_693] : memref<8x128xi32, #tpu.memory_space<vmem>> -> memref<1x128xi32, #tpu.memory_space<vmem>>
      %dma_start3A_695 = tpu.memref_squeeze %dma_start3A_694 : memref<1x128xi32, #tpu.memory_space<vmem>> -> memref<128xi32, #tpu.memory_space<vmem>>
      %dma_start3A_696 = arith.constant 0 : i32
      %dma_start3A_697 = arith.constant 0 : i32
      %dma_start3A_698 = tpu.memref_slice %arg18[%dma_start3A_696, %dma_start3A_697] : memref<10240x128xf32, #tpu.memory_space<vmem_shared>> -> memref<10240x128xf32, #tpu.memory_space<vmem_shared>>
      tpu.enqueue_indirect_dma source(%arg11 : memref<128x128xf32, #tpu.memory_space<vmem>>) target(%dma_start3A_698 : memref<10240x128xf32, #tpu.memory_space<vmem_shared>>) offsets(%dma_start3A_695 : memref<128xi32, #tpu.memory_space<vmem>>) semaphore(%arg17 : memref<!tpu.dma_semaphore, #tpu.memory_space<semaphore_mem>>) {add = true}
      %dma_wait3A_699 = arith.constant 3 : i32
      %dma_wait3A_700 = arith.constant 0 : i32
      %dma_wait3A_701 = tpu.memref_slice %arg9[%dma_wait3A_699, %dma_wait3A_700] : memref<8x128xi32, #tpu.memory_space<vmem>> -> memref<1x128xi32, #tpu.memory_space<vmem>>
      %dma_wait3A_702 = tpu.memref_squeeze %dma_wait3A_701 : memref<1x128xi32, #tpu.memory_space<vmem>> -> memref<128xi32, #tpu.memory_space<vmem>>
      %dma_wait3A_703 = arith.constant 0 : i32
      %dma_wait3A_704 = arith.constant 0 : i32
      %dma_wait3A_705 = tpu.memref_slice %arg18[%dma_wait3A_703, %dma_wait3A_704] : memref<10240x128xf32, #tpu.memory_space<vmem_shared>> -> memref<10240x128xf32, #tpu.memory_space<vmem_shared>>
      tpu.wait_indirect_dma semaphore(%arg17 : memref<!tpu.dma_semaphore, #tpu.memory_space<semaphore_mem>>) src(%arg11 : memref<128x128xf32, #tpu.memory_space<vmem>>) dst(%dma_wait3A_705 : memref<10240x128xf32, #tpu.memory_space<vmem_shared>>)
      %dma_start3A_706 = arith.constant 5 : i32
      %dma_start3A_707 = arith.constant 0 : i32
      %dma_start3A_708 = tpu.memref_slice %arg7[%dma_start3A_706, %dma_start3A_707] : memref<8x128xi32, #tpu.memory_space<vmem>> -> memref<1x128xi32, #tpu.memory_space<vmem>>
      %dma_start3A_709 = tpu.memref_squeeze %dma_start3A_708 : memref<1x128xi32, #tpu.memory_space<vmem>> -> memref<128xi32, #tpu.memory_space<vmem>>
      %dma_start3A_710 = arith.constant 0 : i32
      %dma_start3A_711 = arith.constant 0 : i32
      %dma_start3A_712 = tpu.memref_slice %arg2[%dma_start3A_710, %dma_start3A_711] : memref<10000x128xf32, #tpu.memory_space<hbm>> -> memref<10000x128xf32, #tpu.memory_space<hbm>>
      tpu.enqueue_indirect_dma source(%dma_start3A_712 : memref<10000x128xf32, #tpu.memory_space<hbm>>) target(%arg11 : memref<128x128xf32, #tpu.memory_space<vmem>>) offsets(%dma_start3A_709 : memref<128xi32, #tpu.memory_space<vmem>>) semaphore(%arg15 : memref<!tpu.dma_semaphore, #tpu.memory_space<semaphore_mem>>)
      %dma_wait3A_713 = arith.constant 4 : i32
      %dma_wait3A_714 = arith.constant 0 : i32
      %dma_wait3A_715 = tpu.memref_slice %arg7[%dma_wait3A_713, %dma_wait3A_714] : memref<8x128xi32, #tpu.memory_space<vmem>> -> memref<1x128xi32, #tpu.memory_space<vmem>>
      %dma_wait3A_716 = tpu.memref_squeeze %dma_wait3A_715 : memref<1x128xi32, #tpu.memory_space<vmem>> -> memref<128xi32, #tpu.memory_space<vmem>>
      %dma_wait3A_717 = arith.constant 0 : i32
      %dma_wait3A_718 = arith.constant 0 : i32
      %dma_wait3A_719 = tpu.memref_slice %arg2[%dma_wait3A_717, %dma_wait3A_718] : memref<10000x128xf32, #tpu.memory_space<hbm>> -> memref<10000x128xf32, #tpu.memory_space<hbm>>
      tpu.wait_indirect_dma semaphore(%arg14 : memref<!tpu.dma_semaphore, #tpu.memory_space<semaphore_mem>>) src(%dma_wait3A_719 : memref<10000x128xf32, #tpu.memory_space<hbm>>) dst(%arg10 : memref<128x128xf32, #tpu.memory_space<vmem>>)
      %dma_start3A_720 = arith.constant 4 : i32
      %dma_start3A_721 = arith.constant 0 : i32
      %dma_start3A_722 = tpu.memref_slice %arg9[%dma_start3A_720, %dma_start3A_721] : memref<8x128xi32, #tpu.memory_space<vmem>> -> memref<1x128xi32, #tpu.memory_space<vmem>>
      %dma_start3A_723 = tpu.memref_squeeze %dma_start3A_722 : memref<1x128xi32, #tpu.memory_space<vmem>> -> memref<128xi32, #tpu.memory_space<vmem>>
      %dma_start3A_724 = arith.constant 0 : i32
      %dma_start3A_725 = arith.constant 0 : i32
      %dma_start3A_726 = tpu.memref_slice %arg18[%dma_start3A_724, %dma_start3A_725] : memref<10240x128xf32, #tpu.memory_space<vmem_shared>> -> memref<10240x128xf32, #tpu.memory_space<vmem_shared>>
      tpu.enqueue_indirect_dma source(%arg10 : memref<128x128xf32, #tpu.memory_space<vmem>>) target(%dma_start3A_726 : memref<10240x128xf32, #tpu.memory_space<vmem_shared>>) offsets(%dma_start3A_723 : memref<128xi32, #tpu.memory_space<vmem>>) semaphore(%arg16 : memref<!tpu.dma_semaphore, #tpu.memory_space<semaphore_mem>>) {add = true}
      %dma_wait3A_727 = arith.constant 4 : i32
      %dma_wait3A_728 = arith.constant 0 : i32
      %dma_wait3A_729 = tpu.memref_slice %arg9[%dma_wait3A_727, %dma_wait3A_728] : memref<8x128xi32, #tpu.memory_space<vmem>> -> memref<1x128xi32, #tpu.memory_space<vmem>>
      %dma_wait3A_730 = tpu.memref_squeeze %dma_wait3A_729 : memref<1x128xi32, #tpu.memory_space<vmem>> -> memref<128xi32, #tpu.memory_space<vmem>>
      %dma_wait3A_731 = arith.constant 0 : i32
      %dma_wait3A_732 = arith.constant 0 : i32
      %dma_wait3A_733 = tpu.memref_slice %arg18[%dma_wait3A_731, %dma_wait3A_732] : memref<10240x128xf32, #tpu.memory_space<vmem_shared>> -> memref<10240x128xf32, #tpu.memory_space<vmem_shared>>
      tpu.wait_indirect_dma semaphore(%arg16 : memref<!tpu.dma_semaphore, #tpu.memory_space<semaphore_mem>>) src(%arg10 : memref<128x128xf32, #tpu.memory_space<vmem>>) dst(%dma_wait3A_733 : memref<10240x128xf32, #tpu.memory_space<vmem_shared>>)
      %dma_start3A_734 = arith.constant 6 : i32
      %dma_start3A_735 = arith.constant 0 : i32
      %dma_start3A_736 = tpu.memref_slice %arg7[%dma_start3A_734, %dma_start3A_735] : memref<8x128xi32, #tpu.memory_space<vmem>> -> memref<1x128xi32, #tpu.memory_space<vmem>>
      %dma_start3A_737 = tpu.memref_squeeze %dma_start3A_736 : memref<1x128xi32, #tpu.memory_space<vmem>> -> memref<128xi32, #tpu.memory_space<vmem>>
      %dma_start3A_738 = arith.constant 0 : i32
      %dma_start3A_739 = arith.constant 0 : i32
      %dma_start3A_740 = tpu.memref_slice %arg2[%dma_start3A_738, %dma_start3A_739] : memref<10000x128xf32, #tpu.memory_space<hbm>> -> memref<10000x128xf32, #tpu.memory_space<hbm>>
      tpu.enqueue_indirect_dma source(%dma_start3A_740 : memref<10000x128xf32, #tpu.memory_space<hbm>>) target(%arg10 : memref<128x128xf32, #tpu.memory_space<vmem>>) offsets(%dma_start3A_737 : memref<128xi32, #tpu.memory_space<vmem>>) semaphore(%arg14 : memref<!tpu.dma_semaphore, #tpu.memory_space<semaphore_mem>>)
      %dma_wait3A_741 = arith.constant 5 : i32
      %dma_wait3A_742 = arith.constant 0 : i32
      %dma_wait3A_743 = tpu.memref_slice %arg7[%dma_wait3A_741, %dma_wait3A_742] : memref<8x128xi32, #tpu.memory_space<vmem>> -> memref<1x128xi32, #tpu.memory_space<vmem>>
      %dma_wait3A_744 = tpu.memref_squeeze %dma_wait3A_743 : memref<1x128xi32, #tpu.memory_space<vmem>> -> memref<128xi32, #tpu.memory_space<vmem>>
      %dma_wait3A_745 = arith.constant 0 : i32
      %dma_wait3A_746 = arith.constant 0 : i32
      %dma_wait3A_747 = tpu.memref_slice %arg2[%dma_wait3A_745, %dma_wait3A_746] : memref<10000x128xf32, #tpu.memory_space<hbm>> -> memref<10000x128xf32, #tpu.memory_space<hbm>>
      tpu.wait_indirect_dma semaphore(%arg15 : memref<!tpu.dma_semaphore, #tpu.memory_space<semaphore_mem>>) src(%dma_wait3A_747 : memref<10000x128xf32, #tpu.memory_space<hbm>>) dst(%arg11 : memref<128x128xf32, #tpu.memory_space<vmem>>)
      %dma_start3A_748 = arith.constant 5 : i32
      %dma_start3A_749 = arith.constant 0 : i32
      %dma_start3A_750 = tpu.memref_slice %arg9[%dma_start3A_748, %dma_start3A_749] : memref<8x128xi32, #tpu.memory_space<vmem>> -> memref<1x128xi32, #tpu.memory_space<vmem>>
      %dma_start3A_751 = tpu.memref_squeeze %dma_start3A_750 : memref<1x128xi32, #tpu.memory_space<vmem>> -> memref<128xi32, #tpu.memory_space<vmem>>
      %dma_start3A_752 = arith.constant 0 : i32
      %dma_start3A_753 = arith.constant 0 : i32
      %dma_start3A_754 = tpu.memref_slice %arg18[%dma_start3A_752, %dma_start3A_753] : memref<10240x128xf32, #tpu.memory_space<vmem_shared>> -> memref<10240x128xf32, #tpu.memory_space<vmem_shared>>
      tpu.enqueue_indirect_dma source(%arg11 : memref<128x128xf32, #tpu.memory_space<vmem>>) target(%dma_start3A_754 : memref<10240x128xf32, #tpu.memory_space<vmem_shared>>) offsets(%dma_start3A_751 : memref<128xi32, #tpu.memory_space<vmem>>) semaphore(%arg17 : memref<!tpu.dma_semaphore, #tpu.memory_space<semaphore_mem>>) {add = true}
      %dma_wait3A_755 = arith.constant 5 : i32
      %dma_wait3A_756 = arith.constant 0 : i32
      %dma_wait3A_757 = tpu.memref_slice %arg9[%dma_wait3A_755, %dma_wait3A_756] : memref<8x128xi32, #tpu.memory_space<vmem>> -> memref<1x128xi32, #tpu.memory_space<vmem>>
      %dma_wait3A_758 = tpu.memref_squeeze %dma_wait3A_757 : memref<1x128xi32, #tpu.memory_space<vmem>> -> memref<128xi32, #tpu.memory_space<vmem>>
      %dma_wait3A_759 = arith.constant 0 : i32
      %dma_wait3A_760 = arith.constant 0 : i32
      %dma_wait3A_761 = tpu.memref_slice %arg18[%dma_wait3A_759, %dma_wait3A_760] : memref<10240x128xf32, #tpu.memory_space<vmem_shared>> -> memref<10240x128xf32, #tpu.memory_space<vmem_shared>>
      tpu.wait_indirect_dma semaphore(%arg17 : memref<!tpu.dma_semaphore, #tpu.memory_space<semaphore_mem>>) src(%arg11 : memref<128x128xf32, #tpu.memory_space<vmem>>) dst(%dma_wait3A_761 : memref<10240x128xf32, #tpu.memory_space<vmem_shared>>)
      %dma_start3A_762 = arith.constant 7 : i32
      %dma_start3A_763 = arith.constant 0 : i32
      %dma_start3A_764 = tpu.memref_slice %arg7[%dma_start3A_762, %dma_start3A_763] : memref<8x128xi32, #tpu.memory_space<vmem>> -> memref<1x128xi32, #tpu.memory_space<vmem>>
      %dma_start3A_765 = tpu.memref_squeeze %dma_start3A_764 : memref<1x128xi32, #tpu.memory_space<vmem>> -> memref<128xi32, #tpu.memory_space<vmem>>
      %dma_start3A_766 = arith.constant 0 : i32
      %dma_start3A_767 = arith.constant 0 : i32
      %dma_start3A_768 = tpu.memref_slice %arg2[%dma_start3A_766, %dma_start3A_767] : memref<10000x128xf32, #tpu.memory_space<hbm>> -> memref<10000x128xf32, #tpu.memory_space<hbm>>
      tpu.enqueue_indirect_dma source(%dma_start3A_768 : memref<10000x128xf32, #tpu.memory_space<hbm>>) target(%arg11 : memref<128x128xf32, #tpu.memory_space<vmem>>) offsets(%dma_start3A_765 : memref<128xi32, #tpu.memory_space<vmem>>) semaphore(%arg15 : memref<!tpu.dma_semaphore, #tpu.memory_space<semaphore_mem>>)
      %dma_wait3A_769 = arith.constant 6 : i32
      %dma_wait3A_770 = arith.constant 0 : i32
      %dma_wait3A_771 = tpu.memref_slice %arg7[%dma_wait3A_769, %dma_wait3A_770] : memref<8x128xi32, #tpu.memory_space<vmem>> -> memref<1x128xi32, #tpu.memory_space<vmem>>
      %dma_wait3A_772 = tpu.memref_squeeze %dma_wait3A_771 : memref<1x128xi32, #tpu.memory_space<vmem>> -> memref<128xi32, #tpu.memory_space<vmem>>
      %dma_wait3A_773 = arith.constant 0 : i32
      %dma_wait3A_774 = arith.constant 0 : i32
      %dma_wait3A_775 = tpu.memref_slice %arg2[%dma_wait3A_773, %dma_wait3A_774] : memref<10000x128xf32, #tpu.memory_space<hbm>> -> memref<10000x128xf32, #tpu.memory_space<hbm>>
      tpu.wait_indirect_dma semaphore(%arg14 : memref<!tpu.dma_semaphore, #tpu.memory_space<semaphore_mem>>) src(%dma_wait3A_775 : memref<10000x128xf32, #tpu.memory_space<hbm>>) dst(%arg10 : memref<128x128xf32, #tpu.memory_space<vmem>>)
      %dma_start3A_776 = arith.constant 6 : i32
      %dma_start3A_777 = arith.constant 0 : i32
      %dma_start3A_778 = tpu.memref_slice %arg9[%dma_start3A_776, %dma_start3A_777] : memref<8x128xi32, #tpu.memory_space<vmem>> -> memref<1x128xi32, #tpu.memory_space<vmem>>
      %dma_start3A_779 = tpu.memref_squeeze %dma_start3A_778 : memref<1x128xi32, #tpu.memory_space<vmem>> -> memref<128xi32, #tpu.memory_space<vmem>>
      %dma_start3A_780 = arith.constant 0 : i32
      %dma_start3A_781 = arith.constant 0 : i32
      %dma_start3A_782 = tpu.memref_slice %arg18[%dma_start3A_780, %dma_start3A_781] : memref<10240x128xf32, #tpu.memory_space<vmem_shared>> -> memref<10240x128xf32, #tpu.memory_space<vmem_shared>>
      tpu.enqueue_indirect_dma source(%arg10 : memref<128x128xf32, #tpu.memory_space<vmem>>) target(%dma_start3A_782 : memref<10240x128xf32, #tpu.memory_space<vmem_shared>>) offsets(%dma_start3A_779 : memref<128xi32, #tpu.memory_space<vmem>>) semaphore(%arg16 : memref<!tpu.dma_semaphore, #tpu.memory_space<semaphore_mem>>) {add = true}
      %dma_wait3A_783 = arith.constant 0 : i32
      %dma_wait3A_784 = arith.constant 0 : i32
      %dma_wait3A_785 = arith.constant 0 : i32
      %dma_wait3A_786 = tpu.memref_slice %arg3[%add3A, %dma_wait3A_783, %dma_wait3A_784, %dma_wait3A_785] : memref<32x10x8x128xi32, #tpu.memory_space<hbm>> -> memref<1x1x8x128xi32, #tpu.memory_space<hbm>>
      %dma_wait3A_787 = tpu.memref_squeeze %dma_wait3A_786 : memref<1x1x8x128xi32, #tpu.memory_space<hbm>> -> memref<8x128xi32, #tpu.memory_space<hbm>>
      %dma_wait3A_788 = arith.constant 0 : i32
      %dma_wait3A_789 = arith.constant 0 : i32
      %dma_wait3A_790 = tpu.memref_slice %arg3[%add3A, %dma_wait3A_783, %dma_wait3A_788, %dma_wait3A_789] : memref<32x10x8x128xi32, #tpu.memory_space<hbm>> -> memref<1x1x8x128xi32, #tpu.memory_space<hbm>>
      %dma_wait3A_791 = tpu.memref_squeeze %dma_wait3A_790 : memref<1x1x8x128xi32, #tpu.memory_space<hbm>> -> memref<8x128xi32, #tpu.memory_space<hbm>>
      tpu.wait_dma2 semaphore(%arg12 : memref<!tpu.dma_semaphore, #tpu.memory_space<semaphore_mem>>) src(%dma_wait3A_791 : memref<8x128xi32, #tpu.memory_space<hbm>>) dst(%arg6 : memref<8x128xi32, #tpu.memory_space<vmem>>)
      %dma_wait3A_792 = arith.constant 0 : i32
      %dma_wait3A_793 = arith.constant 0 : i32
      %dma_wait3A_794 = arith.constant 0 : i32
      %dma_wait3A_795 = tpu.memref_slice %arg4[%add3A, %dma_wait3A_792, %dma_wait3A_793, %dma_wait3A_794] : memref<32x10x8x128xi32, #tpu.memory_space<hbm>> -> memref<1x1x8x128xi32, #tpu.memory_space<hbm>>
      %dma_wait3A_796 = tpu.memref_squeeze %dma_wait3A_795 : memref<1x1x8x128xi32, #tpu.memory_space<hbm>> -> memref<8x128xi32, #tpu.memory_space<hbm>>
      %dma_wait3A_797 = arith.constant 0 : i32
      %dma_wait3A_798 = arith.constant 0 : i32
      %dma_wait3A_799 = tpu.memref_slice %arg4[%add3A, %dma_wait3A_792, %dma_wait3A_797, %dma_wait3A_798] : memref<32x10x8x128xi32, #tpu.memory_space<hbm>> -> memref<1x1x8x128xi32, #tpu.memory_space<hbm>>
      %dma_wait3A_800 = tpu.memref_squeeze %dma_wait3A_799 : memref<1x1x8x128xi32, #tpu.memory_space<hbm>> -> memref<8x128xi32, #tpu.memory_space<hbm>>
      tpu.wait_dma2 semaphore(%arg12 : memref<!tpu.dma_semaphore, #tpu.memory_space<semaphore_mem>>) src(%dma_wait3A_800 : memref<8x128xi32, #tpu.memory_space<hbm>>) dst(%arg8 : memref<8x128xi32, #tpu.memory_space<vmem>>)
      %dma_wait3A_801 = arith.constant 6 : i32
      %dma_wait3A_802 = arith.constant 0 : i32
      %dma_wait3A_803 = tpu.memref_slice %arg9[%dma_wait3A_801, %dma_wait3A_802] : memref<8x128xi32, #tpu.memory_space<vmem>> -> memref<1x128xi32, #tpu.memory_space<vmem>>
      %dma_wait3A_804 = tpu.memref_squeeze %dma_wait3A_803 : memref<1x128xi32, #tpu.memory_space<vmem>> -> memref<128xi32, #tpu.memory_space<vmem>>
      %dma_wait3A_805 = arith.constant 0 : i32
      %dma_wait3A_806 = arith.constant 0 : i32
      %dma_wait3A_807 = tpu.memref_slice %arg18[%dma_wait3A_805, %dma_wait3A_806] : memref<10240x128xf32, #tpu.memory_space<vmem_shared>> -> memref<10240x128xf32, #tpu.memory_space<vmem_shared>>
      tpu.wait_indirect_dma semaphore(%arg16 : memref<!tpu.dma_semaphore, #tpu.memory_space<semaphore_mem>>) src(%arg10 : memref<128x128xf32, #tpu.memory_space<vmem>>) dst(%dma_wait3A_807 : memref<10240x128xf32, #tpu.memory_space<vmem_shared>>)
      %dma_start3A_808 = arith.constant 0 : i32
      %dma_start3A_809 = arith.constant 0 : i32
      %dma_start3A_810 = tpu.memref_slice %arg6[%dma_start3A_808, %dma_start3A_809] : memref<8x128xi32, #tpu.memory_space<vmem>> -> memref<1x128xi32, #tpu.memory_space<vmem>>
      %dma_start3A_811 = tpu.memref_squeeze %dma_start3A_810 : memref<1x128xi32, #tpu.memory_space<vmem>> -> memref<128xi32, #tpu.memory_space<vmem>>
      %dma_start3A_812 = arith.constant 0 : i32
      %dma_start3A_813 = arith.constant 0 : i32
      %dma_start3A_814 = tpu.memref_slice %arg2[%dma_start3A_812, %dma_start3A_813] : memref<10000x128xf32, #tpu.memory_space<hbm>> -> memref<10000x128xf32, #tpu.memory_space<hbm>>
      tpu.enqueue_indirect_dma source(%dma_start3A_814 : memref<10000x128xf32, #tpu.memory_space<hbm>>) target(%arg10 : memref<128x128xf32, #tpu.memory_space<vmem>>) offsets(%dma_start3A_811 : memref<128xi32, #tpu.memory_space<vmem>>) semaphore(%arg14 : memref<!tpu.dma_semaphore, #tpu.memory_space<semaphore_mem>>)
      %dma_wait3A_815 = arith.constant 7 : i32
      %dma_wait3A_816 = arith.constant 0 : i32
      %dma_wait3A_817 = tpu.memref_slice %arg7[%dma_wait3A_815, %dma_wait3A_816] : memref<8x128xi32, #tpu.memory_space<vmem>> -> memref<1x128xi32, #tpu.memory_space<vmem>>
      %dma_wait3A_818 = tpu.memref_squeeze %dma_wait3A_817 : memref<1x128xi32, #tpu.memory_space<vmem>> -> memref<128xi32, #tpu.memory_space<vmem>>
      %dma_wait3A_819 = arith.constant 0 : i32
      %dma_wait3A_820 = arith.constant 0 : i32
      %dma_wait3A_821 = tpu.memref_slice %arg2[%dma_wait3A_819, %dma_wait3A_820] : memref<10000x128xf32, #tpu.memory_space<hbm>> -> memref<10000x128xf32, #tpu.memory_space<hbm>>
      tpu.wait_indirect_dma semaphore(%arg15 : memref<!tpu.dma_semaphore, #tpu.memory_space<semaphore_mem>>) src(%dma_wait3A_821 : memref<10000x128xf32, #tpu.memory_space<hbm>>) dst(%arg11 : memref<128x128xf32, #tpu.memory_space<vmem>>)
      %dma_start3A_822 = arith.constant 7 : i32
      %dma_start3A_823 = arith.constant 0 : i32
      %dma_start3A_824 = tpu.memref_slice %arg9[%dma_start3A_822, %dma_start3A_823] : memref<8x128xi32, #tpu.memory_space<vmem>> -> memref<1x128xi32, #tpu.memory_space<vmem>>
      %dma_start3A_825 = tpu.memref_squeeze %dma_start3A_824 : memref<1x128xi32, #tpu.memory_space<vmem>> -> memref<128xi32, #tpu.memory_space<vmem>>
      %dma_start3A_826 = arith.constant 0 : i32
      %dma_start3A_827 = arith.constant 0 : i32
      %dma_start3A_828 = tpu.memref_slice %arg18[%dma_start3A_826, %dma_start3A_827] : memref<10240x128xf32, #tpu.memory_space<vmem_shared>> -> memref<10240x128xf32, #tpu.memory_space<vmem_shared>>
      tpu.enqueue_indirect_dma source(%arg11 : memref<128x128xf32, #tpu.memory_space<vmem>>) target(%dma_start3A_828 : memref<10240x128xf32, #tpu.memory_space<vmem_shared>>) offsets(%dma_start3A_825 : memref<128xi32, #tpu.memory_space<vmem>>) semaphore(%arg17 : memref<!tpu.dma_semaphore, #tpu.memory_space<semaphore_mem>>) {add = true}
      %dma_wait3A_829 = arith.constant 7 : i32
      %dma_wait3A_830 = arith.constant 0 : i32
      %dma_wait3A_831 = tpu.memref_slice %arg9[%dma_wait3A_829, %dma_wait3A_830] : memref<8x128xi32, #tpu.memory_space<vmem>> -> memref<1x128xi32, #tpu.memory_space<vmem>>
      %dma_wait3A_832 = tpu.memref_squeeze %dma_wait3A_831 : memref<1x128xi32, #tpu.memory_space<vmem>> -> memref<128xi32, #tpu.memory_space<vmem>>
      %dma_wait3A_833 = arith.constant 0 : i32
      %dma_wait3A_834 = arith.constant 0 : i32
      %dma_wait3A_835 = tpu.memref_slice %arg18[%dma_wait3A_833, %dma_wait3A_834] : memref<10240x128xf32, #tpu.memory_space<vmem_shared>> -> memref<10240x128xf32, #tpu.memory_space<vmem_shared>>
      tpu.wait_indirect_dma semaphore(%arg17 : memref<!tpu.dma_semaphore, #tpu.memory_space<semaphore_mem>>) src(%arg11 : memref<128x128xf32, #tpu.memory_space<vmem>>) dst(%dma_wait3A_835 : memref<10240x128xf32, #tpu.memory_space<vmem_shared>>)
      %dma_start3A_836 = arith.constant 1 : i32
      %dma_start3A_837 = arith.constant 0 : i32
      %dma_start3A_838 = tpu.memref_slice %arg6[%dma_start3A_836, %dma_start3A_837] : memref<8x128xi32, #tpu.memory_space<vmem>> -> memref<1x128xi32, #tpu.memory_space<vmem>>
      %dma_start3A_839 = tpu.memref_squeeze %dma_start3A_838 : memref<1x128xi32, #tpu.memory_space<vmem>> -> memref<128xi32, #tpu.memory_space<vmem>>
      %dma_start3A_840 = arith.constant 0 : i32
      %dma_start3A_841 = arith.constant 0 : i32
      %dma_start3A_842 = tpu.memref_slice %arg2[%dma_start3A_840, %dma_start3A_841] : memref<10000x128xf32, #tpu.memory_space<hbm>> -> memref<10000x128xf32, #tpu.memory_space<hbm>>
      tpu.enqueue_indirect_dma source(%dma_start3A_842 : memref<10000x128xf32, #tpu.memory_space<hbm>>) target(%arg11 : memref<128x128xf32, #tpu.memory_space<vmem>>) offsets(%dma_start3A_839 : memref<128xi32, #tpu.memory_space<vmem>>) semaphore(%arg15 : memref<!tpu.dma_semaphore, #tpu.memory_space<semaphore_mem>>)
      %dma_wait3A_843 = arith.constant 0 : i32
      %dma_wait3A_844 = arith.constant 0 : i32
      %dma_wait3A_845 = tpu.memref_slice %arg6[%dma_wait3A_843, %dma_wait3A_844] : memref<8x128xi32, #tpu.memory_space<vmem>> -> memref<1x128xi32, #tpu.memory_space<vmem>>
      %dma_wait3A_846 = tpu.memref_squeeze %dma_wait3A_845 : memref<1x128xi32, #tpu.memory_space<vmem>> -> memref<128xi32, #tpu.memory_space<vmem>>
      %dma_wait3A_847 = arith.constant 0 : i32
      %dma_wait3A_848 = arith.constant 0 : i32
      %dma_wait3A_849 = tpu.memref_slice %arg2[%dma_wait3A_847, %dma_wait3A_848] : memref<10000x128xf32, #tpu.memory_space<hbm>> -> memref<10000x128xf32, #tpu.memory_space<hbm>>
      tpu.wait_indirect_dma semaphore(%arg14 : memref<!tpu.dma_semaphore, #tpu.memory_space<semaphore_mem>>) src(%dma_wait3A_849 : memref<10000x128xf32, #tpu.memory_space<hbm>>) dst(%arg10 : memref<128x128xf32, #tpu.memory_space<vmem>>)
      %dma_start3A_850 = arith.constant 0 : i32
      %dma_start3A_851 = arith.constant 0 : i32
      %dma_start3A_852 = tpu.memref_slice %arg8[%dma_start3A_850, %dma_start3A_851] : memref<8x128xi32, #tpu.memory_space<vmem>> -> memref<1x128xi32, #tpu.memory_space<vmem>>
      %dma_start3A_853 = tpu.memref_squeeze %dma_start3A_852 : memref<1x128xi32, #tpu.memory_space<vmem>> -> memref<128xi32, #tpu.memory_space<vmem>>
      %dma_start3A_854 = arith.constant 0 : i32
      %dma_start3A_855 = arith.constant 0 : i32
      %dma_start3A_856 = tpu.memref_slice %arg18[%dma_start3A_854, %dma_start3A_855] : memref<10240x128xf32, #tpu.memory_space<vmem_shared>> -> memref<10240x128xf32, #tpu.memory_space<vmem_shared>>
      tpu.enqueue_indirect_dma source(%arg10 : memref<128x128xf32, #tpu.memory_space<vmem>>) target(%dma_start3A_856 : memref<10240x128xf32, #tpu.memory_space<vmem_shared>>) offsets(%dma_start3A_853 : memref<128xi32, #tpu.memory_space<vmem>>) semaphore(%arg16 : memref<!tpu.dma_semaphore, #tpu.memory_space<semaphore_mem>>) {add = true}
      %mul3A_857 = arith.constant 2 : i32
      %mul3A_858 = arith.muli %mul3A_857, %scan3A_518 : i32
      %add3A_859 = arith.constant 2 : i32
      %add3A_860 = arith.addi %mul3A_858, %add3A_859 : i32
      %add3A_861 = arith.constant 1 : i32
      %add3A_862 = arith.addi %add3A_860, %add3A_861 : i32
      %dma_start3A_863 = arith.constant 0 : i32
      %dma_start3A_864 = arith.constant 0 : i32
      %dma_start3A_865 = tpu.memref_slice %arg3[%add3A, %add3A_862, %dma_start3A_863, %dma_start3A_864] : memref<32x10x8x128xi32, #tpu.memory_space<hbm>> -> memref<1x1x8x128xi32, #tpu.memory_space<hbm>>
      %dma_start3A_866 = tpu.memref_squeeze %dma_start3A_865 : memref<1x1x8x128xi32, #tpu.memory_space<hbm>> -> memref<8x128xi32, #tpu.memory_space<hbm>>
      %dma_start3A_867 = arith.constant 0 : i32
      %dma_start3A_868 = arith.constant 0 : i32
      %dma_start3A_869 = tpu.memref_slice %arg3[%add3A, %add3A_862, %dma_start3A_867, %dma_start3A_868] : memref<32x10x8x128xi32, #tpu.memory_space<hbm>> -> memref<1x1x8x128xi32, #tpu.memory_space<hbm>>
      %dma_start3A_870 = tpu.memref_squeeze %dma_start3A_869 : memref<1x1x8x128xi32, #tpu.memory_space<hbm>> -> memref<8x128xi32, #tpu.memory_space<hbm>>
      tpu.enqueue_dma source(%dma_start3A_870 : memref<8x128xi32, #tpu.memory_space<hbm>>) target(%arg7 : memref<8x128xi32, #tpu.memory_space<vmem>>) target_semaphore(%arg13 : memref<!tpu.dma_semaphore, #tpu.memory_space<semaphore_mem>>)
      %dma_start3A_871 = arith.constant 0 : i32
      %dma_start3A_872 = arith.constant 0 : i32
      %dma_start3A_873 = tpu.memref_slice %arg4[%add3A, %add3A_862, %dma_start3A_871, %dma_start3A_872] : memref<32x10x8x128xi32, #tpu.memory_space<hbm>> -> memref<1x1x8x128xi32, #tpu.memory_space<hbm>>
      %dma_start3A_874 = tpu.memref_squeeze %dma_start3A_873 : memref<1x1x8x128xi32, #tpu.memory_space<hbm>> -> memref<8x128xi32, #tpu.memory_space<hbm>>
      %dma_start3A_875 = arith.constant 0 : i32
      %dma_start3A_876 = arith.constant 0 : i32
      %dma_start3A_877 = tpu.memref_slice %arg4[%add3A, %add3A_862, %dma_start3A_875, %dma_start3A_876] : memref<32x10x8x128xi32, #tpu.memory_space<hbm>> -> memref<1x1x8x128xi32, #tpu.memory_space<hbm>>
      %dma_start3A_878 = tpu.memref_squeeze %dma_start3A_877 : memref<1x1x8x128xi32, #tpu.memory_space<hbm>> -> memref<8x128xi32, #tpu.memory_space<hbm>>
      tpu.enqueue_dma source(%dma_start3A_878 : memref<8x128xi32, #tpu.memory_space<hbm>>) target(%arg9 : memref<8x128xi32, #tpu.memory_space<vmem>>) target_semaphore(%arg13 : memref<!tpu.dma_semaphore, #tpu.memory_space<semaphore_mem>>)
      %dma_wait3A_879 = arith.constant 0 : i32
      %dma_wait3A_880 = arith.constant 0 : i32
      %dma_wait3A_881 = tpu.memref_slice %arg8[%dma_wait3A_879, %dma_wait3A_880] : memref<8x128xi32, #tpu.memory_space<vmem>> -> memref<1x128xi32, #tpu.memory_space<vmem>>
      %dma_wait3A_882 = tpu.memref_squeeze %dma_wait3A_881 : memref<1x128xi32, #tpu.memory_space<vmem>> -> memref<128xi32, #tpu.memory_space<vmem>>
      %dma_wait3A_883 = arith.constant 0 : i32
      %dma_wait3A_884 = arith.constant 0 : i32
      %dma_wait3A_885 = tpu.memref_slice %arg18[%dma_wait3A_883, %dma_wait3A_884] : memref<10240x128xf32, #tpu.memory_space<vmem_shared>> -> memref<10240x128xf32, #tpu.memory_space<vmem_shared>>
      tpu.wait_indirect_dma semaphore(%arg16 : memref<!tpu.dma_semaphore, #tpu.memory_space<semaphore_mem>>) src(%arg10 : memref<128x128xf32, #tpu.memory_space<vmem>>) dst(%dma_wait3A_885 : memref<10240x128xf32, #tpu.memory_space<vmem_shared>>)
      %dma_start3A_886 = arith.constant 2 : i32
      %dma_start3A_887 = arith.constant 0 : i32
      %dma_start3A_888 = tpu.memref_slice %arg6[%dma_start3A_886, %dma_start3A_887] : memref<8x128xi32, #tpu.memory_space<vmem>> -> memref<1x128xi32, #tpu.memory_space<vmem>>
      %dma_start3A_889 = tpu.memref_squeeze %dma_start3A_888 : memref<1x128xi32, #tpu.memory_space<vmem>> -> memref<128xi32, #tpu.memory_space<vmem>>
      %dma_start3A_890 = arith.constant 0 : i32
      %dma_start3A_891 = arith.constant 0 : i32
      %dma_start3A_892 = tpu.memref_slice %arg2[%dma_start3A_890, %dma_start3A_891] : memref<10000x128xf32, #tpu.memory_space<hbm>> -> memref<10000x128xf32, #tpu.memory_space<hbm>>
      tpu.enqueue_indirect_dma source(%dma_start3A_892 : memref<10000x128xf32, #tpu.memory_space<hbm>>) target(%arg10 : memref<128x128xf32, #tpu.memory_space<vmem>>) offsets(%dma_start3A_889 : memref<128xi32, #tpu.memory_space<vmem>>) semaphore(%arg14 : memref<!tpu.dma_semaphore, #tpu.memory_space<semaphore_mem>>)
      %dma_wait3A_893 = arith.constant 1 : i32
      %dma_wait3A_894 = arith.constant 0 : i32
      %dma_wait3A_895 = tpu.memref_slice %arg6[%dma_wait3A_893, %dma_wait3A_894] : memref<8x128xi32, #tpu.memory_space<vmem>> -> memref<1x128xi32, #tpu.memory_space<vmem>>
      %dma_wait3A_896 = tpu.memref_squeeze %dma_wait3A_895 : memref<1x128xi32, #tpu.memory_space<vmem>> -> memref<128xi32, #tpu.memory_space<vmem>>
      %dma_wait3A_897 = arith.constant 0 : i32
      %dma_wait3A_898 = arith.constant 0 : i32
      %dma_wait3A_899 = tpu.memref_slice %arg2[%dma_wait3A_897, %dma_wait3A_898] : memref<10000x128xf32, #tpu.memory_space<hbm>> -> memref<10000x128xf32, #tpu.memory_space<hbm>>
      tpu.wait_indirect_dma semaphore(%arg15 : memref<!tpu.dma_semaphore, #tpu.memory_space<semaphore_mem>>) src(%dma_wait3A_899 : memref<10000x128xf32, #tpu.memory_space<hbm>>) dst(%arg11 : memref<128x128xf32, #tpu.memory_space<vmem>>)
      %dma_start3A_900 = arith.constant 1 : i32
      %dma_start3A_901 = arith.constant 0 : i32
      %dma_start3A_902 = tpu.memref_slice %arg8[%dma_start3A_900, %dma_start3A_901] : memref<8x128xi32, #tpu.memory_space<vmem>> -> memref<1x128xi32, #tpu.memory_space<vmem>>
      %dma_start3A_903 = tpu.memref_squeeze %dma_start3A_902 : memref<1x128xi32, #tpu.memory_space<vmem>> -> memref<128xi32, #tpu.memory_space<vmem>>
      %dma_start3A_904 = arith.constant 0 : i32
      %dma_start3A_905 = arith.constant 0 : i32
      %dma_start3A_906 = tpu.memref_slice %arg18[%dma_start3A_904, %dma_start3A_905] : memref<10240x128xf32, #tpu.memory_space<vmem_shared>> -> memref<10240x128xf32, #tpu.memory_space<vmem_shared>>
      tpu.enqueue_indirect_dma source(%arg11 : memref<128x128xf32, #tpu.memory_space<vmem>>) target(%dma_start3A_906 : memref<10240x128xf32, #tpu.memory_space<vmem_shared>>) offsets(%dma_start3A_903 : memref<128xi32, #tpu.memory_space<vmem>>) semaphore(%arg17 : memref<!tpu.dma_semaphore, #tpu.memory_space<semaphore_mem>>) {add = true}
      %dma_wait3A_907 = arith.constant 1 : i32
      %dma_wait3A_908 = arith.constant 0 : i32
      %dma_wait3A_909 = tpu.memref_slice %arg8[%dma_wait3A_907, %dma_wait3A_908] : memref<8x128xi32, #tpu.memory_space<vmem>> -> memref<1x128xi32, #tpu.memory_space<vmem>>
      %dma_wait3A_910 = tpu.memref_squeeze %dma_wait3A_909 : memref<1x128xi32, #tpu.memory_space<vmem>> -> memref<128xi32, #tpu.memory_space<vmem>>
      %dma_wait3A_911 = arith.constant 0 : i32
      %dma_wait3A_912 = arith.constant 0 : i32
      %dma_wait3A_913 = tpu.memref_slice %arg18[%dma_wait3A_911, %dma_wait3A_912] : memref<10240x128xf32, #tpu.memory_space<vmem_shared>> -> memref<10240x128xf32, #tpu.memory_space<vmem_shared>>
      tpu.wait_indirect_dma semaphore(%arg17 : memref<!tpu.dma_semaphore, #tpu.memory_space<semaphore_mem>>) src(%arg11 : memref<128x128xf32, #tpu.memory_space<vmem>>) dst(%dma_wait3A_913 : memref<10240x128xf32, #tpu.memory_space<vmem_shared>>)
      %dma_start3A_914 = arith.constant 3 : i32
      %dma_start3A_915 = arith.constant 0 : i32
      %dma_start3A_916 = tpu.memref_slice %arg6[%dma_start3A_914, %dma_start3A_915] : memref<8x128xi32, #tpu.memory_space<vmem>> -> memref<1x128xi32, #tpu.memory_space<vmem>>
      %dma_start3A_917 = tpu.memref_squeeze %dma_start3A_916 : memref<1x128xi32, #tpu.memory_space<vmem>> -> memref<128xi32, #tpu.memory_space<vmem>>
      %dma_start3A_918 = arith.constant 0 : i32
      %dma_start3A_919 = arith.constant 0 : i32
      %dma_start3A_920 = tpu.memref_slice %arg2[%dma_start3A_918, %dma_start3A_919] : memref<10000x128xf32, #tpu.memory_space<hbm>> -> memref<10000x128xf32, #tpu.memory_space<hbm>>
      tpu.enqueue_indirect_dma source(%dma_start3A_920 : memref<10000x128xf32, #tpu.memory_space<hbm>>) target(%arg11 : memref<128x128xf32, #tpu.memory_space<vmem>>) offsets(%dma_start3A_917 : memref<128xi32, #tpu.memory_space<vmem>>) semaphore(%arg15 : memref<!tpu.dma_semaphore, #tpu.memory_space<semaphore_mem>>)
      %dma_wait3A_921 = arith.constant 2 : i32
      %dma_wait3A_922 = arith.constant 0 : i32
      %dma_wait3A_923 = tpu.memref_slice %arg6[%dma_wait3A_921, %dma_wait3A_922] : memref<8x128xi32, #tpu.memory_space<vmem>> -> memref<1x128xi32, #tpu.memory_space<vmem>>
      %dma_wait3A_924 = tpu.memref_squeeze %dma_wait3A_923 : memref<1x128xi32, #tpu.memory_space<vmem>> -> memref<128xi32, #tpu.memory_space<vmem>>
      %dma_wait3A_925 = arith.constant 0 : i32
      %dma_wait3A_926 = arith.constant 0 : i32
      %dma_wait3A_927 = tpu.memref_slice %arg2[%dma_wait3A_925, %dma_wait3A_926] : memref<10000x128xf32, #tpu.memory_space<hbm>> -> memref<10000x128xf32, #tpu.memory_space<hbm>>
      tpu.wait_indirect_dma semaphore(%arg14 : memref<!tpu.dma_semaphore, #tpu.memory_space<semaphore_mem>>) src(%dma_wait3A_927 : memref<10000x128xf32, #tpu.memory_space<hbm>>) dst(%arg10 : memref<128x128xf32, #tpu.memory_space<vmem>>)
      %dma_start3A_928 = arith.constant 2 : i32
      %dma_start3A_929 = arith.constant 0 : i32
      %dma_start3A_930 = tpu.memref_slice %arg8[%dma_start3A_928, %dma_start3A_929] : memref<8x128xi32, #tpu.memory_space<vmem>> -> memref<1x128xi32, #tpu.memory_space<vmem>>
      %dma_start3A_931 = tpu.memref_squeeze %dma_start3A_930 : memref<1x128xi32, #tpu.memory_space<vmem>> -> memref<128xi32, #tpu.memory_space<vmem>>
      %dma_start3A_932 = arith.constant 0 : i32
      %dma_start3A_933 = arith.constant 0 : i32
      %dma_start3A_934 = tpu.memref_slice %arg18[%dma_start3A_932, %dma_start3A_933] : memref<10240x128xf32, #tpu.memory_space<vmem_shared>> -> memref<10240x128xf32, #tpu.memory_space<vmem_shared>>
      tpu.enqueue_indirect_dma source(%arg10 : memref<128x128xf32, #tpu.memory_space<vmem>>) target(%dma_start3A_934 : memref<10240x128xf32, #tpu.memory_space<vmem_shared>>) offsets(%dma_start3A_931 : memref<128xi32, #tpu.memory_space<vmem>>) semaphore(%arg16 : memref<!tpu.dma_semaphore, #tpu.memory_space<semaphore_mem>>) {add = true}
      %dma_wait3A_935 = arith.constant 2 : i32
      %dma_wait3A_936 = arith.constant 0 : i32
      %dma_wait3A_937 = tpu.memref_slice %arg8[%dma_wait3A_935, %dma_wait3A_936] : memref<8x128xi32, #tpu.memory_space<vmem>> -> memref<1x128xi32, #tpu.memory_space<vmem>>
      %dma_wait3A_938 = tpu.memref_squeeze %dma_wait3A_937 : memref<1x128xi32, #tpu.memory_space<vmem>> -> memref<128xi32, #tpu.memory_space<vmem>>
      %dma_wait3A_939 = arith.constant 0 : i32
      %dma_wait3A_940 = arith.constant 0 : i32
      %dma_wait3A_941 = tpu.memref_slice %arg18[%dma_wait3A_939, %dma_wait3A_940] : memref<10240x128xf32, #tpu.memory_space<vmem_shared>> -> memref<10240x128xf32, #tpu.memory_space<vmem_shared>>
      tpu.wait_indirect_dma semaphore(%arg16 : memref<!tpu.dma_semaphore, #tpu.memory_space<semaphore_mem>>) src(%arg10 : memref<128x128xf32, #tpu.memory_space<vmem>>) dst(%dma_wait3A_941 : memref<10240x128xf32, #tpu.memory_space<vmem_shared>>)
      %dma_start3A_942 = arith.constant 4 : i32
      %dma_start3A_943 = arith.constant 0 : i32
      %dma_start3A_944 = tpu.memref_slice %arg6[%dma_start3A_942, %dma_start3A_943] : memref<8x128xi32, #tpu.memory_space<vmem>> -> memref<1x128xi32, #tpu.memory_space<vmem>>
      %dma_start3A_945 = tpu.memref_squeeze %dma_start3A_944 : memref<1x128xi32, #tpu.memory_space<vmem>> -> memref<128xi32, #tpu.memory_space<vmem>>
      %dma_start3A_946 = arith.constant 0 : i32
      %dma_start3A_947 = arith.constant 0 : i32
      %dma_start3A_948 = tpu.memref_slice %arg2[%dma_start3A_946, %dma_start3A_947] : memref<10000x128xf32, #tpu.memory_space<hbm>> -> memref<10000x128xf32, #tpu.memory_space<hbm>>
      tpu.enqueue_indirect_dma source(%dma_start3A_948 : memref<10000x128xf32, #tpu.memory_space<hbm>>) target(%arg10 : memref<128x128xf32, #tpu.memory_space<vmem>>) offsets(%dma_start3A_945 : memref<128xi32, #tpu.memory_space<vmem>>) semaphore(%arg14 : memref<!tpu.dma_semaphore, #tpu.memory_space<semaphore_mem>>)
      %dma_wait3A_949 = arith.constant 3 : i32
      %dma_wait3A_950 = arith.constant 0 : i32
      %dma_wait3A_951 = tpu.memref_slice %arg6[%dma_wait3A_949, %dma_wait3A_950] : memref<8x128xi32, #tpu.memory_space<vmem>> -> memref<1x128xi32, #tpu.memory_space<vmem>>
      %dma_wait3A_952 = tpu.memref_squeeze %dma_wait3A_951 : memref<1x128xi32, #tpu.memory_space<vmem>> -> memref<128xi32, #tpu.memory_space<vmem>>
      %dma_wait3A_953 = arith.constant 0 : i32
      %dma_wait3A_954 = arith.constant 0 : i32
      %dma_wait3A_955 = tpu.memref_slice %arg2[%dma_wait3A_953, %dma_wait3A_954] : memref<10000x128xf32, #tpu.memory_space<hbm>> -> memref<10000x128xf32, #tpu.memory_space<hbm>>
      tpu.wait_indirect_dma semaphore(%arg15 : memref<!tpu.dma_semaphore, #tpu.memory_space<semaphore_mem>>) src(%dma_wait3A_955 : memref<10000x128xf32, #tpu.memory_space<hbm>>) dst(%arg11 : memref<128x128xf32, #tpu.memory_space<vmem>>)
      %dma_start3A_956 = arith.constant 3 : i32
      %dma_start3A_957 = arith.constant 0 : i32
      %dma_start3A_958 = tpu.memref_slice %arg8[%dma_start3A_956, %dma_start3A_957] : memref<8x128xi32, #tpu.memory_space<vmem>> -> memref<1x128xi32, #tpu.memory_space<vmem>>
      %dma_start3A_959 = tpu.memref_squeeze %dma_start3A_958 : memref<1x128xi32, #tpu.memory_space<vmem>> -> memref<128xi32, #tpu.memory_space<vmem>>
      %dma_start3A_960 = arith.constant 0 : i32
      %dma_start3A_961 = arith.constant 0 : i32
      %dma_start3A_962 = tpu.memref_slice %arg18[%dma_start3A_960, %dma_start3A_961] : memref<10240x128xf32, #tpu.memory_space<vmem_shared>> -> memref<10240x128xf32, #tpu.memory_space<vmem_shared>>
      tpu.enqueue_indirect_dma source(%arg11 : memref<128x128xf32, #tpu.memory_space<vmem>>) target(%dma_start3A_962 : memref<10240x128xf32, #tpu.memory_space<vmem_shared>>) offsets(%dma_start3A_959 : memref<128xi32, #tpu.memory_space<vmem>>) semaphore(%arg17 : memref<!tpu.dma_semaphore, #tpu.memory_space<semaphore_mem>>) {add = true}
      %dma_wait3A_963 = arith.constant 3 : i32
      %dma_wait3A_964 = arith.constant 0 : i32
      %dma_wait3A_965 = tpu.memref_slice %arg8[%dma_wait3A_963, %dma_wait3A_964] : memref<8x128xi32, #tpu.memory_space<vmem>> -> memref<1x128xi32, #tpu.memory_space<vmem>>
      %dma_wait3A_966 = tpu.memref_squeeze %dma_wait3A_965 : memref<1x128xi32, #tpu.memory_space<vmem>> -> memref<128xi32, #tpu.memory_space<vmem>>
      %dma_wait3A_967 = arith.constant 0 : i32
      %dma_wait3A_968 = arith.constant 0 : i32
      %dma_wait3A_969 = tpu.memref_slice %arg18[%dma_wait3A_967, %dma_wait3A_968] : memref<10240x128xf32, #tpu.memory_space<vmem_shared>> -> memref<10240x128xf32, #tpu.memory_space<vmem_shared>>
      tpu.wait_indirect_dma semaphore(%arg17 : memref<!tpu.dma_semaphore, #tpu.memory_space<semaphore_mem>>) src(%arg11 : memref<128x128xf32, #tpu.memory_space<vmem>>) dst(%dma_wait3A_969 : memref<10240x128xf32, #tpu.memory_space<vmem_shared>>)
      %dma_start3A_970 = arith.constant 5 : i32
      %dma_start3A_971 = arith.constant 0 : i32
      %dma_start3A_972 = tpu.memref_slice %arg6[%dma_start3A_970, %dma_start3A_971] : memref<8x128xi32, #tpu.memory_space<vmem>> -> memref<1x128xi32, #tpu.memory_space<vmem>>
      %dma_start3A_973 = tpu.memref_squeeze %dma_start3A_972 : memref<1x128xi32, #tpu.memory_space<vmem>> -> memref<128xi32, #tpu.memory_space<vmem>>
      %dma_start3A_974 = arith.constant 0 : i32
      %dma_start3A_975 = arith.constant 0 : i32
      %dma_start3A_976 = tpu.memref_slice %arg2[%dma_start3A_974, %dma_start3A_975] : memref<10000x128xf32, #tpu.memory_space<hbm>> -> memref<10000x128xf32, #tpu.memory_space<hbm>>
      tpu.enqueue_indirect_dma source(%dma_start3A_976 : memref<10000x128xf32, #tpu.memory_space<hbm>>) target(%arg11 : memref<128x128xf32, #tpu.memory_space<vmem>>) offsets(%dma_start3A_973 : memref<128xi32, #tpu.memory_space<vmem>>) semaphore(%arg15 : memref<!tpu.dma_semaphore, #tpu.memory_space<semaphore_mem>>)
      %dma_wait3A_977 = arith.constant 4 : i32
      %dma_wait3A_978 = arith.constant 0 : i32
      %dma_wait3A_979 = tpu.memref_slice %arg6[%dma_wait3A_977, %dma_wait3A_978] : memref<8x128xi32, #tpu.memory_space<vmem>> -> memref<1x128xi32, #tpu.memory_space<vmem>>
      %dma_wait3A_980 = tpu.memref_squeeze %dma_wait3A_979 : memref<1x128xi32, #tpu.memory_space<vmem>> -> memref<128xi32, #tpu.memory_space<vmem>>
      %dma_wait3A_981 = arith.constant 0 : i32
      %dma_wait3A_982 = arith.constant 0 : i32
      %dma_wait3A_983 = tpu.memref_slice %arg2[%dma_wait3A_981, %dma_wait3A_982] : memref<10000x128xf32, #tpu.memory_space<hbm>> -> memref<10000x128xf32, #tpu.memory_space<hbm>>
      tpu.wait_indirect_dma semaphore(%arg14 : memref<!tpu.dma_semaphore, #tpu.memory_space<semaphore_mem>>) src(%dma_wait3A_983 : memref<10000x128xf32, #tpu.memory_space<hbm>>) dst(%arg10 : memref<128x128xf32, #tpu.memory_space<vmem>>)
      %dma_start3A_984 = arith.constant 4 : i32
      %dma_start3A_985 = arith.constant 0 : i32
      %dma_start3A_986 = tpu.memref_slice %arg8[%dma_start3A_984, %dma_start3A_985] : memref<8x128xi32, #tpu.memory_space<vmem>> -> memref<1x128xi32, #tpu.memory_space<vmem>>
      %dma_start3A_987 = tpu.memref_squeeze %dma_start3A_986 : memref<1x128xi32, #tpu.memory_space<vmem>> -> memref<128xi32, #tpu.memory_space<vmem>>
      %dma_start3A_988 = arith.constant 0 : i32
      %dma_start3A_989 = arith.constant 0 : i32
      %dma_start3A_990 = tpu.memref_slice %arg18[%dma_start3A_988, %dma_start3A_989] : memref<10240x128xf32, #tpu.memory_space<vmem_shared>> -> memref<10240x128xf32, #tpu.memory_space<vmem_shared>>
      tpu.enqueue_indirect_dma source(%arg10 : memref<128x128xf32, #tpu.memory_space<vmem>>) target(%dma_start3A_990 : memref<10240x128xf32, #tpu.memory_space<vmem_shared>>) offsets(%dma_start3A_987 : memref<128xi32, #tpu.memory_space<vmem>>) semaphore(%arg16 : memref<!tpu.dma_semaphore, #tpu.memory_space<semaphore_mem>>) {add = true}
      %dma_wait3A_991 = arith.constant 4 : i32
      %dma_wait3A_992 = arith.constant 0 : i32
      %dma_wait3A_993 = tpu.memref_slice %arg8[%dma_wait3A_991, %dma_wait3A_992] : memref<8x128xi32, #tpu.memory_space<vmem>> -> memref<1x128xi32, #tpu.memory_space<vmem>>
      %dma_wait3A_994 = tpu.memref_squeeze %dma_wait3A_993 : memref<1x128xi32, #tpu.memory_space<vmem>> -> memref<128xi32, #tpu.memory_space<vmem>>
      %dma_wait3A_995 = arith.constant 0 : i32
      %dma_wait3A_996 = arith.constant 0 : i32
      %dma_wait3A_997 = tpu.memref_slice %arg18[%dma_wait3A_995, %dma_wait3A_996] : memref<10240x128xf32, #tpu.memory_space<vmem_shared>> -> memref<10240x128xf32, #tpu.memory_space<vmem_shared>>
      tpu.wait_indirect_dma semaphore(%arg16 : memref<!tpu.dma_semaphore, #tpu.memory_space<semaphore_mem>>) src(%arg10 : memref<128x128xf32, #tpu.memory_space<vmem>>) dst(%dma_wait3A_997 : memref<10240x128xf32, #tpu.memory_space<vmem_shared>>)
      %dma_start3A_998 = arith.constant 6 : i32
      %dma_start3A_999 = arith.constant 0 : i32
      %dma_start3A_1000 = tpu.memref_slice %arg6[%dma_start3A_998, %dma_start3A_999] : memref<8x128xi32, #tpu.memory_space<vmem>> -> memref<1x128xi32, #tpu.memory_space<vmem>>
      %dma_start3A_1001 = tpu.memref_squeeze %dma_start3A_1000 : memref<1x128xi32, #tpu.memory_space<vmem>> -> memref<128xi32, #tpu.memory_space<vmem>>
      %dma_start3A_1002 = arith.constant 0 : i32
      %dma_start3A_1003 = arith.constant 0 : i32
      %dma_start3A_1004 = tpu.memref_slice %arg2[%dma_start3A_1002, %dma_start3A_1003] : memref<10000x128xf32, #tpu.memory_space<hbm>> -> memref<10000x128xf32, #tpu.memory_space<hbm>>
      tpu.enqueue_indirect_dma source(%dma_start3A_1004 : memref<10000x128xf32, #tpu.memory_space<hbm>>) target(%arg10 : memref<128x128xf32, #tpu.memory_space<vmem>>) offsets(%dma_start3A_1001 : memref<128xi32, #tpu.memory_space<vmem>>) semaphore(%arg14 : memref<!tpu.dma_semaphore, #tpu.memory_space<semaphore_mem>>)
      %dma_wait3A_1005 = arith.constant 5 : i32
      %dma_wait3A_1006 = arith.constant 0 : i32
      %dma_wait3A_1007 = tpu.memref_slice %arg6[%dma_wait3A_1005, %dma_wait3A_1006] : memref<8x128xi32, #tpu.memory_space<vmem>> -> memref<1x128xi32, #tpu.memory_space<vmem>>
      %dma_wait3A_1008 = tpu.memref_squeeze %dma_wait3A_1007 : memref<1x128xi32, #tpu.memory_space<vmem>> -> memref<128xi32, #tpu.memory_space<vmem>>
      %dma_wait3A_1009 = arith.constant 0 : i32
      %dma_wait3A_1010 = arith.constant 0 : i32
      %dma_wait3A_1011 = tpu.memref_slice %arg2[%dma_wait3A_1009, %dma_wait3A_1010] : memref<10000x128xf32, #tpu.memory_space<hbm>> -> memref<10000x128xf32, #tpu.memory_space<hbm>>
      tpu.wait_indirect_dma semaphore(%arg15 : memref<!tpu.dma_semaphore, #tpu.memory_space<semaphore_mem>>) src(%dma_wait3A_1011 : memref<10000x128xf32, #tpu.memory_space<hbm>>) dst(%arg11 : memref<128x128xf32, #tpu.memory_space<vmem>>)
      %dma_start3A_1012 = arith.constant 5 : i32
      %dma_start3A_1013 = arith.constant 0 : i32
      %dma_start3A_1014 = tpu.memref_slice %arg8[%dma_start3A_1012, %dma_start3A_1013] : memref<8x128xi32, #tpu.memory_space<vmem>> -> memref<1x128xi32, #tpu.memory_space<vmem>>
      %dma_start3A_1015 = tpu.memref_squeeze %dma_start3A_1014 : memref<1x128xi32, #tpu.memory_space<vmem>> -> memref<128xi32, #tpu.memory_space<vmem>>
      %dma_start3A_1016 = arith.constant 0 : i32
      %dma_start3A_1017 = arith.constant 0 : i32
      %dma_start3A_1018 = tpu.memref_slice %arg18[%dma_start3A_1016, %dma_start3A_1017] : memref<10240x128xf32, #tpu.memory_space<vmem_shared>> -> memref<10240x128xf32, #tpu.memory_space<vmem_shared>>
      tpu.enqueue_indirect_dma source(%arg11 : memref<128x128xf32, #tpu.memory_space<vmem>>) target(%dma_start3A_1018 : memref<10240x128xf32, #tpu.memory_space<vmem_shared>>) offsets(%dma_start3A_1015 : memref<128xi32, #tpu.memory_space<vmem>>) semaphore(%arg17 : memref<!tpu.dma_semaphore, #tpu.memory_space<semaphore_mem>>) {add = true}
      %dma_wait3A_1019 = arith.constant 5 : i32
      %dma_wait3A_1020 = arith.constant 0 : i32
      %dma_wait3A_1021 = tpu.memref_slice %arg8[%dma_wait3A_1019, %dma_wait3A_1020] : memref<8x128xi32, #tpu.memory_space<vmem>> -> memref<1x128xi32, #tpu.memory_space<vmem>>
      %dma_wait3A_1022 = tpu.memref_squeeze %dma_wait3A_1021 : memref<1x128xi32, #tpu.memory_space<vmem>> -> memref<128xi32, #tpu.memory_space<vmem>>
      %dma_wait3A_1023 = arith.constant 0 : i32
      %dma_wait3A_1024 = arith.constant 0 : i32
      %dma_wait3A_1025 = tpu.memref_slice %arg18[%dma_wait3A_1023, %dma_wait3A_1024] : memref<10240x128xf32, #tpu.memory_space<vmem_shared>> -> memref<10240x128xf32, #tpu.memory_space<vmem_shared>>
      tpu.wait_indirect_dma semaphore(%arg17 : memref<!tpu.dma_semaphore, #tpu.memory_space<semaphore_mem>>) src(%arg11 : memref<128x128xf32, #tpu.memory_space<vmem>>) dst(%dma_wait3A_1025 : memref<10240x128xf32, #tpu.memory_space<vmem_shared>>)
      %dma_start3A_1026 = arith.constant 7 : i32
      %dma_start3A_1027 = arith.constant 0 : i32
      %dma_start3A_1028 = tpu.memref_slice %arg6[%dma_start3A_1026, %dma_start3A_1027] : memref<8x128xi32, #tpu.memory_space<vmem>> -> memref<1x128xi32, #tpu.memory_space<vmem>>
      %dma_start3A_1029 = tpu.memref_squeeze %dma_start3A_1028 : memref<1x128xi32, #tpu.memory_space<vmem>> -> memref<128xi32, #tpu.memory_space<vmem>>
      %dma_start3A_1030 = arith.constant 0 : i32
      %dma_start3A_1031 = arith.constant 0 : i32
      %dma_start3A_1032 = tpu.memref_slice %arg2[%dma_start3A_1030, %dma_start3A_1031] : memref<10000x128xf32, #tpu.memory_space<hbm>> -> memref<10000x128xf32, #tpu.memory_space<hbm>>
      tpu.enqueue_indirect_dma source(%dma_start3A_1032 : memref<10000x128xf32, #tpu.memory_space<hbm>>) target(%arg11 : memref<128x128xf32, #tpu.memory_space<vmem>>) offsets(%dma_start3A_1029 : memref<128xi32, #tpu.memory_space<vmem>>) semaphore(%arg15 : memref<!tpu.dma_semaphore, #tpu.memory_space<semaphore_mem>>)
      %dma_wait3A_1033 = arith.constant 6 : i32
      %dma_wait3A_1034 = arith.constant 0 : i32
      %dma_wait3A_1035 = tpu.memref_slice %arg6[%dma_wait3A_1033, %dma_wait3A_1034] : memref<8x128xi32, #tpu.memory_space<vmem>> -> memref<1x128xi32, #tpu.memory_space<vmem>>
      %dma_wait3A_1036 = tpu.memref_squeeze %dma_wait3A_1035 : memref<1x128xi32, #tpu.memory_space<vmem>> -> memref<128xi32, #tpu.memory_space<vmem>>
      %dma_wait3A_1037 = arith.constant 0 : i32
      %dma_wait3A_1038 = arith.constant 0 : i32
      %dma_wait3A_1039 = tpu.memref_slice %arg2[%dma_wait3A_1037, %dma_wait3A_1038] : memref<10000x128xf32, #tpu.memory_space<hbm>> -> memref<10000x128xf32, #tpu.memory_space<hbm>>
      tpu.wait_indirect_dma semaphore(%arg14 : memref<!tpu.dma_semaphore, #tpu.memory_space<semaphore_mem>>) src(%dma_wait3A_1039 : memref<10000x128xf32, #tpu.memory_space<hbm>>) dst(%arg10 : memref<128x128xf32, #tpu.memory_space<vmem>>)
      %dma_start3A_1040 = arith.constant 6 : i32
      %dma_start3A_1041 = arith.constant 0 : i32
      %dma_start3A_1042 = tpu.memref_slice %arg8[%dma_start3A_1040, %dma_start3A_1041] : memref<8x128xi32, #tpu.memory_space<vmem>> -> memref<1x128xi32, #tpu.memory_space<vmem>>
      %dma_start3A_1043 = tpu.memref_squeeze %dma_start3A_1042 : memref<1x128xi32, #tpu.memory_space<vmem>> -> memref<128xi32, #tpu.memory_space<vmem>>
      %dma_start3A_1044 = arith.constant 0 : i32
      %dma_start3A_1045 = arith.constant 0 : i32
      %dma_start3A_1046 = tpu.memref_slice %arg18[%dma_start3A_1044, %dma_start3A_1045] : memref<10240x128xf32, #tpu.memory_space<vmem_shared>> -> memref<10240x128xf32, #tpu.memory_space<vmem_shared>>
      tpu.enqueue_indirect_dma source(%arg10 : memref<128x128xf32, #tpu.memory_space<vmem>>) target(%dma_start3A_1046 : memref<10240x128xf32, #tpu.memory_space<vmem_shared>>) offsets(%dma_start3A_1043 : memref<128xi32, #tpu.memory_space<vmem>>) semaphore(%arg16 : memref<!tpu.dma_semaphore, #tpu.memory_space<semaphore_mem>>) {add = true}
    }
    %scan3A_244 = arith.constant 4 : i32
    %dma_wait3A_245 = arith.constant 0 : i32
    %dma_wait3A_246 = arith.constant 0 : i32
    %dma_wait3A_247 = arith.constant 0 : i32
    %dma_wait3A_248 = tpu.memref_slice %arg3[%add3A, %dma_wait3A_245, %dma_wait3A_246, %dma_wait3A_247] : memref<32x10x8x128xi32, #tpu.memory_space<hbm>> -> memref<1x1x8x128xi32, #tpu.memory_space<hbm>>
    %dma_wait3A_249 = tpu.memref_squeeze %dma_wait3A_248 : memref<1x1x8x128xi32, #tpu.memory_space<hbm>> -> memref<8x128xi32, #tpu.memory_space<hbm>>
    %dma_wait3A_250 = arith.constant 0 : i32
    %dma_wait3A_251 = arith.constant 0 : i32
    %dma_wait3A_252 = tpu.memref_slice %arg3[%add3A, %dma_wait3A_245, %dma_wait3A_250, %dma_wait3A_251] : memref<32x10x8x128xi32, #tpu.memory_space<hbm>> -> memref<1x1x8x128xi32, #tpu.memory_space<hbm>>
    %dma_wait3A_253 = tpu.memref_squeeze %dma_wait3A_252 : memref<1x1x8x128xi32, #tpu.memory_space<hbm>> -> memref<8x128xi32, #tpu.memory_space<hbm>>
    tpu.wait_dma2 semaphore(%arg13 : memref<!tpu.dma_semaphore, #tpu.memory_space<semaphore_mem>>) src(%dma_wait3A_253 : memref<8x128xi32, #tpu.memory_space<hbm>>) dst(%arg7 : memref<8x128xi32, #tpu.memory_space<vmem>>)
    %dma_wait3A_254 = arith.constant 0 : i32
    %dma_wait3A_255 = arith.constant 0 : i32
    %dma_wait3A_256 = arith.constant 0 : i32
    %dma_wait3A_257 = tpu.memref_slice %arg4[%add3A, %dma_wait3A_254, %dma_wait3A_255, %dma_wait3A_256] : memref<32x10x8x128xi32, #tpu.memory_space<hbm>> -> memref<1x1x8x128xi32, #tpu.memory_space<hbm>>
    %dma_wait3A_258 = tpu.memref_squeeze %dma_wait3A_257 : memref<1x1x8x128xi32, #tpu.memory_space<hbm>> -> memref<8x128xi32, #tpu.memory_space<hbm>>
    %dma_wait3A_259 = arith.constant 0 : i32
    %dma_wait3A_260 = arith.constant 0 : i32
    %dma_wait3A_261 = tpu.memref_slice %arg4[%add3A, %dma_wait3A_254, %dma_wait3A_259, %dma_wait3A_260] : memref<32x10x8x128xi32, #tpu.memory_space<hbm>> -> memref<1x1x8x128xi32, #tpu.memory_space<hbm>>
    %dma_wait3A_262 = tpu.memref_squeeze %dma_wait3A_261 : memref<1x1x8x128xi32, #tpu.memory_space<hbm>> -> memref<8x128xi32, #tpu.memory_space<hbm>>
    tpu.wait_dma2 semaphore(%arg13 : memref<!tpu.dma_semaphore, #tpu.memory_space<semaphore_mem>>) src(%dma_wait3A_262 : memref<8x128xi32, #tpu.memory_space<hbm>>) dst(%arg9 : memref<8x128xi32, #tpu.memory_space<vmem>>)
    %dma_wait3A_263 = arith.constant 6 : i32
    %dma_wait3A_264 = arith.constant 0 : i32
    %dma_wait3A_265 = tpu.memref_slice %arg8[%dma_wait3A_263, %dma_wait3A_264] : memref<8x128xi32, #tpu.memory_space<vmem>> -> memref<1x128xi32, #tpu.memory_space<vmem>>
    %dma_wait3A_266 = tpu.memref_squeeze %dma_wait3A_265 : memref<1x128xi32, #tpu.memory_space<vmem>> -> memref<128xi32, #tpu.memory_space<vmem>>
    %dma_wait3A_267 = arith.constant 0 : i32
    %dma_wait3A_268 = arith.constant 0 : i32
    %dma_wait3A_269 = tpu.memref_slice %arg18[%dma_wait3A_267, %dma_wait3A_268] : memref<10240x128xf32, #tpu.memory_space<vmem_shared>> -> memref<10240x128xf32, #tpu.memory_space<vmem_shared>>
    tpu.wait_indirect_dma semaphore(%arg16 : memref<!tpu.dma_semaphore, #tpu.memory_space<semaphore_mem>>) src(%arg10 : memref<128x128xf32, #tpu.memory_space<vmem>>) dst(%dma_wait3A_269 : memref<10240x128xf32, #tpu.memory_space<vmem_shared>>)
    %dma_start3A_270 = arith.constant 0 : i32
    %dma_start3A_271 = arith.constant 0 : i32
    %dma_start3A_272 = tpu.memref_slice %arg7[%dma_start3A_270, %dma_start3A_271] : memref<8x128xi32, #tpu.memory_space<vmem>> -> memref<1x128xi32, #tpu.memory_space<vmem>>
    %dma_start3A_273 = tpu.memref_squeeze %dma_start3A_272 : memref<1x128xi32, #tpu.memory_space<vmem>> -> memref<128xi32, #tpu.memory_space<vmem>>
    %dma_start3A_274 = arith.constant 0 : i32
    %dma_start3A_275 = arith.constant 0 : i32
    %dma_start3A_276 = tpu.memref_slice %arg2[%dma_start3A_274, %dma_start3A_275] : memref<10000x128xf32, #tpu.memory_space<hbm>> -> memref<10000x128xf32, #tpu.memory_space<hbm>>
    tpu.enqueue_indirect_dma source(%dma_start3A_276 : memref<10000x128xf32, #tpu.memory_space<hbm>>) target(%arg10 : memref<128x128xf32, #tpu.memory_space<vmem>>) offsets(%dma_start3A_273 : memref<128xi32, #tpu.memory_space<vmem>>) semaphore(%arg14 : memref<!tpu.dma_semaphore, #tpu.memory_space<semaphore_mem>>)
    %dma_wait3A_277 = arith.constant 7 : i32
    %dma_wait3A_278 = arith.constant 0 : i32
    %dma_wait3A_279 = tpu.memref_slice %arg6[%dma_wait3A_277, %dma_wait3A_278] : memref<8x128xi32, #tpu.memory_space<vmem>> -> memref<1x128xi32, #tpu.memory_space<vmem>>
    %dma_wait3A_280 = tpu.memref_squeeze %dma_wait3A_279 : memref<1x128xi32, #tpu.memory_space<vmem>> -> memref<128xi32, #tpu.memory_space<vmem>>
    %dma_wait3A_281 = arith.constant 0 : i32
    %dma_wait3A_282 = arith.constant 0 : i32
    %dma_wait3A_283 = tpu.memref_slice %arg2[%dma_wait3A_281, %dma_wait3A_282] : memref<10000x128xf32, #tpu.memory_space<hbm>> -> memref<10000x128xf32, #tpu.memory_space<hbm>>
    tpu.wait_indirect_dma semaphore(%arg15 : memref<!tpu.dma_semaphore, #tpu.memory_space<semaphore_mem>>) src(%dma_wait3A_283 : memref<10000x128xf32, #tpu.memory_space<hbm>>) dst(%arg11 : memref<128x128xf32, #tpu.memory_space<vmem>>)
    %dma_start3A_284 = arith.constant 7 : i32
    %dma_start3A_285 = arith.constant 0 : i32
    %dma_start3A_286 = tpu.memref_slice %arg8[%dma_start3A_284, %dma_start3A_285] : memref<8x128xi32, #tpu.memory_space<vmem>> -> memref<1x128xi32, #tpu.memory_space<vmem>>
    %dma_start3A_287 = tpu.memref_squeeze %dma_start3A_286 : memref<1x128xi32, #tpu.memory_space<vmem>> -> memref<128xi32, #tpu.memory_space<vmem>>
    %dma_start3A_288 = arith.constant 0 : i32
    %dma_start3A_289 = arith.constant 0 : i32
    %dma_start3A_290 = tpu.memref_slice %arg18[%dma_start3A_288, %dma_start3A_289] : memref<10240x128xf32, #tpu.memory_space<vmem_shared>> -> memref<10240x128xf32, #tpu.memory_space<vmem_shared>>
    tpu.enqueue_indirect_dma source(%arg11 : memref<128x128xf32, #tpu.memory_space<vmem>>) target(%dma_start3A_290 : memref<10240x128xf32, #tpu.memory_space<vmem_shared>>) offsets(%dma_start3A_287 : memref<128xi32, #tpu.memory_space<vmem>>) semaphore(%arg17 : memref<!tpu.dma_semaphore, #tpu.memory_space<semaphore_mem>>) {add = true}
    %dma_wait3A_291 = arith.constant 7 : i32
    %dma_wait3A_292 = arith.constant 0 : i32
    %dma_wait3A_293 = tpu.memref_slice %arg8[%dma_wait3A_291, %dma_wait3A_292] : memref<8x128xi32, #tpu.memory_space<vmem>> -> memref<1x128xi32, #tpu.memory_space<vmem>>
    %dma_wait3A_294 = tpu.memref_squeeze %dma_wait3A_293 : memref<1x128xi32, #tpu.memory_space<vmem>> -> memref<128xi32, #tpu.memory_space<vmem>>
    %dma_wait3A_295 = arith.constant 0 : i32
    %dma_wait3A_296 = arith.constant 0 : i32
    %dma_wait3A_297 = tpu.memref_slice %arg18[%dma_wait3A_295, %dma_wait3A_296] : memref<10240x128xf32, #tpu.memory_space<vmem_shared>> -> memref<10240x128xf32, #tpu.memory_space<vmem_shared>>
    tpu.wait_indirect_dma semaphore(%arg17 : memref<!tpu.dma_semaphore, #tpu.memory_space<semaphore_mem>>) src(%arg11 : memref<128x128xf32, #tpu.memory_space<vmem>>) dst(%dma_wait3A_297 : memref<10240x128xf32, #tpu.memory_space<vmem_shared>>)
    %dma_start3A_298 = arith.constant 1 : i32
    %dma_start3A_299 = arith.constant 0 : i32
    %dma_start3A_300 = tpu.memref_slice %arg7[%dma_start3A_298, %dma_start3A_299] : memref<8x128xi32, #tpu.memory_space<vmem>> -> memref<1x128xi32, #tpu.memory_space<vmem>>
    %dma_start3A_301 = tpu.memref_squeeze %dma_start3A_300 : memref<1x128xi32, #tpu.memory_space<vmem>> -> memref<128xi32, #tpu.memory_space<vmem>>
    %dma_start3A_302 = arith.constant 0 : i32
    %dma_start3A_303 = arith.constant 0 : i32
    %dma_start3A_304 = tpu.memref_slice %arg2[%dma_start3A_302, %dma_start3A_303] : memref<10000x128xf32, #tpu.memory_space<hbm>> -> memref<10000x128xf32, #tpu.memory_space<hbm>>
    tpu.enqueue_indirect_dma source(%dma_start3A_304 : memref<10000x128xf32, #tpu.memory_space<hbm>>) target(%arg11 : memref<128x128xf32, #tpu.memory_space<vmem>>) offsets(%dma_start3A_301 : memref<128xi32, #tpu.memory_space<vmem>>) semaphore(%arg15 : memref<!tpu.dma_semaphore, #tpu.memory_space<semaphore_mem>>)
    %dma_wait3A_305 = arith.constant 0 : i32
    %dma_wait3A_306 = arith.constant 0 : i32
    %dma_wait3A_307 = tpu.memref_slice %arg7[%dma_wait3A_305, %dma_wait3A_306] : memref<8x128xi32, #tpu.memory_space<vmem>> -> memref<1x128xi32, #tpu.memory_space<vmem>>
    %dma_wait3A_308 = tpu.memref_squeeze %dma_wait3A_307 : memref<1x128xi32, #tpu.memory_space<vmem>> -> memref<128xi32, #tpu.memory_space<vmem>>
    %dma_wait3A_309 = arith.constant 0 : i32
    %dma_wait3A_310 = arith.constant 0 : i32
    %dma_wait3A_311 = tpu.memref_slice %arg2[%dma_wait3A_309, %dma_wait3A_310] : memref<10000x128xf32, #tpu.memory_space<hbm>> -> memref<10000x128xf32, #tpu.memory_space<hbm>>
    tpu.wait_indirect_dma semaphore(%arg14 : memref<!tpu.dma_semaphore, #tpu.memory_space<semaphore_mem>>) src(%dma_wait3A_311 : memref<10000x128xf32, #tpu.memory_space<hbm>>) dst(%arg10 : memref<128x128xf32, #tpu.memory_space<vmem>>)
    %dma_start3A_312 = arith.constant 0 : i32
    %dma_start3A_313 = arith.constant 0 : i32
    %dma_start3A_314 = tpu.memref_slice %arg9[%dma_start3A_312, %dma_start3A_313] : memref<8x128xi32, #tpu.memory_space<vmem>> -> memref<1x128xi32, #tpu.memory_space<vmem>>
    %dma_start3A_315 = tpu.memref_squeeze %dma_start3A_314 : memref<1x128xi32, #tpu.memory_space<vmem>> -> memref<128xi32, #tpu.memory_space<vmem>>
    %dma_start3A_316 = arith.constant 0 : i32
    %dma_start3A_317 = arith.constant 0 : i32
    %dma_start3A_318 = tpu.memref_slice %arg18[%dma_start3A_316, %dma_start3A_317] : memref<10240x128xf32, #tpu.memory_space<vmem_shared>> -> memref<10240x128xf32, #tpu.memory_space<vmem_shared>>
    tpu.enqueue_indirect_dma source(%arg10 : memref<128x128xf32, #tpu.memory_space<vmem>>) target(%dma_start3A_318 : memref<10240x128xf32, #tpu.memory_space<vmem_shared>>) offsets(%dma_start3A_315 : memref<128xi32, #tpu.memory_space<vmem>>) semaphore(%arg16 : memref<!tpu.dma_semaphore, #tpu.memory_space<semaphore_mem>>) {add = true}
    %dma_wait3A_319 = arith.constant 0 : i32
    %dma_wait3A_320 = arith.constant 0 : i32
    %dma_wait3A_321 = tpu.memref_slice %arg9[%dma_wait3A_319, %dma_wait3A_320] : memref<8x128xi32, #tpu.memory_space<vmem>> -> memref<1x128xi32, #tpu.memory_space<vmem>>
    %dma_wait3A_322 = tpu.memref_squeeze %dma_wait3A_321 : memref<1x128xi32, #tpu.memory_space<vmem>> -> memref<128xi32, #tpu.memory_space<vmem>>
    %dma_wait3A_323 = arith.constant 0 : i32
    %dma_wait3A_324 = arith.constant 0 : i32
    %dma_wait3A_325 = tpu.memref_slice %arg18[%dma_wait3A_323, %dma_wait3A_324] : memref<10240x128xf32, #tpu.memory_space<vmem_shared>> -> memref<10240x128xf32, #tpu.memory_space<vmem_shared>>
    tpu.wait_indirect_dma semaphore(%arg16 : memref<!tpu.dma_semaphore, #tpu.memory_space<semaphore_mem>>) src(%arg10 : memref<128x128xf32, #tpu.memory_space<vmem>>) dst(%dma_wait3A_325 : memref<10240x128xf32, #tpu.memory_space<vmem_shared>>)
    %dma_start3A_326 = arith.constant 2 : i32
    %dma_start3A_327 = arith.constant 0 : i32
    %dma_start3A_328 = tpu.memref_slice %arg7[%dma_start3A_326, %dma_start3A_327] : memref<8x128xi32, #tpu.memory_space<vmem>> -> memref<1x128xi32, #tpu.memory_space<vmem>>
    %dma_start3A_329 = tpu.memref_squeeze %dma_start3A_328 : memref<1x128xi32, #tpu.memory_space<vmem>> -> memref<128xi32, #tpu.memory_space<vmem>>
    %dma_start3A_330 = arith.constant 0 : i32
    %dma_start3A_331 = arith.constant 0 : i32
    %dma_start3A_332 = tpu.memref_slice %arg2[%dma_start3A_330, %dma_start3A_331] : memref<10000x128xf32, #tpu.memory_space<hbm>> -> memref<10000x128xf32, #tpu.memory_space<hbm>>
    tpu.enqueue_indirect_dma source(%dma_start3A_332 : memref<10000x128xf32, #tpu.memory_space<hbm>>) target(%arg10 : memref<128x128xf32, #tpu.memory_space<vmem>>) offsets(%dma_start3A_329 : memref<128xi32, #tpu.memory_space<vmem>>) semaphore(%arg14 : memref<!tpu.dma_semaphore, #tpu.memory_space<semaphore_mem>>)
    %dma_wait3A_333 = arith.constant 1 : i32
    %dma_wait3A_334 = arith.constant 0 : i32
    %dma_wait3A_335 = tpu.memref_slice %arg7[%dma_wait3A_333, %dma_wait3A_334] : memref<8x128xi32, #tpu.memory_space<vmem>> -> memref<1x128xi32, #tpu.memory_space<vmem>>
    %dma_wait3A_336 = tpu.memref_squeeze %dma_wait3A_335 : memref<1x128xi32, #tpu.memory_space<vmem>> -> memref<128xi32, #tpu.memory_space<vmem>>
    %dma_wait3A_337 = arith.constant 0 : i32
    %dma_wait3A_338 = arith.constant 0 : i32
    %dma_wait3A_339 = tpu.memref_slice %arg2[%dma_wait3A_337, %dma_wait3A_338] : memref<10000x128xf32, #tpu.memory_space<hbm>> -> memref<10000x128xf32, #tpu.memory_space<hbm>>
    tpu.wait_indirect_dma semaphore(%arg15 : memref<!tpu.dma_semaphore, #tpu.memory_space<semaphore_mem>>) src(%dma_wait3A_339 : memref<10000x128xf32, #tpu.memory_space<hbm>>) dst(%arg11 : memref<128x128xf32, #tpu.memory_space<vmem>>)
    %dma_start3A_340 = arith.constant 1 : i32
    %dma_start3A_341 = arith.constant 0 : i32
    %dma_start3A_342 = tpu.memref_slice %arg9[%dma_start3A_340, %dma_start3A_341] : memref<8x128xi32, #tpu.memory_space<vmem>> -> memref<1x128xi32, #tpu.memory_space<vmem>>
    %dma_start3A_343 = tpu.memref_squeeze %dma_start3A_342 : memref<1x128xi32, #tpu.memory_space<vmem>> -> memref<128xi32, #tpu.memory_space<vmem>>
    %dma_start3A_344 = arith.constant 0 : i32
    %dma_start3A_345 = arith.constant 0 : i32
    %dma_start3A_346 = tpu.memref_slice %arg18[%dma_start3A_344, %dma_start3A_345] : memref<10240x128xf32, #tpu.memory_space<vmem_shared>> -> memref<10240x128xf32, #tpu.memory_space<vmem_shared>>
    tpu.enqueue_indirect_dma source(%arg11 : memref<128x128xf32, #tpu.memory_space<vmem>>) target(%dma_start3A_346 : memref<10240x128xf32, #tpu.memory_space<vmem_shared>>) offsets(%dma_start3A_343 : memref<128xi32, #tpu.memory_space<vmem>>) semaphore(%arg17 : memref<!tpu.dma_semaphore, #tpu.memory_space<semaphore_mem>>) {add = true}
    %dma_wait3A_347 = arith.constant 1 : i32
    %dma_wait3A_348 = arith.constant 0 : i32
    %dma_wait3A_349 = tpu.memref_slice %arg9[%dma_wait3A_347, %dma_wait3A_348] : memref<8x128xi32, #tpu.memory_space<vmem>> -> memref<1x128xi32, #tpu.memory_space<vmem>>
    %dma_wait3A_350 = tpu.memref_squeeze %dma_wait3A_349 : memref<1x128xi32, #tpu.memory_space<vmem>> -> memref<128xi32, #tpu.memory_space<vmem>>
    %dma_wait3A_351 = arith.constant 0 : i32
    %dma_wait3A_352 = arith.constant 0 : i32
    %dma_wait3A_353 = tpu.memref_slice %arg18[%dma_wait3A_351, %dma_wait3A_352] : memref<10240x128xf32, #tpu.memory_space<vmem_shared>> -> memref<10240x128xf32, #tpu.memory_space<vmem_shared>>
    tpu.wait_indirect_dma semaphore(%arg17 : memref<!tpu.dma_semaphore, #tpu.memory_space<semaphore_mem>>) src(%arg11 : memref<128x128xf32, #tpu.memory_space<vmem>>) dst(%dma_wait3A_353 : memref<10240x128xf32, #tpu.memory_space<vmem_shared>>)
    %dma_start3A_354 = arith.constant 3 : i32
    %dma_start3A_355 = arith.constant 0 : i32
    %dma_start3A_356 = tpu.memref_slice %arg7[%dma_start3A_354, %dma_start3A_355] : memref<8x128xi32, #tpu.memory_space<vmem>> -> memref<1x128xi32, #tpu.memory_space<vmem>>
    %dma_start3A_357 = tpu.memref_squeeze %dma_start3A_356 : memref<1x128xi32, #tpu.memory_space<vmem>> -> memref<128xi32, #tpu.memory_space<vmem>>
    %dma_start3A_358 = arith.constant 0 : i32
    %dma_start3A_359 = arith.constant 0 : i32
    %dma_start3A_360 = tpu.memref_slice %arg2[%dma_start3A_358, %dma_start3A_359] : memref<10000x128xf32, #tpu.memory_space<hbm>> -> memref<10000x128xf32, #tpu.memory_space<hbm>>
    tpu.enqueue_indirect_dma source(%dma_start3A_360 : memref<10000x128xf32, #tpu.memory_space<hbm>>) target(%arg11 : memref<128x128xf32, #tpu.memory_space<vmem>>) offsets(%dma_start3A_357 : memref<128xi32, #tpu.memory_space<vmem>>) semaphore(%arg15 : memref<!tpu.dma_semaphore, #tpu.memory_space<semaphore_mem>>)
    %dma_wait3A_361 = arith.constant 2 : i32
    %dma_wait3A_362 = arith.constant 0 : i32
    %dma_wait3A_363 = tpu.memref_slice %arg7[%dma_wait3A_361, %dma_wait3A_362] : memref<8x128xi32, #tpu.memory_space<vmem>> -> memref<1x128xi32, #tpu.memory_space<vmem>>
    %dma_wait3A_364 = tpu.memref_squeeze %dma_wait3A_363 : memref<1x128xi32, #tpu.memory_space<vmem>> -> memref<128xi32, #tpu.memory_space<vmem>>
    %dma_wait3A_365 = arith.constant 0 : i32
    %dma_wait3A_366 = arith.constant 0 : i32
    %dma_wait3A_367 = tpu.memref_slice %arg2[%dma_wait3A_365, %dma_wait3A_366] : memref<10000x128xf32, #tpu.memory_space<hbm>> -> memref<10000x128xf32, #tpu.memory_space<hbm>>
    tpu.wait_indirect_dma semaphore(%arg14 : memref<!tpu.dma_semaphore, #tpu.memory_space<semaphore_mem>>) src(%dma_wait3A_367 : memref<10000x128xf32, #tpu.memory_space<hbm>>) dst(%arg10 : memref<128x128xf32, #tpu.memory_space<vmem>>)
    %dma_start3A_368 = arith.constant 2 : i32
    %dma_start3A_369 = arith.constant 0 : i32
    %dma_start3A_370 = tpu.memref_slice %arg9[%dma_start3A_368, %dma_start3A_369] : memref<8x128xi32, #tpu.memory_space<vmem>> -> memref<1x128xi32, #tpu.memory_space<vmem>>
    %dma_start3A_371 = tpu.memref_squeeze %dma_start3A_370 : memref<1x128xi32, #tpu.memory_space<vmem>> -> memref<128xi32, #tpu.memory_space<vmem>>
    %dma_start3A_372 = arith.constant 0 : i32
    %dma_start3A_373 = arith.constant 0 : i32
    %dma_start3A_374 = tpu.memref_slice %arg18[%dma_start3A_372, %dma_start3A_373] : memref<10240x128xf32, #tpu.memory_space<vmem_shared>> -> memref<10240x128xf32, #tpu.memory_space<vmem_shared>>
    tpu.enqueue_indirect_dma source(%arg10 : memref<128x128xf32, #tpu.memory_space<vmem>>) target(%dma_start3A_374 : memref<10240x128xf32, #tpu.memory_space<vmem_shared>>) offsets(%dma_start3A_371 : memref<128xi32, #tpu.memory_space<vmem>>) semaphore(%arg16 : memref<!tpu.dma_semaphore, #tpu.memory_space<semaphore_mem>>) {add = true}
    %dma_wait3A_375 = arith.constant 2 : i32
    %dma_wait3A_376 = arith.constant 0 : i32
    %dma_wait3A_377 = tpu.memref_slice %arg9[%dma_wait3A_375, %dma_wait3A_376] : memref<8x128xi32, #tpu.memory_space<vmem>> -> memref<1x128xi32, #tpu.memory_space<vmem>>
    %dma_wait3A_378 = tpu.memref_squeeze %dma_wait3A_377 : memref<1x128xi32, #tpu.memory_space<vmem>> -> memref<128xi32, #tpu.memory_space<vmem>>
    %dma_wait3A_379 = arith.constant 0 : i32
    %dma_wait3A_380 = arith.constant 0 : i32
    %dma_wait3A_381 = tpu.memref_slice %arg18[%dma_wait3A_379, %dma_wait3A_380] : memref<10240x128xf32, #tpu.memory_space<vmem_shared>> -> memref<10240x128xf32, #tpu.memory_space<vmem_shared>>
    tpu.wait_indirect_dma semaphore(%arg16 : memref<!tpu.dma_semaphore, #tpu.memory_space<semaphore_mem>>) src(%arg10 : memref<128x128xf32, #tpu.memory_space<vmem>>) dst(%dma_wait3A_381 : memref<10240x128xf32, #tpu.memory_space<vmem_shared>>)
    %dma_start3A_382 = arith.constant 4 : i32
    %dma_start3A_383 = arith.constant 0 : i32
    %dma_start3A_384 = tpu.memref_slice %arg7[%dma_start3A_382, %dma_start3A_383] : memref<8x128xi32, #tpu.memory_space<vmem>> -> memref<1x128xi32, #tpu.memory_space<vmem>>
    %dma_start3A_385 = tpu.memref_squeeze %dma_start3A_384 : memref<1x128xi32, #tpu.memory_space<vmem>> -> memref<128xi32, #tpu.memory_space<vmem>>
    %dma_start3A_386 = arith.constant 0 : i32
    %dma_start3A_387 = arith.constant 0 : i32
    %dma_start3A_388 = tpu.memref_slice %arg2[%dma_start3A_386, %dma_start3A_387] : memref<10000x128xf32, #tpu.memory_space<hbm>> -> memref<10000x128xf32, #tpu.memory_space<hbm>>
    tpu.enqueue_indirect_dma source(%dma_start3A_388 : memref<10000x128xf32, #tpu.memory_space<hbm>>) target(%arg10 : memref<128x128xf32, #tpu.memory_space<vmem>>) offsets(%dma_start3A_385 : memref<128xi32, #tpu.memory_space<vmem>>) semaphore(%arg14 : memref<!tpu.dma_semaphore, #tpu.memory_space<semaphore_mem>>)
    %dma_wait3A_389 = arith.constant 3 : i32
    %dma_wait3A_390 = arith.constant 0 : i32
    %dma_wait3A_391 = tpu.memref_slice %arg7[%dma_wait3A_389, %dma_wait3A_390] : memref<8x128xi32, #tpu.memory_space<vmem>> -> memref<1x128xi32, #tpu.memory_space<vmem>>
    %dma_wait3A_392 = tpu.memref_squeeze %dma_wait3A_391 : memref<1x128xi32, #tpu.memory_space<vmem>> -> memref<128xi32, #tpu.memory_space<vmem>>
    %dma_wait3A_393 = arith.constant 0 : i32
    %dma_wait3A_394 = arith.constant 0 : i32
    %dma_wait3A_395 = tpu.memref_slice %arg2[%dma_wait3A_393, %dma_wait3A_394] : memref<10000x128xf32, #tpu.memory_space<hbm>> -> memref<10000x128xf32, #tpu.memory_space<hbm>>
    tpu.wait_indirect_dma semaphore(%arg15 : memref<!tpu.dma_semaphore, #tpu.memory_space<semaphore_mem>>) src(%dma_wait3A_395 : memref<10000x128xf32, #tpu.memory_space<hbm>>) dst(%arg11 : memref<128x128xf32, #tpu.memory_space<vmem>>)
    %dma_start3A_396 = arith.constant 3 : i32
    %dma_start3A_397 = arith.constant 0 : i32
    %dma_start3A_398 = tpu.memref_slice %arg9[%dma_start3A_396, %dma_start3A_397] : memref<8x128xi32, #tpu.memory_space<vmem>> -> memref<1x128xi32, #tpu.memory_space<vmem>>
    %dma_start3A_399 = tpu.memref_squeeze %dma_start3A_398 : memref<1x128xi32, #tpu.memory_space<vmem>> -> memref<128xi32, #tpu.memory_space<vmem>>
    %dma_start3A_400 = arith.constant 0 : i32
    %dma_start3A_401 = arith.constant 0 : i32
    %dma_start3A_402 = tpu.memref_slice %arg18[%dma_start3A_400, %dma_start3A_401] : memref<10240x128xf32, #tpu.memory_space<vmem_shared>> -> memref<10240x128xf32, #tpu.memory_space<vmem_shared>>
    tpu.enqueue_indirect_dma source(%arg11 : memref<128x128xf32, #tpu.memory_space<vmem>>) target(%dma_start3A_402 : memref<10240x128xf32, #tpu.memory_space<vmem_shared>>) offsets(%dma_start3A_399 : memref<128xi32, #tpu.memory_space<vmem>>) semaphore(%arg17 : memref<!tpu.dma_semaphore, #tpu.memory_space<semaphore_mem>>) {add = true}
    %dma_wait3A_403 = arith.constant 3 : i32
    %dma_wait3A_404 = arith.constant 0 : i32
    %dma_wait3A_405 = tpu.memref_slice %arg9[%dma_wait3A_403, %dma_wait3A_404] : memref<8x128xi32, #tpu.memory_space<vmem>> -> memref<1x128xi32, #tpu.memory_space<vmem>>
    %dma_wait3A_406 = tpu.memref_squeeze %dma_wait3A_405 : memref<1x128xi32, #tpu.memory_space<vmem>> -> memref<128xi32, #tpu.memory_space<vmem>>
    %dma_wait3A_407 = arith.constant 0 : i32
    %dma_wait3A_408 = arith.constant 0 : i32
    %dma_wait3A_409 = tpu.memref_slice %arg18[%dma_wait3A_407, %dma_wait3A_408] : memref<10240x128xf32, #tpu.memory_space<vmem_shared>> -> memref<10240x128xf32, #tpu.memory_space<vmem_shared>>
    tpu.wait_indirect_dma semaphore(%arg17 : memref<!tpu.dma_semaphore, #tpu.memory_space<semaphore_mem>>) src(%arg11 : memref<128x128xf32, #tpu.memory_space<vmem>>) dst(%dma_wait3A_409 : memref<10240x128xf32, #tpu.memory_space<vmem_shared>>)
    %dma_start3A_410 = arith.constant 5 : i32
    %dma_start3A_411 = arith.constant 0 : i32
    %dma_start3A_412 = tpu.memref_slice %arg7[%dma_start3A_410, %dma_start3A_411] : memref<8x128xi32, #tpu.memory_space<vmem>> -> memref<1x128xi32, #tpu.memory_space<vmem>>
    %dma_start3A_413 = tpu.memref_squeeze %dma_start3A_412 : memref<1x128xi32, #tpu.memory_space<vmem>> -> memref<128xi32, #tpu.memory_space<vmem>>
    %dma_start3A_414 = arith.constant 0 : i32
    %dma_start3A_415 = arith.constant 0 : i32
    %dma_start3A_416 = tpu.memref_slice %arg2[%dma_start3A_414, %dma_start3A_415] : memref<10000x128xf32, #tpu.memory_space<hbm>> -> memref<10000x128xf32, #tpu.memory_space<hbm>>
    tpu.enqueue_indirect_dma source(%dma_start3A_416 : memref<10000x128xf32, #tpu.memory_space<hbm>>) target(%arg11 : memref<128x128xf32, #tpu.memory_space<vmem>>) offsets(%dma_start3A_413 : memref<128xi32, #tpu.memory_space<vmem>>) semaphore(%arg15 : memref<!tpu.dma_semaphore, #tpu.memory_space<semaphore_mem>>)
    %dma_wait3A_417 = arith.constant 4 : i32
    %dma_wait3A_418 = arith.constant 0 : i32
    %dma_wait3A_419 = tpu.memref_slice %arg7[%dma_wait3A_417, %dma_wait3A_418] : memref<8x128xi32, #tpu.memory_space<vmem>> -> memref<1x128xi32, #tpu.memory_space<vmem>>
    %dma_wait3A_420 = tpu.memref_squeeze %dma_wait3A_419 : memref<1x128xi32, #tpu.memory_space<vmem>> -> memref<128xi32, #tpu.memory_space<vmem>>
    %dma_wait3A_421 = arith.constant 0 : i32
    %dma_wait3A_422 = arith.constant 0 : i32
    %dma_wait3A_423 = tpu.memref_slice %arg2[%dma_wait3A_421, %dma_wait3A_422] : memref<10000x128xf32, #tpu.memory_space<hbm>> -> memref<10000x128xf32, #tpu.memory_space<hbm>>
    tpu.wait_indirect_dma semaphore(%arg14 : memref<!tpu.dma_semaphore, #tpu.memory_space<semaphore_mem>>) src(%dma_wait3A_423 : memref<10000x128xf32, #tpu.memory_space<hbm>>) dst(%arg10 : memref<128x128xf32, #tpu.memory_space<vmem>>)
    %dma_start3A_424 = arith.constant 4 : i32
    %dma_start3A_425 = arith.constant 0 : i32
    %dma_start3A_426 = tpu.memref_slice %arg9[%dma_start3A_424, %dma_start3A_425] : memref<8x128xi32, #tpu.memory_space<vmem>> -> memref<1x128xi32, #tpu.memory_space<vmem>>
    %dma_start3A_427 = tpu.memref_squeeze %dma_start3A_426 : memref<1x128xi32, #tpu.memory_space<vmem>> -> memref<128xi32, #tpu.memory_space<vmem>>
    %dma_start3A_428 = arith.constant 0 : i32
    %dma_start3A_429 = arith.constant 0 : i32
    %dma_start3A_430 = tpu.memref_slice %arg18[%dma_start3A_428, %dma_start3A_429] : memref<10240x128xf32, #tpu.memory_space<vmem_shared>> -> memref<10240x128xf32, #tpu.memory_space<vmem_shared>>
    tpu.enqueue_indirect_dma source(%arg10 : memref<128x128xf32, #tpu.memory_space<vmem>>) target(%dma_start3A_430 : memref<10240x128xf32, #tpu.memory_space<vmem_shared>>) offsets(%dma_start3A_427 : memref<128xi32, #tpu.memory_space<vmem>>) semaphore(%arg16 : memref<!tpu.dma_semaphore, #tpu.memory_space<semaphore_mem>>) {add = true}
    %dma_wait3A_431 = arith.constant 4 : i32
    %dma_wait3A_432 = arith.constant 0 : i32
    %dma_wait3A_433 = tpu.memref_slice %arg9[%dma_wait3A_431, %dma_wait3A_432] : memref<8x128xi32, #tpu.memory_space<vmem>> -> memref<1x128xi32, #tpu.memory_space<vmem>>
    %dma_wait3A_434 = tpu.memref_squeeze %dma_wait3A_433 : memref<1x128xi32, #tpu.memory_space<vmem>> -> memref<128xi32, #tpu.memory_space<vmem>>
    %dma_wait3A_435 = arith.constant 0 : i32
    %dma_wait3A_436 = arith.constant 0 : i32
    %dma_wait3A_437 = tpu.memref_slice %arg18[%dma_wait3A_435, %dma_wait3A_436] : memref<10240x128xf32, #tpu.memory_space<vmem_shared>> -> memref<10240x128xf32, #tpu.memory_space<vmem_shared>>
    tpu.wait_indirect_dma semaphore(%arg16 : memref<!tpu.dma_semaphore, #tpu.memory_space<semaphore_mem>>) src(%arg10 : memref<128x128xf32, #tpu.memory_space<vmem>>) dst(%dma_wait3A_437 : memref<10240x128xf32, #tpu.memory_space<vmem_shared>>)
    %dma_start3A_438 = arith.constant 6 : i32
    %dma_start3A_439 = arith.constant 0 : i32
    %dma_start3A_440 = tpu.memref_slice %arg7[%dma_start3A_438, %dma_start3A_439] : memref<8x128xi32, #tpu.memory_space<vmem>> -> memref<1x128xi32, #tpu.memory_space<vmem>>
    %dma_start3A_441 = tpu.memref_squeeze %dma_start3A_440 : memref<1x128xi32, #tpu.memory_space<vmem>> -> memref<128xi32, #tpu.memory_space<vmem>>
    %dma_start3A_442 = arith.constant 0 : i32
    %dma_start3A_443 = arith.constant 0 : i32
    %dma_start3A_444 = tpu.memref_slice %arg2[%dma_start3A_442, %dma_start3A_443] : memref<10000x128xf32, #tpu.memory_space<hbm>> -> memref<10000x128xf32, #tpu.memory_space<hbm>>
    tpu.enqueue_indirect_dma source(%dma_start3A_444 : memref<10000x128xf32, #tpu.memory_space<hbm>>) target(%arg10 : memref<128x128xf32, #tpu.memory_space<vmem>>) offsets(%dma_start3A_441 : memref<128xi32, #tpu.memory_space<vmem>>) semaphore(%arg14 : memref<!tpu.dma_semaphore, #tpu.memory_space<semaphore_mem>>)
    %dma_wait3A_445 = arith.constant 5 : i32
    %dma_wait3A_446 = arith.constant 0 : i32
    %dma_wait3A_447 = tpu.memref_slice %arg7[%dma_wait3A_445, %dma_wait3A_446] : memref<8x128xi32, #tpu.memory_space<vmem>> -> memref<1x128xi32, #tpu.memory_space<vmem>>
    %dma_wait3A_448 = tpu.memref_squeeze %dma_wait3A_447 : memref<1x128xi32, #tpu.memory_space<vmem>> -> memref<128xi32, #tpu.memory_space<vmem>>
    %dma_wait3A_449 = arith.constant 0 : i32
    %dma_wait3A_450 = arith.constant 0 : i32
    %dma_wait3A_451 = tpu.memref_slice %arg2[%dma_wait3A_449, %dma_wait3A_450] : memref<10000x128xf32, #tpu.memory_space<hbm>> -> memref<10000x128xf32, #tpu.memory_space<hbm>>
    tpu.wait_indirect_dma semaphore(%arg15 : memref<!tpu.dma_semaphore, #tpu.memory_space<semaphore_mem>>) src(%dma_wait3A_451 : memref<10000x128xf32, #tpu.memory_space<hbm>>) dst(%arg11 : memref<128x128xf32, #tpu.memory_space<vmem>>)
    %dma_start3A_452 = arith.constant 5 : i32
    %dma_start3A_453 = arith.constant 0 : i32
    %dma_start3A_454 = tpu.memref_slice %arg9[%dma_start3A_452, %dma_start3A_453] : memref<8x128xi32, #tpu.memory_space<vmem>> -> memref<1x128xi32, #tpu.memory_space<vmem>>
    %dma_start3A_455 = tpu.memref_squeeze %dma_start3A_454 : memref<1x128xi32, #tpu.memory_space<vmem>> -> memref<128xi32, #tpu.memory_space<vmem>>
    %dma_start3A_456 = arith.constant 0 : i32
    %dma_start3A_457 = arith.constant 0 : i32
    %dma_start3A_458 = tpu.memref_slice %arg18[%dma_start3A_456, %dma_start3A_457] : memref<10240x128xf32, #tpu.memory_space<vmem_shared>> -> memref<10240x128xf32, #tpu.memory_space<vmem_shared>>
    tpu.enqueue_indirect_dma source(%arg11 : memref<128x128xf32, #tpu.memory_space<vmem>>) target(%dma_start3A_458 : memref<10240x128xf32, #tpu.memory_space<vmem_shared>>) offsets(%dma_start3A_455 : memref<128xi32, #tpu.memory_space<vmem>>) semaphore(%arg17 : memref<!tpu.dma_semaphore, #tpu.memory_space<semaphore_mem>>) {add = true}
    %dma_wait3A_459 = arith.constant 5 : i32
    %dma_wait3A_460 = arith.constant 0 : i32
    %dma_wait3A_461 = tpu.memref_slice %arg9[%dma_wait3A_459, %dma_wait3A_460] : memref<8x128xi32, #tpu.memory_space<vmem>> -> memref<1x128xi32, #tpu.memory_space<vmem>>
    %dma_wait3A_462 = tpu.memref_squeeze %dma_wait3A_461 : memref<1x128xi32, #tpu.memory_space<vmem>> -> memref<128xi32, #tpu.memory_space<vmem>>
    %dma_wait3A_463 = arith.constant 0 : i32
    %dma_wait3A_464 = arith.constant 0 : i32
    %dma_wait3A_465 = tpu.memref_slice %arg18[%dma_wait3A_463, %dma_wait3A_464] : memref<10240x128xf32, #tpu.memory_space<vmem_shared>> -> memref<10240x128xf32, #tpu.memory_space<vmem_shared>>
    tpu.wait_indirect_dma semaphore(%arg17 : memref<!tpu.dma_semaphore, #tpu.memory_space<semaphore_mem>>) src(%arg11 : memref<128x128xf32, #tpu.memory_space<vmem>>) dst(%dma_wait3A_465 : memref<10240x128xf32, #tpu.memory_space<vmem_shared>>)
    %dma_start3A_466 = arith.constant 7 : i32
    %dma_start3A_467 = arith.constant 0 : i32
    %dma_start3A_468 = tpu.memref_slice %arg7[%dma_start3A_466, %dma_start3A_467] : memref<8x128xi32, #tpu.memory_space<vmem>> -> memref<1x128xi32, #tpu.memory_space<vmem>>
    %dma_start3A_469 = tpu.memref_squeeze %dma_start3A_468 : memref<1x128xi32, #tpu.memory_space<vmem>> -> memref<128xi32, #tpu.memory_space<vmem>>
    %dma_start3A_470 = arith.constant 0 : i32
    %dma_start3A_471 = arith.constant 0 : i32
    %dma_start3A_472 = tpu.memref_slice %arg2[%dma_start3A_470, %dma_start3A_471] : memref<10000x128xf32, #tpu.memory_space<hbm>> -> memref<10000x128xf32, #tpu.memory_space<hbm>>
    tpu.enqueue_indirect_dma source(%dma_start3A_472 : memref<10000x128xf32, #tpu.memory_space<hbm>>) target(%arg11 : memref<128x128xf32, #tpu.memory_space<vmem>>) offsets(%dma_start3A_469 : memref<128xi32, #tpu.memory_space<vmem>>) semaphore(%arg15 : memref<!tpu.dma_semaphore, #tpu.memory_space<semaphore_mem>>)
    %dma_wait3A_473 = arith.constant 6 : i32
    %dma_wait3A_474 = arith.constant 0 : i32
    %dma_wait3A_475 = tpu.memref_slice %arg7[%dma_wait3A_473, %dma_wait3A_474] : memref<8x128xi32, #tpu.memory_space<vmem>> -> memref<1x128xi32, #tpu.memory_space<vmem>>
    %dma_wait3A_476 = tpu.memref_squeeze %dma_wait3A_475 : memref<1x128xi32, #tpu.memory_space<vmem>> -> memref<128xi32, #tpu.memory_space<vmem>>
    %dma_wait3A_477 = arith.constant 0 : i32
    %dma_wait3A_478 = arith.constant 0 : i32
    %dma_wait3A_479 = tpu.memref_slice %arg2[%dma_wait3A_477, %dma_wait3A_478] : memref<10000x128xf32, #tpu.memory_space<hbm>> -> memref<10000x128xf32, #tpu.memory_space<hbm>>
    tpu.wait_indirect_dma semaphore(%arg14 : memref<!tpu.dma_semaphore, #tpu.memory_space<semaphore_mem>>) src(%dma_wait3A_479 : memref<10000x128xf32, #tpu.memory_space<hbm>>) dst(%arg10 : memref<128x128xf32, #tpu.memory_space<vmem>>)
    %dma_start3A_480 = arith.constant 6 : i32
    %dma_start3A_481 = arith.constant 0 : i32
    %dma_start3A_482 = tpu.memref_slice %arg9[%dma_start3A_480, %dma_start3A_481] : memref<8x128xi32, #tpu.memory_space<vmem>> -> memref<1x128xi32, #tpu.memory_space<vmem>>
    %dma_start3A_483 = tpu.memref_squeeze %dma_start3A_482 : memref<1x128xi32, #tpu.memory_space<vmem>> -> memref<128xi32, #tpu.memory_space<vmem>>
    %dma_start3A_484 = arith.constant 0 : i32
    %dma_start3A_485 = arith.constant 0 : i32
    %dma_start3A_486 = tpu.memref_slice %arg18[%dma_start3A_484, %dma_start3A_485] : memref<10240x128xf32, #tpu.memory_space<vmem_shared>> -> memref<10240x128xf32, #tpu.memory_space<vmem_shared>>
    tpu.enqueue_indirect_dma source(%arg10 : memref<128x128xf32, #tpu.memory_space<vmem>>) target(%dma_start3A_486 : memref<10240x128xf32, #tpu.memory_space<vmem_shared>>) offsets(%dma_start3A_483 : memref<128xi32, #tpu.memory_space<vmem>>) semaphore(%arg16 : memref<!tpu.dma_semaphore, #tpu.memory_space<semaphore_mem>>) {add = true}
    %dma_wait3A_487 = arith.constant 7 : i32
    %dma_wait3A_488 = arith.constant 0 : i32
    %dma_wait3A_489 = tpu.memref_slice %arg7[%dma_wait3A_487, %dma_wait3A_488] : memref<8x128xi32, #tpu.memory_space<vmem>> -> memref<1x128xi32, #tpu.memory_space<vmem>>
    %dma_wait3A_490 = tpu.memref_squeeze %dma_wait3A_489 : memref<1x128xi32, #tpu.memory_space<vmem>> -> memref<128xi32, #tpu.memory_space<vmem>>
    %dma_wait3A_491 = arith.constant 0 : i32
    %dma_wait3A_492 = arith.constant 0 : i32
    %dma_wait3A_493 = tpu.memref_slice %arg2[%dma_wait3A_491, %dma_wait3A_492] : memref<10000x128xf32, #tpu.memory_space<hbm>> -> memref<10000x128xf32, #tpu.memory_space<hbm>>
    tpu.wait_indirect_dma semaphore(%arg15 : memref<!tpu.dma_semaphore, #tpu.memory_space<semaphore_mem>>) src(%dma_wait3A_493 : memref<10000x128xf32, #tpu.memory_space<hbm>>) dst(%arg11 : memref<128x128xf32, #tpu.memory_space<vmem>>)
    %dma_start3A_494 = arith.constant 7 : i32
    %dma_start3A_495 = arith.constant 0 : i32
    %dma_start3A_496 = tpu.memref_slice %arg9[%dma_start3A_494, %dma_start3A_495] : memref<8x128xi32, #tpu.memory_space<vmem>> -> memref<1x128xi32, #tpu.memory_space<vmem>>
    %dma_start3A_497 = tpu.memref_squeeze %dma_start3A_496 : memref<1x128xi32, #tpu.memory_space<vmem>> -> memref<128xi32, #tpu.memory_space<vmem>>
    %dma_start3A_498 = arith.constant 0 : i32
    %dma_start3A_499 = arith.constant 0 : i32
    %dma_start3A_500 = tpu.memref_slice %arg18[%dma_start3A_498, %dma_start3A_499] : memref<10240x128xf32, #tpu.memory_space<vmem_shared>> -> memref<10240x128xf32, #tpu.memory_space<vmem_shared>>
    tpu.enqueue_indirect_dma source(%arg11 : memref<128x128xf32, #tpu.memory_space<vmem>>) target(%dma_start3A_500 : memref<10240x128xf32, #tpu.memory_space<vmem_shared>>) offsets(%dma_start3A_497 : memref<128xi32, #tpu.memory_space<vmem>>) semaphore(%arg17 : memref<!tpu.dma_semaphore, #tpu.memory_space<semaphore_mem>>) {add = true}
    %dma_wait3A_501 = arith.constant 6 : i32
    %dma_wait3A_502 = arith.constant 0 : i32
    %dma_wait3A_503 = tpu.memref_slice %arg9[%dma_wait3A_501, %dma_wait3A_502] : memref<8x128xi32, #tpu.memory_space<vmem>> -> memref<1x128xi32, #tpu.memory_space<vmem>>
    %dma_wait3A_504 = tpu.memref_squeeze %dma_wait3A_503 : memref<1x128xi32, #tpu.memory_space<vmem>> -> memref<128xi32, #tpu.memory_space<vmem>>
    %dma_wait3A_505 = arith.constant 0 : i32
    %dma_wait3A_506 = arith.constant 0 : i32
    %dma_wait3A_507 = tpu.memref_slice %arg18[%dma_wait3A_505, %dma_wait3A_506] : memref<10240x128xf32, #tpu.memory_space<vmem_shared>> -> memref<10240x128xf32, #tpu.memory_space<vmem_shared>>
    tpu.wait_indirect_dma semaphore(%arg16 : memref<!tpu.dma_semaphore, #tpu.memory_space<semaphore_mem>>) src(%arg10 : memref<128x128xf32, #tpu.memory_space<vmem>>) dst(%dma_wait3A_507 : memref<10240x128xf32, #tpu.memory_space<vmem_shared>>)
    %dma_wait3A_508 = arith.constant 7 : i32
    %dma_wait3A_509 = arith.constant 0 : i32
    %dma_wait3A_510 = tpu.memref_slice %arg9[%dma_wait3A_508, %dma_wait3A_509] : memref<8x128xi32, #tpu.memory_space<vmem>> -> memref<1x128xi32, #tpu.memory_space<vmem>>
    %dma_wait3A_511 = tpu.memref_squeeze %dma_wait3A_510 : memref<1x128xi32, #tpu.memory_space<vmem>> -> memref<128xi32, #tpu.memory_space<vmem>>
    %dma_wait3A_512 = arith.constant 0 : i32
    %dma_wait3A_513 = arith.constant 0 : i32
    %dma_wait3A_514 = tpu.memref_slice %arg18[%dma_wait3A_512, %dma_wait3A_513] : memref<10240x128xf32, #tpu.memory_space<vmem_shared>> -> memref<10240x128xf32, #tpu.memory_space<vmem_shared>>
    tpu.wait_indirect_dma semaphore(%arg17 : memref<!tpu.dma_semaphore, #tpu.memory_space<semaphore_mem>>) src(%arg11 : memref<128x128xf32, #tpu.memory_space<vmem>>) dst(%dma_wait3A_514 : memref<10240x128xf32, #tpu.memory_space<vmem_shared>>)
    %barrier3A_515 = arith.constant 0 : index
    tpu.barrier barrier_id(%barrier3A_515)
    %mul3A_516 = arith.constant 640 : i32
    %mul3A_517 = arith.muli %arg1, %mul3A_516 : i32
    "tpu.region"() ({
      %run_scoped3A_518 = tpu.sem_alloc : memref<!tpu.dma_semaphore, #tpu.memory_space<semaphore_mem>>
      %dma_start3A_519 = arith.constant 0 : i32
      %dma_start3A_520 = tpu.memref_slice %arg5[%arg0, %mul3A_517, %dma_start3A_519] : memref<2x10240x128xf32, #tpu.memory_space<hbm>> -> memref<1x640x128xf32, #tpu.memory_space<hbm>>
      %dma_start3A_521 = tpu.memref_squeeze %dma_start3A_520 : memref<1x640x128xf32, #tpu.memory_space<hbm>> -> memref<640x128xf32, #tpu.memory_space<hbm>>
      %dma_start3A_522 = arith.constant 0 : i32
      %dma_start3A_523 = tpu.memref_slice %arg18[%mul3A_517, %dma_start3A_522] : memref<10240x128xf32, #tpu.memory_space<vmem_shared>> -> memref<640x128xf32, #tpu.memory_space<vmem_shared>>
      tpu.enqueue_dma source(%dma_start3A_523 : memref<640x128xf32, #tpu.memory_space<vmem_shared>>) target(%dma_start3A_521 : memref<640x128xf32, #tpu.memory_space<hbm>>) target_semaphore(%run_scoped3A_518 : memref<!tpu.dma_semaphore, #tpu.memory_space<semaphore_mem>>)
      %dma_wait3A_524 = arith.constant 0 : i32
      %dma_wait3A_525 = tpu.memref_slice %arg5[%arg0, %mul3A_517, %dma_wait3A_524] : memref<2x10240x128xf32, #tpu.memory_space<hbm>> -> memref<1x640x128xf32, #tpu.memory_space<hbm>>
      %dma_wait3A_526 = tpu.memref_squeeze %dma_wait3A_525 : memref<1x640x128xf32, #tpu.memory_space<hbm>> -> memref<640x128xf32, #tpu.memory_space<hbm>>
      %dma_wait3A_527 = arith.constant 0 : i32
      %dma_wait3A_528 = tpu.memref_slice %arg18[%mul3A_517, %dma_wait3A_527] : memref<10240x128xf32, #tpu.memory_space<vmem_shared>> -> memref<640x128xf32, #tpu.memory_space<vmem_shared>>
      tpu.wait_dma2 semaphore(%run_scoped3A_518 : memref<!tpu.dma_semaphore, #tpu.memory_space<semaphore_mem>>) src(%dma_wait3A_528 : memref<640x128xf32, #tpu.memory_space<vmem_shared>>) dst(%dma_wait3A_526 : memref<640x128xf32, #tpu.memory_space<hbm>>)
      tpu.yield
    }) : () -> ()
    return
  }
}

module attributes {stable_mosaic.version = 14 : i64} {
  func.func @body(%arg0: i32, %arg1: memref<2000x128xf32, #tpu.memory_space<vmem>>, %arg2: memref<128x128xf32, #tpu.memory_space<vmem>>, %arg3: memref<2000x2xf32, #tpu.memory_space<vmem>>, %arg4: memref<2000x128xf32, #tpu.memory_space<vmem>>, %arg5: memref<2000x1xf32, #tpu.memory_space<vmem>>) attributes {dimension_semantics = [#tpu.dimension_semantics<arbitrary>], iteration_bounds = array<i64: 5>, scalar_prefetch = 0 : i64, scratch_operands = 0 : i64, tpu.core_type = #tpu.core_type<tc>, window_params = [{transform_indices = @transform_0, window_bounds = array<i64: 2000, 128>}, {pipeline_mode = #tpu.pipeline_mode<synchronous>, transform_indices = @transform_1, window_bounds = array<i64: 128, 128>}, {transform_indices = @transform_2, window_bounds = array<i64: 2000, 2>}, {transform_indices = @transform_3, window_bounds = array<i64: 2000, 128>}, {transform_indices = @transform_4, window_bounds = array<i64: 2000, 1>}]} {
    %get3A = arith.constant 0 : index
    %get3A_0 = arith.constant 0 : index
    %get3A_1 = vector.load %arg3[%get3A, %get3A_0] : memref<2000x2xf32, #tpu.memory_space<vmem>>, vector<2000x2xf32>
    %slice3A = vector.extract_strided_slice %get3A_1 {offsets = [0, 0], sizes = [2000, 1], strides = [1, 1]} : vector<2000x2xf32> to vector<2000x1xf32>
    %slice3A_2 = vector.extract_strided_slice %get3A_1 {offsets = [0, 1], sizes = [2000, 1], strides = [1, 1]} : vector<2000x2xf32> to vector<2000x1xf32>
    %add3A = arith.addf %slice3A, %slice3A_2 : vector<2000x1xf32>
    %add3A_3 = arith.constant 1.000000e+00 : f32
    %add3A_4 = vector.broadcast %add3A_3 : f32 to vector<2000x1xf32>
    %add3A_5 = arith.addf %add3A, %add3A_4 : vector<2000x1xf32>
    %rsqrt3A = math.rsqrt %add3A_5 : vector<2000x1xf32>
    %get3A_6 = arith.constant 0 : index
    %get3A_7 = arith.constant 0 : index
    %get3A_8 = vector.load %arg1[%get3A_6, %get3A_7] : memref<2000x128xf32, #tpu.memory_space<vmem>>, vector<2000x128xf32>
    %get3A_9 = arith.constant 0 : index
    %get3A_10 = arith.constant 0 : index
    %get3A_11 = vector.load %arg2[%get3A_9, %get3A_10] : memref<128x128xf32, #tpu.memory_space<vmem>>, vector<128x128xf32>
    %dot_general3A = arith.constant dense<0.000000e+00> : vector<2000x128xf32>
    %dot_general3A_12 = tpu.matmul %get3A_8, %get3A_11, %dot_general3A {dimension_numbers = #tpu.dot_dimension_numbers<[1], [0], [0], [1], [0, 0, 1, 1], [], []>, transpose_lhs_hint = false} : vector<2000x128xf32>, vector<128x128xf32>, vector<2000x128xf32> -> vector<2000x128xf32>
    %mul3A = vector.broadcast %rsqrt3A : vector<2000x1xf32> to vector<2000x128xf32>
    %mul3A_13 = arith.mulf %dot_general3A_12, %mul3A : vector<2000x128xf32>
    %swap3A = arith.constant 0 : index
    %swap3A_14 = arith.constant 0 : index
    %swap3A_15 = vector.load %arg4[%swap3A, %swap3A_14] : memref<2000x128xf32, #tpu.memory_space<vmem>>, vector<2000x128xf32>
    tpu.vector_store %arg4[%swap3A, %swap3A_14], %mul3A_13 {strides = array<i32>} : memref<2000x128xf32, #tpu.memory_space<vmem>>, vector<2000x128xf32>,
    %swap3A_16 = arith.constant 0 : index
    %swap3A_17 = arith.constant 0 : index
    %swap3A_18 = vector.load %arg5[%swap3A_16, %swap3A_17] : memref<2000x1xf32, #tpu.memory_space<vmem>>, vector<2000x1xf32>
    tpu.vector_store %arg5[%swap3A_16, %swap3A_17], %rsqrt3A {strides = array<i32>} : memref<2000x1xf32, #tpu.memory_space<vmem>>, vector<2000x1xf32>,
    return
  }
  func.func @transform_0(%arg0: i32) -> (i32, i32) {
    %c0_i32 = arith.constant 0 : i32
    %c0_i32_0 = arith.constant 0 : i32
    return %arg0, %c0_i32 : i32, i32
  }
  func.func @transform_1(%arg0: i32) -> (i32, i32) {
    %c0_i32 = arith.constant 0 : i32
    %c0_i32_0 = arith.constant 0 : i32
    %c0_i32_1 = arith.constant 0 : i32
    return %c0_i32, %c0_i32_0 : i32, i32
  }
  func.func @transform_2(%arg0: i32) -> (i32, i32) {
    %c0_i32 = arith.constant 0 : i32
    %c0_i32_0 = arith.constant 0 : i32
    return %arg0, %c0_i32 : i32, i32
  }
  func.func @transform_3(%arg0: i32) -> (i32, i32) {
    %c0_i32 = arith.constant 0 : i32
    %c0_i32_0 = arith.constant 0 : i32
    return %arg0, %c0_i32 : i32, i32
  }
  func.func @transform_4(%arg0: i32) -> (i32, i32) {
    %c0_i32 = arith.constant 0 : i32
    %c0_i32_0 = arith.constant 0 : i32
    return %arg0, %c0_i32 : i32, i32
  }
}

module attributes {stable_mosaic.version = 14 : i64} {
  func.func @body(%arg0: i32, %arg1: memref<2x2000x128xf32, #tpu.memory_space<vmem>>, %arg2: memref<2000x128xf32, #tpu.memory_space<vmem>>, %arg3: memref<2000x1xf32, #tpu.memory_space<vmem>>, %arg4: memref<1x128xf32, #tpu.memory_space<vmem>>, %arg5: memref<128x64xf32, #tpu.memory_space<vmem>>, %arg6: memref<1x64xf32, #tpu.memory_space<vmem>>, %arg7: memref<2000x64xf32, #tpu.memory_space<vmem>>) attributes {dimension_semantics = [#tpu.dimension_semantics<arbitrary>], iteration_bounds = array<i64: 5>, scalar_prefetch = 0 : i64, scratch_operands = 0 : i64, tpu.core_type = #tpu.core_type<tc>, window_params = [{transform_indices = @transform_0, window_bounds = array<i64: 2, 2000, 128>}, {transform_indices = @transform_1, window_bounds = array<i64: 2000, 128>}, {transform_indices = @transform_2, window_bounds = array<i64: 2000, 1>}, {pipeline_mode = #tpu.pipeline_mode<synchronous>, transform_indices = @transform_3, window_bounds = array<i64: 1, 128>}, {pipeline_mode = #tpu.pipeline_mode<synchronous>, transform_indices = @transform_4, window_bounds = array<i64: 128, 64>}, {pipeline_mode = #tpu.pipeline_mode<synchronous>, transform_indices = @transform_5, window_bounds = array<i64: 1, 64>}, {transform_indices = @transform_6, window_bounds = array<i64: 2000, 64>}]} {
    %get3A = arith.constant 0 : index
    %get3A_0 = arith.constant 0 : index
    %get3A_1 = vector.load %arg3[%get3A, %get3A_0] : memref<2000x1xf32, #tpu.memory_space<vmem>>, vector<2000x1xf32>
    %get3A_2 = arith.constant 0 : index
    %get3A_3 = arith.constant 0 : index
    %get3A_4 = arith.constant 0 : index
    %get3A_5 = vector.load %arg1[%get3A_2, %get3A_3, %get3A_4] : memref<2x2000x128xf32, #tpu.memory_space<vmem>>, vector<1x2000x128xf32>
    %get3A_6 = vector.shape_cast %get3A_5 : vector<1x2000x128xf32> to vector<2000x128xf32>
    %get3A_7 = arith.constant 1 : index
    %get3A_8 = arith.constant 0 : index
    %get3A_9 = arith.constant 0 : index
    %get3A_10 = vector.load %arg1[%get3A_7, %get3A_8, %get3A_9] : memref<2x2000x128xf32, #tpu.memory_space<vmem>>, vector<1x2000x128xf32>
    %get3A_11 = vector.shape_cast %get3A_10 : vector<1x2000x128xf32> to vector<2000x128xf32>
    %add3A = arith.addf %get3A_6, %get3A_11 : vector<2000x128xf32>
    %get3A_12 = arith.constant 0 : index
    %get3A_13 = arith.constant 0 : index
    %get3A_14 = vector.load %arg2[%get3A_12, %get3A_13] : memref<2000x128xf32, #tpu.memory_space<vmem>>, vector<2000x128xf32>
    %add3A_15 = arith.addf %add3A, %get3A_14 : vector<2000x128xf32>
    %mul3A = vector.broadcast %get3A_1 : vector<2000x1xf32> to vector<2000x128xf32>
    %mul3A_16 = arith.mulf %mul3A, %add3A_15 : vector<2000x128xf32>
    %get3A_17 = arith.constant 0 : index
    %get3A_18 = arith.constant 0 : index
    %get3A_19 = vector.load %arg4[%get3A_17, %get3A_18] : memref<1x128xf32, #tpu.memory_space<vmem>>, vector<1x128xf32>
    %add3A_20 = vector.broadcast %get3A_19 : vector<1x128xf32> to vector<2000x128xf32>
    %add3A_21 = arith.addf %mul3A_16, %add3A_20 : vector<2000x128xf32>
    %max3A = arith.constant 0.000000e+00 : f32
    %max3A_22 = vector.broadcast %max3A : f32 to vector<2000x128xf32>
    %max3A_23 = arith.maximumf %add3A_21, %max3A_22 : vector<2000x128xf32>
    %get3A_24 = arith.constant 0 : index
    %get3A_25 = arith.constant 0 : index
    %get3A_26 = vector.load %arg5[%get3A_24, %get3A_25] : memref<128x64xf32, #tpu.memory_space<vmem>>, vector<128x64xf32>
    %dot_general3A = arith.constant dense<0.000000e+00> : vector<2000x64xf32>
    %dot_general3A_27 = tpu.matmul %max3A_23, %get3A_26, %dot_general3A {dimension_numbers = #tpu.dot_dimension_numbers<[1], [0], [0], [1], [0, 0, 1, 1], [], []>, transpose_lhs_hint = false} : vector<2000x128xf32>, vector<128x64xf32>, vector<2000x64xf32> -> vector<2000x64xf32>
    %get3A_28 = arith.constant 0 : index
    %get3A_29 = arith.constant 0 : index
    %get3A_30 = vector.load %arg6[%get3A_28, %get3A_29] : memref<1x64xf32, #tpu.memory_space<vmem>>, vector<1x64xf32>
    %add3A_31 = vector.broadcast %get3A_30 : vector<1x64xf32> to vector<2000x64xf32>
    %add3A_32 = arith.addf %dot_general3A_27, %add3A_31 : vector<2000x64xf32>
    %swap3A = arith.constant 0 : index
    %swap3A_33 = arith.constant 0 : index
    %swap3A_34 = vector.load %arg7[%swap3A, %swap3A_33] : memref<2000x64xf32, #tpu.memory_space<vmem>>, vector<2000x64xf32>
    tpu.vector_store %arg7[%swap3A, %swap3A_33], %add3A_32 {strides = array<i32>} : memref<2000x64xf32, #tpu.memory_space<vmem>>, vector<2000x64xf32>,
    return
  }
  func.func @transform_0(%arg0: i32) -> (i32, i32, i32) {
    %c0_i32 = arith.constant 0 : i32
    %c0_i32_0 = arith.constant 0 : i32
    %c0_i32_1 = arith.constant 0 : i32
    return %c0_i32, %arg0, %c0_i32_0 : i32, i32, i32
  }
  func.func @transform_1(%arg0: i32) -> (i32, i32) {
    %c0_i32 = arith.constant 0 : i32
    %c0_i32_0 = arith.constant 0 : i32
    return %arg0, %c0_i32 : i32, i32
  }
  func.func @transform_2(%arg0: i32) -> (i32, i32) {
    %c0_i32 = arith.constant 0 : i32
    %c0_i32_0 = arith.constant 0 : i32
    return %arg0, %c0_i32 : i32, i32
  }
  func.func @transform_3(%arg0: i32) -> (i32, i32) {
    %c0_i32 = arith.constant 0 : i32
    %c0_i32_0 = arith.constant 0 : i32
    %c0_i32_1 = arith.constant 0 : i32
    return %c0_i32, %c0_i32_0 : i32, i32
  }
  func.func @transform_4(%arg0: i32) -> (i32, i32) {
    %c0_i32 = arith.constant 0 : i32
    %c0_i32_0 = arith.constant 0 : i32
    %c0_i32_1 = arith.constant 0 : i32
    return %c0_i32, %c0_i32_0 : i32, i32
  }
  func.func @transform_5(%arg0: i32) -> (i32, i32) {
    %c0_i32 = arith.constant 0 : i32
    %c0_i32_0 = arith.constant 0 : i32
    %c0_i32_1 = arith.constant 0 : i32
    return %c0_i32, %c0_i32_0 : i32, i32
  }
  func.func @transform_6(%arg0: i32) -> (i32, i32) {
    %c0_i32 = arith.constant 0 : i32
    %c0_i32_0 = arith.constant 0 : i32
    return %arg0, %c0_i32 : i32, i32
  }
}

</mosaic_0001>

<sc_bundles>
// kernel: kernel.6.cloned.1.call-start
scs
__scs_entry_jumppad:
0x0: {  	(pc) =	sbr.rel $0x88, $3  }
0x1: {  	(tag) =	ssettag $0x0;
	lr =	simm.s32 $0x1  }
0x2: {  	[smem:$0x3F9B] =	sst lr;
	_ =	strace $0xD0000000  }
0x3: {  	_ = 	snop  }
0x4: {  	_ = 	snop  }
0x5: {  	_ = 	snop  }
0x6: {  	_ = 	snop  }
0x7: {  	_ = 	snop  }
__scs_overlays_trampoline_lowered:
0x8: {  	[smem:$0x3FAA] =	sst s0  }
0x9: {  	[smem:$0x3FAB] =	sst s1  }
0xa: {  	[smem:$0x3FAC] =	sst s2  }
0xb: {  	[smem:$0x3FAD] =	sst s3  }
0xc: {  	[smem:$0x3FAE] =	sst s4  }
0xd: {  	[smem:$0x3FAF] =	sst s5  }
0xe: {  	[smem:$0x3FB0] =	sst s6  }
0xf: {  	[smem:$0x3FB1] =	sst s7  }
0x10: {  	[smem:$0x3FB2] =	sst s8  }
0x11: {  	[smem:$0x3FB3] =	sst s9;
	s0 =	simm.s32 @!p0 $0x0  }
0x12: {  	s1 =	sld [smem:$0x3F99];
	s0 =	simm.s32 @p0 $0x1  }
0x13: {  	[smem:$0x3FB4] =	sst s0;
	s0 =	simm.s32 @!p1 $0x0  }
0x14: {  	s2 =	sld [smem:$0x3F98];
	s0 =	simm.s32 @p1 $0x1  }
0x15: {  	[smem:$0x3FB5] =	sst s0;
	s0 =	simm.s32 @!p2 $0x0  }
0x16: {  	s3 =	sld [smem:$0x3FDB];
	s0 =	simm.s32 @p2 $0x1  }
0x17: {  	s4 =	simm.s32 $0x1BF5;
	[smem:$0x3FB7] =	sst s0  }
0x18: {  	s0 =	sld [smem:$0x3F9A];
	_ =	swait.ge [sflag:s4], $0x0  }
0x19: {  	s7 =	sld [smem:$0x3F9B]  }
0x1a: {  	s8 =	sadd.s32 $0xFFFFE003, lr  }
0x1b: {  	s9 =	sadd.s32 $0xFFFFFEF7, lr;
	s5 =	simm.s32 $0xFFFFFFFF;
	p2 =	slt.u32 s8, $0xFFFFF086  }
0x1c: {  	p1 =	slt.u32 s9, $0xF7A;
	s5 =	simm.s32 @!p2 $0x0  }
0x1d: {  	s5 =	simm.s32 @p1 $0x1;
	p0 =	seq.s32 s7, s2  }
0x1e: {  	s7 =	smul.u32 @!p0 $0xF7A, s2;
	p2 =	seq.s32 @!p0 s5, $0x0  }
0x1f: {  	s9 =	smul.u32 $0xF7A, s1;
	s8 =	simm.s32 @!p0 $0x1BF5;
	p2 =	por !p2, p0  }
0x20: {  	[sflag:s8] =	ssyncset.s32 @!p0 $0xFFFFF086;
	s6 =	sadd.s32 @!p0 s3, s7;
	s7 =	simm.s32 @!p0 $0x108  }
0x21: {  	s3 =	sadd.s32 s3, s9;
	s6 =	sadd.s32 @!p0 $0x88, s6;
	s7 =	simm.s32 @p2 $0x1082  }
0x22: {  	[simem:s7], [sflag:s8] =	dma.local @!p0 [hbm:s6], $0xF7A  }
0x23: {  	s9 =	sor.u32 $0xD0000000, s2;
	s6 =	simm.s32 $0x108;
	_ =	swait.ge @!p0 [sflag:s8], $0x0  }
0x24: {  	s3 =	sadd.s32 $0x88, s3;
	s6 =	simm.s32 @!p1 $0x1082;
	[sflag:s4] =	ssyncset.s32 $0xFFFFF086  }
0x25: {  	[simem:s6], [sflag:s4] =	dma.local [hbm:s3], $0xF7A  }
0x26: {  	[smem:$0x3F9B] =	sst s1;
	(tag) =	ssettag s2;
	_ =	strace s9  }
0x27: {  	s1 =	sld [smem:$0x3FAB]  }
0x28: {  	s2 =	sld [smem:$0x3FAC]  }
0x29: {  	s4 =	sld [smem:$0x3FAE]  }
0x2a: {  	p0 =	seq.s32 s5, $0x0;
	s5 =	sld [smem:$0x3FAF]  }
0x2b: {  	s6 =	sld [smem:$0x3FB0]  }
0x2c: {  	s7 =	sld [smem:$0x3FB1]  }
0x2d: {  	s3 =	simm.s32 $0x108;
	s8 =	sld [smem:$0x3FB2]  }
0x2e: {  	s3 =	simm.s32 @!p0 $0x1082;
	s9 =	sld [smem:$0x3FB3]  }
0x2f: {  	lr =	sadd.s32 s0, s3;
	s0 =	sld [smem:$0x3FAA]  }
0x30: {  	s3 =	sld [smem:$0x3FAD]  }
0x31: {  	[smem:$0x3FB6] =	sst s10  }
0x32: {  	s10 =	sld [smem:$0x3FB4];
	_ =	sdelay $0x3  }
0x33: {  	p0 =	seq.s32 s10, $0x1;
	s10 =	sld [smem:$0x3FB6];
	_ =	sdelay $0x3  }
0x34: {  	[smem:$0x3FB6] =	sst s10  }
0x35: {  	s10 =	sld [smem:$0x3FB5];
	_ =	sdelay $0x3  }
0x36: {  	p1 =	seq.s32 s10, $0x1;
	s10 =	sld [smem:$0x3FB6];
	_ =	sdelay $0x3  }
0x37: {  	[smem:$0x3FB6] =	sst s10  }
0x38: {  	s10 =	sld [smem:$0x3FB7]  }
0x39: {  	_ = 	snop;
	(pc) =	sbr.ind lr, $3  }
0x3a: {  	_ = 	snop  }
0x3b: {  	_ = 	snop  }
0x3c: {  	p2 =	seq.s32 s10, $0x1;
	s10 =	sld [smem:$0x3FB6]  }
0x3d: {  	_ =	shalt  }
0x3e: {  	_ =	shalt  }
0x3f: {  	_ =	shalt  }
0x40: {  	_ =	shalt  }
0x41: {  	_ =	shalt  }
0x42: {  	_ =	shalt  }
0x43: {  	_ =	shalt  }
0x44: {  	_ =	shalt  }
0x45: {  	_ =	shalt  }
0x46: {  	_ =	shalt  }
0x47: {  	_ =	shalt  }
0x48: {  	_ =	shalt  }
0x49: {  	_ =	shalt  }
0x4a: {  	_ =	shalt  }
0x4b: {  	_ =	shalt  }
0x4c: {  	_ =	shalt  }
0x4d: {  	_ =	shalt  }
0x4e: {  	_ =	shalt  }
0x4f: {  	_ =	shalt  }
0x50: {  	_ =	shalt  }
0x51: {  	_ =	shalt  }
0x52: {  	_ =	shalt  }
0x53: {  	_ =	shalt  }
0x54: {  	_ =	shalt  }
0x55: {  	_ =	shalt  }
0x56: {  	_ =	shalt  }
0x57: {  	_ =	shalt  }
0x58: {  	_ =	shalt  }
0x59: {  	_ =	shalt  }
0x5a: {  	_ =	shalt  }
0x5b: {  	_ =	shalt  }
0x5c: {  	_ =	shalt  }
0x5d: {  	_ =	shalt  }
0x5e: {  	_ =	shalt  }
0x5f: {  	_ =	shalt  }
0x60: {  	_ =	shalt  }
0x61: {  	_ =	shalt  }
0x62: {  	_ =	shalt  }
0x63: {  	_ =	shalt  }
0x64: {  	_ =	shalt  }
0x65: {  	_ =	shalt  }
0x66: {  	_ =	shalt  }
0x67: {  	_ =	shalt  }
0x68: {  	_ =	shalt  }
0x69: {  	_ =	shalt  }
0x6a: {  	_ =	shalt  }
0x6b: {  	_ =	shalt  }
0x6c: {  	_ =	shalt  }
0x6d: {  	_ =	shalt  }
0x6e: {  	_ =	shalt  }
0x6f: {  	_ =	shalt  }
0x70: {  	_ =	shalt  }
0x71: {  	_ =	shalt  }
0x72: {  	_ =	shalt  }
0x73: {  	_ =	shalt  }
0x74: {  	_ =	shalt  }
0x75: {  	_ =	shalt  }
0x76: {  	_ =	shalt  }
0x77: {  	_ =	shalt  }
0x78: {  	_ =	shalt  }
0x79: {  	_ =	shalt  }
0x7a: {  	_ =	shalt  }
0x7b: {  	_ =	shalt  }
0x7c: {  	_ =	shalt  }
0x7d: {  	_ =	shalt  }
0x7e: {  	_ =	shalt  }
0x7f: {  	_ =	shalt  }
0x80: {  	_ =	shalt  }
0x81: {  	_ =	shalt  }
0x82: {  	_ =	shalt  }
0x83: {  	_ =	shalt  }
0x84: {  	_ =	shalt  }
0x85: {  	_ =	shalt  }
0x86: {  	_ =	shalt  }
0x87: {  	_ =	shalt  }
.Lfunc_end0:
.L_simem_size_0:
called_computation_lowered:
.L_overlay_start_0:
0x88: {  	s2 =	sld [smem:$0x3FD9]  }
0x89: {  	s3 =	sld [smem:$0x3FFE];
	_ =	sdelay $0x1  }
0x8a: {  	s1 =	srdreg.scid  }
0x8b: {  	s0 =	sand.u32 $0x1, s1  }
0x8c: {  	s17 =	sshll.u32 s0, $0xA;
	s2 =	sadd.s32 s3, s2  }
0x8d: {  	s2 =	sadd.s32 s2, s17  }
0x8e: {  	[smem:$0x3FC2] =	sst s2  }
0x8f: {  	_ = 	snop  }
0x90: {  	s2 =	sld [smem:$0x3FD0];
	(tm) =	ssettm $0x1  }
0x91: {  	s18 =	sld [smem:$0x3FFB];
	_ =	sdelay $0x3  }
0x92: {  	_ =	strace s18  }
0x93: {  	s3 =	sld [smem:$0x3FFC];
	_ =	sdelay $0x3  }
0x94: {  	_ =	strace s3  }
0x95: {  	s3 =	sld [smem:$0x3FFD];
	_ =	sdelay $0x3  }
0x96: {  	_ =	strace s3  }
0x97: {  	_ =	strace $0x8FFFFFFF  }
0x98: {  	s19 =	sld [smem:$0x3FDB];
	_ =	sdelay $0x1  }
0x99: {  	s4 =	simm.s32 $_scs_section_size  }
0x9a: {  	s5 =	simm.s32 $_size__tile_overlayer_lowered;
	s6 =	simm.s32 $_tile_overlayer_lowered  }
0x9b: {  	s22 =	simm.s32 $0x1BFF;
	s21 =	sshll.u32 s6, $0x1;
	s3 =	sadd.s32 s4, s19  }
0x9c: {  	s7 =	simm.s32 $0x0;
	s20 =	sshll.u32 s5, $0x1;
	s5 =	sadd.s32 s21, s3  }
0x9d: {  	[timem:s7], [sflag:s22] =	dma.local [hbm:s5], s20  }
0x9e: {  	_ =	swait.ge [sflag:s22], s20  }
0x9f: {  	s4 =	ssub.s32 $0x0, s20;
	[sflag:s22] =	ssyncset.done $0x0  }
0xa0: {  	[sflag:s22] =	ssyncadd.s32 s4;
	_ =	sdelay $0x1  }
0xa1: {  	s23 =	simm.s32 $0x1B8B  }
0xa2: {  	_ =	swait.ge [sflag:s23], $0x1  }
0xa3: {  	[sflag:s23] =	ssyncset.done $0x0  }
0xa4: {  	s25 =	simm.s32 $0x1B8E;
	s24 =	sld [smem:$0x3FFE];
	[sflag:s23] =	ssyncadd.s32 $0xFFFFFFFF  }
0xa5: {  	s26 =	simm.s32 $execute0_lowered;
	[smem:$0x3FD2] =	sst s25  }
0xa6: {  	s5 =	sshll.u32 s26, $0x1;
	_ =	strace $0x80000046;
	[dreg:$0x1] =	wrdreg $0xFFFFFFFF  }
0xa7: {  	s28 =	simm.s32 $_size_execute0_lowered;
	s3 =	sadd.s32 s3, s5;
	[dreg:$0x0] =	wrdreg $0x0  }
0xa8: {  	s5 =	sshll.u32 s28, $0x1;
	[dreg:$0x2] =	wrdreg s3  }
0xa9: {  	[dreg:$0x3] =	wrdreg s5  }
0xaa: {  	[dreg:$0x4] =	wrdreg $0xC0  }
0xab: {  	_ =	task [dreg:s7], $0x5FFFF  }
0xac: {  	[dreg:$0x1] =	wrdreg $0xFFFFFFFF  }
0xad: {  	[dreg:$0x0] =	wrdreg $0x60  }
0xae: {  	[dreg:$0x2] =	wrdreg s2  }
0xaf: {  	[dreg:$0x3] =	wrdreg s24  }
0xb0: {  	[dreg:$0x4] =	wrdreg $0xB000  }
0xb1: {  	[dreg:$0x5] =	wrdreg $0x9  }
0xb2: {  	_ =	task.clear_ibuf [dreg:s7], $0x6FFFF;
	_ =	strace $0x90000046  }
0xb3: {  	s29 =	simm.s32 $0x9;
	_ =	strace $0x80000048  }
0xb4: {  	_ =	swait.ge [sflag:s29], $0x1  }
0xb5: {  	[sflag:s29] =	ssyncadd.s32 $0xFFFFFFFF  }
0xb6: {  	_ =	strace $0x90000048  }
0xb7: {  	_ =	sfence  }
0xb8: {  	s30 =	sld [smem:$0x0];
	_ =	sdelay $0x2  }
0xb9: {  	s31 =	sshll.u32 s1, $0xD;
	s1 =	sshrl.u32 s1, $0x2  }
0xba: {  	s3 =	sand.u32 $0x4000, s31;
	s1 =	sadd.s32 s1, s30  }
0xbb: {  	s0 =	sor.u32 s3, s0;
	s1 =	sshll.u32 s1, $0x11  }
0xbc: {  	s0 =	sor.u32 s1, s0  }
0xbd: {  	s0 =	sadd.s32 $0x8F2B, s0  }
0xbe: {  	[sflag:s0] =	ssyncadd.remote.s32 $0x1  }
0xbf: {  	_ =	sfence.sel $0xFFFF  }
0xc0: {  	[dreg:$0x0] =	wrdreg $0xFFFFFFFF;
	(pc) =	sbr.abs _section_cstart, $3  }
0xc1: {  	[dreg:$0x1] =	wrdreg $0xFFFFFFFF  }
0xc2: {  	_ =	task.clear_ibuf [dreg:s7], $0x2FFFF;
	_ =	strace $0x9FFFFFFF  }
0xc3: {  	(tm) =	ssettm $0x7FFFFFFF  }
tec
execute0_lowered:
.L_overlay_start_1:
0x0: {  	(tag) =	ssettag $0x1  }
0x1: {  	s1 =	rddreg [dreg:$0x0]  }
0x2: {  	s0 =	rddreg [dreg:$0x1]  }
0x3: {  	s3 =	rddreg [dreg:$0x2]  }
0x4: {  	s2 =	srdreg.scid;
	s10 =	stileid.u32;
	s4 =	simm.s32 $0x0  }
0x5: {  	s13 =	simm.s32 $0x5;
	s14 =	simm.s32 $0x80;
	s15 =	simm.s32 $0x800  }
0x6: {  	s16 =	simm.s32 $0x100;
	s17 =	simm.s32 $0x180;
	s28 =	simm.s32 $0x600  }
0x7: {  	s29 =	simm.s32 $0x680;
	s30 =	simm.s32 $0x700;
	s31 =	simm.s32 $0x780  }
0x8: {  	s12 =	simm.s32 $0x1;
	s2 =	sand.u32 $0x1, s2;
	s9 =	smul.u32 $0xA00, s10  }
0x9: {  	s6 =	sshrl.u32 s10, $0x3;
	[smem:$0x7FF] =	sst s4;
	s5 =	smul.u32 $0x2800, s2  }
0xa: {  	s8 =	sshll.u32 s10, $0x7;
	s6 =	smul.u32 $0x1400, s6;
	s7 =	sshll.u32 s2, $0x4  }
0xb: {  	s18 =	sand.u32 $0x380, s8;
	s19 =	ssub.s32 $0x2, s2;
	s2 =	smul.u32 $0x28000, s2  }
0xc: {  	_ =	strace $0x80000047;
	s7 =	sor.u32 s10, s7;
	s20 =	sshrl.u32 s19, $0x1  }
0xd: {  	s10 =	smul.u32 $0x2800, s10;
	s21 =	sshrl.u32 s9, $0x2;
	s5 =	sadd.s32 s5, s6  }
0xe: {  	s7 =	smul.u32 $0x2800, s7;
	s6 =	ssub.s32 s19, s20;
	s8 =	sadd.s32 s21, s3  }
0xf: {  	s19 =	simm.s32 $0x280;
	s20 =	simm.s32 $0x300;
	s21 =	simm.s32 $0x380  }
0x10: {  	s5 =	sor.u32 s18, s5;
	s2 =	sadd.s32 s10, s2;
	s25 =	smax.u32 s6, $0x1  }
0x11: {  	s18 =	simm.s32 $0x200;
	s5 =	sshrl.u32 s5, $0x3;
	s7 =	sshrl.u32 s7, $0x3  }
0x12: {  	s23 =	sadd.s32 $0xC00, s2;
	[dreg:$0x7] =	wrdreg s25;
	s26 =	sadd.s32 $0x800, s2  }
0x13: {  	s25 =	simm.s32 $0x500;
	s2 =	simm.s32 $0x4;
	s0 =	sadd.s32 s5, s0  }
0x14: {  	s22 =	sadd.s32 s1, s7;
	s24 =	sshrl.u32 s23, $0x3;
	[dreg:$0x8] =	wrdreg s26  }
0x15: {  	s23 =	simm.s32 $0x2;
	s26 =	simm.s32 $0x580;
	s7 =	simm.s32 $0x0  }
0x16: {  	[dreg:$0x4] =	wrdreg s22;
	s5 =	sadd.s32 $0x80, s22;
	s0 =	sadd.s32 $0xBE00, s0  }
0x17: {  	s10 =	sadd.s32 s24, s1;
	s22 =	simm.s32 $0x400;
	[dreg:$0x5] =	wrdreg s5  }
0x18: {  	v0 =	vimm.f32 $1.000000000e+00;
	v1 =	vimm.f32 $0.0e+00;
	s24 =	simm.s32 $0x480;
	[dreg:$0x6] =	wrdreg s0;
	s0 =	simm.s32 $0x3  }
.LBB2_1:
0x19: {  	[tilespmem:$0x800] =	vst v0  }
0x1a: {  	[tilespmem:$0x810] =	vst v0  }
0x1b: {  	[tilespmem:$0x820] =	vst v0  }
0x1c: {  	[tilespmem:$0x830] =	vst v0  }
0x1d: {  	[tilespmem:$0x840] =	vst v0  }
0x1e: {  	[tilespmem:$0x850] =	vst v0  }
0x1f: {  	[tilespmem:$0x860] =	vst v0  }
0x20: {  	[tilespmem:$0x870] =	vst v0  }
0x21: {  	[tilespmem:$0x880] =	vst v1  }
0x22: {  	[tilespmem:$0x890] =	vst v1  }
0x23: {  	[tilespmem:$0x8A0] =	vst v1  }
0x24: {  	[tilespmem:$0x8B0] =	vst v1  }
0x25: {  	[tilespmem:$0x8C0] =	vst v1  }
0x26: {  	[tilespmem:$0x8D0] =	vst v1  }
0x27: {  	[tilespmem:$0x8E0] =	vst v1  }
0x28: {  	[tilespmem:$0x8F0] =	vst v1  }
0x29: {  	[tilespmem:$0x900] =	vst v1  }
0x2a: {  	[tilespmem:$0x910] =	vst v1  }
0x2b: {  	[tilespmem:$0x920] =	vst v1  }
0x2c: {  	[tilespmem:$0x930] =	vst v1  }
0x2d: {  	[tilespmem:$0x940] =	vst v1  }
0x2e: {  	[tilespmem:$0x950] =	vst v1  }
0x2f: {  	[tilespmem:$0x960] =	vst v1  }
0x30: {  	[tilespmem:$0x970] =	vst v1  }
0x31: {  	[tilespmem:$0x980] =	vst v1  }
0x32: {  	[tilespmem:$0x990] =	vst v1  }
0x33: {  	[tilespmem:$0x9A0] =	vst v1  }
0x34: {  	[tilespmem:$0x9B0] =	vst v1  }
0x35: {  	[tilespmem:$0x9C0] =	vst v1  }
0x36: {  	[tilespmem:$0x9D0] =	vst v1  }
0x37: {  	[tilespmem:$0x9E0] =	vst v1  }
0x38: {  	[tilespmem:$0x9F0] =	vst v1  }
0x39: {  	[tilespmem:$0xA00] =	vst v1  }
0x3a: {  	[tilespmem:$0xA10] =	vst v1  }
0x3b: {  	[tilespmem:$0xA20] =	vst v1  }
0x3c: {  	[tilespmem:$0xA30] =	vst v1  }
0x3d: {  	[tilespmem:$0xA40] =	vst v1  }
0x3e: {  	[tilespmem:$0xA50] =	vst v1  }
0x3f: {  	[tilespmem:$0xA60] =	vst v1  }
0x40: {  	[tilespmem:$0xA70] =	vst v1  }
0x41: {  	[tilespmem:$0xA80] =	vst v1  }
0x42: {  	[tilespmem:$0xA90] =	vst v1  }
0x43: {  	[tilespmem:$0xAA0] =	vst v1  }
0x44: {  	[tilespmem:$0xAB0] =	vst v1  }
0x45: {  	[tilespmem:$0xAC0] =	vst v1  }
0x46: {  	[tilespmem:$0xAD0] =	vst v1  }
0x47: {  	[tilespmem:$0xAE0] =	vst v1  }
0x48: {  	[tilespmem:$0xAF0] =	vst v1;
	s5 =	simm.s32 $0x880  }
0x49: {  	[spmem:s8] =	stream.linear.scatter [tilespmem:s5], [sflag:$0x5], $0x280, $0x38;
	[tilespmem:$0xD80] =	vst v63  }
0x4a: {  	_ =	swait.ge [sflag:s13], $0x280  }
0x4b: {  	[sflag:s13] =	ssyncset.done $0x0  }
0x4c: {  	[sflag:s13] =	ssyncadd.s32 $0xFFFFFD80  }
0x4d: {  	[bflag:$0x0] =	sbarrier.arrive $0xFFFF  }
0x4e: {  	s6 =	rddreg [dreg:$0x4]  }
0x4f: {  	[tilespmem:s4], [sflag:$0x5] =	stream.linear.gather [hbm4b:s6+s4], $0x400, $0x38;
	[tilespmem:$0xD80] =	vst v63  }
0x50: {  	_ =	swait.ge [sflag:s13], $0x400  }
0x51: {  	[sflag:s13] =	ssyncset.done $0x0  }
0x52: {  	[sflag:s13] =	ssyncadd.s32 $0xFFFFFC00  }
0x53: {  	[spmem:s3] =	stream.indirect.scatter.add.f32 [tilespmem:s15], [sflag:$0x3], $0x1, s4, s14, $0xb8;
	[tilespmem:$0xD80] =	vst v63  }
0x54: {  	_ = 	snop  }
0x55: {  	[spmem:s3] =	stream.indirect.scatter.add.f32 [tilespmem:s15], [sflag:$0x3], $0x1, s14, s14, $0xb8;
	[tilespmem:$0xD80] =	vst v63  }
0x56: {  	_ = 	snop  }
0x57: {  	[spmem:s3] =	stream.indirect.scatter.add.f32 [tilespmem:s15], [sflag:$0x3], $0x1, s16, s14, $0xb8;
	[tilespmem:$0xD80] =	vst v63  }
0x58: {  	_ = 	snop  }
0x59: {  	[spmem:s3] =	stream.indirect.scatter.add.f32 [tilespmem:s15], [sflag:$0x3], $0x1, s17, s14, $0xb8;
	[tilespmem:$0xD80] =	vst v63  }
0x5a: {  	_ = 	snop  }
0x5b: {  	[spmem:s3] =	stream.indirect.scatter.add.f32 [tilespmem:s15], [sflag:$0x3], $0x1, s18, s14, $0xb8;
	[tilespmem:$0xD80] =	vst v63  }
0x5c: {  	_ = 	snop  }
0x5d: {  	[spmem:s3] =	stream.indirect.scatter.add.f32 [tilespmem:s15], [sflag:$0x3], $0x1, s19, s14, $0xb8;
	[tilespmem:$0xD80] =	vst v63  }
0x5e: {  	_ = 	snop  }
0x5f: {  	[spmem:s3] =	stream.indirect.scatter.add.f32 [tilespmem:s15], [sflag:$0x3], $0x1, s20, s14, $0xb8;
	[tilespmem:$0xD80] =	vst v63  }
0x60: {  	_ = 	snop  }
0x61: {  	[spmem:s3] =	stream.indirect.scatter.add.f32 [tilespmem:s15], [sflag:$0x3], $0x1, s21, s14, $0xb8;
	[tilespmem:$0xD80] =	vst v63  }
0x62: {  	s11 =	smov.u32 s8;
	s8 =	rddreg [dreg:$0x5]  }
0x63: {  	[tilespmem:s22], [sflag:$0x2] =	stream.linear.gather [hbm4b:s8+s4], $0x400, $0x38;
	[tilespmem:$0xD80] =	vst v63  }
0x64: {  	_ =	swait.ge [sflag:s23], $0x400  }
0x65: {  	[sflag:s23] =	ssyncset.done $0x0  }
0x66: {  	[sflag:s23] =	ssyncadd.s32 $0xFFFFFC00  }
0x67: {  	[spmem:s3] =	stream.indirect.scatter.add.f32 [tilespmem:s15], [sflag:$0x4], $0x1, s22, s14, $0xb8;
	[tilespmem:$0xD80] =	vst v63  }
0x68: {  	_ = 	snop  }
0x69: {  	[spmem:s3] =	stream.indirect.scatter.add.f32 [tilespmem:s15], [sflag:$0x4], $0x1, s24, s14, $0xb8;
	[tilespmem:$0xD80] =	vst v63  }
0x6a: {  	_ = 	snop  }
0x6b: {  	[spmem:s3] =	stream.indirect.scatter.add.f32 [tilespmem:s15], [sflag:$0x4], $0x1, s25, s14, $0xb8;
	[tilespmem:$0xD80] =	vst v63  }
0x6c: {  	_ = 	snop  }
0x6d: {  	[spmem:s3] =	stream.indirect.scatter.add.f32 [tilespmem:s15], [sflag:$0x4], $0x1, s26, s14, $0xb8;
	[tilespmem:$0xD80] =	vst v63  }
0x6e: {  	_ = 	snop  }
0x6f: {  	[spmem:s3] =	stream.indirect.scatter.add.f32 [tilespmem:s15], [sflag:$0x4], $0x1, s28, s14, $0xb8;
	[tilespmem:$0xD80] =	vst v63  }
0x70: {  	_ = 	snop  }
0x71: {  	[spmem:s3] =	stream.indirect.scatter.add.f32 [tilespmem:s15], [sflag:$0x4], $0x1, s29, s14, $0xb8;
	[tilespmem:$0xD80] =	vst v63  }
0x72: {  	_ = 	snop  }
0x73: {  	[spmem:s3] =	stream.indirect.scatter.add.f32 [tilespmem:s15], [sflag:$0x4], $0x1, s30, s14, $0xb8;
	[tilespmem:$0xD80] =	vst v63  }
0x74: {  	_ = 	snop  }
0x75: {  	[spmem:s3] =	stream.indirect.scatter.add.f32 [tilespmem:s15], [sflag:$0x4], $0x1, s31, s14, $0xb8;
	[tilespmem:$0xD80] =	vst v63  }
0x76: {  	_ =	swait.ge [sflag:s0], $0x80  }
0x77: {  	[sflag:s0] =	ssyncset.done $0x0  }
0x78: {  	[sflag:s0] =	ssyncadd.s32 $0xFFFFFF80  }
0x79: {  	_ =	swait.ge [sflag:s0], $0x80  }
0x7a: {  	[sflag:s0] =	ssyncset.done $0x0  }
0x7b: {  	[sflag:s0] =	ssyncadd.s32 $0xFFFFFF80  }
0x7c: {  	_ =	swait.ge [sflag:s0], $0x80  }
0x7d: {  	[sflag:s0] =	ssyncset.done $0x0  }
0x7e: {  	[sflag:s0] =	ssyncadd.s32 $0xFFFFFF80  }
0x7f: {  	_ =	swait.ge [sflag:s0], $0x80  }
0x80: {  	[sflag:s0] =	ssyncset.done $0x0  }
0x81: {  	[sflag:s0] =	ssyncadd.s32 $0xFFFFFF80  }
0x82: {  	_ =	swait.ge [sflag:s0], $0x80  }
0x83: {  	[sflag:s0] =	ssyncset.done $0x0  }
0x84: {  	[sflag:s0] =	ssyncadd.s32 $0xFFFFFF80  }
0x85: {  	_ =	swait.ge [sflag:s0], $0x80  }
0x86: {  	[sflag:s0] =	ssyncset.done $0x0  }
0x87: {  	[sflag:s0] =	ssyncadd.s32 $0xFFFFFF80  }
0x88: {  	_ =	swait.ge [sflag:s0], $0x80  }
0x89: {  	[sflag:s0] =	ssyncset.done $0x0  }
0x8a: {  	[sflag:s0] =	ssyncadd.s32 $0xFFFFFF80  }
0x8b: {  	_ =	swait.ge [sflag:s0], $0x80  }
0x8c: {  	s9 =	rddreg [dreg:$0x8]  }
0x8d: {  	[sflag:s0] =	ssyncset.done $0x0;
	s6 =	sshrl.u32 s9, $0x3  }
0x8e: {  	[sflag:s0] =	ssyncadd.s32 $0xFFFFFF80;
	s6 =	sadd.s32 s1, s6  }
0x8f: {  	[tilespmem:s4], [sflag:$0x1] =	stream.linear.gather [hbm4b:s6+s4], $0x400, $0x38;
	[tilespmem:$0xD80] =	vst v63  }
0x90: {  	_ =	swait.ge [sflag:s12], $0x400  }
0x91: {  	[sflag:s12] =	ssyncset.done $0x0  }
0x92: {  	[sflag:s12] =	ssyncadd.s32 $0xFFFFFC00  }
0x93: {  	[spmem:s3] =	stream.indirect.scatter.add.f32 [tilespmem:s15], [sflag:$0x3], $0x1, s4, s14, $0xb8;
	[tilespmem:$0xD80] =	vst v63  }
0x94: {  	_ = 	snop  }
0x95: {  	[spmem:s3] =	stream.indirect.scatter.add.f32 [tilespmem:s15], [sflag:$0x3], $0x1, s14, s14, $0xb8;
	[tilespmem:$0xD80] =	vst v63  }
0x96: {  	_ = 	snop  }
0x97: {  	[spmem:s3] =	stream.indirect.scatter.add.f32 [tilespmem:s15], [sflag:$0x3], $0x1, s16, s14, $0xb8;
	[tilespmem:$0xD80] =	vst v63  }
0x98: {  	_ = 	snop  }
0x99: {  	[spmem:s3] =	stream.indirect.scatter.add.f32 [tilespmem:s15], [sflag:$0x3], $0x1, s17, s14, $0xb8;
	[tilespmem:$0xD80] =	vst v63  }
0x9a: {  	_ = 	snop  }
0x9b: {  	[spmem:s3] =	stream.indirect.scatter.add.f32 [tilespmem:s15], [sflag:$0x3], $0x1, s18, s14, $0xb8;
	[tilespmem:$0xD80] =	vst v63  }
0x9c: {  	_ = 	snop  }
0x9d: {  	[spmem:s3] =	stream.indirect.scatter.add.f32 [tilespmem:s15], [sflag:$0x3], $0x1, s19, s14, $0xb8;
	[tilespmem:$0xD80] =	vst v63  }
0x9e: {  	_ = 	snop  }
0x9f: {  	[spmem:s3] =	stream.indirect.scatter.add.f32 [tilespmem:s15], [sflag:$0x3], $0x1, s20, s14, $0xb8;
	[tilespmem:$0xD80] =	vst v63  }
0xa0: {  	_ = 	snop  }
0xa1: {  	[spmem:s3] =	stream.indirect.scatter.add.f32 [tilespmem:s15], [sflag:$0x3], $0x1, s21, s14, $0xb8;
	[tilespmem:$0xD80] =	vst v63  }
0xa2: {  	_ =	swait.ge [sflag:s2], $0x80  }
0xa3: {  	[sflag:s2] =	ssyncset.done $0x0  }
0xa4: {  	[sflag:s2] =	ssyncadd.s32 $0xFFFFFF80  }
0xa5: {  	_ =	swait.ge [sflag:s2], $0x80  }
0xa6: {  	[sflag:s2] =	ssyncset.done $0x0  }
0xa7: {  	[sflag:s2] =	ssyncadd.s32 $0xFFFFFF80  }
0xa8: {  	_ =	swait.ge [sflag:s2], $0x80  }
0xa9: {  	[sflag:s2] =	ssyncset.done $0x0  }
0xaa: {  	[sflag:s2] =	ssyncadd.s32 $0xFFFFFF80  }
0xab: {  	_ =	swait.ge [sflag:s2], $0x80  }
0xac: {  	[sflag:s2] =	ssyncset.done $0x0  }
0xad: {  	[sflag:s2] =	ssyncadd.s32 $0xFFFFFF80  }
0xae: {  	_ =	swait.ge [sflag:s2], $0x80  }
0xaf: {  	[sflag:s2] =	ssyncset.done $0x0  }
0xb0: {  	[sflag:s2] =	ssyncadd.s32 $0xFFFFFF80  }
0xb1: {  	_ =	swait.ge [sflag:s2], $0x80  }
0xb2: {  	[sflag:s2] =	ssyncset.done $0x0  }
0xb3: {  	[sflag:s2] =	ssyncadd.s32 $0xFFFFFF80  }
0xb4: {  	_ =	swait.ge [sflag:s2], $0x80  }
0xb5: {  	[sflag:s2] =	ssyncset.done $0x0  }
0xb6: {  	[sflag:s2] =	ssyncadd.s32 $0xFFFFFF80  }
0xb7: {  	_ =	swait.ge [sflag:s2], $0x80  }
0xb8: {  	s8 =	simm.s32 $0x100;
	[sflag:s2] =	ssyncset.done $0x0  }
0xb9: {  	s9 =	sadd.s32 $0x800, s9;
	s6 =	sadd.s32 $0x0, s10;
	[sflag:s2] =	ssyncadd.s32 $0xFFFFFF80  }
.LBB2_2:
0xba: {  	[tilespmem:s22], [sflag:$0x2] =	stream.linear.gather [hbm4b:s6+s4], $0x400, $0x38;
	[tilespmem:$0xD80] =	vst v63  }
0xbb: {  	s6 =	smov.u32 s8  }
0xbc: {  	p0 =	sne.s32 s8, $0x300;
	s8 =	sadd.s32 $0x100, s8;
	_ =	swait.ge [sflag:s23], $0x400  }
0xbd: {  	[sflag:s23] =	ssyncset.done $0x0  }
0xbe: {  	[sflag:s23] =	ssyncadd.s32 $0xFFFFFC00  }
0xbf: {  	[spmem:s3] =	stream.indirect.scatter.add.f32 [tilespmem:s15], [sflag:$0x4], $0x1, s22, s14, $0xb8;
	[tilespmem:$0xD80] =	vst v63  }
0xc0: {  	_ = 	snop  }
0xc1: {  	[spmem:s3] =	stream.indirect.scatter.add.f32 [tilespmem:s15], [sflag:$0x4], $0x1, s24, s14, $0xb8;
	[tilespmem:$0xD80] =	vst v63  }
0xc2: {  	_ = 	snop  }
0xc3: {  	[spmem:s3] =	stream.indirect.scatter.add.f32 [tilespmem:s15], [sflag:$0x4], $0x1, s25, s14, $0xb8;
	[tilespmem:$0xD80] =	vst v63  }
0xc4: {  	_ = 	snop  }
0xc5: {  	[spmem:s3] =	stream.indirect.scatter.add.f32 [tilespmem:s15], [sflag:$0x4], $0x1, s26, s14, $0xb8;
	[tilespmem:$0xD80] =	vst v63  }
0xc6: {  	_ = 	snop  }
0xc7: {  	[spmem:s3] =	stream.indirect.scatter.add.f32 [tilespmem:s15], [sflag:$0x4], $0x1, s28, s14, $0xb8;
	[tilespmem:$0xD80] =	vst v63  }
0xc8: {  	_ = 	snop  }
0xc9: {  	[spmem:s3] =	stream.indirect.scatter.add.f32 [tilespmem:s15], [sflag:$0x4], $0x1, s29, s14, $0xb8;
	[tilespmem:$0xD80] =	vst v63  }
0xca: {  	_ = 	snop  }
0xcb: {  	[spmem:s3] =	stream.indirect.scatter.add.f32 [tilespmem:s15], [sflag:$0x4], $0x1, s30, s14, $0xb8;
	[tilespmem:$0xD80] =	vst v63  }
0xcc: {  	_ = 	snop  }
0xcd: {  	[spmem:s3] =	stream.indirect.scatter.add.f32 [tilespmem:s15], [sflag:$0x4], $0x1, s31, s14, $0xb8;
	[tilespmem:$0xD80] =	vst v63  }
0xce: {  	_ =	swait.ge [sflag:s0], $0x80  }
0xcf: {  	[sflag:s0] =	ssyncset.done $0x0  }
0xd0: {  	[sflag:s0] =	ssyncadd.s32 $0xFFFFFF80  }
0xd1: {  	_ =	swait.ge [sflag:s0], $0x80  }
0xd2: {  	[sflag:s0] =	ssyncset.done $0x0  }
0xd3: {  	[sflag:s0] =	ssyncadd.s32 $0xFFFFFF80  }
0xd4: {  	_ =	swait.ge [sflag:s0], $0x80  }
0xd5: {  	[sflag:s0] =	ssyncset.done $0x0  }
0xd6: {  	[sflag:s0] =	ssyncadd.s32 $0xFFFFFF80  }
0xd7: {  	_ =	swait.ge [sflag:s0], $0x80  }
0xd8: {  	[sflag:s0] =	ssyncset.done $0x0  }
0xd9: {  	[sflag:s0] =	ssyncadd.s32 $0xFFFFFF80  }
0xda: {  	_ =	swait.ge [sflag:s0], $0x80  }
0xdb: {  	[sflag:s0] =	ssyncset.done $0x0  }
0xdc: {  	[sflag:s0] =	ssyncadd.s32 $0xFFFFFF80  }
0xdd: {  	_ =	swait.ge [sflag:s0], $0x80  }
0xde: {  	[sflag:s0] =	ssyncset.done $0x0  }
0xdf: {  	[sflag:s0] =	ssyncadd.s32 $0xFFFFFF80  }
0xe0: {  	_ =	swait.ge [sflag:s0], $0x80  }
0xe1: {  	[sflag:s0] =	ssyncset.done $0x0  }
0xe2: {  	[sflag:s0] =	ssyncadd.s32 $0xFFFFFF80  }
0xe3: {  	_ =	swait.ge [sflag:s0], $0x80  }
0xe4: {  	s5 =	sshrl.u32 s9, $0x3;
	[sflag:s0] =	ssyncset.done $0x0  }
0xe5: {  	s5 =	sadd.s32 s1, s5;
	[sflag:s0] =	ssyncadd.s32 $0xFFFFFF80  }
0xe6: {  	[tilespmem:s4], [sflag:$0x1] =	stream.linear.gather [hbm4b:s5+s4], $0x400, $0x38;
	[tilespmem:$0xD80] =	vst v63  }
0xe7: {  	_ =	swait.ge [sflag:s12], $0x400  }
0xe8: {  	[sflag:s12] =	ssyncset.done $0x0  }
0xe9: {  	[sflag:s12] =	ssyncadd.s32 $0xFFFFFC00  }
0xea: {  	[spmem:s3] =	stream.indirect.scatter.add.f32 [tilespmem:s15], [sflag:$0x3], $0x1, s4, s14, $0xb8;
	[tilespmem:$0xD80] =	vst v63  }
0xeb: {  	_ = 	snop  }
0xec: {  	[spmem:s3] =	stream.indirect.scatter.add.f32 [tilespmem:s15], [sflag:$0x3], $0x1, s14, s14, $0xb8;
	[tilespmem:$0xD80] =	vst v63  }
0xed: {  	_ = 	snop  }
0xee: {  	[spmem:s3] =	stream.indirect.scatter.add.f32 [tilespmem:s15], [sflag:$0x3], $0x1, s16, s14, $0xb8;
	[tilespmem:$0xD80] =	vst v63  }
0xef: {  	_ = 	snop  }
0xf0: {  	[spmem:s3] =	stream.indirect.scatter.add.f32 [tilespmem:s15], [sflag:$0x3], $0x1, s17, s14, $0xb8;
	[tilespmem:$0xD80] =	vst v63  }
0xf1: {  	_ = 	snop  }
0xf2: {  	[spmem:s3] =	stream.indirect.scatter.add.f32 [tilespmem:s15], [sflag:$0x3], $0x1, s18, s14, $0xb8;
	[tilespmem:$0xD80] =	vst v63  }
0xf3: {  	_ = 	snop  }
0xf4: {  	[spmem:s3] =	stream.indirect.scatter.add.f32 [tilespmem:s15], [sflag:$0x3], $0x1, s19, s14, $0xb8;
	[tilespmem:$0xD80] =	vst v63  }
0xf5: {  	_ = 	snop  }
0xf6: {  	[spmem:s3] =	stream.indirect.scatter.add.f32 [tilespmem:s15], [sflag:$0x3], $0x1, s20, s14, $0xb8;
	[tilespmem:$0xD80] =	vst v63  }
0xf7: {  	_ = 	snop  }
0xf8: {  	[spmem:s3] =	stream.indirect.scatter.add.f32 [tilespmem:s15], [sflag:$0x3], $0x1, s21, s14, $0xb8;
	[tilespmem:$0xD80] =	vst v63  }
0xf9: {  	_ =	swait.ge [sflag:s2], $0x80  }
0xfa: {  	[sflag:s2] =	ssyncset.done $0x0  }
0xfb: {  	[sflag:s2] =	ssyncadd.s32 $0xFFFFFF80  }
0xfc: {  	_ =	swait.ge [sflag:s2], $0x80  }
0xfd: {  	[sflag:s2] =	ssyncset.done $0x0  }
0xfe: {  	[sflag:s2] =	ssyncadd.s32 $0xFFFFFF80  }
0xff: {  	_ =	swait.ge [sflag:s2], $0x80  }
0x100: {  	[sflag:s2] =	ssyncset.done $0x0  }
0x101: {  	[sflag:s2] =	ssyncadd.s32 $0xFFFFFF80  }
0x102: {  	_ =	swait.ge [sflag:s2], $0x80  }
0x103: {  	[sflag:s2] =	ssyncset.done $0x0  }
0x104: {  	[sflag:s2] =	ssyncadd.s32 $0xFFFFFF80  }
0x105: {  	_ =	swait.ge [sflag:s2], $0x80  }
0x106: {  	[sflag:s2] =	ssyncset.done $0x0  }
0x107: {  	[sflag:s2] =	ssyncadd.s32 $0xFFFFFF80  }
0x108: {  	_ =	swait.ge [sflag:s2], $0x80  }
0x109: {  	[sflag:s2] =	ssyncset.done $0x0  }
0x10a: {  	[sflag:s2] =	ssyncadd.s32 $0xFFFFFF80  }
0x10b: {  	_ =	swait.ge [sflag:s2], $0x80  }
.Ltmp0:
0x10c: {  	[sflag:s2] =	ssyncset.done $0x0;
	(pc) =	sbr.rel @p0 .LBB2_2-.Ltmp0, $4  }
0x10d: {  	[sflag:s2] =	ssyncadd.s32 $0xFFFFFF80  }
0x10e: {  	_ =	swait.ge [sflag:s2], $0x80  }
0x10f: {  	[sflag:s2] =	ssyncset.done $0x0  }
0x110: {  	s9 =	sadd.s32 $0x800, s9;
	s6 =	sadd.s32 s6, s10;
	[sflag:s2] =	ssyncadd.s32 $0xFFFFFF80  }
0x111: {  	[tilespmem:s22], [sflag:$0x2] =	stream.linear.gather [hbm4b:s6+s4], $0x400, $0x38;
	[tilespmem:$0xD80] =	vst v63  }
0x112: {  	_ =	swait.ge [sflag:s23], $0x400  }
0x113: {  	[sflag:s23] =	ssyncset.done $0x0  }
0x114: {  	[sflag:s23] =	ssyncadd.s32 $0xFFFFFC00  }
0x115: {  	[spmem:s3] =	stream.indirect.scatter.add.f32 [tilespmem:s15], [sflag:$0x4], $0x1, s22, s14, $0xb8;
	[tilespmem:$0xD80] =	vst v63  }
0x116: {  	_ = 	snop  }
0x117: {  	[spmem:s3] =	stream.indirect.scatter.add.f32 [tilespmem:s15], [sflag:$0x4], $0x1, s24, s14, $0xb8;
	[tilespmem:$0xD80] =	vst v63  }
0x118: {  	_ = 	snop  }
0x119: {  	[spmem:s3] =	stream.indirect.scatter.add.f32 [tilespmem:s15], [sflag:$0x4], $0x1, s25, s14, $0xb8;
	[tilespmem:$0xD80] =	vst v63  }
0x11a: {  	_ = 	snop  }
0x11b: {  	[spmem:s3] =	stream.indirect.scatter.add.f32 [tilespmem:s15], [sflag:$0x4], $0x1, s26, s14, $0xb8;
	[tilespmem:$0xD80] =	vst v63  }
0x11c: {  	_ = 	snop  }
0x11d: {  	[spmem:s3] =	stream.indirect.scatter.add.f32 [tilespmem:s15], [sflag:$0x4], $0x1, s28, s14, $0xb8;
	[tilespmem:$0xD80] =	vst v63  }
0x11e: {  	_ = 	snop  }
0x11f: {  	[spmem:s3] =	stream.indirect.scatter.add.f32 [tilespmem:s15], [sflag:$0x4], $0x1, s29, s14, $0xb8;
	[tilespmem:$0xD80] =	vst v63  }
0x120: {  	_ = 	snop  }
0x121: {  	[spmem:s3] =	stream.indirect.scatter.add.f32 [tilespmem:s15], [sflag:$0x4], $0x1, s30, s14, $0xb8;
	[tilespmem:$0xD80] =	vst v63  }
0x122: {  	_ = 	snop  }
0x123: {  	[spmem:s3] =	stream.indirect.scatter.add.f32 [tilespmem:s15], [sflag:$0x4], $0x1, s31, s14, $0xb8;
	[tilespmem:$0xD80] =	vst v63  }
0x124: {  	_ =	swait.ge [sflag:s0], $0x80  }
0x125: {  	[sflag:s0] =	ssyncset.done $0x0  }
0x126: {  	[sflag:s0] =	ssyncadd.s32 $0xFFFFFF80  }
0x127: {  	_ =	swait.ge [sflag:s0], $0x80  }
0x128: {  	[sflag:s0] =	ssyncset.done $0x0  }
0x129: {  	[sflag:s0] =	ssyncadd.s32 $0xFFFFFF80  }
0x12a: {  	_ =	swait.ge [sflag:s0], $0x80  }
0x12b: {  	[sflag:s0] =	ssyncset.done $0x0  }
0x12c: {  	[sflag:s0] =	ssyncadd.s32 $0xFFFFFF80  }
0x12d: {  	_ =	swait.ge [sflag:s0], $0x80  }
0x12e: {  	[sflag:s0] =	ssyncset.done $0x0  }
0x12f: {  	[sflag:s0] =	ssyncadd.s32 $0xFFFFFF80  }
0x130: {  	_ =	swait.ge [sflag:s0], $0x80  }
0x131: {  	[sflag:s0] =	ssyncset.done $0x0  }
0x132: {  	[sflag:s0] =	ssyncadd.s32 $0xFFFFFF80  }
0x133: {  	_ =	swait.ge [sflag:s0], $0x80  }
0x134: {  	[sflag:s0] =	ssyncset.done $0x0  }
0x135: {  	[sflag:s0] =	ssyncadd.s32 $0xFFFFFF80  }
0x136: {  	_ =	swait.ge [sflag:s0], $0x80  }
0x137: {  	[sflag:s0] =	ssyncset.done $0x0  }
0x138: {  	[sflag:s0] =	ssyncadd.s32 $0xFFFFFF80  }
0x139: {  	_ =	swait.ge [sflag:s0], $0x80  }
0x13a: {  	[sflag:s0] =	ssyncset.done $0x0  }
0x13b: {  	[sflag:s0] =	ssyncadd.s32 $0xFFFFFF80  }
0x13c: {  	_ =	swait.ge [sflag:s2], $0x80  }
0x13d: {  	[sflag:s2] =	ssyncset.done $0x0  }
0x13e: {  	[sflag:s2] =	ssyncadd.s32 $0xFFFFFF80  }
0x13f: {  	_ =	swait.ge [sflag:s2], $0x80  }
0x140: {  	[sflag:s2] =	ssyncset.done $0x0  }
0x141: {  	[sflag:s2] =	ssyncadd.s32 $0xFFFFFF80  }
0x142: {  	_ =	swait.ge [sflag:s2], $0x80  }
0x143: {  	[sflag:s2] =	ssyncset.done $0x0  }
0x144: {  	[sflag:s2] =	ssyncadd.s32 $0xFFFFFF80  }
0x145: {  	_ =	swait.ge [sflag:s2], $0x80  }
0x146: {  	[sflag:s2] =	ssyncset.done $0x0  }
0x147: {  	[sflag:s2] =	ssyncadd.s32 $0xFFFFFF80  }
0x148: {  	_ =	swait.ge [sflag:s2], $0x80  }
0x149: {  	[sflag:s2] =	ssyncset.done $0x0  }
0x14a: {  	[sflag:s2] =	ssyncadd.s32 $0xFFFFFF80  }
0x14b: {  	_ =	swait.ge [sflag:s2], $0x80  }
0x14c: {  	[sflag:s2] =	ssyncset.done $0x0  }
0x14d: {  	[sflag:s2] =	ssyncadd.s32 $0xFFFFFF80  }
0x14e: {  	_ =	swait.ge [sflag:s2], $0x80  }
0x14f: {  	[sflag:s2] =	ssyncset.done $0x0  }
0x150: {  	[sflag:s2] =	ssyncadd.s32 $0xFFFFFF80  }
0x151: {  	_ =	swait.ge [sflag:s2], $0x80  }
0x152: {  	[sflag:s2] =	ssyncset.done $0x0  }
0x153: {  	s5 =	stileid.u32;
	s8 =	smov.u32 s11;
	[sflag:s2] =	ssyncadd.s32 $0xFFFFFF80  }
0x154: {  	s6 =	sshrl.u32 s11, $0x3;
	s5 =	sshll.u32 s5, $0x6;
	[bflag:$0x0] =	sbarrier.arrive $0xFFFF  }
0x155: {  	s11 =	simm.s32 $0x10;
	s5 =	sor.u32 $0x1C05, s5;
	s9 =	rddreg [dreg:$0x6]  }
0x156: {  	[hbm:s9@s14], [sflag:s5] =	dma.strided [spmem:s6@s11], $0x50, s12, $0x10   }
0x157: {  	_ =	swait.ge [sflag:s13], $0x50  }
0x158: {  	s7 =	sadd.s32 $0x1, s7;
	s11 =	rddreg [dreg:$0x7]  }
0x159: {  	p0 =	sne.s32 s7, s11  }
.Ltmp1:
0x15a: {  	_ = 	snop;
	(pc) =	sbr.rel @p0 .LBB2_1-.Ltmp1, $3  }
0x15b: {  	_ =	sdelay $0x1  }
0x15c: {  	[sflag:s13] =	ssyncset.done $0x0  }
0x15d: {  	[sflag:s13] =	ssyncadd.s32 $0xFFFFFFB0  }
0x15e: {  	_ =	sfence.sel $0x180000  }
0x15f: {  	[bflag:$0x0] =	sbarrier.arrive $0xFFFF  }
0x160: {  	_ =	strace $0x90000047  }
0x161: {  	s0 =	stileid.u32;
	[bflag:$0x2] =	sbarrier.arrive $0xFFFF  }
0x162: {  	p0 =	sne.s32 s0, $0x0;
	s0 =	rddreg [dreg:$0x3]  }
0x163: {  	s0 =	sadd.s32 @!p0 $0x100000, s0  }
0x164: {  	[sflag:s0] =	ssyncadd.tile.s32 @!p0 $0x1;
	_ =	shalt  }
.Lfunc_end2:
_tile_overlayer_lowered:
.L_overlay_start_2:
0x165: {  	(tag) =	ssettag $0x2  }
0x166: {  	s0 =	rddreg [dreg:$0x0];
	s2 =	stileid.u32  }
0x167: {  	s1 =	rddreg [dreg:$0x1];
	p0 =	sne.s32 s2, $0x0  }
0x168: {  	s3 =	rddreg [dreg:$0x2];
	[bflag:$0x3] =	sbarrier.arrive $0xFFFF;
	s2 =	simm.s32 @!p0 $0x1C05  }
0x169: {  	[timem:s3], [sflag:s2] =	dma.local @!p0 [hbm:s0], s1  }
0x16a: {  	s0 =	simm.s32 @!p0 $0x5  }
0x16b: {  	_ =	swait.ge @!p0 [sflag:s0], s1  }
0x16c: {  	s1 =	ssub.s32 @!p0 $0x0, s1;
	[sflag:s0] =	ssyncset.done @!p0 $0x0  }
0x16d: {  	[sflag:s0] =	ssyncadd.s32 @!p0 s1  }
0x16e: {  	[bflag:$0x3] =	sbarrier.arrive $0xFFFF  }
0x16f: {  	_ =	shalt  }

// kernel: kernel.9.cloned.1.call-start
scs
__scs_entry_jumppad:
0x0: {  	(pc) =	sbr.rel $0x88, $3  }
0x1: {  	(tag) =	ssettag $0x0;
	lr =	simm.s32 $0x1  }
0x2: {  	[smem:$0x3F9B] =	sst lr;
	_ =	strace $0xD0000000  }
0x3: {  	_ = 	snop  }
0x4: {  	_ = 	snop  }
0x5: {  	_ = 	snop  }
0x6: {  	_ = 	snop  }
0x7: {  	_ = 	snop  }
__scs_overlays_trampoline_lowered:
0x8: {  	[smem:$0x3FAA] =	sst s0  }
0x9: {  	[smem:$0x3FAB] =	sst s1  }
0xa: {  	[smem:$0x3FAC] =	sst s2  }
0xb: {  	[smem:$0x3FAD] =	sst s3  }
0xc: {  	[smem:$0x3FAE] =	sst s4  }
0xd: {  	[smem:$0x3FAF] =	sst s5  }
0xe: {  	[smem:$0x3FB0] =	sst s6  }
0xf: {  	[smem:$0x3FB1] =	sst s7  }
0x10: {  	[smem:$0x3FB2] =	sst s8  }
0x11: {  	[smem:$0x3FB3] =	sst s9;
	s0 =	simm.s32 @!p0 $0x0  }
0x12: {  	s1 =	sld [smem:$0x3F99];
	s0 =	simm.s32 @p0 $0x1  }
0x13: {  	[smem:$0x3FB4] =	sst s0;
	s0 =	simm.s32 @!p1 $0x0  }
0x14: {  	s2 =	sld [smem:$0x3F98];
	s0 =	simm.s32 @p1 $0x1  }
0x15: {  	[smem:$0x3FB5] =	sst s0;
	s0 =	simm.s32 @!p2 $0x0  }
0x16: {  	s3 =	sld [smem:$0x3FDB];
	s0 =	simm.s32 @p2 $0x1  }
0x17: {  	s4 =	simm.s32 $0x1BF5;
	[smem:$0x3FB7] =	sst s0  }
0x18: {  	s0 =	sld [smem:$0x3F9A];
	_ =	swait.ge [sflag:s4], $0x0  }
0x19: {  	s7 =	sld [smem:$0x3F9B]  }
0x1a: {  	s8 =	sadd.s32 $0xFFFFE003, lr  }
0x1b: {  	s9 =	sadd.s32 $0xFFFFFEF7, lr;
	s5 =	simm.s32 $0xFFFFFFFF;
	p2 =	slt.u32 s8, $0xFFFFF086  }
0x1c: {  	p1 =	slt.u32 s9, $0xF7A;
	s5 =	simm.s32 @!p2 $0x0  }
0x1d: {  	s5 =	simm.s32 @p1 $0x1;
	p0 =	seq.s32 s7, s2  }
0x1e: {  	s7 =	smul.u32 @!p0 $0xF7A, s2;
	p2 =	seq.s32 @!p0 s5, $0x0  }
0x1f: {  	s9 =	smul.u32 $0xF7A, s1;
	s8 =	simm.s32 @!p0 $0x1BF5;
	p2 =	por !p2, p0  }
0x20: {  	[sflag:s8] =	ssyncset.s32 @!p0 $0xFFFFF086;
	s6 =	sadd.s32 @!p0 s3, s7;
	s7 =	simm.s32 @!p0 $0x108  }
0x21: {  	s3 =	sadd.s32 s3, s9;
	s6 =	sadd.s32 @!p0 $0x88, s6;
	s7 =	simm.s32 @p2 $0x1082  }
0x22: {  	[simem:s7], [sflag:s8] =	dma.local @!p0 [hbm:s6], $0xF7A  }
0x23: {  	s9 =	sor.u32 $0xD0000000, s2;
	s6 =	simm.s32 $0x108;
	_ =	swait.ge @!p0 [sflag:s8], $0x0  }
0x24: {  	s3 =	sadd.s32 $0x88, s3;
	s6 =	simm.s32 @!p1 $0x1082;
	[sflag:s4] =	ssyncset.s32 $0xFFFFF086  }
0x25: {  	[simem:s6], [sflag:s4] =	dma.local [hbm:s3], $0xF7A  }
0x26: {  	[smem:$0x3F9B] =	sst s1;
	(tag) =	ssettag s2;
	_ =	strace s9  }
0x27: {  	s1 =	sld [smem:$0x3FAB]  }
0x28: {  	s2 =	sld [smem:$0x3FAC]  }
0x29: {  	s4 =	sld [smem:$0x3FAE]  }
0x2a: {  	p0 =	seq.s32 s5, $0x0;
	s5 =	sld [smem:$0x3FAF]  }
0x2b: {  	s6 =	sld [smem:$0x3FB0]  }
0x2c: {  	s7 =	sld [smem:$0x3FB1]  }
0x2d: {  	s3 =	simm.s32 $0x108;
	s8 =	sld [smem:$0x3FB2]  }
0x2e: {  	s3 =	simm.s32 @!p0 $0x1082;
	s9 =	sld [smem:$0x3FB3]  }
0x2f: {  	lr =	sadd.s32 s0, s3;
	s0 =	sld [smem:$0x3FAA]  }
0x30: {  	s3 =	sld [smem:$0x3FAD]  }
0x31: {  	[smem:$0x3FB6] =	sst s10  }
0x32: {  	s10 =	sld [smem:$0x3FB4];
	_ =	sdelay $0x3  }
0x33: {  	p0 =	seq.s32 s10, $0x1;
	s10 =	sld [smem:$0x3FB6];
	_ =	sdelay $0x3  }
0x34: {  	[smem:$0x3FB6] =	sst s10  }
0x35: {  	s10 =	sld [smem:$0x3FB5];
	_ =	sdelay $0x3  }
0x36: {  	p1 =	seq.s32 s10, $0x1;
	s10 =	sld [smem:$0x3FB6];
	_ =	sdelay $0x3  }
0x37: {  	[smem:$0x3FB6] =	sst s10  }
0x38: {  	s10 =	sld [smem:$0x3FB7]  }
0x39: {  	_ = 	snop;
	(pc) =	sbr.ind lr, $3  }
0x3a: {  	_ = 	snop  }
0x3b: {  	_ = 	snop  }
0x3c: {  	p2 =	seq.s32 s10, $0x1;
	s10 =	sld [smem:$0x3FB6]  }
0x3d: {  	_ =	shalt  }
0x3e: {  	_ =	shalt  }
0x3f: {  	_ =	shalt  }
0x40: {  	_ =	shalt  }
0x41: {  	_ =	shalt  }
0x42: {  	_ =	shalt  }
0x43: {  	_ =	shalt  }
0x44: {  	_ =	shalt  }
0x45: {  	_ =	shalt  }
0x46: {  	_ =	shalt  }
0x47: {  	_ =	shalt  }
0x48: {  	_ =	shalt  }
0x49: {  	_ =	shalt  }
0x4a: {  	_ =	shalt  }
0x4b: {  	_ =	shalt  }
0x4c: {  	_ =	shalt  }
0x4d: {  	_ =	shalt  }
0x4e: {  	_ =	shalt  }
0x4f: {  	_ =	shalt  }
0x50: {  	_ =	shalt  }
0x51: {  	_ =	shalt  }
0x52: {  	_ =	shalt  }
0x53: {  	_ =	shalt  }
0x54: {  	_ =	shalt  }
0x55: {  	_ =	shalt  }
0x56: {  	_ =	shalt  }
0x57: {  	_ =	shalt  }
0x58: {  	_ =	shalt  }
0x59: {  	_ =	shalt  }
0x5a: {  	_ =	shalt  }
0x5b: {  	_ =	shalt  }
0x5c: {  	_ =	shalt  }
0x5d: {  	_ =	shalt  }
0x5e: {  	_ =	shalt  }
0x5f: {  	_ =	shalt  }
0x60: {  	_ =	shalt  }
0x61: {  	_ =	shalt  }
0x62: {  	_ =	shalt  }
0x63: {  	_ =	shalt  }
0x64: {  	_ =	shalt  }
0x65: {  	_ =	shalt  }
0x66: {  	_ =	shalt  }
0x67: {  	_ =	shalt  }
0x68: {  	_ =	shalt  }
0x69: {  	_ =	shalt  }
0x6a: {  	_ =	shalt  }
0x6b: {  	_ =	shalt  }
0x6c: {  	_ =	shalt  }
0x6d: {  	_ =	shalt  }
0x6e: {  	_ =	shalt  }
0x6f: {  	_ =	shalt  }
0x70: {  	_ =	shalt  }
0x71: {  	_ =	shalt  }
0x72: {  	_ =	shalt  }
0x73: {  	_ =	shalt  }
0x74: {  	_ =	shalt  }
0x75: {  	_ =	shalt  }
0x76: {  	_ =	shalt  }
0x77: {  	_ =	shalt  }
0x78: {  	_ =	shalt  }
0x79: {  	_ =	shalt  }
0x7a: {  	_ =	shalt  }
0x7b: {  	_ =	shalt  }
0x7c: {  	_ =	shalt  }
0x7d: {  	_ =	shalt  }
0x7e: {  	_ =	shalt  }
0x7f: {  	_ =	shalt  }
0x80: {  	_ =	shalt  }
0x81: {  	_ =	shalt  }
0x82: {  	_ =	shalt  }
0x83: {  	_ =	shalt  }
0x84: {  	_ =	shalt  }
0x85: {  	_ =	shalt  }
0x86: {  	_ =	shalt  }
0x87: {  	_ =	shalt  }
.Lfunc_end0:
.L_simem_size_0:
called_computation.1_lowered:
.L_overlay_start_0:
0x88: {  	s2 =	sld [smem:$0x3FD9]  }
0x89: {  	s3 =	sld [smem:$0x3FFE];
	_ =	sdelay $0x1  }
0x8a: {  	s1 =	srdreg.scid  }
0x8b: {  	s0 =	sand.u32 $0x1, s1  }
0x8c: {  	s17 =	sshll.u32 s0, $0xA;
	s2 =	sadd.s32 s3, s2  }
0x8d: {  	s2 =	sadd.s32 s2, s17  }
0x8e: {  	[smem:$0x3FC2] =	sst s2  }
0x8f: {  	_ = 	snop  }
0x90: {  	s2 =	sld [smem:$0x3FD0];
	(tm) =	ssettm $0x1  }
0x91: {  	s18 =	sld [smem:$0x3FFB];
	_ =	sdelay $0x3  }
0x92: {  	_ =	strace s18  }
0x93: {  	s3 =	sld [smem:$0x3FFC];
	_ =	sdelay $0x3  }
0x94: {  	_ =	strace s3  }
0x95: {  	s3 =	sld [smem:$0x3FFD];
	_ =	sdelay $0x3  }
0x96: {  	_ =	strace s3  }
0x97: {  	_ =	strace $0x8FFFFFFF  }
0x98: {  	s19 =	sld [smem:$0x3FDB];
	_ =	sdelay $0x1  }
0x99: {  	s4 =	simm.s32 $_scs_section_size  }
0x9a: {  	s5 =	simm.s32 $_size__tile_overlayer_lowered;
	s6 =	simm.s32 $_tile_overlayer_lowered  }
0x9b: {  	s22 =	simm.s32 $0x1BFF;
	s21 =	sshll.u32 s6, $0x1;
	s3 =	sadd.s32 s4, s19  }
0x9c: {  	s7 =	simm.s32 $0x0;
	s20 =	sshll.u32 s5, $0x1;
	s5 =	sadd.s32 s21, s3  }
0x9d: {  	[timem:s7], [sflag:s22] =	dma.local [hbm:s5], s20  }
0x9e: {  	_ =	swait.ge [sflag:s22], s20  }
0x9f: {  	s4 =	ssub.s32 $0x0, s20;
	[sflag:s22] =	ssyncset.done $0x0  }
0xa0: {  	[sflag:s22] =	ssyncadd.s32 s4;
	_ =	sdelay $0x1  }
0xa1: {  	s23 =	simm.s32 $0x1B8B  }
0xa2: {  	_ =	swait.ge [sflag:s23], $0x1  }
0xa3: {  	[sflag:s23] =	ssyncset.done $0x0  }
0xa4: {  	s25 =	simm.s32 $0x1B8E;
	s24 =	sld [smem:$0x3FFE];
	[sflag:s23] =	ssyncadd.s32 $0xFFFFFFFF  }
0xa5: {  	s26 =	simm.s32 $execute0_lowered;
	[smem:$0x3FD2] =	sst s25  }
0xa6: {  	s5 =	sshll.u32 s26, $0x1;
	_ =	strace $0x80000049;
	[dreg:$0x1] =	wrdreg $0xFFFFFFFF  }
0xa7: {  	s28 =	simm.s32 $_size_execute0_lowered;
	s3 =	sadd.s32 s3, s5;
	[dreg:$0x0] =	wrdreg $0x0  }
0xa8: {  	s5 =	sshll.u32 s28, $0x1;
	[dreg:$0x2] =	wrdreg s3  }
0xa9: {  	[dreg:$0x3] =	wrdreg s5  }
0xaa: {  	[dreg:$0x4] =	wrdreg $0xC0  }
0xab: {  	_ =	task [dreg:s7], $0x5FFFF  }
0xac: {  	[dreg:$0x1] =	wrdreg $0xFFFFFFFF  }
0xad: {  	[dreg:$0x0] =	wrdreg $0x60  }
0xae: {  	[dreg:$0x2] =	wrdreg s24  }
0xaf: {  	[dreg:$0x3] =	wrdreg s2  }
0xb0: {  	[dreg:$0x4] =	wrdreg $0x90000  }
0xb1: {  	[dreg:$0x5] =	wrdreg $0x9  }
0xb2: {  	_ =	task.clear_ibuf [dreg:s7], $0x6FFFF;
	_ =	strace $0x90000049  }
0xb3: {  	s29 =	simm.s32 $0x9;
	_ =	strace $0x8000004B  }
0xb4: {  	_ =	swait.ge [sflag:s29], $0x1  }
0xb5: {  	[sflag:s29] =	ssyncadd.s32 $0xFFFFFFFF  }
0xb6: {  	_ =	strace $0x9000004B  }
0xb7: {  	_ =	sfence  }
0xb8: {  	s30 =	sld [smem:$0x0];
	_ =	sdelay $0x2  }
0xb9: {  	s31 =	sshll.u32 s1, $0xD;
	s1 =	sshrl.u32 s1, $0x2  }
0xba: {  	s3 =	sand.u32 $0x4000, s31;
	s1 =	sadd.s32 s1, s30  }
0xbb: {  	s0 =	sor.u32 s3, s0;
	s1 =	sshll.u32 s1, $0x11  }
0xbc: {  	s0 =	sor.u32 s1, s0  }
0xbd: {  	s0 =	sadd.s32 $0x8F2B, s0  }
0xbe: {  	[sflag:s0] =	ssyncadd.remote.s32 $0x1  }
0xbf: {  	_ =	sfence.sel $0xFFFF  }
0xc0: {  	[dreg:$0x0] =	wrdreg $0xFFFFFFFF;
	(pc) =	sbr.abs _section_cstart, $3  }
0xc1: {  	[dreg:$0x1] =	wrdreg $0xFFFFFFFF  }
0xc2: {  	_ =	task.clear_ibuf [dreg:s7], $0x2FFFF;
	_ =	strace $0x9FFFFFFF  }
0xc3: {  	(tm) =	ssettm $0x7FFFFFFF  }
tec
execute0_lowered:
.L_overlay_start_1:
0x0: {  	(tag) =	ssettag $0x1  }
0x1: {  	s0 =	rddreg [dreg:$0x0]  }
0x2: {  	s31 =	rddreg [dreg:$0x1];
	s1 =	srdreg.scid  }
0x3: {  	s3 =	rddreg [dreg:$0x2];
	s10 =	stileid.u32  }
0x4: {  	s4 =	simm.s32 $0x0;
	s29 =	simm.s32 $0x7;
	s6 =	smul.u32 $0x14000, s10  }
0x5: {  	s28 =	simm.s32 $0x5;
	s30 =	simm.s32 $0x4;
	s8 =	smul.u32 $0x50000, s10  }
0x6: {  	s1 =	sand.u32 $0x1, s1;
	[smem:$0x7FF] =	sst s4;
	s12 =	smul.u32 $0x2800, s10  }
0x7: {  	s5 =	sadd.s32 $0xBE00, s0;
	s2 =	smul.u32 $0x140000, s1;
	_ =	strace $0x8000004A  }
0x8: {  	s7 =	ssub.s32 $0x2, s1;
	s9 =	sshll.u32 s1, $0x4;
	s1 =	smul.u32 $0x28000, s1  }
0x9: {  	s11 =	sshrl.u32 s7, $0x1;
	s8 =	sshrl.u32 s8, $0x2;
	s9 =	sor.u32 s10, s9  }
0xa: {  	s10 =	simm.s32 $0x180;
	s2 =	sadd.s32 s6, s2;
	s6 =	sadd.s32 $0x1E00, s0  }
0xb: {  	s20 =	sadd.s32 s8, s3;
	s14 =	smul.u32 $0x2800, s9;
	s1 =	sadd.s32 s12, s1  }
0xc: {  	s2 =	sshrl.u32 s2, $0x3;
	s13 =	sadd.s32 $0x4000, s20;
	[dreg:$0x6] =	wrdreg s20  }
0xd: {  	s15 =	sadd.s32 $0x8000, s20;
	s16 =	sadd.s32 $0xC000, s20;
	[dreg:$0x7] =	wrdreg s13  }
0xe: {  	s17 =	sadd.s32 $0x10000, s20;
	s18 =	sadd.s32 $0xC00, s1;
	[dreg:$0x8] =	wrdreg s15  }
0xf: {  	s26 =	sadd.s32 $0x800, s1;
	s0 =	sadd.s32 s2, s0;
	[dreg:$0x9] =	wrdreg s16  }
0x10: {  	s2 =	ssub.s32 s7, s11;
	[dreg:$0xa] =	wrdreg s17;
	s7 =	sshrl.u32 s14, $0x3  }
0x11: {  	s8 =	sshrl.u32 s18, $0x3;
	[dreg:$0x11] =	wrdreg s26;
	s19 =	sadd.s32 s6, s7  }
0x12: {  	s21 =	sor.u32 $0x80, s7;
	s7 =	sadd.s32 s31, s7;
	[dreg:$0xb] =	wrdreg s19  }
0x13: {  	s1 =	simm.s32 $0x0;
	s23 =	sadd.s32 s8, s31;
	[dreg:$0xc] =	wrdreg s7  }
0x14: {  	s26 =	simm.s32 $0xC00;
	s0 =	sadd.s32 $0x33000, s0;
	[dreg:$0x4] =	wrdreg s23  }
0x15: {  	s17 =	simm.s32 $0x2;
	s25 =	smax.u32 s2, $0x1;
	[dreg:$0xf] =	wrdreg s0  }
0x16: {  	s15 =	simm.s32 $0x1;
	s24 =	sadd.s32 s8, s6;
	[dreg:$0x10] =	wrdreg s25  }
0x17: {  	s22 =	sadd.s32 s6, s21;
	s9 =	sadd.s32 s31, s21;
	[dreg:$0x5] =	wrdreg s24  }
0x18: {  	s19 =	simm.s32 $0x1000;
	s21 =	simm.s32 $0x800;
	s23 =	simm.s32 $0x5000  }
0x19: {  	s24 =	simm.s32 $0x3;
	s25 =	simm.s32 $0x400;
	[dreg:$0xd] =	wrdreg s22  }
0x1a: {  	v0 =	vimm.f32 $0.0e+00;
	s0 =	simm.s32 $0x6;
	[dreg:$0xe] =	wrdreg s9;
	s22 =	simm.s32 $0x80  }
.LBB2_1:
0x1b: {  	[dreg:$0x12] =	wrdreg s1;
	s7 =	simm.s32 $0x0;
	s18 =	simm.s32 $0x200  }
.LBB2_2:
0x1c: {  	p0 =	sne.s32 s18, $0xFE00;
	[tilespmem:s7+$0x1070] =	vst v0  }
0x1d: {  	[tilespmem:s7+$0x1000] =	vst v0  }
0x1e: {  	[tilespmem:s7+$0x1010] =	vst v0  }
.Ltmp0:
0x1f: {  	[tilespmem:s7+$0x1020] =	vst v0;
	(pc) =	sbr.rel @p0 .LBB2_2-.Ltmp0, $4  }
0x20: {  	[tilespmem:s7+$0x1030] =	vst v0  }
0x21: {  	[tilespmem:s7+$0x1040] =	vst v0  }
0x22: {  	[tilespmem:s7+$0x1050] =	vst v0  }
0x23: {  	[tilespmem:s7+$0x1060] =	vst v0;
	s7 =	sshra.s32 s18, $0x2;
	s18 =	sadd.s32 $0x200, s18  }
0x24: {  	[tilespmem:s7+$0x1070] =	vst v0  }
0x25: {  	[tilespmem:s7+$0x1000] =	vst v0  }
0x26: {  	[tilespmem:s7+$0x1010] =	vst v0  }
0x27: {  	[tilespmem:s7+$0x1020] =	vst v0  }
0x28: {  	[tilespmem:s7+$0x1030] =	vst v0  }
0x29: {  	[tilespmem:s7+$0x1040] =	vst v0  }
0x2a: {  	[tilespmem:s7+$0x1050] =	vst v0  }
0x2b: {  	[tilespmem:s7+$0x1060] =	vst v0  }
0x2c: {  	[spmem:s20] =	stream.linear.scatter [tilespmem:s19], [sflag:$0x7], $0x4000, $0x38;
	[tilespmem:$0x1D000] =	vst v63  }
0x2d: {  	_ =	swait.ge [sflag:s29], $0x4000  }
0x2e: {  	[sflag:s29] =	ssyncset.done $0x0  }
0x2f: {  	s2 =	rddreg [dreg:$0x7];
	[sflag:s29] =	ssyncadd.s32 $0xFFFFC000  }
0x30: {  	[spmem:s2] =	stream.linear.scatter [tilespmem:s19], [sflag:$0x7], $0x4000, $0x38;
	[tilespmem:$0x1D000] =	vst v63  }
0x31: {  	_ =	swait.ge [sflag:s29], $0x4000  }
0x32: {  	[sflag:s29] =	ssyncset.done $0x0  }
0x33: {  	s8 =	rddreg [dreg:$0x8];
	[sflag:s29] =	ssyncadd.s32 $0xFFFFC000  }
0x34: {  	[spmem:s8] =	stream.linear.scatter [tilespmem:s19], [sflag:$0x7], $0x4000, $0x38;
	[tilespmem:$0x1D000] =	vst v63  }
0x35: {  	_ =	swait.ge [sflag:s29], $0x4000  }
0x36: {  	[sflag:s29] =	ssyncset.done $0x0  }
0x37: {  	s9 =	rddreg [dreg:$0x9];
	[sflag:s29] =	ssyncadd.s32 $0xFFFFC000  }
0x38: {  	[spmem:s9] =	stream.linear.scatter [tilespmem:s19], [sflag:$0x7], $0x4000, $0x38;
	[tilespmem:$0x1D000] =	vst v63  }
0x39: {  	_ =	swait.ge [sflag:s29], $0x4000  }
0x3a: {  	[sflag:s29] =	ssyncset.done $0x0  }
0x3b: {  	s11 =	rddreg [dreg:$0xa];
	[sflag:s29] =	ssyncadd.s32 $0xFFFFC000  }
0x3c: {  	[spmem:s11] =	stream.linear.scatter [tilespmem:s19], [sflag:$0x7], $0x4000, $0x38;
	[tilespmem:$0x1D000] =	vst v63  }
0x3d: {  	_ =	swait.ge [sflag:s29], $0x4000  }
0x3e: {  	[sflag:s29] =	ssyncset.done $0x0  }
0x3f: {  	[sflag:s29] =	ssyncadd.s32 $0xFFFFC000  }
0x40: {  	[bflag:$0x0] =	sbarrier.arrive $0xFFFF  }
0x41: {  	s12 =	simm.s32 $0x0;
	s13 =	rddreg [dreg:$0xb]  }
0x42: {  	[tilespmem:s12], [sflag:$0x7] =	stream.linear.gather [hbm4b:s13+s12], $0x400, $0x38;
	[tilespmem:$0x1D000] =	vst v63  }
0x43: {  	_ =	swait.ge [sflag:s29], $0x400  }
0x44: {  	[sflag:s29] =	ssyncset.done $0x0  }
0x45: {  	s14 =	rddreg [dreg:$0xc];
	[sflag:s29] =	ssyncadd.s32 $0xFFFFFC00  }
0x46: {  	[tilespmem:s21], [sflag:$0x7] =	stream.linear.gather [hbm4b:s14+s12], $0x400, $0x38;
	[tilespmem:$0x1D000] =	vst v63  }
0x47: {  	_ =	swait.ge [sflag:s29], $0x400  }
0x48: {  	[sflag:s29] =	ssyncset.done $0x0  }
0x49: {  	[sflag:s29] =	ssyncadd.s32 $0xFFFFFC00  }
0x4a: {  	[tilespmem:s19], [sflag:$0x3] =	stream.indirect.gather [hbm4b:s5+s22], $0x80, s12, s22, $0xb8;
	[tilespmem:$0x1D000] =	vst v63  }
0x4b: {  	_ = 	snop  }
0x4c: {  	[tilespmem:s23], [sflag:$0x4] =	stream.indirect.gather [hbm4b:s5+s22], $0x80, s22, s22, $0xb8;
	[tilespmem:$0x1D000] =	vst v63  }
0x4d: {  	_ =	swait.ge [sflag:s24], $0x4000  }
0x4e: {  	[sflag:s24] =	ssyncset.done $0x0  }
0x4f: {  	[sflag:s24] =	ssyncadd.s32 $0xFFFFC000  }
0x50: {  	[spmem:s3] =	stream.indirect.scatter.add.f32 [tilespmem:s19], [sflag:$0x5], $0x80, s21, s22, $0xb8;
	[tilespmem:$0x1D000] =	vst v63  }
0x51: {  	s16 =	rddreg [dreg:$0xd]  }
0x52: {  	[tilespmem:s25], [sflag:$0x2] =	stream.linear.gather [hbm4b:s16+s12], $0x400, $0x38;
	[tilespmem:$0x1D000] =	vst v63  }
0x53: {  	s18 =	rddreg [dreg:$0xe]  }
0x54: {  	[tilespmem:s26], [sflag:$0x2] =	stream.linear.gather [hbm4b:s18+s12], $0x400, $0x38;
	[tilespmem:$0x1D000] =	vst v63  }
0x55: {  	_ =	swait.ge [sflag:s28], $0x4000  }
0x56: {  	[sflag:s28] =	ssyncset.done $0x0  }
0x57: {  	s8 =	simm.s32 $0x100;
	[sflag:s28] =	ssyncadd.s32 $0xFFFFC000  }
0x58: {  	[tilespmem:s19], [sflag:$0x3] =	stream.indirect.gather [hbm4b:s5+s22], $0x80, s8, s22, $0xb8;
	[tilespmem:$0x1D000] =	vst v63  }
0x59: {  	_ =	swait.ge [sflag:s30], $0x4000  }
0x5a: {  	[sflag:s30] =	ssyncset.done $0x0  }
0x5b: {  	s9 =	simm.s32 $0x880;
	[sflag:s30] =	ssyncadd.s32 $0xFFFFC000  }
0x5c: {  	[spmem:s3] =	stream.indirect.scatter.add.f32 [tilespmem:s23], [sflag:$0x6], $0x80, s9, s22, $0xb8;
	[tilespmem:$0x1D000] =	vst v63  }
0x5d: {  	_ =	swait.ge [sflag:s0], $0x4000  }
0x5e: {  	[sflag:s0] =	ssyncset.done $0x0  }
0x5f: {  	s11 =	simm.s32 $0x180;
	[sflag:s0] =	ssyncadd.s32 $0xFFFFC000  }
0x60: {  	[tilespmem:s23], [sflag:$0x4] =	stream.indirect.gather [hbm4b:s5+s22], $0x80, s11, s22, $0xb8;
	[tilespmem:$0x1D000] =	vst v63  }
0x61: {  	_ =	swait.ge [sflag:s24], $0x4000  }
0x62: {  	[sflag:s24] =	ssyncset.done $0x0  }
0x63: {  	s12 =	simm.s32 $0x900;
	[sflag:s24] =	ssyncadd.s32 $0xFFFFC000  }
0x64: {  	[spmem:s3] =	stream.indirect.scatter.add.f32 [tilespmem:s19], [sflag:$0x5], $0x80, s12, s22, $0xb8;
	[tilespmem:$0x1D000] =	vst v63  }
0x65: {  	_ =	swait.ge [sflag:s28], $0x4000  }
0x66: {  	[sflag:s28] =	ssyncset.done $0x0  }
0x67: {  	s13 =	simm.s32 $0x200;
	[sflag:s28] =	ssyncadd.s32 $0xFFFFC000  }
0x68: {  	[tilespmem:s19], [sflag:$0x3] =	stream.indirect.gather [hbm4b:s5+s22], $0x80, s13, s22, $0xb8;
	[tilespmem:$0x1D000] =	vst v63  }
0x69: {  	_ =	swait.ge [sflag:s30], $0x4000  }
0x6a: {  	[sflag:s30] =	ssyncset.done $0x0  }
0x6b: {  	s14 =	simm.s32 $0x980;
	[sflag:s30] =	ssyncadd.s32 $0xFFFFC000  }
0x6c: {  	[spmem:s3] =	stream.indirect.scatter.add.f32 [tilespmem:s23], [sflag:$0x6], $0x80, s14, s22, $0xb8;
	[tilespmem:$0x1D000] =	vst v63  }
0x6d: {  	_ =	swait.ge [sflag:s0], $0x4000  }
0x6e: {  	[sflag:s0] =	ssyncset.done $0x0  }
0x6f: {  	s16 =	simm.s32 $0x280;
	[sflag:s0] =	ssyncadd.s32 $0xFFFFC000  }
0x70: {  	[tilespmem:s23], [sflag:$0x4] =	stream.indirect.gather [hbm4b:s5+s22], $0x80, s16, s22, $0xb8;
	[tilespmem:$0x1D000] =	vst v63  }
0x71: {  	_ =	swait.ge [sflag:s24], $0x4000  }
0x72: {  	[sflag:s24] =	ssyncset.done $0x0  }
0x73: {  	s1 =	simm.s32 $0xA00;
	[sflag:s24] =	ssyncadd.s32 $0xFFFFC000  }
0x74: {  	[spmem:s3] =	stream.indirect.scatter.add.f32 [tilespmem:s19], [sflag:$0x5], $0x80, s1, s22, $0xb8;
	[tilespmem:$0x1D000] =	vst v63  }
0x75: {  	_ =	swait.ge [sflag:s28], $0x4000  }
0x76: {  	[sflag:s28] =	ssyncset.done $0x0  }
0x77: {  	s20 =	simm.s32 $0x300;
	[sflag:s28] =	ssyncadd.s32 $0xFFFFC000  }
0x78: {  	[tilespmem:s19], [sflag:$0x3] =	stream.indirect.gather [hbm4b:s5+s22], $0x80, s20, s22, $0xb8;
	[tilespmem:$0x1D000] =	vst v63  }
0x79: {  	_ =	swait.ge [sflag:s30], $0x4000  }
0x7a: {  	[sflag:s30] =	ssyncset.done $0x0  }
0x7b: {  	s2 =	simm.s32 $0xA80;
	[sflag:s30] =	ssyncadd.s32 $0xFFFFC000  }
0x7c: {  	[spmem:s3] =	stream.indirect.scatter.add.f32 [tilespmem:s23], [sflag:$0x6], $0x80, s2, s22, $0xb8;
	[tilespmem:$0x1D000] =	vst v63  }
0x7d: {  	_ =	swait.ge [sflag:s0], $0x4000  }
0x7e: {  	[sflag:s0] =	ssyncset.done $0x0  }
0x7f: {  	s7 =	simm.s32 $0x380;
	[sflag:s0] =	ssyncadd.s32 $0xFFFFC000  }
0x80: {  	[tilespmem:s23], [sflag:$0x4] =	stream.indirect.gather [hbm4b:s5+s22], $0x80, s7, s22, $0xb8;
	[tilespmem:$0x1D000] =	vst v63  }
0x81: {  	_ =	swait.ge [sflag:s24], $0x4000  }
0x82: {  	[sflag:s24] =	ssyncset.done $0x0  }
0x83: {  	s20 =	simm.s32 $0xB00;
	[sflag:s24] =	ssyncadd.s32 $0xFFFFC000  }
0x84: {  	[spmem:s3] =	stream.indirect.scatter.add.f32 [tilespmem:s19], [sflag:$0x5], $0x80, s20, s22, $0xb8;
	[tilespmem:$0x1D000] =	vst v63  }
0x85: {  	_ =	swait.ge [sflag:s17], $0x400  }
0x86: {  	[sflag:s17] =	ssyncset.done $0x0  }
0x87: {  	[sflag:s17] =	ssyncadd.s32 $0xFFFFFC00  }
0x88: {  	_ =	swait.ge [sflag:s17], $0x400  }
0x89: {  	[sflag:s17] =	ssyncset.done $0x0  }
0x8a: {  	[sflag:s17] =	ssyncadd.s32 $0xFFFFFC00  }
0x8b: {  	_ =	swait.ge [sflag:s28], $0x4000  }
0x8c: {  	[sflag:s28] =	ssyncset.done $0x0  }
0x8d: {  	[sflag:s28] =	ssyncadd.s32 $0xFFFFC000  }
0x8e: {  	[tilespmem:s19], [sflag:$0x3] =	stream.indirect.gather [hbm4b:s5+s22], $0x80, s25, s22, $0xb8;
	[tilespmem:$0x1D000] =	vst v63  }
0x8f: {  	_ =	swait.ge [sflag:s30], $0x4000  }
0x90: {  	[sflag:s30] =	ssyncset.done $0x0  }
0x91: {  	s29 =	simm.s32 $0xB80;
	[sflag:s30] =	ssyncadd.s32 $0xFFFFC000  }
0x92: {  	[spmem:s3] =	stream.indirect.scatter.add.f32 [tilespmem:s23], [sflag:$0x6], $0x80, s29, s22, $0xb8;
	[tilespmem:$0x1D000] =	vst v63  }
0x93: {  	_ =	swait.ge [sflag:s0], $0x4000  }
0x94: {  	[sflag:s0] =	ssyncset.done $0x0  }
0x95: {  	s18 =	simm.s32 $0x480;
	[sflag:s0] =	ssyncadd.s32 $0xFFFFC000  }
0x96: {  	[tilespmem:s23], [sflag:$0x4] =	stream.indirect.gather [hbm4b:s5+s22], $0x80, s18, s22, $0xb8;
	[tilespmem:$0x1D000] =	vst v63  }
0x97: {  	_ =	swait.ge [sflag:s24], $0x4000  }
0x98: {  	[sflag:s24] =	ssyncset.done $0x0;
	s2 =	rddreg [dreg:$0x11]  }
0x99: {  	[sflag:s24] =	ssyncadd.s32 $0xFFFFC000;
	s1 =	sshrl.u32 s2, $0x3  }
0x9a: {  	[spmem:s3] =	stream.indirect.scatter.add.f32 [tilespmem:s19], [sflag:$0x5], $0x80, s26, s22, $0xb8;
	[tilespmem:$0x1D000] =	vst v63  }
0x9b: {  	s18 =	sadd.s32 s6, s1  }
0x9c: {  	[tilespmem:s4], [sflag:$0x1] =	stream.linear.gather [hbm4b:s18+s4], $0x400, $0x38;
	[tilespmem:$0x1D000] =	vst v63  }
0x9d: {  	s7 =	sadd.s32 s31, s1  }
0x9e: {  	[tilespmem:s21], [sflag:$0x1] =	stream.linear.gather [hbm4b:s7+s4], $0x400, $0x38;
	[tilespmem:$0x1D000] =	vst v63  }
0x9f: {  	_ =	swait.ge [sflag:s28], $0x4000  }
0xa0: {  	[sflag:s28] =	ssyncset.done $0x0  }
0xa1: {  	s7 =	simm.s32 $0x500;
	[sflag:s28] =	ssyncadd.s32 $0xFFFFC000  }
0xa2: {  	[tilespmem:s19], [sflag:$0x3] =	stream.indirect.gather [hbm4b:s5+s22], $0x80, s7, s22, $0xb8;
	[tilespmem:$0x1D000] =	vst v63  }
0xa3: {  	_ =	swait.ge [sflag:s30], $0x4000  }
0xa4: {  	[sflag:s30] =	ssyncset.done $0x0  }
0xa5: {  	s18 =	simm.s32 $0xC80;
	[sflag:s30] =	ssyncadd.s32 $0xFFFFC000  }
0xa6: {  	[spmem:s3] =	stream.indirect.scatter.add.f32 [tilespmem:s23], [sflag:$0x6], $0x80, s18, s22, $0xb8;
	[tilespmem:$0x1D000] =	vst v63  }
0xa7: {  	_ =	swait.ge [sflag:s0], $0x4000  }
0xa8: {  	[sflag:s0] =	ssyncset.done $0x0  }
0xa9: {  	s7 =	simm.s32 $0x580;
	[sflag:s0] =	ssyncadd.s32 $0xFFFFC000  }
0xaa: {  	[tilespmem:s23], [sflag:$0x4] =	stream.indirect.gather [hbm4b:s5+s22], $0x80, s7, s22, $0xb8;
	[tilespmem:$0x1D000] =	vst v63  }
0xab: {  	_ =	swait.ge [sflag:s24], $0x4000  }
0xac: {  	[sflag:s24] =	ssyncset.done $0x0  }
0xad: {  	s18 =	simm.s32 $0xD00;
	[sflag:s24] =	ssyncadd.s32 $0xFFFFC000  }
0xae: {  	[spmem:s3] =	stream.indirect.scatter.add.f32 [tilespmem:s19], [sflag:$0x5], $0x80, s18, s22, $0xb8;
	[tilespmem:$0x1D000] =	vst v63  }
0xaf: {  	_ =	swait.ge [sflag:s28], $0x4000  }
0xb0: {  	[sflag:s28] =	ssyncset.done $0x0  }
0xb1: {  	s7 =	simm.s32 $0x600;
	[sflag:s28] =	ssyncadd.s32 $0xFFFFC000  }
0xb2: {  	[tilespmem:s19], [sflag:$0x3] =	stream.indirect.gather [hbm4b:s5+s22], $0x80, s7, s22, $0xb8;
	[tilespmem:$0x1D000] =	vst v63  }
0xb3: {  	_ =	swait.ge [sflag:s30], $0x4000  }
0xb4: {  	[sflag:s30] =	ssyncset.done $0x0  }
0xb5: {  	s18 =	simm.s32 $0xD80;
	[sflag:s30] =	ssyncadd.s32 $0xFFFFC000  }
0xb6: {  	[spmem:s3] =	stream.indirect.scatter.add.f32 [tilespmem:s23], [sflag:$0x6], $0x80, s18, s22, $0xb8;
	[tilespmem:$0x1D000] =	vst v63  }
0xb7: {  	_ =	swait.ge [sflag:s0], $0x4000  }
0xb8: {  	[sflag:s0] =	ssyncset.done $0x0  }
0xb9: {  	s7 =	simm.s32 $0x680;
	[sflag:s0] =	ssyncadd.s32 $0xFFFFC000  }
0xba: {  	[tilespmem:s23], [sflag:$0x4] =	stream.indirect.gather [hbm4b:s5+s22], $0x80, s7, s22, $0xb8;
	[tilespmem:$0x1D000] =	vst v63  }
0xbb: {  	_ =	swait.ge [sflag:s24], $0x4000  }
0xbc: {  	[sflag:s24] =	ssyncset.done $0x0  }
0xbd: {  	s18 =	simm.s32 $0xE00;
	[sflag:s24] =	ssyncadd.s32 $0xFFFFC000  }
0xbe: {  	[spmem:s3] =	stream.indirect.scatter.add.f32 [tilespmem:s19], [sflag:$0x5], $0x80, s18, s22, $0xb8;
	[tilespmem:$0x1D000] =	vst v63  }
0xbf: {  	_ =	swait.ge [sflag:s28], $0x4000  }
0xc0: {  	[sflag:s28] =	ssyncset.done $0x0  }
0xc1: {  	s7 =	simm.s32 $0x700;
	[sflag:s28] =	ssyncadd.s32 $0xFFFFC000  }
0xc2: {  	[tilespmem:s19], [sflag:$0x3] =	stream.indirect.gather [hbm4b:s5+s22], $0x80, s7, s22, $0xb8;
	[tilespmem:$0x1D000] =	vst v63  }
0xc3: {  	_ =	swait.ge [sflag:s30], $0x4000  }
0xc4: {  	[sflag:s30] =	ssyncset.done $0x0  }
0xc5: {  	s18 =	simm.s32 $0xE80;
	[sflag:s30] =	ssyncadd.s32 $0xFFFFC000  }
0xc6: {  	[spmem:s3] =	stream.indirect.scatter.add.f32 [tilespmem:s23], [sflag:$0x6], $0x80, s18, s22, $0xb8;
	[tilespmem:$0x1D000] =	vst v63  }
0xc7: {  	_ =	swait.ge [sflag:s0], $0x4000  }
0xc8: {  	[sflag:s0] =	ssyncset.done $0x0  }
0xc9: {  	s7 =	simm.s32 $0x780;
	[sflag:s0] =	ssyncadd.s32 $0xFFFFC000  }
0xca: {  	[tilespmem:s23], [sflag:$0x4] =	stream.indirect.gather [hbm4b:s5+s22], $0x80, s7, s22, $0xb8;
	[tilespmem:$0x1D000] =	vst v63  }
0xcb: {  	_ =	swait.ge [sflag:s24], $0x4000  }
0xcc: {  	[sflag:s24] =	ssyncset.done $0x0  }
0xcd: {  	s18 =	simm.s32 $0xF00;
	[sflag:s24] =	ssyncadd.s32 $0xFFFFC000  }
0xce: {  	[spmem:s3] =	stream.indirect.scatter.add.f32 [tilespmem:s19], [sflag:$0x5], $0x80, s18, s22, $0xb8;
	[tilespmem:$0x1D000] =	vst v63  }
0xcf: {  	_ =	swait.ge [sflag:s15], $0x400  }
0xd0: {  	[sflag:s15] =	ssyncset.done $0x0  }
0xd1: {  	[sflag:s15] =	ssyncadd.s32 $0xFFFFFC00  }
0xd2: {  	_ =	swait.ge [sflag:s15], $0x400  }
0xd3: {  	[sflag:s15] =	ssyncset.done $0x0  }
0xd4: {  	[sflag:s15] =	ssyncadd.s32 $0xFFFFFC00  }
0xd5: {  	_ =	swait.ge [sflag:s28], $0x4000  }
0xd6: {  	[sflag:s28] =	ssyncset.done $0x0  }
0xd7: {  	[sflag:s28] =	ssyncadd.s32 $0xFFFFC000  }
0xd8: {  	[tilespmem:s19], [sflag:$0x3] =	stream.indirect.gather [hbm4b:s5+s22], $0x80, s4, s22, $0xb8;
	[tilespmem:$0x1D000] =	vst v63  }
0xd9: {  	_ =	swait.ge [sflag:s30], $0x4000  }
0xda: {  	[sflag:s30] =	ssyncset.done $0x0  }
0xdb: {  	s7 =	simm.s32 $0xF80;
	[sflag:s30] =	ssyncadd.s32 $0xFFFFC000  }
0xdc: {  	[spmem:s3] =	stream.indirect.scatter.add.f32 [tilespmem:s23], [sflag:$0x6], $0x80, s7, s22, $0xb8;
	[tilespmem:$0x1D000] =	vst v63  }
0xdd: {  	_ =	swait.ge [sflag:s0], $0x4000  }
0xde: {  	[sflag:s0] =	ssyncset.done $0x0  }
0xdf: {  	[sflag:s0] =	ssyncadd.s32 $0xFFFFC000  }
0xe0: {  	[tilespmem:s23], [sflag:$0x4] =	stream.indirect.gather [hbm4b:s5+s22], $0x80, s22, s22, $0xb8;
	[tilespmem:$0x1D000] =	vst v63  }
0xe1: {  	_ =	swait.ge [sflag:s24], $0x4000  }
0xe2: {  	[sflag:s24] =	ssyncset.done $0x0  }
0xe3: {  	s18 =	rddreg [dreg:$0x5];
	[sflag:s24] =	ssyncadd.s32 $0xFFFFC000  }
0xe4: {  	[spmem:s3] =	stream.indirect.scatter.add.f32 [tilespmem:s19], [sflag:$0x5], $0x80, s21, s22, $0xb8;
	[tilespmem:$0x1D000] =	vst v63  }
0xe5: {  	s1 =	rddreg [dreg:$0x4];
	s7 =	sadd.s32 $0x0, s18  }
0xe6: {  	[tilespmem:s25], [sflag:$0x2] =	stream.linear.gather [hbm4b:s7+s4], $0x400, $0x38;
	[tilespmem:$0x1D000] =	vst v63  }
0xe7: {  	s1 =	sadd.s32 $0x0, s1  }
0xe8: {  	[tilespmem:s26], [sflag:$0x2] =	stream.linear.gather [hbm4b:s1+s4], $0x400, $0x38;
	[tilespmem:$0x1D000] =	vst v63  }
0xe9: {  	_ =	swait.ge [sflag:s28], $0x4000  }
0xea: {  	[sflag:s28] =	ssyncset.done $0x0  }
0xeb: {  	[sflag:s28] =	ssyncadd.s32 $0xFFFFC000  }
0xec: {  	[tilespmem:s19], [sflag:$0x3] =	stream.indirect.gather [hbm4b:s5+s22], $0x80, s8, s22, $0xb8;
	[tilespmem:$0x1D000] =	vst v63  }
0xed: {  	_ =	swait.ge [sflag:s30], $0x4000  }
0xee: {  	[sflag:s30] =	ssyncset.done $0x0  }
0xef: {  	[sflag:s30] =	ssyncadd.s32 $0xFFFFC000  }
0xf0: {  	[spmem:s3] =	stream.indirect.scatter.add.f32 [tilespmem:s23], [sflag:$0x6], $0x80, s9, s22, $0xb8;
	[tilespmem:$0x1D000] =	vst v63  }
0xf1: {  	_ =	swait.ge [sflag:s0], $0x4000  }
0xf2: {  	[sflag:s0] =	ssyncset.done $0x0  }
0xf3: {  	[sflag:s0] =	ssyncadd.s32 $0xFFFFC000  }
0xf4: {  	[tilespmem:s23], [sflag:$0x4] =	stream.indirect.gather [hbm4b:s5+s22], $0x80, s11, s22, $0xb8;
	[tilespmem:$0x1D000] =	vst v63  }
0xf5: {  	_ =	swait.ge [sflag:s24], $0x4000  }
0xf6: {  	[sflag:s24] =	ssyncset.done $0x0  }
0xf7: {  	[sflag:s24] =	ssyncadd.s32 $0xFFFFC000  }
0xf8: {  	[spmem:s3] =	stream.indirect.scatter.add.f32 [tilespmem:s19], [sflag:$0x5], $0x80, s12, s22, $0xb8;
	[tilespmem:$0x1D000] =	vst v63  }
0xf9: {  	_ =	swait.ge [sflag:s28], $0x4000  }
0xfa: {  	[sflag:s28] =	ssyncset.done $0x0  }
0xfb: {  	[sflag:s28] =	ssyncadd.s32 $0xFFFFC000  }
0xfc: {  	[tilespmem:s19], [sflag:$0x3] =	stream.indirect.gather [hbm4b:s5+s22], $0x80, s13, s22, $0xb8;
	[tilespmem:$0x1D000] =	vst v63  }
0xfd: {  	_ =	swait.ge [sflag:s30], $0x4000  }
0xfe: {  	[sflag:s30] =	ssyncset.done $0x0  }
0xff: {  	[sflag:s30] =	ssyncadd.s32 $0xFFFFC000  }
0x100: {  	[spmem:s3] =	stream.indirect.scatter.add.f32 [tilespmem:s23], [sflag:$0x6], $0x80, s14, s22, $0xb8;
	[tilespmem:$0x1D000] =	vst v63  }
0x101: {  	_ =	swait.ge [sflag:s0], $0x4000  }
0x102: {  	[sflag:s0] =	ssyncset.done $0x0  }
0x103: {  	[sflag:s0] =	ssyncadd.s32 $0xFFFFC000  }
0x104: {  	[tilespmem:s23], [sflag:$0x4] =	stream.indirect.gather [hbm4b:s5+s22], $0x80, s16, s22, $0xb8;
	[tilespmem:$0x1D000] =	vst v63  }
0x105: {  	_ =	swait.ge [sflag:s24], $0x4000  }
0x106: {  	[sflag:s24] =	ssyncset.done $0x0  }
0x107: {  	s7 =	simm.s32 $0xA00;
	[sflag:s24] =	ssyncadd.s32 $0xFFFFC000  }
0x108: {  	[spmem:s3] =	stream.indirect.scatter.add.f32 [tilespmem:s19], [sflag:$0x5], $0x80, s7, s22, $0xb8;
	[tilespmem:$0x1D000] =	vst v63  }
0x109: {  	_ =	swait.ge [sflag:s28], $0x4000  }
0x10a: {  	[sflag:s28] =	ssyncset.done $0x0  }
0x10b: {  	s8 =	simm.s32 $0x300;
	[sflag:s28] =	ssyncadd.s32 $0xFFFFC000  }
0x10c: {  	[tilespmem:s19], [sflag:$0x3] =	stream.indirect.gather [hbm4b:s5+s22], $0x80, s8, s22, $0xb8;
	[tilespmem:$0x1D000] =	vst v63  }
0x10d: {  	_ =	swait.ge [sflag:s30], $0x4000  }
0x10e: {  	[sflag:s30] =	ssyncset.done $0x0  }
0x10f: {  	s9 =	simm.s32 $0xA80;
	[sflag:s30] =	ssyncadd.s32 $0xFFFFC000  }
0x110: {  	[spmem:s3] =	stream.indirect.scatter.add.f32 [tilespmem:s23], [sflag:$0x6], $0x80, s9, s22, $0xb8;
	[tilespmem:$0x1D000] =	vst v63  }
0x111: {  	s18 =	simm.s32 $0x380;
	s1 =	simm.s32 $0x300;
	_ =	swait.ge [sflag:s0], $0x4000  }
0x112: {  	s11 =	simm.s32 $0x900;
	s12 =	simm.s32 $0x200;
	[sflag:s0] =	ssyncset.done $0x0  }
0x113: {  	s13 =	simm.s32 $0x980;
	s14 =	simm.s32 $0x280;
	[sflag:s0] =	ssyncadd.s32 $0xFFFFC000  }
0x114: {  	[tilespmem:s23], [sflag:$0x4] =	stream.indirect.gather [hbm4b:s5+s22], $0x80, s18, s22, $0xb8;
	[tilespmem:$0x1D000] =	vst v63  }
0x115: {  	s16 =	simm.s32 $0xA00;
	s7 =	sadd.s32 $0x800, s2;
	_ =	swait.ge [sflag:s24], $0x4000  }
0x116: {  	s8 =	smov.u32 s6;
	s6 =	simm.s32 $0xA80;
	[sflag:s24] =	ssyncset.done $0x0  }
0x117: {  	s9 =	simm.s32 $0x380;
	s18 =	simm.s32 $0x100;
	[sflag:s24] =	ssyncadd.s32 $0xFFFFC000  }
.LBB2_4:
0x118: {  	[spmem:s3] =	stream.indirect.scatter.add.f32 [tilespmem:s19], [sflag:$0x5], $0x80, s20, s22, $0xb8;
	[tilespmem:$0x1D000] =	vst v63  }
0x119: {  	_ =	swait.ge [sflag:s17], $0x400  }
0x11a: {  	[sflag:s17] =	ssyncset.done $0x0  }
0x11b: {  	[sflag:s17] =	ssyncadd.s32 $0xFFFFFC00  }
0x11c: {  	_ =	swait.ge [sflag:s17], $0x400  }
0x11d: {  	[sflag:s17] =	ssyncset.done $0x0  }
0x11e: {  	[sflag:s17] =	ssyncadd.s32 $0xFFFFFC00  }
0x11f: {  	_ =	swait.ge [sflag:s28], $0x4000  }
0x120: {  	[sflag:s28] =	ssyncset.done $0x0  }
0x121: {  	[sflag:s28] =	ssyncadd.s32 $0xFFFFC000  }
0x122: {  	[tilespmem:s19], [sflag:$0x3] =	stream.indirect.gather [hbm4b:s5+s22], $0x80, s25, s22, $0xb8;
	[tilespmem:$0x1D000] =	vst v63  }
0x123: {  	_ =	swait.ge [sflag:s30], $0x4000  }
0x124: {  	[sflag:s30] =	ssyncset.done $0x0  }
0x125: {  	[sflag:s30] =	ssyncadd.s32 $0xFFFFC000  }
0x126: {  	[spmem:s3] =	stream.indirect.scatter.add.f32 [tilespmem:s23], [sflag:$0x6], $0x80, s29, s22, $0xb8;
	[tilespmem:$0x1D000] =	vst v63  }
0x127: {  	_ =	swait.ge [sflag:s0], $0x4000  }
0x128: {  	[sflag:s0] =	ssyncset.done $0x0  }
0x129: {  	s2 =	simm.s32 $0x480;
	[sflag:s0] =	ssyncadd.s32 $0xFFFFC000  }
0x12a: {  	[tilespmem:s23], [sflag:$0x4] =	stream.indirect.gather [hbm4b:s5+s22], $0x80, s2, s22, $0xb8;
	[tilespmem:$0x1D000] =	vst v63  }
0x12b: {  	_ =	swait.ge [sflag:s24], $0x4000  }
0x12c: {  	[sflag:s24] =	ssyncset.done $0x0  }
0x12d: {  	s2 =	sshrl.u32 s7, $0x3;
	[sflag:s24] =	ssyncadd.s32 $0xFFFFC000  }
0x12e: {  	[spmem:s3] =	stream.indirect.scatter.add.f32 [tilespmem:s19], [sflag:$0x5], $0x80, s26, s22, $0xb8;
	[tilespmem:$0x1D000] =	vst v63  }
0x12f: {  	s29 =	sadd.s32 s8, s2  }
0x130: {  	[tilespmem:s4], [sflag:$0x1] =	stream.linear.gather [hbm4b:s29+s4], $0x400, $0x38;
	[tilespmem:$0x1D000] =	vst v63  }
0x131: {  	s2 =	sadd.s32 s31, s2  }
0x132: {  	[tilespmem:s21], [sflag:$0x1] =	stream.linear.gather [hbm4b:s2+s4], $0x400, $0x38;
	[tilespmem:$0x1D000] =	vst v63  }
0x133: {  	_ =	swait.ge [sflag:s28], $0x4000  }
0x134: {  	[sflag:s28] =	ssyncset.done $0x0  }
0x135: {  	s2 =	simm.s32 $0x500;
	[sflag:s28] =	ssyncadd.s32 $0xFFFFC000  }
0x136: {  	[tilespmem:s19], [sflag:$0x3] =	stream.indirect.gather [hbm4b:s5+s22], $0x80, s2, s22, $0xb8;
	[tilespmem:$0x1D000] =	vst v63  }
0x137: {  	_ =	swait.ge [sflag:s30], $0x4000  }
0x138: {  	[sflag:s30] =	ssyncset.done $0x0  }
0x139: {  	s2 =	simm.s32 $0xC80;
	[sflag:s30] =	ssyncadd.s32 $0xFFFFC000  }
0x13a: {  	[spmem:s3] =	stream.indirect.scatter.add.f32 [tilespmem:s23], [sflag:$0x6], $0x80, s2, s22, $0xb8;
	[tilespmem:$0x1D000] =	vst v63  }
0x13b: {  	_ =	swait.ge [sflag:s0], $0x4000  }
0x13c: {  	[sflag:s0] =	ssyncset.done $0x0  }
0x13d: {  	s2 =	simm.s32 $0x580;
	[sflag:s0] =	ssyncadd.s32 $0xFFFFC000  }
0x13e: {  	[tilespmem:s23], [sflag:$0x4] =	stream.indirect.gather [hbm4b:s5+s22], $0x80, s2, s22, $0xb8;
	[tilespmem:$0x1D000] =	vst v63  }
0x13f: {  	_ =	swait.ge [sflag:s24], $0x4000  }
0x140: {  	[sflag:s24] =	ssyncset.done $0x0  }
0x141: {  	s2 =	simm.s32 $0xD00;
	[sflag:s24] =	ssyncadd.s32 $0xFFFFC000  }
0x142: {  	[spmem:s3] =	stream.indirect.scatter.add.f32 [tilespmem:s19], [sflag:$0x5], $0x80, s2, s22, $0xb8;
	[tilespmem:$0x1D000] =	vst v63  }
0x143: {  	_ =	swait.ge [sflag:s28], $0x4000  }
0x144: {  	[sflag:s28] =	ssyncset.done $0x0  }
0x145: {  	s2 =	simm.s32 $0x600;
	[sflag:s28] =	ssyncadd.s32 $0xFFFFC000  }
0x146: {  	[tilespmem:s19], [sflag:$0x3] =	stream.indirect.gather [hbm4b:s5+s22], $0x80, s2, s22, $0xb8;
	[tilespmem:$0x1D000] =	vst v63  }
0x147: {  	_ =	swait.ge [sflag:s30], $0x4000  }
0x148: {  	[sflag:s30] =	ssyncset.done $0x0  }
0x149: {  	s2 =	simm.s32 $0xD80;
	[sflag:s30] =	ssyncadd.s32 $0xFFFFC000  }
0x14a: {  	[spmem:s3] =	stream.indirect.scatter.add.f32 [tilespmem:s23], [sflag:$0x6], $0x80, s2, s22, $0xb8;
	[tilespmem:$0x1D000] =	vst v63  }
0x14b: {  	_ =	swait.ge [sflag:s0], $0x4000  }
0x14c: {  	[sflag:s0] =	ssyncset.done $0x0  }
0x14d: {  	s2 =	simm.s32 $0x680;
	[sflag:s0] =	ssyncadd.s32 $0xFFFFC000  }
0x14e: {  	[tilespmem:s23], [sflag:$0x4] =	stream.indirect.gather [hbm4b:s5+s22], $0x80, s2, s22, $0xb8;
	[tilespmem:$0x1D000] =	vst v63  }
0x14f: {  	_ =	swait.ge [sflag:s24], $0x4000  }
0x150: {  	[sflag:s24] =	ssyncset.done $0x0  }
0x151: {  	s2 =	simm.s32 $0xE00;
	[sflag:s24] =	ssyncadd.s32 $0xFFFFC000  }
0x152: {  	[spmem:s3] =	stream.indirect.scatter.add.f32 [tilespmem:s19], [sflag:$0x5], $0x80, s2, s22, $0xb8;
	[tilespmem:$0x1D000] =	vst v63  }
0x153: {  	_ =	swait.ge [sflag:s28], $0x4000  }
0x154: {  	[sflag:s28] =	ssyncset.done $0x0  }
0x155: {  	s2 =	simm.s32 $0x700;
	[sflag:s28] =	ssyncadd.s32 $0xFFFFC000  }
0x156: {  	[tilespmem:s19], [sflag:$0x3] =	stream.indirect.gather [hbm4b:s5+s22], $0x80, s2, s22, $0xb8;
	[tilespmem:$0x1D000] =	vst v63  }
0x157: {  	_ =	swait.ge [sflag:s30], $0x4000  }
0x158: {  	[sflag:s30] =	ssyncset.done $0x0  }
0x159: {  	s2 =	simm.s32 $0xE80;
	[sflag:s30] =	ssyncadd.s32 $0xFFFFC000  }
0x15a: {  	[spmem:s3] =	stream.indirect.scatter.add.f32 [tilespmem:s23], [sflag:$0x6], $0x80, s2, s22, $0xb8;
	[tilespmem:$0x1D000] =	vst v63  }
0x15b: {  	_ =	swait.ge [sflag:s0], $0x4000  }
0x15c: {  	[sflag:s0] =	ssyncset.done $0x0  }
0x15d: {  	s2 =	simm.s32 $0x780;
	[sflag:s0] =	ssyncadd.s32 $0xFFFFC000  }
0x15e: {  	[tilespmem:s23], [sflag:$0x4] =	stream.indirect.gather [hbm4b:s5+s22], $0x80, s2, s22, $0xb8;
	[tilespmem:$0x1D000] =	vst v63  }
0x15f: {  	_ =	swait.ge [sflag:s24], $0x4000  }
0x160: {  	[sflag:s24] =	ssyncset.done $0x0  }
0x161: {  	s2 =	simm.s32 $0xF00;
	[sflag:s24] =	ssyncadd.s32 $0xFFFFC000  }
0x162: {  	[spmem:s3] =	stream.indirect.scatter.add.f32 [tilespmem:s19], [sflag:$0x5], $0x80, s2, s22, $0xb8;
	[tilespmem:$0x1D000] =	vst v63  }
0x163: {  	_ =	swait.ge [sflag:s15], $0x400  }
0x164: {  	[sflag:s15] =	ssyncset.done $0x0  }
0x165: {  	[sflag:s15] =	ssyncadd.s32 $0xFFFFFC00  }
0x166: {  	_ =	swait.ge [sflag:s15], $0x400  }
0x167: {  	[sflag:s15] =	ssyncset.done $0x0  }
0x168: {  	[sflag:s15] =	ssyncadd.s32 $0xFFFFFC00  }
0x169: {  	_ =	swait.ge [sflag:s28], $0x4000  }
0x16a: {  	[sflag:s28] =	ssyncset.done $0x0  }
0x16b: {  	[sflag:s28] =	ssyncadd.s32 $0xFFFFC000  }
0x16c: {  	[tilespmem:s19], [sflag:$0x3] =	stream.indirect.gather [hbm4b:s5+s22], $0x80, s4, s22, $0xb8;
	[tilespmem:$0x1D000] =	vst v63  }
0x16d: {  	_ =	swait.ge [sflag:s30], $0x4000  }
0x16e: {  	[sflag:s30] =	ssyncset.done $0x0  }
0x16f: {  	s2 =	simm.s32 $0xF80;
	[sflag:s30] =	ssyncadd.s32 $0xFFFFC000  }
0x170: {  	[spmem:s3] =	stream.indirect.scatter.add.f32 [tilespmem:s23], [sflag:$0x6], $0x80, s2, s22, $0xb8;
	[tilespmem:$0x1D000] =	vst v63  }
0x171: {  	_ =	swait.ge [sflag:s0], $0x4000  }
0x172: {  	[sflag:s0] =	ssyncset.done $0x0  }
0x173: {  	[sflag:s0] =	ssyncadd.s32 $0xFFFFC000  }
0x174: {  	[tilespmem:s23], [sflag:$0x4] =	stream.indirect.gather [hbm4b:s5+s22], $0x80, s22, s22, $0xb8;
	[tilespmem:$0x1D000] =	vst v63  }
0x175: {  	_ =	swait.ge [sflag:s24], $0x4000  }
0x176: {  	[sflag:s24] =	ssyncset.done $0x0  }
0x177: {  	s20 =	smov.u32 s18;
	s2 =	rddreg [dreg:$0x5];
	[sflag:s24] =	ssyncadd.s32 $0xFFFFC000  }
0x178: {  	[spmem:s3] =	stream.indirect.scatter.add.f32 [tilespmem:s19], [sflag:$0x5], $0x80, s21, s22, $0xb8;
	[tilespmem:$0x1D000] =	vst v63  }
0x179: {  	s29 =	rddreg [dreg:$0x4];
	s2 =	sadd.s32 s20, s2  }
0x17a: {  	[tilespmem:s25], [sflag:$0x2] =	stream.linear.gather [hbm4b:s2+s4], $0x400, $0x38;
	[tilespmem:$0x1D000] =	vst v63  }
0x17b: {  	s2 =	sadd.s32 s20, s29  }
0x17c: {  	[tilespmem:s26], [sflag:$0x2] =	stream.linear.gather [hbm4b:s2+s4], $0x400, $0x38;
	[tilespmem:$0x1D000] =	vst v63  }
0x17d: {  	_ =	swait.ge [sflag:s28], $0x4000  }
0x17e: {  	[sflag:s28] =	ssyncset.done $0x0  }
0x17f: {  	s2 =	simm.s32 $0x100;
	[sflag:s28] =	ssyncadd.s32 $0xFFFFC000  }
0x180: {  	[tilespmem:s19], [sflag:$0x3] =	stream.indirect.gather [hbm4b:s5+s22], $0x80, s2, s22, $0xb8;
	[tilespmem:$0x1D000] =	vst v63  }
0x181: {  	_ =	swait.ge [sflag:s30], $0x4000  }
0x182: {  	[sflag:s30] =	ssyncset.done $0x0  }
0x183: {  	s2 =	simm.s32 $0x880;
	[sflag:s30] =	ssyncadd.s32 $0xFFFFC000  }
0x184: {  	[spmem:s3] =	stream.indirect.scatter.add.f32 [tilespmem:s23], [sflag:$0x6], $0x80, s2, s22, $0xb8;
	[tilespmem:$0x1D000] =	vst v63  }
0x185: {  	_ =	swait.ge [sflag:s0], $0x4000  }
0x186: {  	[sflag:s0] =	ssyncset.done $0x0  }
0x187: {  	[sflag:s0] =	ssyncadd.s32 $0xFFFFC000  }
0x188: {  	[tilespmem:s23], [sflag:$0x4] =	stream.indirect.gather [hbm4b:s5+s22], $0x80, s10, s22, $0xb8;
	[tilespmem:$0x1D000] =	vst v63  }
0x189: {  	_ =	swait.ge [sflag:s24], $0x4000  }
0x18a: {  	[sflag:s24] =	ssyncset.done $0x0  }
0x18b: {  	[sflag:s24] =	ssyncadd.s32 $0xFFFFC000  }
0x18c: {  	[spmem:s3] =	stream.indirect.scatter.add.f32 [tilespmem:s19], [sflag:$0x5], $0x80, s11, s22, $0xb8;
	[tilespmem:$0x1D000] =	vst v63  }
0x18d: {  	_ =	swait.ge [sflag:s28], $0x4000  }
0x18e: {  	[sflag:s28] =	ssyncset.done $0x0  }
0x18f: {  	[sflag:s28] =	ssyncadd.s32 $0xFFFFC000  }
0x190: {  	[tilespmem:s19], [sflag:$0x3] =	stream.indirect.gather [hbm4b:s5+s22], $0x80, s12, s22, $0xb8;
	[tilespmem:$0x1D000] =	vst v63  }
0x191: {  	_ =	swait.ge [sflag:s30], $0x4000  }
0x192: {  	[sflag:s30] =	ssyncset.done $0x0  }
0x193: {  	[sflag:s30] =	ssyncadd.s32 $0xFFFFC000  }
0x194: {  	[spmem:s3] =	stream.indirect.scatter.add.f32 [tilespmem:s23], [sflag:$0x6], $0x80, s13, s22, $0xb8;
	[tilespmem:$0x1D000] =	vst v63  }
0x195: {  	_ =	swait.ge [sflag:s0], $0x4000  }
0x196: {  	[sflag:s0] =	ssyncset.done $0x0  }
0x197: {  	[sflag:s0] =	ssyncadd.s32 $0xFFFFC000  }
0x198: {  	[tilespmem:s23], [sflag:$0x4] =	stream.indirect.gather [hbm4b:s5+s22], $0x80, s14, s22, $0xb8;
	[tilespmem:$0x1D000] =	vst v63  }
0x199: {  	_ =	swait.ge [sflag:s24], $0x4000  }
0x19a: {  	[sflag:s24] =	ssyncset.done $0x0  }
0x19b: {  	[sflag:s24] =	ssyncadd.s32 $0xFFFFC000  }
0x19c: {  	[spmem:s3] =	stream.indirect.scatter.add.f32 [tilespmem:s19], [sflag:$0x5], $0x80, s16, s22, $0xb8;
	[tilespmem:$0x1D000] =	vst v63  }
0x19d: {  	_ =	swait.ge [sflag:s28], $0x4000  }
0x19e: {  	[sflag:s28] =	ssyncset.done $0x0  }
0x19f: {  	[sflag:s28] =	ssyncadd.s32 $0xFFFFC000  }
0x1a0: {  	[tilespmem:s19], [sflag:$0x3] =	stream.indirect.gather [hbm4b:s5+s22], $0x80, s1, s22, $0xb8;
	[tilespmem:$0x1D000] =	vst v63  }
0x1a1: {  	_ =	swait.ge [sflag:s30], $0x4000  }
0x1a2: {  	[sflag:s30] =	ssyncset.done $0x0  }
0x1a3: {  	[sflag:s30] =	ssyncadd.s32 $0xFFFFC000  }
0x1a4: {  	[spmem:s3] =	stream.indirect.scatter.add.f32 [tilespmem:s23], [sflag:$0x6], $0x80, s6, s22, $0xb8;
	[tilespmem:$0x1D000] =	vst v63  }
0x1a5: {  	_ =	swait.ge [sflag:s0], $0x4000  }
0x1a6: {  	p0 =	sne.s32 s18, $0x300;
	[sflag:s0] =	ssyncset.done $0x0  }
.Ltmp1:
0x1a7: {  	[sflag:s0] =	ssyncadd.s32 $0xFFFFC000;
	(pc) =	sbr.rel @p0 .LBB2_4-.Ltmp1, $4  }
0x1a8: {  	[tilespmem:s23], [sflag:$0x4] =	stream.indirect.gather [hbm4b:s5+s22], $0x80, s9, s22, $0xb8;
	[tilespmem:$0x1D000] =	vst v63  }
0x1a9: {  	_ =	swait.ge [sflag:s24], $0x4000  }
0x1aa: {  	s18 =	sadd.s32 $0x100, s18;
	s7 =	sadd.s32 $0x800, s7;
	[sflag:s24] =	ssyncset.done $0x0  }
0x1ab: {  	s29 =	simm.s32 $0xB80;
	s20 =	simm.s32 $0xB00;
	[sflag:s24] =	ssyncadd.s32 $0xFFFFC000  }
0x1ac: {  	[spmem:s3] =	stream.indirect.scatter.add.f32 [tilespmem:s19], [sflag:$0x5], $0x80, s20, s22, $0xb8;
	[tilespmem:$0x1D000] =	vst v63  }
0x1ad: {  	_ =	swait.ge [sflag:s17], $0x400  }
0x1ae: {  	[sflag:s17] =	ssyncset.done $0x0  }
0x1af: {  	[sflag:s17] =	ssyncadd.s32 $0xFFFFFC00  }
0x1b0: {  	_ =	swait.ge [sflag:s17], $0x400  }
0x1b1: {  	[sflag:s17] =	ssyncset.done $0x0  }
0x1b2: {  	[sflag:s17] =	ssyncadd.s32 $0xFFFFFC00  }
0x1b3: {  	_ =	swait.ge [sflag:s28], $0x4000  }
0x1b4: {  	[sflag:s28] =	ssyncset.done $0x0  }
0x1b5: {  	[sflag:s28] =	ssyncadd.s32 $0xFFFFC000  }
0x1b6: {  	[tilespmem:s19], [sflag:$0x3] =	stream.indirect.gather [hbm4b:s5+s22], $0x80, s25, s22, $0xb8;
	[tilespmem:$0x1D000] =	vst v63  }
0x1b7: {  	_ =	swait.ge [sflag:s30], $0x4000  }
0x1b8: {  	[sflag:s30] =	ssyncset.done $0x0  }
0x1b9: {  	[sflag:s30] =	ssyncadd.s32 $0xFFFFC000  }
0x1ba: {  	[spmem:s3] =	stream.indirect.scatter.add.f32 [tilespmem:s23], [sflag:$0x6], $0x80, s29, s22, $0xb8;
	[tilespmem:$0x1D000] =	vst v63  }
0x1bb: {  	_ =	swait.ge [sflag:s0], $0x4000  }
0x1bc: {  	[sflag:s0] =	ssyncset.done $0x0  }
0x1bd: {  	s1 =	simm.s32 $0x480;
	[sflag:s0] =	ssyncadd.s32 $0xFFFFC000  }
0x1be: {  	[tilespmem:s23], [sflag:$0x4] =	stream.indirect.gather [hbm4b:s5+s22], $0x80, s1, s22, $0xb8;
	[tilespmem:$0x1D000] =	vst v63  }
0x1bf: {  	_ =	swait.ge [sflag:s24], $0x4000  }
0x1c0: {  	[sflag:s24] =	ssyncset.done $0x0  }
0x1c1: {  	[sflag:s24] =	ssyncadd.s32 $0xFFFFC000  }
0x1c2: {  	[spmem:s3] =	stream.indirect.scatter.add.f32 [tilespmem:s19], [sflag:$0x5], $0x80, s26, s22, $0xb8;
	[tilespmem:$0x1D000] =	vst v63  }
0x1c3: {  	_ =	swait.ge [sflag:s28], $0x4000  }
0x1c4: {  	[sflag:s28] =	ssyncset.done $0x0  }
0x1c5: {  	s13 =	simm.s32 $0x500;
	[sflag:s28] =	ssyncadd.s32 $0xFFFFC000  }
0x1c6: {  	[tilespmem:s19], [sflag:$0x3] =	stream.indirect.gather [hbm4b:s5+s22], $0x80, s13, s22, $0xb8;
	[tilespmem:$0x1D000] =	vst v63  }
0x1c7: {  	_ =	swait.ge [sflag:s30], $0x4000  }
0x1c8: {  	[sflag:s30] =	ssyncset.done $0x0  }
0x1c9: {  	s14 =	simm.s32 $0xC80;
	[sflag:s30] =	ssyncadd.s32 $0xFFFFC000  }
0x1ca: {  	[spmem:s3] =	stream.indirect.scatter.add.f32 [tilespmem:s23], [sflag:$0x6], $0x80, s14, s22, $0xb8;
	[tilespmem:$0x1D000] =	vst v63  }
0x1cb: {  	_ =	swait.ge [sflag:s0], $0x4000  }
0x1cc: {  	[sflag:s0] =	ssyncset.done $0x0  }
0x1cd: {  	s16 =	simm.s32 $0x580;
	[sflag:s0] =	ssyncadd.s32 $0xFFFFC000  }
0x1ce: {  	[tilespmem:s23], [sflag:$0x4] =	stream.indirect.gather [hbm4b:s5+s22], $0x80, s16, s22, $0xb8;
	[tilespmem:$0x1D000] =	vst v63  }
0x1cf: {  	_ =	swait.ge [sflag:s24], $0x4000  }
0x1d0: {  	[sflag:s24] =	ssyncset.done $0x0  }
0x1d1: {  	s18 =	simm.s32 $0xD00;
	[sflag:s24] =	ssyncadd.s32 $0xFFFFC000  }
0x1d2: {  	[spmem:s3] =	stream.indirect.scatter.add.f32 [tilespmem:s19], [sflag:$0x5], $0x80, s18, s22, $0xb8;
	[tilespmem:$0x1D000] =	vst v63  }
0x1d3: {  	_ =	swait.ge [sflag:s28], $0x4000  }
0x1d4: {  	[sflag:s28] =	ssyncset.done $0x0  }
0x1d5: {  	s20 =	simm.s32 $0x600;
	[sflag:s28] =	ssyncadd.s32 $0xFFFFC000  }
0x1d6: {  	[tilespmem:s19], [sflag:$0x3] =	stream.indirect.gather [hbm4b:s5+s22], $0x80, s20, s22, $0xb8;
	[tilespmem:$0x1D000] =	vst v63  }
0x1d7: {  	_ =	swait.ge [sflag:s30], $0x4000  }
0x1d8: {  	[sflag:s30] =	ssyncset.done $0x0  }
0x1d9: {  	s2 =	simm.s32 $0xD80;
	[sflag:s30] =	ssyncadd.s32 $0xFFFFC000  }
0x1da: {  	[spmem:s3] =	stream.indirect.scatter.add.f32 [tilespmem:s23], [sflag:$0x6], $0x80, s2, s22, $0xb8;
	[tilespmem:$0x1D000] =	vst v63  }
0x1db: {  	_ =	swait.ge [sflag:s0], $0x4000  }
0x1dc: {  	[sflag:s0] =	ssyncset.done $0x0  }
0x1dd: {  	s6 =	simm.s32 $0x680;
	[sflag:s0] =	ssyncadd.s32 $0xFFFFC000  }
0x1de: {  	[tilespmem:s23], [sflag:$0x4] =	stream.indirect.gather [hbm4b:s5+s22], $0x80, s6, s22, $0xb8;
	[tilespmem:$0x1D000] =	vst v63  }
0x1df: {  	_ =	swait.ge [sflag:s24], $0x4000  }
0x1e0: {  	[sflag:s24] =	ssyncset.done $0x0  }
0x1e1: {  	s7 =	simm.s32 $0xE00;
	[sflag:s24] =	ssyncadd.s32 $0xFFFFC000  }
0x1e2: {  	[spmem:s3] =	stream.indirect.scatter.add.f32 [tilespmem:s19], [sflag:$0x5], $0x80, s7, s22, $0xb8;
	[tilespmem:$0x1D000] =	vst v63  }
0x1e3: {  	_ =	swait.ge [sflag:s28], $0x4000  }
0x1e4: {  	[sflag:s28] =	ssyncset.done $0x0  }
0x1e5: {  	s9 =	simm.s32 $0x700;
	[sflag:s28] =	ssyncadd.s32 $0xFFFFC000  }
0x1e6: {  	[tilespmem:s19], [sflag:$0x3] =	stream.indirect.gather [hbm4b:s5+s22], $0x80, s9, s22, $0xb8;
	[tilespmem:$0x1D000] =	vst v63  }
0x1e7: {  	_ =	swait.ge [sflag:s30], $0x4000  }
0x1e8: {  	[sflag:s30] =	ssyncset.done $0x0  }
0x1e9: {  	s11 =	simm.s32 $0xE80;
	[sflag:s30] =	ssyncadd.s32 $0xFFFFC000  }
0x1ea: {  	[spmem:s3] =	stream.indirect.scatter.add.f32 [tilespmem:s23], [sflag:$0x6], $0x80, s11, s22, $0xb8;
	[tilespmem:$0x1D000] =	vst v63  }
0x1eb: {  	_ =	swait.ge [sflag:s0], $0x4000  }
0x1ec: {  	[sflag:s0] =	ssyncset.done $0x0  }
0x1ed: {  	s12 =	simm.s32 $0x780;
	[sflag:s0] =	ssyncadd.s32 $0xFFFFC000  }
0x1ee: {  	[tilespmem:s23], [sflag:$0x4] =	stream.indirect.gather [hbm4b:s5+s22], $0x80, s12, s22, $0xb8;
	[tilespmem:$0x1D000] =	vst v63  }
0x1ef: {  	_ =	swait.ge [sflag:s24], $0x4000  }
0x1f0: {  	[sflag:s24] =	ssyncset.done $0x0  }
0x1f1: {  	s13 =	simm.s32 $0xF00;
	[sflag:s24] =	ssyncadd.s32 $0xFFFFC000  }
0x1f2: {  	[spmem:s3] =	stream.indirect.scatter.add.f32 [tilespmem:s19], [sflag:$0x5], $0x80, s13, s22, $0xb8;
	[tilespmem:$0x1D000] =	vst v63  }
0x1f3: {  	_ =	swait.ge [sflag:s30], $0x4000  }
0x1f4: {  	[sflag:s30] =	ssyncset.done $0x0  }
0x1f5: {  	s14 =	simm.s32 $0xF80;
	[sflag:s30] =	ssyncadd.s32 $0xFFFFC000  }
0x1f6: {  	[spmem:s3] =	stream.indirect.scatter.add.f32 [tilespmem:s23], [sflag:$0x6], $0x80, s14, s22, $0xb8;
	[tilespmem:$0x1D000] =	vst v63  }
0x1f7: {  	_ =	swait.ge [sflag:s28], $0x4000  }
0x1f8: {  	[sflag:s28] =	ssyncset.done $0x0  }
0x1f9: {  	[sflag:s28] =	ssyncadd.s32 $0xFFFFC000  }
0x1fa: {  	_ =	swait.ge [sflag:s0], $0x4000  }
0x1fb: {  	[sflag:s0] =	ssyncset.done $0x0  }
0x1fc: {  	[sflag:s0] =	ssyncadd.s32 $0xFFFFC000  }
0x1fd: {  	s2 =	stileid.u32;
	[bflag:$0x0] =	sbarrier.arrive $0xFFFF  }
0x1fe: {  	s29 =	simm.s32 $0x7;
	s2 =	sshll.u32 s2, $0x6;
	s20 =	rddreg [dreg:$0x6]  }
0x1ff: {  	s2 =	sor.u32 $0x1C07, s2;
	s18 =	rddreg [dreg:$0xf];
	s7 =	sshrl.u32 s20, $0x3  }
0x200: {  	[hbm:s18], [sflag:s2] =	dma.local [spmem:s7], $0x2800  }
0x201: {  	_ =	swait.ge [sflag:s29], $0x2800  }
0x202: {  	s16 =	rddreg [dreg:$0x12]  }
0x203: {  	s18 =	rddreg [dreg:$0x10];
	s1 =	sadd.s32 $0x1, s16  }
0x204: {  	p0 =	sne.s32 s1, s18  }
.Ltmp2:
0x205: {  	_ = 	snop;
	(pc) =	sbr.rel @p0 .LBB2_1-.Ltmp2, $3  }
0x206: {  	_ =	sdelay $0x1  }
0x207: {  	[sflag:s29] =	ssyncset.done $0x0  }
0x208: {  	s6 =	smov.u32 s8;
	[sflag:s29] =	ssyncadd.s32 $0xFFFFD800  }
0x209: {  	_ =	sfence.sel $0x180000  }
0x20a: {  	[bflag:$0x0] =	sbarrier.arrive $0xFFFF  }
0x20b: {  	_ =	strace $0x9000004A  }
0x20c: {  	s0 =	stileid.u32;
	[bflag:$0x2] =	sbarrier.arrive $0xFFFF  }
0x20d: {  	p0 =	sne.s32 s0, $0x0;
	s0 =	rddreg [dreg:$0x3]  }
0x20e: {  	s0 =	sadd.s32 @!p0 $0x100000, s0  }
0x20f: {  	[sflag:s0] =	ssyncadd.tile.s32 @!p0 $0x1;
	_ =	shalt  }
.Lfunc_end2:
_tile_overlayer_lowered:
.L_overlay_start_2:
0x210: {  	(tag) =	ssettag $0x2  }
0x211: {  	s0 =	rddreg [dreg:$0x0];
	s2 =	stileid.u32  }
0x212: {  	s1 =	rddreg [dreg:$0x1];
	p0 =	sne.s32 s2, $0x0  }
0x213: {  	s3 =	rddreg [dreg:$0x2];
	[bflag:$0x3] =	sbarrier.arrive $0xFFFF;
	s2 =	simm.s32 @!p0 $0x1C07  }
0x214: {  	[timem:s3], [sflag:s2] =	dma.local @!p0 [hbm:s0], s1  }
0x215: {  	s0 =	simm.s32 @!p0 $0x7  }
0x216: {  	_ =	swait.ge @!p0 [sflag:s0], s1  }
0x217: {  	s1 =	ssub.s32 @!p0 $0x0, s1;
	[sflag:s0] =	ssyncset.done @!p0 $0x0  }
0x218: {  	[sflag:s0] =	ssyncadd.s32 @!p0 s1  }
0x219: {  	[bflag:$0x3] =	sbarrier.arrive $0xFFFF  }
0x21a: {  	_ =	shalt  }

</sc_bundles>
